<compile_context>
chip_gen: v7x
topology: tpu7x:2x2x1
jax: 0.10.2.dev20260603
libtpu: 0.0.44.dev20260713+nightly
codegen_flags: <defaults>
</compile_context>

<pallas_src>
import functools

import jax
import jax.numpy as jnp
from jax import lax
from jax.experimental import pallas as pl
from jax.experimental.pallas import tpu as pltpu
from jax.experimental.pallas import tpu_sc as plsc

EMB = 128
HID = 256
BSEG = 256
GAMMA = 0.4
CHUNK = 125
F32 = jnp.float32
_PREC = lax.Precision.HIGHEST



HEMB = EMB // 2
NBUF = 5


@functools.lru_cache(maxsize=None)
def _make_sc_scatter(n, e):
    info = plsc.get_sparse_core_info()
    nc, ns = info.num_cores, info.num_subcores
    nchunks = e // CHUNK
    assert nchunks * CHUNK == e
    csub = nchunks // ns
    assert csub % NBUF == 0
    rows_sub = n // ns
    assert rows_sub * ns == n
    zrows = 125
    assert rows_sub % zrows == 0

    mesh = plsc.VectorSubcoreMesh(core_axis_name="c", subcore_axis_name="s")

    def body(x_hbm, src_hbm, dst_hbm, out_hbm,
             src_v, dst_v, b0, b1, b2, b3, b4, zbuf, acc,
             g0, g1, g2, g3, g4, s0, s1, s2, s3, s4):
        bufs = (b0, b1, b2, b3, b4)
        gsem = (g0, g1, g2, g3, g4)
        ssem = (s0, s1, s2, s3, s4)
        c = lax.axis_index("c")
        s = lax.axis_index("s")
        xc = x_hbm.at[c]

        q0 = s * csub
        pltpu.sync_copy(src_hbm.at[pl.ds(q0, csub)], src_v)
        pltpu.sync_copy(dst_hbm.at[pl.ds(q0, csub)], dst_v)
        r0 = s * rows_sub

        def zfill(i, _):
            z16 = jnp.zeros((16,), F32)
            for k in range(HEMB // 16):
                zbuf[i, pl.ds(k * 16, 16)] = z16
            return 0
        lax.fori_loop(0, zrows, zfill, 0)
        for k in range(rows_sub // zrows):
            pltpu.sync_copy(zbuf, acc.at[pl.ds(r0 + k * zrows, zrows)])
        plsc.subcore_barrier()

        def gather(i, b):
            pltpu.async_copy(xc.at[src_v.at[i]], bufs[b], gsem[b])

        def wait_g(b):
            pltpu.make_async_copy(xc.at[src_v.at[0]], bufs[b], gsem[b]).wait()

        def scat(i, b):
            pltpu.async_copy(bufs[b], acc.at[dst_v.at[i]], ssem[b], add=True)

        def wait_s(b):
            pltpu.make_async_copy(bufs[b], acc.at[dst_v.at[0]], ssem[b]).wait()

        gather(0, 0)
        gather(1, 1)

        def blk(g, _):
            for b in range(NBUF):
                i = g * NBUF + b
                wait_g(b)
                scat(i, b)
                b2_ = (b + 2) % NBUF

                @pl.when(i >= NBUF - 2)
                def _drain():
                    wait_s(b2_)

                @pl.when(i + 2 < csub)
                def _prefetch():
                    gather(i + 2, b2_)
            return 0
        lax.fori_loop(0, csub // NBUF, blk, 0)
        for k in range(NBUF - 2):
            wait_s((csub - (NBUF - 2) + k) % NBUF)
        plsc.subcore_barrier()

        pltpu.sync_copy(acc.at[pl.ds(r0, rows_sub)],
                        out_hbm.at[c, pl.ds(r0, rows_sub)])

    return pl.kernel(
        body,
        out_type=jax.ShapeDtypeStruct((nc, n, HEMB), F32),
        mesh=mesh,
        scratch_types=[
            pltpu.VMEM((nchunks // ns, CHUNK), jnp.int32),
            pltpu.VMEM((nchunks // ns, CHUNK), jnp.int32),
        ] + [pltpu.VMEM((CHUNK, HEMB), F32)] * NBUF + [
            pltpu.VMEM((zrows, HEMB), F32),
            pltpu.VMEM_SHARED((n, HEMB), F32),
        ] + [pltpu.SemaphoreType.DMA] * (2 * NBUF),
        compiler_params=pltpu.CompilerParams(use_tc_tiling_on_sc=False),
    )


def _scatter_add(xs, src2d, dst2d):
    n = xs.shape[1]
    e = src2d.shape[0] * src2d.shape[1]
    return _make_sc_scatter(n, e)(xs, src2d, dst2d)



def _mlp_body(x_ref, a_ref, w1, b1, w2, b2, o_ref):
    x2 = x_ref[...]
    a2 = a_ref[...]
    z = jnp.concatenate([x2[0] + a2[0], x2[1] + a2[1]], axis=1)
    hdn = jnp.maximum(
        jnp.dot(z, w1[...], preferred_element_type=F32, precision=_PREC)
        + b1[...], 0.0)
    out = jnp.maximum(
        jnp.dot(hdn, w2[...], preferred_element_type=F32, precision=_PREC)
        + b2[...], 0.0)
    o_ref[0] = out[:, :HEMB]
    o_ref[1] = out[:, HEMB:]


def _mlp_layer(xs, aggs, w1, b1, w2, b2):
    n = xs.shape[1]
    blk = 2000
    grid = n // blk
    row = pl.BlockSpec((2, blk, HEMB), lambda i: (0, i, 0))
    full = lambda a, b: pl.BlockSpec((a, b), lambda i: (0, 0))
    return pl.pallas_call(
        _mlp_body,
        grid=(grid,),
        in_specs=[row, row,
                  full(EMB, HID), full(1, HID), full(HID, EMB), full(1, EMB)],
        out_specs=row,
        out_shape=jax.ShapeDtypeStruct((2, n, HEMB), F32),
    )(xs, aggs, w1, b1.reshape(1, HID), w2, b2.reshape(1, EMB))



def _seg_body(xr_ref, hn_ref, bt_ref,
              gw1, gb1, gw2r, gb2, big_ref, sm_ref):
    i = pl.program_id(0)
    blk = xr_ref.shape[1]
    xr2 = xr_ref[...]
    xr = jnp.concatenate([xr2[0], xr2[1]], axis=1)
    g1 = jnp.maximum(
        jnp.dot(xr, gw1[...], preferred_element_type=F32,
                precision=_PREC) + gb1[...], 0.0)
    logit = jnp.sum(g1 * gw2r[...], axis=1, keepdims=True) + gb2[0, 0]
    gate = 1.0 / (1.0 + jnp.exp(-logit))
    seg_ids = bt_ref[...].reshape(1, blk)
    onehot = (lax.broadcasted_iota(jnp.int32, (BSEG, blk), 0)
              == seg_ids).astype(F32)
    hn2 = hn_ref[...]
    hn = jnp.concatenate([hn2[0], hn2[1]], axis=1)
    feats = jnp.concatenate([gate * hn, hn], axis=1)
    big = jnp.dot(onehot, feats, preferred_element_type=F32, precision=_PREC)
    nz = (gate > 0).astype(F32)
    small_feats = jnp.concatenate(
        [gate, nz, jnp.ones_like(gate), jnp.zeros((blk, 125), F32)], axis=1)
    small = jnp.dot(onehot, small_feats, preferred_element_type=F32,
                    precision=_PREC)

    @pl.when(i == 0)
    def _init():
        big_ref[...] = big
        sm_ref[...] = small

    @pl.when(i > 0)
    def _acc():
        big_ref[...] += big
        sm_ref[...] += small


def _segments(xrs, hns, batch, gw1, gb1, gw2, gb2):
    n = xrs.shape[1]
    blk = 2000
    grid = n // blk
    bt3 = batch.reshape(grid, 1, blk)
    row = pl.BlockSpec((2, blk, HEMB), lambda i: (0, i, 0))
    full = lambda a, b: pl.BlockSpec((a, b), lambda i: (0, 0))
    return pl.pallas_call(
        _seg_body,
        grid=(grid,),
        in_specs=[row, row,
                  pl.BlockSpec((1, 1, blk), lambda i: (i, 0, 0)),
                  full(EMB, HID), full(1, HID), full(1, HID), full(1, 1)],
        out_specs=[full(BSEG, 2 * EMB), full(BSEG, EMB)],
        out_shape=[jax.ShapeDtypeStruct((BSEG, 2 * EMB), F32),
                   jax.ShapeDtypeStruct((BSEG, EMB), F32)],
    )(xrs, hns, bt3, gw1, gb1.reshape(1, HID),
      gw2.reshape(1, HID), gb2.reshape(1, 1))



def _head_body(big_ref, sm_ref, w1, b1, w2r, b2, env_ref, rem_ref, loss_ref):
    h_r = big_ref[:, :EMB]
    h_env = big_ref[:, EMB:] - h_r
    env_ref[...] = h_env
    u = jnp.dot(h_r, w1[...], preferred_element_type=F32,
                precision=_PREC) + b1[...]
    rem_ref[...] = (jnp.sum(jnp.maximum(u, 0.0) * w2r[...], axis=1,
                            keepdims=True) + b2[0, 0])
    seg_gate = sm_ref[:, 0:1]
    seg_nz = sm_ref[:, 1:2]
    cnt = sm_ref[:, 2:3]
    r_num = seg_gate + 1e-8
    t1 = jnp.abs(r_num / (cnt + 2e-8) - GAMMA)
    t2 = seg_nz / cnt - GAMMA
    loss_ref[...] = (jnp.mean(t1) + jnp.mean(t2)).reshape(1, 1)


def _head(seg_big, seg_small, pw1, pb1, pw2, pb2):
    full = lambda a, b: pl.BlockSpec((a, b), lambda: (0, 0))
    return pl.pallas_call(
        _head_body,
        in_specs=[full(BSEG, 2 * EMB), full(BSEG, EMB),
                  full(EMB, HID), full(1, HID), full(1, HID), full(1, 1)],
        out_specs=[full(BSEG, EMB), full(BSEG, 1), full(1, 1)],
        out_shape=[jax.ShapeDtypeStruct((BSEG, EMB), F32),
                   jax.ShapeDtypeStruct((BSEG, 1), F32),
                   jax.ShapeDtypeStruct((1, 1), F32)],
    )(seg_big, seg_small, pw1, pb1.reshape(1, HID), pw2.reshape(1, HID),
      pb2.reshape(1, 1))


def _rep_body(hr_ref, env_ref, w1, b1, w2r, b2, o_ref):
    x8 = hr_ref[...]
    env = env_ref[...]
    hrep = (x8[:, None, :] + env[None, :, :]).reshape(8 * BSEG, EMB)
    m = jnp.maximum(
        jnp.dot(hrep, w1[...], preferred_element_type=F32, precision=_PREC)
        + b1[...], 0.0)
    o_ref[...] = (jnp.sum(m * w2r[...], axis=1, keepdims=True) + b2[0, 0])


def _rep(seg_big, h_env, pw1, pb1, pw2, pb2):
    full = lambda a, b: pl.BlockSpec((a, b), lambda i: (0, 0))
    return pl.pallas_call(
        _rep_body,
        grid=(BSEG // 8,),
        in_specs=[pl.BlockSpec((8, EMB), lambda i: (i, 0)),
                  full(BSEG, EMB),
                  full(EMB, HID), full(1, HID), full(1, HID), full(1, 1)],
        out_specs=pl.BlockSpec((8 * BSEG, 1), lambda i: (i, 0)),
        out_shape=jax.ShapeDtypeStruct((BSEG * BSEG, 1), F32),
    )(seg_big, h_env, pw1, pb1.reshape(1, HID), pw2.reshape(1, HID),
      pb2.reshape(1, 1))



def kernel(h, edge_index, batch, enc_W1, enc_b1, enc_W2, enc_b2,
           rat_W1, rat_b1, rat_W2, rat_b2,
           gate_W1, gate_b1, gate_W2, gate_b2,
           pred_W1, pred_b1, pred_W2, pred_b2):
    e = edge_index.shape[1]
    src2d = edge_index[0].reshape(e // CHUNK, CHUNK)
    dst2d = edge_index[1].reshape(e // CHUNK, CHUNK)
    hs = jnp.stack([h[:, :HEMB], h[:, HEMB:]])

    aggs = _scatter_add(hs, src2d, dst2d)
    enc = _mlp_layer(hs, aggs, enc_W1[0], enc_b1[0], enc_W2[0], enc_b2[0])
    rat = _mlp_layer(hs, aggs, rat_W1[0], rat_b1[0], rat_W2[0], rat_b2[0])

    for l in range(1, 5):
        aggs = _scatter_add(enc, src2d, dst2d)
        enc = _mlp_layer(enc, aggs,
                         enc_W1[l], enc_b1[l], enc_W2[l], enc_b2[l])

    aggs = _scatter_add(rat, src2d, dst2d)
    rat = _mlp_layer(rat, aggs, rat_W1[1], rat_b1[1], rat_W2[1], rat_b2[1])

    seg_big, seg_small = _segments(rat, enc, batch,
                                   gate_W1, gate_b1, gate_W2, gate_b2)
    h_env, pred_rem, loss = _head(seg_big, seg_small,
                                  pred_W1, pred_b1, pred_W2, pred_b2)
    pred_rep = _rep(seg_big, h_env, pred_W1, pred_b1, pred_W2, pred_b2)
    return (pred_rep, pred_rem, loss.reshape(()))

# --- scband reference (transcript-rebuilt; emitter-appended) ---
"""Pipeline reference for scband-ginpredictor-26388279066652 (READ-ONLY COPY).

The authoritative reference and input builder live on the scoring server;
editing this copy changes nothing except your own understanding.
"""

import jax, jax.numpy as jnp
import numpy as np

EMB = 128
N = 10000
E = 320000
B = 256
NT = 1
GAMMA = 0.4


def _gin(x, src, dst, W1, b1, W2, b2):
    # GIN layers: h' = MLP((1+eps)*h + sum_{j in N(i)} h_j), eps=0, BN at init == identity
    n_layers = W1.shape[0]
    for l in range(n_layers):
        agg = jnp.zeros_like(x).at[dst].add(x[src])
        z = x + agg
        hdn = jax.nn.relu(z @ W1[l] + b1[l])
        x = jax.nn.relu(hdn @ W2[l] + b2[l])
    return x


def setup_inputs(seed: int = 0):
    key = jax.random.key(seed)
    ks = jax.random.split(key, 16)
    def lin(k, fi, fo):
        return (jax.random.normal(k, (fi, fo), jnp.float32) / np.sqrt(fi)).astype(jnp.float32)
    inp = {}
    inp['h'] = jax.random.normal(ks[0], (N, EMB), dtype=jnp.float32)
    inp['edge_index'] = jax.random.randint(ks[1], (2, E), 0, N, dtype=jnp.int32)
    inp['batch'] = jnp.sort(jax.random.randint(ks[2], (N,), 0, B, dtype=jnp.int32))
    # graph_encoder: GIN with 5 layers, MLP emb -> 2*emb -> emb
    inp['enc_W1'] = jnp.stack([lin(jax.random.fold_in(ks[3], i), EMB, 2 * EMB) for i in range(5)])
    inp['enc_b1'] = jnp.zeros((5, 2 * EMB), jnp.float32)
    inp['enc_W2'] = jnp.stack([lin(jax.random.fold_in(ks[4], i), 2 * EMB, EMB) for i in range(5)])
    inp['enc_b2'] = jnp.zeros((5, EMB), jnp.float32)
    # rationale_gnn_node: GIN with 2 layers
    inp['rat_W1'] = jnp.stack([lin(jax.random.fold_in(ks[5], i), EMB, 2 * EMB) for i in range(2)])
    inp['rat_b1'] = jnp.zeros((2, 2 * EMB), jnp.float32)
    inp['rat_W2'] = jnp.stack([lin(jax.random.fold_in(ks[6], i), 2 * EMB, EMB) for i in range(2)])
    inp['rat_b2'] = jnp.zeros((2, EMB), jnp.float32)
    # gate_nn: Linear(emb, 2*emb) -> BN -> ReLU -> Dropout -> Linear(2*emb, 1)
    inp['gate_W1'] = lin(ks[7], EMB, 2 * EMB)
    inp['gate_b1'] = jnp.zeros((2 * EMB,), jnp.float32)
    inp['gate_W2'] = lin(ks[8], 2 * EMB, 1)
    inp['gate_b2'] = jnp.zeros((1,), jnp.float32)
    # predictor: Linear(emb, 2*emb) -> BN -> ReLU -> Dropout -> Linear(2*emb, n_tasks)
    inp['pred_W1'] = lin(ks[9], EMB, 2 * EMB)
    inp['pred_b1'] = jnp.zeros((2 * EMB,), jnp.float32)
    inp['pred_W2'] = lin(ks[10], 2 * EMB, NT)
    inp['pred_b2'] = jnp.zeros((NT,), jnp.float32)
    return inp


def reference(h, edge_index, batch, enc_W1, enc_b1, enc_W2, enc_b2,
              rat_W1, rat_b1, rat_W2, rat_b2,
              gate_W1, gate_b1, gate_W2, gate_b2,
              pred_W1, pred_b1, pred_W2, pred_b2):
    src, dst = edge_index[0], edge_index[1]
    # graph_encoder
    h_node = _gin(h, src, dst, enc_W1, enc_b1, enc_W2, enc_b2)
    # separator: rationale gnn + gate
    x = _gin(h, src, dst, rat_W1, rat_b1, rat_W2, rat_b2)
    gate_logit = jax.nn.relu(x @ gate_W1 + gate_b1) @ gate_W2 + gate_b2
    gate = jax.nn.sigmoid(gate_logit.reshape(-1, 1))
    seg = lambda v: jax.ops.segment_sum(v, batch, num_segments=B)
    h_r = seg(gate * h_node)
    h_env = seg((1.0 - gate) * h_node)
    r_num = seg(gate) + 1e-08
    env_num = seg(1.0 - gate) + 1e-08
    non_zero_ratio = seg((gate > 0).astype(jnp.float32)) / seg(jnp.ones_like(gate))
    # h_rep: all pairs (rationale_i + environment_j)
    h_rep = (h_r[:, None, :] + h_env[None, :, :]).reshape(-1, EMB)
    pred = lambda z: jax.nn.relu(z @ pred_W1 + pred_b1) @ pred_W2 + pred_b2
    pred_rem = pred(h_r)
    pred_rep = pred(h_rep)
    loss_reg = jnp.abs(r_num / (r_num + env_num) - GAMMA).mean()
    loss_reg = loss_reg + (non_zero_ratio - GAMMA).mean()
    return (pred_rep, pred_rem, loss_reg)

if __name__ == "__main__":
    import jax
    _d = setup_inputs()
    print(jax.jit(kernel)(*tuple(_d.values())))

</pallas_src>

<mosaic_0001>
#map = affine_map<(d0, d1) -> (0, 0, 0)>
#map1 = affine_map<(d0, d1) -> (0, 0)>
module attributes {stable_mosaic.version = 14 : i64} {
  func.func @body(%arg0: i32, %arg1: i32, %arg2: memref<2x10000x64xf32, #tpu.memory_space<hbm>>, %arg3: memref<2560x125xi32, #tpu.memory_space<hbm>>, %arg4: memref<2560x125xi32, #tpu.memory_space<hbm>>, %arg5: memref<2x10000x64xf32, #tpu.memory_space<hbm>>, %arg6: memref<160x125xi32, #tpu.memory_space<vmem>>, %arg7: memref<160x125xi32, #tpu.memory_space<vmem>>, %arg8: memref<125x64xf32, #tpu.memory_space<vmem>>, %arg9: memref<125x64xf32, #tpu.memory_space<vmem>>, %arg10: memref<125x64xf32, #tpu.memory_space<vmem>>, %arg11: memref<125x64xf32, #tpu.memory_space<vmem>>, %arg12: memref<125x64xf32, #tpu.memory_space<vmem>>, %arg13: memref<125x64xf32, #tpu.memory_space<vmem>>, %arg14: memref<10000x64xf32, #tpu.memory_space<vmem_shared>>, %arg15: memref<!tpu.dma_semaphore, #tpu.memory_space<semaphore_mem>>, %arg16: memref<!tpu.dma_semaphore, #tpu.memory_space<semaphore_mem>>, %arg17: memref<!tpu.dma_semaphore, #tpu.memory_space<semaphore_mem>>, %arg18: memref<!tpu.dma_semaphore, #tpu.memory_space<semaphore_mem>>, %arg19: memref<!tpu.dma_semaphore, #tpu.memory_space<semaphore_mem>>, %arg20: memref<!tpu.dma_semaphore, #tpu.memory_space<semaphore_mem>>, %arg21: memref<!tpu.dma_semaphore, #tpu.memory_space<semaphore_mem>>, %arg22: memref<!tpu.dma_semaphore, #tpu.memory_space<semaphore_mem>>, %arg23: memref<!tpu.dma_semaphore, #tpu.memory_space<semaphore_mem>>, %arg24: memref<!tpu.dma_semaphore, #tpu.memory_space<semaphore_mem>>) attributes {dimension_semantics = [#tpu.dimension_semantics<core_parallel>, #tpu.dimension_semantics<subcore_parallel>], iteration_bounds = array<i64: 2, 16>, scalar_prefetch = 0 : i64, scratch_operands = 19 : i64, tpu.core_type = #tpu.core_type<sc_vector_subcore>, window_params = [{transform_indices = #map}, {transform_indices = #map1}, {transform_indices = #map1}, {transform_indices = #map}]} {
    %mul3A = arith.constant 160 : i32
    %mul3A_0 = arith.muli %arg1, %mul3A : i32
    "tpu.region"() ({
      %run_scoped3A = tpu.sem_alloc : memref<!tpu.dma_semaphore, #tpu.memory_space<semaphore_mem>>
      %dma_start3A_67 = arith.constant 0 : i32
      %dma_start3A_68 = tpu.memref_slice %arg3[%mul3A_0, %dma_start3A_67] : memref<2560x125xi32, #tpu.memory_space<hbm>> -> memref<160x125xi32, #tpu.memory_space<hbm>>
      %dma_start3A_69 = arith.constant 0 : i32
      %dma_start3A_70 = tpu.memref_slice %arg3[%mul3A_0, %dma_start3A_69] : memref<2560x125xi32, #tpu.memory_space<hbm>> -> memref<160x125xi32, #tpu.memory_space<hbm>>
      tpu.enqueue_dma source(%dma_start3A_70 : memref<160x125xi32, #tpu.memory_space<hbm>>) target(%arg6 : memref<160x125xi32, #tpu.memory_space<vmem>>) target_semaphore(%run_scoped3A : memref<!tpu.dma_semaphore, #tpu.memory_space<semaphore_mem>>)
      %dma_wait3A_71 = arith.constant 0 : i32
      %dma_wait3A_72 = tpu.memref_slice %arg3[%mul3A_0, %dma_wait3A_71] : memref<2560x125xi32, #tpu.memory_space<hbm>> -> memref<160x125xi32, #tpu.memory_space<hbm>>
      %dma_wait3A_73 = arith.constant 0 : i32
      %dma_wait3A_74 = tpu.memref_slice %arg3[%mul3A_0, %dma_wait3A_73] : memref<2560x125xi32, #tpu.memory_space<hbm>> -> memref<160x125xi32, #tpu.memory_space<hbm>>
      tpu.wait_dma2 semaphore(%run_scoped3A : memref<!tpu.dma_semaphore, #tpu.memory_space<semaphore_mem>>) src(%dma_wait3A_74 : memref<160x125xi32, #tpu.memory_space<hbm>>) dst(%arg6 : memref<160x125xi32, #tpu.memory_space<vmem>>)
      tpu.yield
    }) : () -> ()
    "tpu.region"() ({
      %run_scoped3A = tpu.sem_alloc : memref<!tpu.dma_semaphore, #tpu.memory_space<semaphore_mem>>
      %dma_start3A_67 = arith.constant 0 : i32
      %dma_start3A_68 = tpu.memref_slice %arg4[%mul3A_0, %dma_start3A_67] : memref<2560x125xi32, #tpu.memory_space<hbm>> -> memref<160x125xi32, #tpu.memory_space<hbm>>
      %dma_start3A_69 = arith.constant 0 : i32
      %dma_start3A_70 = tpu.memref_slice %arg4[%mul3A_0, %dma_start3A_69] : memref<2560x125xi32, #tpu.memory_space<hbm>> -> memref<160x125xi32, #tpu.memory_space<hbm>>
      tpu.enqueue_dma source(%dma_start3A_70 : memref<160x125xi32, #tpu.memory_space<hbm>>) target(%arg7 : memref<160x125xi32, #tpu.memory_space<vmem>>) target_semaphore(%run_scoped3A : memref<!tpu.dma_semaphore, #tpu.memory_space<semaphore_mem>>)
      %dma_wait3A_71 = arith.constant 0 : i32
      %dma_wait3A_72 = tpu.memref_slice %arg4[%mul3A_0, %dma_wait3A_71] : memref<2560x125xi32, #tpu.memory_space<hbm>> -> memref<160x125xi32, #tpu.memory_space<hbm>>
      %dma_wait3A_73 = arith.constant 0 : i32
      %dma_wait3A_74 = tpu.memref_slice %arg4[%mul3A_0, %dma_wait3A_73] : memref<2560x125xi32, #tpu.memory_space<hbm>> -> memref<160x125xi32, #tpu.memory_space<hbm>>
      tpu.wait_dma2 semaphore(%run_scoped3A : memref<!tpu.dma_semaphore, #tpu.memory_space<semaphore_mem>>) src(%dma_wait3A_74 : memref<160x125xi32, #tpu.memory_space<hbm>>) dst(%arg7 : memref<160x125xi32, #tpu.memory_space<vmem>>)
      tpu.yield
    }) : () -> ()
    %mul3A_1 = arith.constant 625 : i32
    %mul3A_2 = arith.muli %arg1, %mul3A_1 : i32
    %scan3A = arith.constant 0 : i32
    %scan3A_3 = arith.constant 0 : i32
    %scan3A_4 = arith.constant 125 : i32
    %scan3A_5 = arith.addi %scan3A_3, %scan3A_4 : i32
    %scan3A_6 = arith.constant 1 : i32
    %scan3A_7 = scf.for %scan3A_67 = %scan3A_3 to %scan3A_5 step %scan3A_6 iter_args(%scan3A_68 = %scan3A) -> (i32)  : i32 {
      %broadcast_in_dim3A = arith.constant 0.000000e+00 : f32
      %broadcast_in_dim3A_69 = vector.broadcast %broadcast_in_dim3A : f32 to vector<16xf32>
      %swap3A = arith.index_cast %scan3A_67 : i32 to index
      %swap3A_70 = arith.constant 0 : index
      %swap3A_71 = tpu.vector_load %arg13[%swap3A, %swap3A_70] {strides = array<i32>} : memref<125x64xf32, #tpu.memory_space<vmem>>, vector<1x16xf32>,
      %swap3A_72 = vector.shape_cast %swap3A_71 : vector<1x16xf32> to vector<16xf32>
      %swap3A_73 = vector.shape_cast %broadcast_in_dim3A_69 : vector<16xf32> to vector<1x16xf32>
      tpu.vector_store %arg13[%swap3A, %swap3A_70], %swap3A_73 {strides = array<i32>} : memref<125x64xf32, #tpu.memory_space<vmem>>, vector<1x16xf32>,
      %swap3A_74 = arith.index_cast %scan3A_67 : i32 to index
      %swap3A_75 = arith.constant 16 : index
      %swap3A_76 = tpu.vector_load %arg13[%swap3A_74, %swap3A_75] {strides = array<i32>} : memref<125x64xf32, #tpu.memory_space<vmem>>, vector<1x16xf32>,
      %swap3A_77 = vector.shape_cast %swap3A_76 : vector<1x16xf32> to vector<16xf32>
      %swap3A_78 = vector.shape_cast %broadcast_in_dim3A_69 : vector<16xf32> to vector<1x16xf32>
      tpu.vector_store %arg13[%swap3A_74, %swap3A_75], %swap3A_78 {strides = array<i32>} : memref<125x64xf32, #tpu.memory_space<vmem>>, vector<1x16xf32>,
      %swap3A_79 = arith.index_cast %scan3A_67 : i32 to index
      %swap3A_80 = arith.constant 32 : index
      %swap3A_81 = tpu.vector_load %arg13[%swap3A_79, %swap3A_80] {strides = array<i32>} : memref<125x64xf32, #tpu.memory_space<vmem>>, vector<1x16xf32>,
      %swap3A_82 = vector.shape_cast %swap3A_81 : vector<1x16xf32> to vector<16xf32>
      %swap3A_83 = vector.shape_cast %broadcast_in_dim3A_69 : vector<16xf32> to vector<1x16xf32>
      tpu.vector_store %arg13[%swap3A_79, %swap3A_80], %swap3A_83 {strides = array<i32>} : memref<125x64xf32, #tpu.memory_space<vmem>>, vector<1x16xf32>,
      %swap3A_84 = arith.index_cast %scan3A_67 : i32 to index
      %swap3A_85 = arith.constant 48 : index
      %swap3A_86 = tpu.vector_load %arg13[%swap3A_84, %swap3A_85] {strides = array<i32>} : memref<125x64xf32, #tpu.memory_space<vmem>>, vector<1x16xf32>,
      %swap3A_87 = vector.shape_cast %swap3A_86 : vector<1x16xf32> to vector<16xf32>
      %swap3A_88 = vector.shape_cast %broadcast_in_dim3A_69 : vector<16xf32> to vector<1x16xf32>
      tpu.vector_store %arg13[%swap3A_84, %swap3A_85], %swap3A_88 {strides = array<i32>} : memref<125x64xf32, #tpu.memory_space<vmem>>, vector<1x16xf32>,
      %scan3A_89 = arith.constant 0 : i32
      scf.yield %scan3A_89 : i32
    }
    %scan3A_8 = arith.constant 125 : i32
    %add3A = arith.constant 0 : i32
    %add3A_9 = arith.addi %mul3A_2, %add3A : i32
    "tpu.region"() ({
      %run_scoped3A = tpu.sem_alloc : memref<!tpu.dma_semaphore, #tpu.memory_space<semaphore_mem>>
      %dma_start3A_67 = arith.constant 0 : i32
      %dma_start3A_68 = tpu.memref_slice %arg14[%add3A_9, %dma_start3A_67] : memref<10000x64xf32, #tpu.memory_space<vmem_shared>> -> memref<125x64xf32, #tpu.memory_space<vmem_shared>>
      %dma_start3A_69 = arith.constant 0 : i32
      %dma_start3A_70 = tpu.memref_slice %arg14[%add3A_9, %dma_start3A_69] : memref<10000x64xf32, #tpu.memory_space<vmem_shared>> -> memref<125x64xf32, #tpu.memory_space<vmem_shared>>
      tpu.enqueue_dma source(%arg13 : memref<125x64xf32, #tpu.memory_space<vmem>>) target(%dma_start3A_70 : memref<125x64xf32, #tpu.memory_space<vmem_shared>>) target_semaphore(%run_scoped3A : memref<!tpu.dma_semaphore, #tpu.memory_space<semaphore_mem>>)
      %dma_wait3A_71 = arith.constant 0 : i32
      %dma_wait3A_72 = tpu.memref_slice %arg14[%add3A_9, %dma_wait3A_71] : memref<10000x64xf32, #tpu.memory_space<vmem_shared>> -> memref<125x64xf32, #tpu.memory_space<vmem_shared>>
      %dma_wait3A_73 = arith.constant 0 : i32
      %dma_wait3A_74 = tpu.memref_slice %arg14[%add3A_9, %dma_wait3A_73] : memref<10000x64xf32, #tpu.memory_space<vmem_shared>> -> memref<125x64xf32, #tpu.memory_space<vmem_shared>>
      tpu.wait_dma2 semaphore(%run_scoped3A : memref<!tpu.dma_semaphore, #tpu.memory_space<semaphore_mem>>) src(%arg13 : memref<125x64xf32, #tpu.memory_space<vmem>>) dst(%dma_wait3A_74 : memref<125x64xf32, #tpu.memory_space<vmem_shared>>)
      tpu.yield
    }) : () -> ()
    %add3A_10 = arith.constant 125 : i32
    %add3A_11 = arith.addi %mul3A_2, %add3A_10 : i32
    "tpu.region"() ({
      %run_scoped3A = tpu.sem_alloc : memref<!tpu.dma_semaphore, #tpu.memory_space<semaphore_mem>>
      %dma_start3A_67 = arith.constant 0 : i32
      %dma_start3A_68 = tpu.memref_slice %arg14[%add3A_11, %dma_start3A_67] : memref<10000x64xf32, #tpu.memory_space<vmem_shared>> -> memref<125x64xf32, #tpu.memory_space<vmem_shared>>
      %dma_start3A_69 = arith.constant 0 : i32
      %dma_start3A_70 = tpu.memref_slice %arg14[%add3A_11, %dma_start3A_69] : memref<10000x64xf32, #tpu.memory_space<vmem_shared>> -> memref<125x64xf32, #tpu.memory_space<vmem_shared>>
      tpu.enqueue_dma source(%arg13 : memref<125x64xf32, #tpu.memory_space<vmem>>) target(%dma_start3A_70 : memref<125x64xf32, #tpu.memory_space<vmem_shared>>) target_semaphore(%run_scoped3A : memref<!tpu.dma_semaphore, #tpu.memory_space<semaphore_mem>>)
      %dma_wait3A_71 = arith.constant 0 : i32
      %dma_wait3A_72 = tpu.memref_slice %arg14[%add3A_11, %dma_wait3A_71] : memref<10000x64xf32, #tpu.memory_space<vmem_shared>> -> memref<125x64xf32, #tpu.memory_space<vmem_shared>>
      %dma_wait3A_73 = arith.constant 0 : i32
      %dma_wait3A_74 = tpu.memref_slice %arg14[%add3A_11, %dma_wait3A_73] : memref<10000x64xf32, #tpu.memory_space<vmem_shared>> -> memref<125x64xf32, #tpu.memory_space<vmem_shared>>
      tpu.wait_dma2 semaphore(%run_scoped3A : memref<!tpu.dma_semaphore, #tpu.memory_space<semaphore_mem>>) src(%arg13 : memref<125x64xf32, #tpu.memory_space<vmem>>) dst(%dma_wait3A_74 : memref<125x64xf32, #tpu.memory_space<vmem_shared>>)
      tpu.yield
    }) : () -> ()
    %add3A_12 = arith.constant 250 : i32
    %add3A_13 = arith.addi %mul3A_2, %add3A_12 : i32
    "tpu.region"() ({
      %run_scoped3A = tpu.sem_alloc : memref<!tpu.dma_semaphore, #tpu.memory_space<semaphore_mem>>
      %dma_start3A_67 = arith.constant 0 : i32
      %dma_start3A_68 = tpu.memref_slice %arg14[%add3A_13, %dma_start3A_67] : memref<10000x64xf32, #tpu.memory_space<vmem_shared>> -> memref<125x64xf32, #tpu.memory_space<vmem_shared>>
      %dma_start3A_69 = arith.constant 0 : i32
      %dma_start3A_70 = tpu.memref_slice %arg14[%add3A_13, %dma_start3A_69] : memref<10000x64xf32, #tpu.memory_space<vmem_shared>> -> memref<125x64xf32, #tpu.memory_space<vmem_shared>>
      tpu.enqueue_dma source(%arg13 : memref<125x64xf32, #tpu.memory_space<vmem>>) target(%dma_start3A_70 : memref<125x64xf32, #tpu.memory_space<vmem_shared>>) target_semaphore(%run_scoped3A : memref<!tpu.dma_semaphore, #tpu.memory_space<semaphore_mem>>)
      %dma_wait3A_71 = arith.constant 0 : i32
      %dma_wait3A_72 = tpu.memref_slice %arg14[%add3A_13, %dma_wait3A_71] : memref<10000x64xf32, #tpu.memory_space<vmem_shared>> -> memref<125x64xf32, #tpu.memory_space<vmem_shared>>
      %dma_wait3A_73 = arith.constant 0 : i32
      %dma_wait3A_74 = tpu.memref_slice %arg14[%add3A_13, %dma_wait3A_73] : memref<10000x64xf32, #tpu.memory_space<vmem_shared>> -> memref<125x64xf32, #tpu.memory_space<vmem_shared>>
      tpu.wait_dma2 semaphore(%run_scoped3A : memref<!tpu.dma_semaphore, #tpu.memory_space<semaphore_mem>>) src(%arg13 : memref<125x64xf32, #tpu.memory_space<vmem>>) dst(%dma_wait3A_74 : memref<125x64xf32, #tpu.memory_space<vmem_shared>>)
      tpu.yield
    }) : () -> ()
    %add3A_14 = arith.constant 375 : i32
    %add3A_15 = arith.addi %mul3A_2, %add3A_14 : i32
    "tpu.region"() ({
      %run_scoped3A = tpu.sem_alloc : memref<!tpu.dma_semaphore, #tpu.memory_space<semaphore_mem>>
      %dma_start3A_67 = arith.constant 0 : i32
      %dma_start3A_68 = tpu.memref_slice %arg14[%add3A_15, %dma_start3A_67] : memref<10000x64xf32, #tpu.memory_space<vmem_shared>> -> memref<125x64xf32, #tpu.memory_space<vmem_shared>>
      %dma_start3A_69 = arith.constant 0 : i32
      %dma_start3A_70 = tpu.memref_slice %arg14[%add3A_15, %dma_start3A_69] : memref<10000x64xf32, #tpu.memory_space<vmem_shared>> -> memref<125x64xf32, #tpu.memory_space<vmem_shared>>
      tpu.enqueue_dma source(%arg13 : memref<125x64xf32, #tpu.memory_space<vmem>>) target(%dma_start3A_70 : memref<125x64xf32, #tpu.memory_space<vmem_shared>>) target_semaphore(%run_scoped3A : memref<!tpu.dma_semaphore, #tpu.memory_space<semaphore_mem>>)
      %dma_wait3A_71 = arith.constant 0 : i32
      %dma_wait3A_72 = tpu.memref_slice %arg14[%add3A_15, %dma_wait3A_71] : memref<10000x64xf32, #tpu.memory_space<vmem_shared>> -> memref<125x64xf32, #tpu.memory_space<vmem_shared>>
      %dma_wait3A_73 = arith.constant 0 : i32
      %dma_wait3A_74 = tpu.memref_slice %arg14[%add3A_15, %dma_wait3A_73] : memref<10000x64xf32, #tpu.memory_space<vmem_shared>> -> memref<125x64xf32, #tpu.memory_space<vmem_shared>>
      tpu.wait_dma2 semaphore(%run_scoped3A : memref<!tpu.dma_semaphore, #tpu.memory_space<semaphore_mem>>) src(%arg13 : memref<125x64xf32, #tpu.memory_space<vmem>>) dst(%dma_wait3A_74 : memref<125x64xf32, #tpu.memory_space<vmem_shared>>)
      tpu.yield
    }) : () -> ()
    %add3A_16 = arith.constant 500 : i32
    %add3A_17 = arith.addi %mul3A_2, %add3A_16 : i32
    "tpu.region"() ({
      %run_scoped3A = tpu.sem_alloc : memref<!tpu.dma_semaphore, #tpu.memory_space<semaphore_mem>>
      %dma_start3A_67 = arith.constant 0 : i32
      %dma_start3A_68 = tpu.memref_slice %arg14[%add3A_17, %dma_start3A_67] : memref<10000x64xf32, #tpu.memory_space<vmem_shared>> -> memref<125x64xf32, #tpu.memory_space<vmem_shared>>
      %dma_start3A_69 = arith.constant 0 : i32
      %dma_start3A_70 = tpu.memref_slice %arg14[%add3A_17, %dma_start3A_69] : memref<10000x64xf32, #tpu.memory_space<vmem_shared>> -> memref<125x64xf32, #tpu.memory_space<vmem_shared>>
      tpu.enqueue_dma source(%arg13 : memref<125x64xf32, #tpu.memory_space<vmem>>) target(%dma_start3A_70 : memref<125x64xf32, #tpu.memory_space<vmem_shared>>) target_semaphore(%run_scoped3A : memref<!tpu.dma_semaphore, #tpu.memory_space<semaphore_mem>>)
      %dma_wait3A_71 = arith.constant 0 : i32
      %dma_wait3A_72 = tpu.memref_slice %arg14[%add3A_17, %dma_wait3A_71] : memref<10000x64xf32, #tpu.memory_space<vmem_shared>> -> memref<125x64xf32, #tpu.memory_space<vmem_shared>>
      %dma_wait3A_73 = arith.constant 0 : i32
      %dma_wait3A_74 = tpu.memref_slice %arg14[%add3A_17, %dma_wait3A_73] : memref<10000x64xf32, #tpu.memory_space<vmem_shared>> -> memref<125x64xf32, #tpu.memory_space<vmem_shared>>
      tpu.wait_dma2 semaphore(%run_scoped3A : memref<!tpu.dma_semaphore, #tpu.memory_space<semaphore_mem>>) src(%arg13 : memref<125x64xf32, #tpu.memory_space<vmem>>) dst(%dma_wait3A_74 : memref<125x64xf32, #tpu.memory_space<vmem_shared>>)
      tpu.yield
    }) : () -> ()
    %barrier3A = arith.constant 0 : index
    tpu.barrier barrier_id(%barrier3A)
    %dma_start3A = arith.constant 0 : i32
    %dma_start3A_18 = arith.constant 0 : i32
    %dma_start3A_19 = tpu.memref_slice %arg6[%dma_start3A, %dma_start3A_18] : memref<160x125xi32, #tpu.memory_space<vmem>> -> memref<1x125xi32, #tpu.memory_space<vmem>>
    %dma_start3A_20 = tpu.memref_squeeze %dma_start3A_19 : memref<1x125xi32, #tpu.memory_space<vmem>> -> memref<125xi32, #tpu.memory_space<vmem>>
    %dma_start3A_21 = arith.constant 0 : i32
    %dma_start3A_22 = arith.constant 0 : i32
    %dma_start3A_23 = tpu.memref_slice %arg2[%arg0, %dma_start3A_21, %dma_start3A_22] : memref<2x10000x64xf32, #tpu.memory_space<hbm>> -> memref<1x10000x64xf32, #tpu.memory_space<hbm>>
    %dma_start3A_24 = tpu.memref_squeeze %dma_start3A_23 : memref<1x10000x64xf32, #tpu.memory_space<hbm>> -> memref<10000x64xf32, #tpu.memory_space<hbm>>
    %dma_start3A_25 = arith.constant 0 : i32
    %dma_start3A_26 = arith.constant 0 : i32
    %dma_start3A_27 = tpu.memref_slice %dma_start3A_24[%dma_start3A_25, %dma_start3A_26] : memref<10000x64xf32, #tpu.memory_space<hbm>> -> memref<10000x64xf32, #tpu.memory_space<hbm>>
    tpu.enqueue_indirect_dma source(%dma_start3A_27 : memref<10000x64xf32, #tpu.memory_space<hbm>>) target(%arg8 : memref<125x64xf32, #tpu.memory_space<vmem>>) offsets(%dma_start3A_20 : memref<125xi32, #tpu.memory_space<vmem>>) semaphore(%arg15 : memref<!tpu.dma_semaphore, #tpu.memory_space<semaphore_mem>>)
    %dma_start3A_28 = arith.constant 1 : i32
    %dma_start3A_29 = arith.constant 0 : i32
    %dma_start3A_30 = tpu.memref_slice %arg6[%dma_start3A_28, %dma_start3A_29] : memref<160x125xi32, #tpu.memory_space<vmem>> -> memref<1x125xi32, #tpu.memory_space<vmem>>
    %dma_start3A_31 = tpu.memref_squeeze %dma_start3A_30 : memref<1x125xi32, #tpu.memory_space<vmem>> -> memref<125xi32, #tpu.memory_space<vmem>>
    %dma_start3A_32 = arith.constant 0 : i32
    %dma_start3A_33 = arith.constant 0 : i32
    %dma_start3A_34 = tpu.memref_slice %arg2[%arg0, %dma_start3A_32, %dma_start3A_33] : memref<2x10000x64xf32, #tpu.memory_space<hbm>> -> memref<1x10000x64xf32, #tpu.memory_space<hbm>>
    %dma_start3A_35 = tpu.memref_squeeze %dma_start3A_34 : memref<1x10000x64xf32, #tpu.memory_space<hbm>> -> memref<10000x64xf32, #tpu.memory_space<hbm>>
    %dma_start3A_36 = arith.constant 0 : i32
    %dma_start3A_37 = arith.constant 0 : i32
    %dma_start3A_38 = tpu.memref_slice %dma_start3A_35[%dma_start3A_36, %dma_start3A_37] : memref<10000x64xf32, #tpu.memory_space<hbm>> -> memref<10000x64xf32, #tpu.memory_space<hbm>>
    tpu.enqueue_indirect_dma source(%dma_start3A_38 : memref<10000x64xf32, #tpu.memory_space<hbm>>) target(%arg9 : memref<125x64xf32, #tpu.memory_space<vmem>>) offsets(%dma_start3A_31 : memref<125xi32, #tpu.memory_space<vmem>>) semaphore(%arg16 : memref<!tpu.dma_semaphore, #tpu.memory_space<semaphore_mem>>)
    %scan3A_39 = arith.constant 0 : i32
    %scan3A_40 = arith.constant 0 : i32
    %scan3A_41 = arith.constant 32 : i32
    %scan3A_42 = arith.addi %scan3A_40, %scan3A_41 : i32
    %scan3A_43 = arith.constant 1 : i32
    %scan3A_44 = scf.for %scan3A_67 = %scan3A_40 to %scan3A_42 step %scan3A_43 iter_args(%scan3A_68 = %scan3A_39) -> (i32)  : i32 {
      %mul3A_69 = arith.constant 5 : i32
      %mul3A_70 = arith.muli %scan3A_67, %mul3A_69 : i32
      %add3A_71 = arith.constant 0 : i32
      %add3A_72 = arith.addi %mul3A_70, %add3A_71 : i32
      %dma_wait3A_73 = arith.constant 0 : i32
      %dma_wait3A_74 = arith.constant 0 : i32
      %dma_wait3A_75 = tpu.memref_slice %arg6[%dma_wait3A_73, %dma_wait3A_74] : memref<160x125xi32, #tpu.memory_space<vmem>> -> memref<1x125xi32, #tpu.memory_space<vmem>>
      %dma_wait3A_76 = tpu.memref_squeeze %dma_wait3A_75 : memref<1x125xi32, #tpu.memory_space<vmem>> -> memref<125xi32, #tpu.memory_space<vmem>>
      %dma_wait3A_77 = arith.constant 0 : i32
      %dma_wait3A_78 = arith.constant 0 : i32
      %dma_wait3A_79 = tpu.memref_slice %arg2[%arg0, %dma_wait3A_77, %dma_wait3A_78] : memref<2x10000x64xf32, #tpu.memory_space<hbm>> -> memref<1x10000x64xf32, #tpu.memory_space<hbm>>
      %dma_wait3A_80 = tpu.memref_squeeze %dma_wait3A_79 : memref<1x10000x64xf32, #tpu.memory_space<hbm>> -> memref<10000x64xf32, #tpu.memory_space<hbm>>
      %dma_wait3A_81 = arith.constant 0 : i32
      %dma_wait3A_82 = arith.constant 0 : i32
      %dma_wait3A_83 = tpu.memref_slice %dma_wait3A_80[%dma_wait3A_81, %dma_wait3A_82] : memref<10000x64xf32, #tpu.memory_space<hbm>> -> memref<10000x64xf32, #tpu.memory_space<hbm>>
      tpu.wait_indirect_dma semaphore(%arg15 : memref<!tpu.dma_semaphore, #tpu.memory_space<semaphore_mem>>) src(%dma_wait3A_83 : memref<10000x64xf32, #tpu.memory_space<hbm>>) dst(%arg8 : memref<125x64xf32, #tpu.memory_space<vmem>>)
      %dma_start3A_84 = arith.constant 0 : i32
      %dma_start3A_85 = tpu.memref_slice %arg7[%add3A_72, %dma_start3A_84] : memref<160x125xi32, #tpu.memory_space<vmem>> -> memref<1x125xi32, #tpu.memory_space<vmem>>
      %dma_start3A_86 = tpu.memref_squeeze %dma_start3A_85 : memref<1x125xi32, #tpu.memory_space<vmem>> -> memref<125xi32, #tpu.memory_space<vmem>>
      %dma_start3A_87 = arith.constant 0 : i32
      %dma_start3A_88 = arith.constant 0 : i32
      %dma_start3A_89 = tpu.memref_slice %arg14[%dma_start3A_87, %dma_start3A_88] : memref<10000x64xf32, #tpu.memory_space<vmem_shared>> -> memref<10000x64xf32, #tpu.memory_space<vmem_shared>>
      tpu.enqueue_indirect_dma source(%arg8 : memref<125x64xf32, #tpu.memory_space<vmem>>) target(%dma_start3A_89 : memref<10000x64xf32, #tpu.memory_space<vmem_shared>>) offsets(%dma_start3A_86 : memref<125xi32, #tpu.memory_space<vmem>>) semaphore(%arg20 : memref<!tpu.dma_semaphore, #tpu.memory_space<semaphore_mem>>) {add = true}
      %ge3A = arith.constant 3 : i32
      %ge3A_90 = arith.cmpi sge, %add3A_72, %ge3A : i32
      %convert_element_type3A = arith.extui %ge3A_90 : i1 to i32
      %cond3A = arith.constant 0 : i32
      %cond3A_91 = arith.cmpi ne, %convert_element_type3A, %cond3A : i32
      scf.if %cond3A_91 {
        %dma_wait3A_231 = arith.constant 0 : i32
        %dma_wait3A_232 = arith.constant 0 : i32
        %dma_wait3A_233 = tpu.memref_slice %arg7[%dma_wait3A_231, %dma_wait3A_232] : memref<160x125xi32, #tpu.memory_space<vmem>> -> memref<1x125xi32, #tpu.memory_space<vmem>>
        %dma_wait3A_234 = tpu.memref_squeeze %dma_wait3A_233 : memref<1x125xi32, #tpu.memory_space<vmem>> -> memref<125xi32, #tpu.memory_space<vmem>>
        %dma_wait3A_235 = arith.constant 0 : i32
        %dma_wait3A_236 = arith.constant 0 : i32
        %dma_wait3A_237 = tpu.memref_slice %arg14[%dma_wait3A_235, %dma_wait3A_236] : memref<10000x64xf32, #tpu.memory_space<vmem_shared>> -> memref<10000x64xf32, #tpu.memory_space<vmem_shared>>
        tpu.wait_indirect_dma semaphore(%arg22 : memref<!tpu.dma_semaphore, #tpu.memory_space<semaphore_mem>>) src(%arg10 : memref<125x64xf32, #tpu.memory_space<vmem>>) dst(%dma_wait3A_237 : memref<10000x64xf32, #tpu.memory_space<vmem_shared>>)
      } else {
      }
      %add3A_92 = arith.constant 2 : i32
      %add3A_93 = arith.addi %add3A_72, %add3A_92 : i32
      %lt3A = arith.constant 160 : i32
      %lt3A_94 = arith.cmpi slt, %add3A_93, %lt3A : i32
      %convert_element_type3A_95 = arith.extui %lt3A_94 : i1 to i32
      %cond3A_96 = arith.constant 0 : i32
      %cond3A_97 = arith.cmpi ne, %convert_element_type3A_95, %cond3A_96 : i32
      scf.if %cond3A_97 {
        %add3A_231 = arith.constant 2 : i32
        %add3A_232 = arith.addi %add3A_72, %add3A_231 : i32
        %dma_start3A_233 = arith.constant 0 : i32
        %dma_start3A_234 = tpu.memref_slice %arg6[%add3A_232, %dma_start3A_233] : memref<160x125xi32, #tpu.memory_space<vmem>> -> memref<1x125xi32, #tpu.memory_space<vmem>>
        %dma_start3A_235 = tpu.memref_squeeze %dma_start3A_234 : memref<1x125xi32, #tpu.memory_space<vmem>> -> memref<125xi32, #tpu.memory_space<vmem>>
        %dma_start3A_236 = arith.constant 0 : i32
        %dma_start3A_237 = arith.constant 0 : i32
        %dma_start3A_238 = tpu.memref_slice %arg2[%arg0, %dma_start3A_236, %dma_start3A_237] : memref<2x10000x64xf32, #tpu.memory_space<hbm>> -> memref<1x10000x64xf32, #tpu.memory_space<hbm>>
        %dma_start3A_239 = tpu.memref_squeeze %dma_start3A_238 : memref<1x10000x64xf32, #tpu.memory_space<hbm>> -> memref<10000x64xf32, #tpu.memory_space<hbm>>
        %dma_start3A_240 = arith.constant 0 : i32
        %dma_start3A_241 = arith.constant 0 : i32
        %dma_start3A_242 = tpu.memref_slice %dma_start3A_239[%dma_start3A_240, %dma_start3A_241] : memref<10000x64xf32, #tpu.memory_space<hbm>> -> memref<10000x64xf32, #tpu.memory_space<hbm>>
        tpu.enqueue_indirect_dma source(%dma_start3A_242 : memref<10000x64xf32, #tpu.memory_space<hbm>>) target(%arg10 : memref<125x64xf32, #tpu.memory_space<vmem>>) offsets(%dma_start3A_235 : memref<125xi32, #tpu.memory_space<vmem>>) semaphore(%arg17 : memref<!tpu.dma_semaphore, #tpu.memory_space<semaphore_mem>>)
      } else {
      }
      %mul3A_98 = arith.constant 5 : i32
      %mul3A_99 = arith.muli %scan3A_67, %mul3A_98 : i32
      %add3A_100 = arith.constant 1 : i32
      %add3A_101 = arith.addi %mul3A_99, %add3A_100 : i32
      %dma_wait3A_102 = arith.constant 0 : i32
      %dma_wait3A_103 = arith.constant 0 : i32
      %dma_wait3A_104 = tpu.memref_slice %arg6[%dma_wait3A_102, %dma_wait3A_103] : memref<160x125xi32, #tpu.memory_space<vmem>> -> memref<1x125xi32, #tpu.memory_space<vmem>>
      %dma_wait3A_105 = tpu.memref_squeeze %dma_wait3A_104 : memref<1x125xi32, #tpu.memory_space<vmem>> -> memref<125xi32, #tpu.memory_space<vmem>>
      %dma_wait3A_106 = arith.constant 0 : i32
      %dma_wait3A_107 = arith.constant 0 : i32
      %dma_wait3A_108 = tpu.memref_slice %arg2[%arg0, %dma_wait3A_106, %dma_wait3A_107] : memref<2x10000x64xf32, #tpu.memory_space<hbm>> -> memref<1x10000x64xf32, #tpu.memory_space<hbm>>
      %dma_wait3A_109 = tpu.memref_squeeze %dma_wait3A_108 : memref<1x10000x64xf32, #tpu.memory_space<hbm>> -> memref<10000x64xf32, #tpu.memory_space<hbm>>
      %dma_wait3A_110 = arith.constant 0 : i32
      %dma_wait3A_111 = arith.constant 0 : i32
      %dma_wait3A_112 = tpu.memref_slice %dma_wait3A_109[%dma_wait3A_110, %dma_wait3A_111] : memref<10000x64xf32, #tpu.memory_space<hbm>> -> memref<10000x64xf32, #tpu.memory_space<hbm>>
      tpu.wait_indirect_dma semaphore(%arg16 : memref<!tpu.dma_semaphore, #tpu.memory_space<semaphore_mem>>) src(%dma_wait3A_112 : memref<10000x64xf32, #tpu.memory_space<hbm>>) dst(%arg9 : memref<125x64xf32, #tpu.memory_space<vmem>>)
      %dma_start3A_113 = arith.constant 0 : i32
      %dma_start3A_114 = tpu.memref_slice %arg7[%add3A_101, %dma_start3A_113] : memref<160x125xi32, #tpu.memory_space<vmem>> -> memref<1x125xi32, #tpu.memory_space<vmem>>
      %dma_start3A_115 = tpu.memref_squeeze %dma_start3A_114 : memref<1x125xi32, #tpu.memory_space<vmem>> -> memref<125xi32, #tpu.memory_space<vmem>>
      %dma_start3A_116 = arith.constant 0 : i32
      %dma_start3A_117 = arith.constant 0 : i32
      %dma_start3A_118 = tpu.memref_slice %arg14[%dma_start3A_116, %dma_start3A_117] : memref<10000x64xf32, #tpu.memory_space<vmem_shared>> -> memref<10000x64xf32, #tpu.memory_space<vmem_shared>>
      tpu.enqueue_indirect_dma source(%arg9 : memref<125x64xf32, #tpu.memory_space<vmem>>) target(%dma_start3A_118 : memref<10000x64xf32, #tpu.memory_space<vmem_shared>>) offsets(%dma_start3A_115 : memref<125xi32, #tpu.memory_space<vmem>>) semaphore(%arg21 : memref<!tpu.dma_semaphore, #tpu.memory_space<semaphore_mem>>) {add = true}
      %ge3A_119 = arith.constant 3 : i32
      %ge3A_120 = arith.cmpi sge, %add3A_101, %ge3A_119 : i32
      %convert_element_type3A_121 = arith.extui %ge3A_120 : i1 to i32
      %cond3A_122 = arith.constant 0 : i32
      %cond3A_123 = arith.cmpi ne, %convert_element_type3A_121, %cond3A_122 : i32
      scf.if %cond3A_123 {
        %dma_wait3A_231 = arith.constant 0 : i32
        %dma_wait3A_232 = arith.constant 0 : i32
        %dma_wait3A_233 = tpu.memref_slice %arg7[%dma_wait3A_231, %dma_wait3A_232] : memref<160x125xi32, #tpu.memory_space<vmem>> -> memref<1x125xi32, #tpu.memory_space<vmem>>
        %dma_wait3A_234 = tpu.memref_squeeze %dma_wait3A_233 : memref<1x125xi32, #tpu.memory_space<vmem>> -> memref<125xi32, #tpu.memory_space<vmem>>
        %dma_wait3A_235 = arith.constant 0 : i32
        %dma_wait3A_236 = arith.constant 0 : i32
        %dma_wait3A_237 = tpu.memref_slice %arg14[%dma_wait3A_235, %dma_wait3A_236] : memref<10000x64xf32, #tpu.memory_space<vmem_shared>> -> memref<10000x64xf32, #tpu.memory_space<vmem_shared>>
        tpu.wait_indirect_dma semaphore(%arg23 : memref<!tpu.dma_semaphore, #tpu.memory_space<semaphore_mem>>) src(%arg11 : memref<125x64xf32, #tpu.memory_space<vmem>>) dst(%dma_wait3A_237 : memref<10000x64xf32, #tpu.memory_space<vmem_shared>>)
      } else {
      }
      %add3A_124 = arith.constant 2 : i32
      %add3A_125 = arith.addi %add3A_101, %add3A_124 : i32
      %lt3A_126 = arith.constant 160 : i32
      %lt3A_127 = arith.cmpi slt, %add3A_125, %lt3A_126 : i32
      %convert_element_type3A_128 = arith.extui %lt3A_127 : i1 to i32
      %cond3A_129 = arith.constant 0 : i32
      %cond3A_130 = arith.cmpi ne, %convert_element_type3A_128, %cond3A_129 : i32
      scf.if %cond3A_130 {
        %add3A_231 = arith.constant 2 : i32
        %add3A_232 = arith.addi %add3A_101, %add3A_231 : i32
        %dma_start3A_233 = arith.constant 0 : i32
        %dma_start3A_234 = tpu.memref_slice %arg6[%add3A_232, %dma_start3A_233] : memref<160x125xi32, #tpu.memory_space<vmem>> -> memref<1x125xi32, #tpu.memory_space<vmem>>
        %dma_start3A_235 = tpu.memref_squeeze %dma_start3A_234 : memref<1x125xi32, #tpu.memory_space<vmem>> -> memref<125xi32, #tpu.memory_space<vmem>>
        %dma_start3A_236 = arith.constant 0 : i32
        %dma_start3A_237 = arith.constant 0 : i32
        %dma_start3A_238 = tpu.memref_slice %arg2[%arg0, %dma_start3A_236, %dma_start3A_237] : memref<2x10000x64xf32, #tpu.memory_space<hbm>> -> memref<1x10000x64xf32, #tpu.memory_space<hbm>>
        %dma_start3A_239 = tpu.memref_squeeze %dma_start3A_238 : memref<1x10000x64xf32, #tpu.memory_space<hbm>> -> memref<10000x64xf32, #tpu.memory_space<hbm>>
        %dma_start3A_240 = arith.constant 0 : i32
        %dma_start3A_241 = arith.constant 0 : i32
        %dma_start3A_242 = tpu.memref_slice %dma_start3A_239[%dma_start3A_240, %dma_start3A_241] : memref<10000x64xf32, #tpu.memory_space<hbm>> -> memref<10000x64xf32, #tpu.memory_space<hbm>>
        tpu.enqueue_indirect_dma source(%dma_start3A_242 : memref<10000x64xf32, #tpu.memory_space<hbm>>) target(%arg11 : memref<125x64xf32, #tpu.memory_space<vmem>>) offsets(%dma_start3A_235 : memref<125xi32, #tpu.memory_space<vmem>>) semaphore(%arg18 : memref<!tpu.dma_semaphore, #tpu.memory_space<semaphore_mem>>)
      } else {
      }
      %mul3A_131 = arith.constant 5 : i32
      %mul3A_132 = arith.muli %scan3A_67, %mul3A_131 : i32
      %add3A_133 = arith.constant 2 : i32
      %add3A_134 = arith.addi %mul3A_132, %add3A_133 : i32
      %dma_wait3A_135 = arith.constant 0 : i32
      %dma_wait3A_136 = arith.constant 0 : i32
      %dma_wait3A_137 = tpu.memref_slice %arg6[%dma_wait3A_135, %dma_wait3A_136] : memref<160x125xi32, #tpu.memory_space<vmem>> -> memref<1x125xi32, #tpu.memory_space<vmem>>
      %dma_wait3A_138 = tpu.memref_squeeze %dma_wait3A_137 : memref<1x125xi32, #tpu.memory_space<vmem>> -> memref<125xi32, #tpu.memory_space<vmem>>
      %dma_wait3A_139 = arith.constant 0 : i32
      %dma_wait3A_140 = arith.constant 0 : i32
      %dma_wait3A_141 = tpu.memref_slice %arg2[%arg0, %dma_wait3A_139, %dma_wait3A_140] : memref<2x10000x64xf32, #tpu.memory_space<hbm>> -> memref<1x10000x64xf32, #tpu.memory_space<hbm>>
      %dma_wait3A_142 = tpu.memref_squeeze %dma_wait3A_141 : memref<1x10000x64xf32, #tpu.memory_space<hbm>> -> memref<10000x64xf32, #tpu.memory_space<hbm>>
      %dma_wait3A_143 = arith.constant 0 : i32
      %dma_wait3A_144 = arith.constant 0 : i32
      %dma_wait3A_145 = tpu.memref_slice %dma_wait3A_142[%dma_wait3A_143, %dma_wait3A_144] : memref<10000x64xf32, #tpu.memory_space<hbm>> -> memref<10000x64xf32, #tpu.memory_space<hbm>>
      tpu.wait_indirect_dma semaphore(%arg17 : memref<!tpu.dma_semaphore, #tpu.memory_space<semaphore_mem>>) src(%dma_wait3A_145 : memref<10000x64xf32, #tpu.memory_space<hbm>>) dst(%arg10 : memref<125x64xf32, #tpu.memory_space<vmem>>)
      %dma_start3A_146 = arith.constant 0 : i32
      %dma_start3A_147 = tpu.memref_slice %arg7[%add3A_134, %dma_start3A_146] : memref<160x125xi32, #tpu.memory_space<vmem>> -> memref<1x125xi32, #tpu.memory_space<vmem>>
      %dma_start3A_148 = tpu.memref_squeeze %dma_start3A_147 : memref<1x125xi32, #tpu.memory_space<vmem>> -> memref<125xi32, #tpu.memory_space<vmem>>
      %dma_start3A_149 = arith.constant 0 : i32
      %dma_start3A_150 = arith.constant 0 : i32
      %dma_start3A_151 = tpu.memref_slice %arg14[%dma_start3A_149, %dma_start3A_150] : memref<10000x64xf32, #tpu.memory_space<vmem_shared>> -> memref<10000x64xf32, #tpu.memory_space<vmem_shared>>
      tpu.enqueue_indirect_dma source(%arg10 : memref<125x64xf32, #tpu.memory_space<vmem>>) target(%dma_start3A_151 : memref<10000x64xf32, #tpu.memory_space<vmem_shared>>) offsets(%dma_start3A_148 : memref<125xi32, #tpu.memory_space<vmem>>) semaphore(%arg22 : memref<!tpu.dma_semaphore, #tpu.memory_space<semaphore_mem>>) {add = true}
      %ge3A_152 = arith.constant 3 : i32
      %ge3A_153 = arith.cmpi sge, %add3A_134, %ge3A_152 : i32
      %convert_element_type3A_154 = arith.extui %ge3A_153 : i1 to i32
      %cond3A_155 = arith.constant 0 : i32
      %cond3A_156 = arith.cmpi ne, %convert_element_type3A_154, %cond3A_155 : i32
      scf.if %cond3A_156 {
        %dma_wait3A_231 = arith.constant 0 : i32
        %dma_wait3A_232 = arith.constant 0 : i32
        %dma_wait3A_233 = tpu.memref_slice %arg7[%dma_wait3A_231, %dma_wait3A_232] : memref<160x125xi32, #tpu.memory_space<vmem>> -> memref<1x125xi32, #tpu.memory_space<vmem>>
        %dma_wait3A_234 = tpu.memref_squeeze %dma_wait3A_233 : memref<1x125xi32, #tpu.memory_space<vmem>> -> memref<125xi32, #tpu.memory_space<vmem>>
        %dma_wait3A_235 = arith.constant 0 : i32
        %dma_wait3A_236 = arith.constant 0 : i32
        %dma_wait3A_237 = tpu.memref_slice %arg14[%dma_wait3A_235, %dma_wait3A_236] : memref<10000x64xf32, #tpu.memory_space<vmem_shared>> -> memref<10000x64xf32, #tpu.memory_space<vmem_shared>>
        tpu.wait_indirect_dma semaphore(%arg24 : memref<!tpu.dma_semaphore, #tpu.memory_space<semaphore_mem>>) src(%arg12 : memref<125x64xf32, #tpu.memory_space<vmem>>) dst(%dma_wait3A_237 : memref<10000x64xf32, #tpu.memory_space<vmem_shared>>)
      } else {
      }
      %add3A_157 = arith.constant 2 : i32
      %add3A_158 = arith.addi %add3A_134, %add3A_157 : i32
      %lt3A_159 = arith.constant 160 : i32
      %lt3A_160 = arith.cmpi slt, %add3A_158, %lt3A_159 : i32
      %convert_element_type3A_161 = arith.extui %lt3A_160 : i1 to i32
      %cond3A_162 = arith.constant 0 : i32
      %cond3A_163 = arith.cmpi ne, %convert_element_type3A_161, %cond3A_162 : i32
      scf.if %cond3A_163 {
        %add3A_231 = arith.constant 2 : i32
        %add3A_232 = arith.addi %add3A_134, %add3A_231 : i32
        %dma_start3A_233 = arith.constant 0 : i32
        %dma_start3A_234 = tpu.memref_slice %arg6[%add3A_232, %dma_start3A_233] : memref<160x125xi32, #tpu.memory_space<vmem>> -> memref<1x125xi32, #tpu.memory_space<vmem>>
        %dma_start3A_235 = tpu.memref_squeeze %dma_start3A_234 : memref<1x125xi32, #tpu.memory_space<vmem>> -> memref<125xi32, #tpu.memory_space<vmem>>
        %dma_start3A_236 = arith.constant 0 : i32
        %dma_start3A_237 = arith.constant 0 : i32
        %dma_start3A_238 = tpu.memref_slice %arg2[%arg0, %dma_start3A_236, %dma_start3A_237] : memref<2x10000x64xf32, #tpu.memory_space<hbm>> -> memref<1x10000x64xf32, #tpu.memory_space<hbm>>
        %dma_start3A_239 = tpu.memref_squeeze %dma_start3A_238 : memref<1x10000x64xf32, #tpu.memory_space<hbm>> -> memref<10000x64xf32, #tpu.memory_space<hbm>>
        %dma_start3A_240 = arith.constant 0 : i32
        %dma_start3A_241 = arith.constant 0 : i32
        %dma_start3A_242 = tpu.memref_slice %dma_start3A_239[%dma_start3A_240, %dma_start3A_241] : memref<10000x64xf32, #tpu.memory_space<hbm>> -> memref<10000x64xf32, #tpu.memory_space<hbm>>
        tpu.enqueue_indirect_dma source(%dma_start3A_242 : memref<10000x64xf32, #tpu.memory_space<hbm>>) target(%arg12 : memref<125x64xf32, #tpu.memory_space<vmem>>) offsets(%dma_start3A_235 : memref<125xi32, #tpu.memory_space<vmem>>) semaphore(%arg19 : memref<!tpu.dma_semaphore, #tpu.memory_space<semaphore_mem>>)
      } else {
      }
      %mul3A_164 = arith.constant 5 : i32
      %mul3A_165 = arith.muli %scan3A_67, %mul3A_164 : i32
      %add3A_166 = arith.constant 3 : i32
      %add3A_167 = arith.addi %mul3A_165, %add3A_166 : i32
      %dma_wait3A_168 = arith.constant 0 : i32
      %dma_wait3A_169 = arith.constant 0 : i32
      %dma_wait3A_170 = tpu.memref_slice %arg6[%dma_wait3A_168, %dma_wait3A_169] : memref<160x125xi32, #tpu.memory_space<vmem>> -> memref<1x125xi32, #tpu.memory_space<vmem>>
      %dma_wait3A_171 = tpu.memref_squeeze %dma_wait3A_170 : memref<1x125xi32, #tpu.memory_space<vmem>> -> memref<125xi32, #tpu.memory_space<vmem>>
      %dma_wait3A_172 = arith.constant 0 : i32
      %dma_wait3A_173 = arith.constant 0 : i32
      %dma_wait3A_174 = tpu.memref_slice %arg2[%arg0, %dma_wait3A_172, %dma_wait3A_173] : memref<2x10000x64xf32, #tpu.memory_space<hbm>> -> memref<1x10000x64xf32, #tpu.memory_space<hbm>>
      %dma_wait3A_175 = tpu.memref_squeeze %dma_wait3A_174 : memref<1x10000x64xf32, #tpu.memory_space<hbm>> -> memref<10000x64xf32, #tpu.memory_space<hbm>>
      %dma_wait3A_176 = arith.constant 0 : i32
      %dma_wait3A_177 = arith.constant 0 : i32
      %dma_wait3A_178 = tpu.memref_slice %dma_wait3A_175[%dma_wait3A_176, %dma_wait3A_177] : memref<10000x64xf32, #tpu.memory_space<hbm>> -> memref<10000x64xf32, #tpu.memory_space<hbm>>
      tpu.wait_indirect_dma semaphore(%arg18 : memref<!tpu.dma_semaphore, #tpu.memory_space<semaphore_mem>>) src(%dma_wait3A_178 : memref<10000x64xf32, #tpu.memory_space<hbm>>) dst(%arg11 : memref<125x64xf32, #tpu.memory_space<vmem>>)
      %dma_start3A_179 = arith.constant 0 : i32
      %dma_start3A_180 = tpu.memref_slice %arg7[%add3A_167, %dma_start3A_179] : memref<160x125xi32, #tpu.memory_space<vmem>> -> memref<1x125xi32, #tpu.memory_space<vmem>>
      %dma_start3A_181 = tpu.memref_squeeze %dma_start3A_180 : memref<1x125xi32, #tpu.memory_space<vmem>> -> memref<125xi32, #tpu.memory_space<vmem>>
      %dma_start3A_182 = arith.constant 0 : i32
      %dma_start3A_183 = arith.constant 0 : i32
      %dma_start3A_184 = tpu.memref_slice %arg14[%dma_start3A_182, %dma_start3A_183] : memref<10000x64xf32, #tpu.memory_space<vmem_shared>> -> memref<10000x64xf32, #tpu.memory_space<vmem_shared>>
      tpu.enqueue_indirect_dma source(%arg11 : memref<125x64xf32, #tpu.memory_space<vmem>>) target(%dma_start3A_184 : memref<10000x64xf32, #tpu.memory_space<vmem_shared>>) offsets(%dma_start3A_181 : memref<125xi32, #tpu.memory_space<vmem>>) semaphore(%arg23 : memref<!tpu.dma_semaphore, #tpu.memory_space<semaphore_mem>>) {add = true}
      %ge3A_185 = arith.constant 3 : i32
      %ge3A_186 = arith.cmpi sge, %add3A_167, %ge3A_185 : i32
      %convert_element_type3A_187 = arith.extui %ge3A_186 : i1 to i32
      %cond3A_188 = arith.constant 0 : i32
      %cond3A_189 = arith.cmpi ne, %convert_element_type3A_187, %cond3A_188 : i32
      scf.if %cond3A_189 {
        %dma_wait3A_231 = arith.constant 0 : i32
        %dma_wait3A_232 = arith.constant 0 : i32
        %dma_wait3A_233 = tpu.memref_slice %arg7[%dma_wait3A_231, %dma_wait3A_232] : memref<160x125xi32, #tpu.memory_space<vmem>> -> memref<1x125xi32, #tpu.memory_space<vmem>>
        %dma_wait3A_234 = tpu.memref_squeeze %dma_wait3A_233 : memref<1x125xi32, #tpu.memory_space<vmem>> -> memref<125xi32, #tpu.memory_space<vmem>>
        %dma_wait3A_235 = arith.constant 0 : i32
        %dma_wait3A_236 = arith.constant 0 : i32
        %dma_wait3A_237 = tpu.memref_slice %arg14[%dma_wait3A_235, %dma_wait3A_236] : memref<10000x64xf32, #tpu.memory_space<vmem_shared>> -> memref<10000x64xf32, #tpu.memory_space<vmem_shared>>
        tpu.wait_indirect_dma semaphore(%arg20 : memref<!tpu.dma_semaphore, #tpu.memory_space<semaphore_mem>>) src(%arg8 : memref<125x64xf32, #tpu.memory_space<vmem>>) dst(%dma_wait3A_237 : memref<10000x64xf32, #tpu.memory_space<vmem_shared>>)
      } else {
      }
      %add3A_190 = arith.constant 2 : i32
      %add3A_191 = arith.addi %add3A_167, %add3A_190 : i32
      %lt3A_192 = arith.constant 160 : i32
      %lt3A_193 = arith.cmpi slt, %add3A_191, %lt3A_192 : i32
      %convert_element_type3A_194 = arith.extui %lt3A_193 : i1 to i32
      %cond3A_195 = arith.constant 0 : i32
      %cond3A_196 = arith.cmpi ne, %convert_element_type3A_194, %cond3A_195 : i32
      scf.if %cond3A_196 {
        %add3A_231 = arith.constant 2 : i32
        %add3A_232 = arith.addi %add3A_167, %add3A_231 : i32
        %dma_start3A_233 = arith.constant 0 : i32
        %dma_start3A_234 = tpu.memref_slice %arg6[%add3A_232, %dma_start3A_233] : memref<160x125xi32, #tpu.memory_space<vmem>> -> memref<1x125xi32, #tpu.memory_space<vmem>>
        %dma_start3A_235 = tpu.memref_squeeze %dma_start3A_234 : memref<1x125xi32, #tpu.memory_space<vmem>> -> memref<125xi32, #tpu.memory_space<vmem>>
        %dma_start3A_236 = arith.constant 0 : i32
        %dma_start3A_237 = arith.constant 0 : i32
        %dma_start3A_238 = tpu.memref_slice %arg2[%arg0, %dma_start3A_236, %dma_start3A_237] : memref<2x10000x64xf32, #tpu.memory_space<hbm>> -> memref<1x10000x64xf32, #tpu.memory_space<hbm>>
        %dma_start3A_239 = tpu.memref_squeeze %dma_start3A_238 : memref<1x10000x64xf32, #tpu.memory_space<hbm>> -> memref<10000x64xf32, #tpu.memory_space<hbm>>
        %dma_start3A_240 = arith.constant 0 : i32
        %dma_start3A_241 = arith.constant 0 : i32
        %dma_start3A_242 = tpu.memref_slice %dma_start3A_239[%dma_start3A_240, %dma_start3A_241] : memref<10000x64xf32, #tpu.memory_space<hbm>> -> memref<10000x64xf32, #tpu.memory_space<hbm>>
        tpu.enqueue_indirect_dma source(%dma_start3A_242 : memref<10000x64xf32, #tpu.memory_space<hbm>>) target(%arg8 : memref<125x64xf32, #tpu.memory_space<vmem>>) offsets(%dma_start3A_235 : memref<125xi32, #tpu.memory_space<vmem>>) semaphore(%arg15 : memref<!tpu.dma_semaphore, #tpu.memory_space<semaphore_mem>>)
      } else {
      }
      %mul3A_197 = arith.constant 5 : i32
      %mul3A_198 = arith.muli %scan3A_67, %mul3A_197 : i32
      %add3A_199 = arith.constant 4 : i32
      %add3A_200 = arith.addi %mul3A_198, %add3A_199 : i32
      %dma_wait3A_201 = arith.constant 0 : i32
      %dma_wait3A_202 = arith.constant 0 : i32
      %dma_wait3A_203 = tpu.memref_slice %arg6[%dma_wait3A_201, %dma_wait3A_202] : memref<160x125xi32, #tpu.memory_space<vmem>> -> memref<1x125xi32, #tpu.memory_space<vmem>>
      %dma_wait3A_204 = tpu.memref_squeeze %dma_wait3A_203 : memref<1x125xi32, #tpu.memory_space<vmem>> -> memref<125xi32, #tpu.memory_space<vmem>>
      %dma_wait3A_205 = arith.constant 0 : i32
      %dma_wait3A_206 = arith.constant 0 : i32
      %dma_wait3A_207 = tpu.memref_slice %arg2[%arg0, %dma_wait3A_205, %dma_wait3A_206] : memref<2x10000x64xf32, #tpu.memory_space<hbm>> -> memref<1x10000x64xf32, #tpu.memory_space<hbm>>
      %dma_wait3A_208 = tpu.memref_squeeze %dma_wait3A_207 : memref<1x10000x64xf32, #tpu.memory_space<hbm>> -> memref<10000x64xf32, #tpu.memory_space<hbm>>
      %dma_wait3A_209 = arith.constant 0 : i32
      %dma_wait3A_210 = arith.constant 0 : i32
      %dma_wait3A_211 = tpu.memref_slice %dma_wait3A_208[%dma_wait3A_209, %dma_wait3A_210] : memref<10000x64xf32, #tpu.memory_space<hbm>> -> memref<10000x64xf32, #tpu.memory_space<hbm>>
      tpu.wait_indirect_dma semaphore(%arg19 : memref<!tpu.dma_semaphore, #tpu.memory_space<semaphore_mem>>) src(%dma_wait3A_211 : memref<10000x64xf32, #tpu.memory_space<hbm>>) dst(%arg12 : memref<125x64xf32, #tpu.memory_space<vmem>>)
      %dma_start3A_212 = arith.constant 0 : i32
      %dma_start3A_213 = tpu.memref_slice %arg7[%add3A_200, %dma_start3A_212] : memref<160x125xi32, #tpu.memory_space<vmem>> -> memref<1x125xi32, #tpu.memory_space<vmem>>
      %dma_start3A_214 = tpu.memref_squeeze %dma_start3A_213 : memref<1x125xi32, #tpu.memory_space<vmem>> -> memref<125xi32, #tpu.memory_space<vmem>>
      %dma_start3A_215 = arith.constant 0 : i32
      %dma_start3A_216 = arith.constant 0 : i32
      %dma_start3A_217 = tpu.memref_slice %arg14[%dma_start3A_215, %dma_start3A_216] : memref<10000x64xf32, #tpu.memory_space<vmem_shared>> -> memref<10000x64xf32, #tpu.memory_space<vmem_shared>>
      tpu.enqueue_indirect_dma source(%arg12 : memref<125x64xf32, #tpu.memory_space<vmem>>) target(%dma_start3A_217 : memref<10000x64xf32, #tpu.memory_space<vmem_shared>>) offsets(%dma_start3A_214 : memref<125xi32, #tpu.memory_space<vmem>>) semaphore(%arg24 : memref<!tpu.dma_semaphore, #tpu.memory_space<semaphore_mem>>) {add = true}
      %ge3A_218 = arith.constant 3 : i32
      %ge3A_219 = arith.cmpi sge, %add3A_200, %ge3A_218 : i32
      %convert_element_type3A_220 = arith.extui %ge3A_219 : i1 to i32
      %cond3A_221 = arith.constant 0 : i32
      %cond3A_222 = arith.cmpi ne, %convert_element_type3A_220, %cond3A_221 : i32
      scf.if %cond3A_222 {
        %dma_wait3A_231 = arith.constant 0 : i32
        %dma_wait3A_232 = arith.constant 0 : i32
        %dma_wait3A_233 = tpu.memref_slice %arg7[%dma_wait3A_231, %dma_wait3A_232] : memref<160x125xi32, #tpu.memory_space<vmem>> -> memref<1x125xi32, #tpu.memory_space<vmem>>
        %dma_wait3A_234 = tpu.memref_squeeze %dma_wait3A_233 : memref<1x125xi32, #tpu.memory_space<vmem>> -> memref<125xi32, #tpu.memory_space<vmem>>
        %dma_wait3A_235 = arith.constant 0 : i32
        %dma_wait3A_236 = arith.constant 0 : i32
        %dma_wait3A_237 = tpu.memref_slice %arg14[%dma_wait3A_235, %dma_wait3A_236] : memref<10000x64xf32, #tpu.memory_space<vmem_shared>> -> memref<10000x64xf32, #tpu.memory_space<vmem_shared>>
        tpu.wait_indirect_dma semaphore(%arg21 : memref<!tpu.dma_semaphore, #tpu.memory_space<semaphore_mem>>) src(%arg9 : memref<125x64xf32, #tpu.memory_space<vmem>>) dst(%dma_wait3A_237 : memref<10000x64xf32, #tpu.memory_space<vmem_shared>>)
      } else {
      }
      %add3A_223 = arith.constant 2 : i32
      %add3A_224 = arith.addi %add3A_200, %add3A_223 : i32
      %lt3A_225 = arith.constant 160 : i32
      %lt3A_226 = arith.cmpi slt, %add3A_224, %lt3A_225 : i32
      %convert_element_type3A_227 = arith.extui %lt3A_226 : i1 to i32
      %cond3A_228 = arith.constant 0 : i32
      %cond3A_229 = arith.cmpi ne, %convert_element_type3A_227, %cond3A_228 : i32
      scf.if %cond3A_229 {
        %add3A_231 = arith.constant 2 : i32
        %add3A_232 = arith.addi %add3A_200, %add3A_231 : i32
        %dma_start3A_233 = arith.constant 0 : i32
        %dma_start3A_234 = tpu.memref_slice %arg6[%add3A_232, %dma_start3A_233] : memref<160x125xi32, #tpu.memory_space<vmem>> -> memref<1x125xi32, #tpu.memory_space<vmem>>
        %dma_start3A_235 = tpu.memref_squeeze %dma_start3A_234 : memref<1x125xi32, #tpu.memory_space<vmem>> -> memref<125xi32, #tpu.memory_space<vmem>>
        %dma_start3A_236 = arith.constant 0 : i32
        %dma_start3A_237 = arith.constant 0 : i32
        %dma_start3A_238 = tpu.memref_slice %arg2[%arg0, %dma_start3A_236, %dma_start3A_237] : memref<2x10000x64xf32, #tpu.memory_space<hbm>> -> memref<1x10000x64xf32, #tpu.memory_space<hbm>>
        %dma_start3A_239 = tpu.memref_squeeze %dma_start3A_238 : memref<1x10000x64xf32, #tpu.memory_space<hbm>> -> memref<10000x64xf32, #tpu.memory_space<hbm>>
        %dma_start3A_240 = arith.constant 0 : i32
        %dma_start3A_241 = arith.constant 0 : i32
        %dma_start3A_242 = tpu.memref_slice %dma_start3A_239[%dma_start3A_240, %dma_start3A_241] : memref<10000x64xf32, #tpu.memory_space<hbm>> -> memref<10000x64xf32, #tpu.memory_space<hbm>>
        tpu.enqueue_indirect_dma source(%dma_start3A_242 : memref<10000x64xf32, #tpu.memory_space<hbm>>) target(%arg9 : memref<125x64xf32, #tpu.memory_space<vmem>>) offsets(%dma_start3A_235 : memref<125xi32, #tpu.memory_space<vmem>>) semaphore(%arg16 : memref<!tpu.dma_semaphore, #tpu.memory_space<semaphore_mem>>)
      } else {
      }
      %scan3A_230 = arith.constant 0 : i32
      scf.yield %scan3A_230 : i32
    }
    %scan3A_45 = arith.constant 32 : i32
    %dma_wait3A = arith.constant 0 : i32
    %dma_wait3A_46 = arith.constant 0 : i32
    %dma_wait3A_47 = tpu.memref_slice %arg7[%dma_wait3A, %dma_wait3A_46] : memref<160x125xi32, #tpu.memory_space<vmem>> -> memref<1x125xi32, #tpu.memory_space<vmem>>
    %dma_wait3A_48 = tpu.memref_squeeze %dma_wait3A_47 : memref<1x125xi32, #tpu.memory_space<vmem>> -> memref<125xi32, #tpu.memory_space<vmem>>
    %dma_wait3A_49 = arith.constant 0 : i32
    %dma_wait3A_50 = arith.constant 0 : i32
    %dma_wait3A_51 = tpu.memref_slice %arg14[%dma_wait3A_49, %dma_wait3A_50] : memref<10000x64xf32, #tpu.memory_space<vmem_shared>> -> memref<10000x64xf32, #tpu.memory_space<vmem_shared>>
    tpu.wait_indirect_dma semaphore(%arg22 : memref<!tpu.dma_semaphore, #tpu.memory_space<semaphore_mem>>) src(%arg10 : memref<125x64xf32, #tpu.memory_space<vmem>>) dst(%dma_wait3A_51 : memref<10000x64xf32, #tpu.memory_space<vmem_shared>>)
    %dma_wait3A_52 = arith.constant 0 : i32
    %dma_wait3A_53 = arith.constant 0 : i32
    %dma_wait3A_54 = tpu.memref_slice %arg7[%dma_wait3A_52, %dma_wait3A_53] : memref<160x125xi32, #tpu.memory_space<vmem>> -> memref<1x125xi32, #tpu.memory_space<vmem>>
    %dma_wait3A_55 = tpu.memref_squeeze %dma_wait3A_54 : memref<1x125xi32, #tpu.memory_space<vmem>> -> memref<125xi32, #tpu.memory_space<vmem>>
    %dma_wait3A_56 = arith.constant 0 : i32
    %dma_wait3A_57 = arith.constant 0 : i32
    %dma_wait3A_58 = tpu.memref_slice %arg14[%dma_wait3A_56, %dma_wait3A_57] : memref<10000x64xf32, #tpu.memory_space<vmem_shared>> -> memref<10000x64xf32, #tpu.memory_space<vmem_shared>>
    tpu.wait_indirect_dma semaphore(%arg23 : memref<!tpu.dma_semaphore, #tpu.memory_space<semaphore_mem>>) src(%arg11 : memref<125x64xf32, #tpu.memory_space<vmem>>) dst(%dma_wait3A_58 : memref<10000x64xf32, #tpu.memory_space<vmem_shared>>)
    %dma_wait3A_59 = arith.constant 0 : i32
    %dma_wait3A_60 = arith.constant 0 : i32
    %dma_wait3A_61 = tpu.memref_slice %arg7[%dma_wait3A_59, %dma_wait3A_60] : memref<160x125xi32, #tpu.memory_space<vmem>> -> memref<1x125xi32, #tpu.memory_space<vmem>>
    %dma_wait3A_62 = tpu.memref_squeeze %dma_wait3A_61 : memref<1x125xi32, #tpu.memory_space<vmem>> -> memref<125xi32, #tpu.memory_space<vmem>>
    %dma_wait3A_63 = arith.constant 0 : i32
    %dma_wait3A_64 = arith.constant 0 : i32
    %dma_wait3A_65 = tpu.memref_slice %arg14[%dma_wait3A_63, %dma_wait3A_64] : memref<10000x64xf32, #tpu.memory_space<vmem_shared>> -> memref<10000x64xf32, #tpu.memory_space<vmem_shared>>
    tpu.wait_indirect_dma semaphore(%arg24 : memref<!tpu.dma_semaphore, #tpu.memory_space<semaphore_mem>>) src(%arg12 : memref<125x64xf32, #tpu.memory_space<vmem>>) dst(%dma_wait3A_65 : memref<10000x64xf32, #tpu.memory_space<vmem_shared>>)
    %barrier3A_66 = arith.constant 0 : index
    tpu.barrier barrier_id(%barrier3A_66)
    "tpu.region"() ({
      %run_scoped3A = tpu.sem_alloc : memref<!tpu.dma_semaphore, #tpu.memory_space<semaphore_mem>>
      %dma_start3A_67 = arith.constant 0 : i32
      %dma_start3A_68 = tpu.memref_slice %arg5[%arg0, %mul3A_2, %dma_start3A_67] : memref<2x10000x64xf32, #tpu.memory_space<hbm>> -> memref<1x625x64xf32, #tpu.memory_space<hbm>>
      %dma_start3A_69 = tpu.memref_squeeze %dma_start3A_68 : memref<1x625x64xf32, #tpu.memory_space<hbm>> -> memref<625x64xf32, #tpu.memory_space<hbm>>
      %dma_start3A_70 = arith.constant 0 : i32
      %dma_start3A_71 = tpu.memref_slice %arg14[%mul3A_2, %dma_start3A_70] : memref<10000x64xf32, #tpu.memory_space<vmem_shared>> -> memref<625x64xf32, #tpu.memory_space<vmem_shared>>
      tpu.enqueue_dma source(%dma_start3A_71 : memref<625x64xf32, #tpu.memory_space<vmem_shared>>) target(%dma_start3A_69 : memref<625x64xf32, #tpu.memory_space<hbm>>) target_semaphore(%run_scoped3A : memref<!tpu.dma_semaphore, #tpu.memory_space<semaphore_mem>>)
      %dma_wait3A_72 = arith.constant 0 : i32
      %dma_wait3A_73 = tpu.memref_slice %arg5[%arg0, %mul3A_2, %dma_wait3A_72] : memref<2x10000x64xf32, #tpu.memory_space<hbm>> -> memref<1x625x64xf32, #tpu.memory_space<hbm>>
      %dma_wait3A_74 = tpu.memref_squeeze %dma_wait3A_73 : memref<1x625x64xf32, #tpu.memory_space<hbm>> -> memref<625x64xf32, #tpu.memory_space<hbm>>
      %dma_wait3A_75 = arith.constant 0 : i32
      %dma_wait3A_76 = tpu.memref_slice %arg14[%mul3A_2, %dma_wait3A_75] : memref<10000x64xf32, #tpu.memory_space<vmem_shared>> -> memref<625x64xf32, #tpu.memory_space<vmem_shared>>
      tpu.wait_dma2 semaphore(%run_scoped3A : memref<!tpu.dma_semaphore, #tpu.memory_space<semaphore_mem>>) src(%dma_wait3A_76 : memref<625x64xf32, #tpu.memory_space<vmem_shared>>) dst(%dma_wait3A_74 : memref<625x64xf32, #tpu.memory_space<hbm>>)
      tpu.yield
    }) : () -> ()
    return
  }
}

#map = affine_map<(d0, d1) -> (0, 0, 0)>
#map1 = affine_map<(d0, d1) -> (0, 0)>
module attributes {stable_mosaic.version = 14 : i64} {
  func.func @body(%arg0: i32, %arg1: i32, %arg2: memref<2x10000x64xf32, #tpu.memory_space<hbm>>, %arg3: memref<2560x125xi32, #tpu.memory_space<hbm>>, %arg4: memref<2560x125xi32, #tpu.memory_space<hbm>>, %arg5: memref<2x10000x64xf32, #tpu.memory_space<hbm>>, %arg6: memref<160x125xi32, #tpu.memory_space<vmem>>, %arg7: memref<160x125xi32, #tpu.memory_space<vmem>>, %arg8: memref<125x64xf32, #tpu.memory_space<vmem>>, %arg9: memref<125x64xf32, #tpu.memory_space<vmem>>, %arg10: memref<125x64xf32, #tpu.memory_space<vmem>>, %arg11: memref<125x64xf32, #tpu.memory_space<vmem>>, %arg12: memref<125x64xf32, #tpu.memory_space<vmem>>, %arg13: memref<125x64xf32, #tpu.memory_space<vmem>>, %arg14: memref<10000x64xf32, #tpu.memory_space<vmem_shared>>, %arg15: memref<!tpu.dma_semaphore, #tpu.memory_space<semaphore_mem>>, %arg16: memref<!tpu.dma_semaphore, #tpu.memory_space<semaphore_mem>>, %arg17: memref<!tpu.dma_semaphore, #tpu.memory_space<semaphore_mem>>, %arg18: memref<!tpu.dma_semaphore, #tpu.memory_space<semaphore_mem>>, %arg19: memref<!tpu.dma_semaphore, #tpu.memory_space<semaphore_mem>>, %arg20: memref<!tpu.dma_semaphore, #tpu.memory_space<semaphore_mem>>, %arg21: memref<!tpu.dma_semaphore, #tpu.memory_space<semaphore_mem>>, %arg22: memref<!tpu.dma_semaphore, #tpu.memory_space<semaphore_mem>>, %arg23: memref<!tpu.dma_semaphore, #tpu.memory_space<semaphore_mem>>, %arg24: memref<!tpu.dma_semaphore, #tpu.memory_space<semaphore_mem>>) attributes {dimension_semantics = [#tpu.dimension_semantics<core_parallel>, #tpu.dimension_semantics<subcore_parallel>], iteration_bounds = array<i64: 2, 16>, scalar_prefetch = 0 : i64, scratch_operands = 19 : i64, tpu.core_type = #tpu.core_type<sc_vector_subcore>, window_params = [{transform_indices = #map}, {transform_indices = #map1}, {transform_indices = #map1}, {transform_indices = #map}]} {
    %mul3A = arith.constant 160 : i32
    %mul3A_0 = arith.muli %arg1, %mul3A : i32
    "tpu.region"() ({
      %run_scoped3A = tpu.sem_alloc : memref<!tpu.dma_semaphore, #tpu.memory_space<semaphore_mem>>
      %dma_start3A_67 = arith.constant 0 : i32
      %dma_start3A_68 = tpu.memref_slice %arg3[%mul3A_0, %dma_start3A_67] : memref<2560x125xi32, #tpu.memory_space<hbm>> -> memref<160x125xi32, #tpu.memory_space<hbm>>
      %dma_start3A_69 = arith.constant 0 : i32
      %dma_start3A_70 = tpu.memref_slice %arg3[%mul3A_0, %dma_start3A_69] : memref<2560x125xi32, #tpu.memory_space<hbm>> -> memref<160x125xi32, #tpu.memory_space<hbm>>
      tpu.enqueue_dma source(%dma_start3A_70 : memref<160x125xi32, #tpu.memory_space<hbm>>) target(%arg6 : memref<160x125xi32, #tpu.memory_space<vmem>>) target_semaphore(%run_scoped3A : memref<!tpu.dma_semaphore, #tpu.memory_space<semaphore_mem>>)
      %dma_wait3A_71 = arith.constant 0 : i32
      %dma_wait3A_72 = tpu.memref_slice %arg3[%mul3A_0, %dma_wait3A_71] : memref<2560x125xi32, #tpu.memory_space<hbm>> -> memref<160x125xi32, #tpu.memory_space<hbm>>
      %dma_wait3A_73 = arith.constant 0 : i32
      %dma_wait3A_74 = tpu.memref_slice %arg3[%mul3A_0, %dma_wait3A_73] : memref<2560x125xi32, #tpu.memory_space<hbm>> -> memref<160x125xi32, #tpu.memory_space<hbm>>
      tpu.wait_dma2 semaphore(%run_scoped3A : memref<!tpu.dma_semaphore, #tpu.memory_space<semaphore_mem>>) src(%dma_wait3A_74 : memref<160x125xi32, #tpu.memory_space<hbm>>) dst(%arg6 : memref<160x125xi32, #tpu.memory_space<vmem>>)
      tpu.yield
    }) : () -> ()
    "tpu.region"() ({
      %run_scoped3A = tpu.sem_alloc : memref<!tpu.dma_semaphore, #tpu.memory_space<semaphore_mem>>
      %dma_start3A_67 = arith.constant 0 : i32
      %dma_start3A_68 = tpu.memref_slice %arg4[%mul3A_0, %dma_start3A_67] : memref<2560x125xi32, #tpu.memory_space<hbm>> -> memref<160x125xi32, #tpu.memory_space<hbm>>
      %dma_start3A_69 = arith.constant 0 : i32
      %dma_start3A_70 = tpu.memref_slice %arg4[%mul3A_0, %dma_start3A_69] : memref<2560x125xi32, #tpu.memory_space<hbm>> -> memref<160x125xi32, #tpu.memory_space<hbm>>
      tpu.enqueue_dma source(%dma_start3A_70 : memref<160x125xi32, #tpu.memory_space<hbm>>) target(%arg7 : memref<160x125xi32, #tpu.memory_space<vmem>>) target_semaphore(%run_scoped3A : memref<!tpu.dma_semaphore, #tpu.memory_space<semaphore_mem>>)
      %dma_wait3A_71 = arith.constant 0 : i32
      %dma_wait3A_72 = tpu.memref_slice %arg4[%mul3A_0, %dma_wait3A_71] : memref<2560x125xi32, #tpu.memory_space<hbm>> -> memref<160x125xi32, #tpu.memory_space<hbm>>
      %dma_wait3A_73 = arith.constant 0 : i32
      %dma_wait3A_74 = tpu.memref_slice %arg4[%mul3A_0, %dma_wait3A_73] : memref<2560x125xi32, #tpu.memory_space<hbm>> -> memref<160x125xi32, #tpu.memory_space<hbm>>
      tpu.wait_dma2 semaphore(%run_scoped3A : memref<!tpu.dma_semaphore, #tpu.memory_space<semaphore_mem>>) src(%dma_wait3A_74 : memref<160x125xi32, #tpu.memory_space<hbm>>) dst(%arg7 : memref<160x125xi32, #tpu.memory_space<vmem>>)
      tpu.yield
    }) : () -> ()
    %mul3A_1 = arith.constant 625 : i32
    %mul3A_2 = arith.muli %arg1, %mul3A_1 : i32
    %scan3A = arith.constant 0 : i32
    %scan3A_3 = arith.constant 0 : i32
    %scan3A_4 = arith.constant 125 : i32
    %scan3A_5 = arith.addi %scan3A_3, %scan3A_4 : i32
    %scan3A_6 = arith.constant 1 : i32
    %scan3A_7 = scf.for %scan3A_67 = %scan3A_3 to %scan3A_5 step %scan3A_6 iter_args(%scan3A_68 = %scan3A) -> (i32)  : i32 {
      %broadcast_in_dim3A = arith.constant 0.000000e+00 : f32
      %broadcast_in_dim3A_69 = vector.broadcast %broadcast_in_dim3A : f32 to vector<16xf32>
      %swap3A = arith.index_cast %scan3A_67 : i32 to index
      %swap3A_70 = arith.constant 0 : index
      %swap3A_71 = tpu.vector_load %arg13[%swap3A, %swap3A_70] {strides = array<i32>} : memref<125x64xf32, #tpu.memory_space<vmem>>, vector<1x16xf32>,
      %swap3A_72 = vector.shape_cast %swap3A_71 : vector<1x16xf32> to vector<16xf32>
      %swap3A_73 = vector.shape_cast %broadcast_in_dim3A_69 : vector<16xf32> to vector<1x16xf32>
      tpu.vector_store %arg13[%swap3A, %swap3A_70], %swap3A_73 {strides = array<i32>} : memref<125x64xf32, #tpu.memory_space<vmem>>, vector<1x16xf32>,
      %swap3A_74 = arith.index_cast %scan3A_67 : i32 to index
      %swap3A_75 = arith.constant 16 : index
      %swap3A_76 = tpu.vector_load %arg13[%swap3A_74, %swap3A_75] {strides = array<i32>} : memref<125x64xf32, #tpu.memory_space<vmem>>, vector<1x16xf32>,
      %swap3A_77 = vector.shape_cast %swap3A_76 : vector<1x16xf32> to vector<16xf32>
      %swap3A_78 = vector.shape_cast %broadcast_in_dim3A_69 : vector<16xf32> to vector<1x16xf32>
      tpu.vector_store %arg13[%swap3A_74, %swap3A_75], %swap3A_78 {strides = array<i32>} : memref<125x64xf32, #tpu.memory_space<vmem>>, vector<1x16xf32>,
      %swap3A_79 = arith.index_cast %scan3A_67 : i32 to index
      %swap3A_80 = arith.constant 32 : index
      %swap3A_81 = tpu.vector_load %arg13[%swap3A_79, %swap3A_80] {strides = array<i32>} : memref<125x64xf32, #tpu.memory_space<vmem>>, vector<1x16xf32>,
      %swap3A_82 = vector.shape_cast %swap3A_81 : vector<1x16xf32> to vector<16xf32>
      %swap3A_83 = vector.shape_cast %broadcast_in_dim3A_69 : vector<16xf32> to vector<1x16xf32>
      tpu.vector_store %arg13[%swap3A_79, %swap3A_80], %swap3A_83 {strides = array<i32>} : memref<125x64xf32, #tpu.memory_space<vmem>>, vector<1x16xf32>,
      %swap3A_84 = arith.index_cast %scan3A_67 : i32 to index
      %swap3A_85 = arith.constant 48 : index
      %swap3A_86 = tpu.vector_load %arg13[%swap3A_84, %swap3A_85] {strides = array<i32>} : memref<125x64xf32, #tpu.memory_space<vmem>>, vector<1x16xf32>,
      %swap3A_87 = vector.shape_cast %swap3A_86 : vector<1x16xf32> to vector<16xf32>
      %swap3A_88 = vector.shape_cast %broadcast_in_dim3A_69 : vector<16xf32> to vector<1x16xf32>
      tpu.vector_store %arg13[%swap3A_84, %swap3A_85], %swap3A_88 {strides = array<i32>} : memref<125x64xf32, #tpu.memory_space<vmem>>, vector<1x16xf32>,
      %scan3A_89 = arith.constant 0 : i32
      scf.yield %scan3A_89 : i32
    }
    %scan3A_8 = arith.constant 125 : i32
    %add3A = arith.constant 0 : i32
    %add3A_9 = arith.addi %mul3A_2, %add3A : i32
    "tpu.region"() ({
      %run_scoped3A = tpu.sem_alloc : memref<!tpu.dma_semaphore, #tpu.memory_space<semaphore_mem>>
      %dma_start3A_67 = arith.constant 0 : i32
      %dma_start3A_68 = tpu.memref_slice %arg14[%add3A_9, %dma_start3A_67] : memref<10000x64xf32, #tpu.memory_space<vmem_shared>> -> memref<125x64xf32, #tpu.memory_space<vmem_shared>>
      %dma_start3A_69 = arith.constant 0 : i32
      %dma_start3A_70 = tpu.memref_slice %arg14[%add3A_9, %dma_start3A_69] : memref<10000x64xf32, #tpu.memory_space<vmem_shared>> -> memref<125x64xf32, #tpu.memory_space<vmem_shared>>
      tpu.enqueue_dma source(%arg13 : memref<125x64xf32, #tpu.memory_space<vmem>>) target(%dma_start3A_70 : memref<125x64xf32, #tpu.memory_space<vmem_shared>>) target_semaphore(%run_scoped3A : memref<!tpu.dma_semaphore, #tpu.memory_space<semaphore_mem>>)
      %dma_wait3A_71 = arith.constant 0 : i32
      %dma_wait3A_72 = tpu.memref_slice %arg14[%add3A_9, %dma_wait3A_71] : memref<10000x64xf32, #tpu.memory_space<vmem_shared>> -> memref<125x64xf32, #tpu.memory_space<vmem_shared>>
      %dma_wait3A_73 = arith.constant 0 : i32
      %dma_wait3A_74 = tpu.memref_slice %arg14[%add3A_9, %dma_wait3A_73] : memref<10000x64xf32, #tpu.memory_space<vmem_shared>> -> memref<125x64xf32, #tpu.memory_space<vmem_shared>>
      tpu.wait_dma2 semaphore(%run_scoped3A : memref<!tpu.dma_semaphore, #tpu.memory_space<semaphore_mem>>) src(%arg13 : memref<125x64xf32, #tpu.memory_space<vmem>>) dst(%dma_wait3A_74 : memref<125x64xf32, #tpu.memory_space<vmem_shared>>)
      tpu.yield
    }) : () -> ()
    %add3A_10 = arith.constant 125 : i32
    %add3A_11 = arith.addi %mul3A_2, %add3A_10 : i32
    "tpu.region"() ({
      %run_scoped3A = tpu.sem_alloc : memref<!tpu.dma_semaphore, #tpu.memory_space<semaphore_mem>>
      %dma_start3A_67 = arith.constant 0 : i32
      %dma_start3A_68 = tpu.memref_slice %arg14[%add3A_11, %dma_start3A_67] : memref<10000x64xf32, #tpu.memory_space<vmem_shared>> -> memref<125x64xf32, #tpu.memory_space<vmem_shared>>
      %dma_start3A_69 = arith.constant 0 : i32
      %dma_start3A_70 = tpu.memref_slice %arg14[%add3A_11, %dma_start3A_69] : memref<10000x64xf32, #tpu.memory_space<vmem_shared>> -> memref<125x64xf32, #tpu.memory_space<vmem_shared>>
      tpu.enqueue_dma source(%arg13 : memref<125x64xf32, #tpu.memory_space<vmem>>) target(%dma_start3A_70 : memref<125x64xf32, #tpu.memory_space<vmem_shared>>) target_semaphore(%run_scoped3A : memref<!tpu.dma_semaphore, #tpu.memory_space<semaphore_mem>>)
      %dma_wait3A_71 = arith.constant 0 : i32
      %dma_wait3A_72 = tpu.memref_slice %arg14[%add3A_11, %dma_wait3A_71] : memref<10000x64xf32, #tpu.memory_space<vmem_shared>> -> memref<125x64xf32, #tpu.memory_space<vmem_shared>>
      %dma_wait3A_73 = arith.constant 0 : i32
      %dma_wait3A_74 = tpu.memref_slice %arg14[%add3A_11, %dma_wait3A_73] : memref<10000x64xf32, #tpu.memory_space<vmem_shared>> -> memref<125x64xf32, #tpu.memory_space<vmem_shared>>
      tpu.wait_dma2 semaphore(%run_scoped3A : memref<!tpu.dma_semaphore, #tpu.memory_space<semaphore_mem>>) src(%arg13 : memref<125x64xf32, #tpu.memory_space<vmem>>) dst(%dma_wait3A_74 : memref<125x64xf32, #tpu.memory_space<vmem_shared>>)
      tpu.yield
    }) : () -> ()
    %add3A_12 = arith.constant 250 : i32
    %add3A_13 = arith.addi %mul3A_2, %add3A_12 : i32
    "tpu.region"() ({
      %run_scoped3A = tpu.sem_alloc : memref<!tpu.dma_semaphore, #tpu.memory_space<semaphore_mem>>
      %dma_start3A_67 = arith.constant 0 : i32
      %dma_start3A_68 = tpu.memref_slice %arg14[%add3A_13, %dma_start3A_67] : memref<10000x64xf32, #tpu.memory_space<vmem_shared>> -> memref<125x64xf32, #tpu.memory_space<vmem_shared>>
      %dma_start3A_69 = arith.constant 0 : i32
      %dma_start3A_70 = tpu.memref_slice %arg14[%add3A_13, %dma_start3A_69] : memref<10000x64xf32, #tpu.memory_space<vmem_shared>> -> memref<125x64xf32, #tpu.memory_space<vmem_shared>>
      tpu.enqueue_dma source(%arg13 : memref<125x64xf32, #tpu.memory_space<vmem>>) target(%dma_start3A_70 : memref<125x64xf32, #tpu.memory_space<vmem_shared>>) target_semaphore(%run_scoped3A : memref<!tpu.dma_semaphore, #tpu.memory_space<semaphore_mem>>)
      %dma_wait3A_71 = arith.constant 0 : i32
      %dma_wait3A_72 = tpu.memref_slice %arg14[%add3A_13, %dma_wait3A_71] : memref<10000x64xf32, #tpu.memory_space<vmem_shared>> -> memref<125x64xf32, #tpu.memory_space<vmem_shared>>
      %dma_wait3A_73 = arith.constant 0 : i32
      %dma_wait3A_74 = tpu.memref_slice %arg14[%add3A_13, %dma_wait3A_73] : memref<10000x64xf32, #tpu.memory_space<vmem_shared>> -> memref<125x64xf32, #tpu.memory_space<vmem_shared>>
      tpu.wait_dma2 semaphore(%run_scoped3A : memref<!tpu.dma_semaphore, #tpu.memory_space<semaphore_mem>>) src(%arg13 : memref<125x64xf32, #tpu.memory_space<vmem>>) dst(%dma_wait3A_74 : memref<125x64xf32, #tpu.memory_space<vmem_shared>>)
      tpu.yield
    }) : () -> ()
    %add3A_14 = arith.constant 375 : i32
    %add3A_15 = arith.addi %mul3A_2, %add3A_14 : i32
    "tpu.region"() ({
      %run_scoped3A = tpu.sem_alloc : memref<!tpu.dma_semaphore, #tpu.memory_space<semaphore_mem>>
      %dma_start3A_67 = arith.constant 0 : i32
      %dma_start3A_68 = tpu.memref_slice %arg14[%add3A_15, %dma_start3A_67] : memref<10000x64xf32, #tpu.memory_space<vmem_shared>> -> memref<125x64xf32, #tpu.memory_space<vmem_shared>>
      %dma_start3A_69 = arith.constant 0 : i32
      %dma_start3A_70 = tpu.memref_slice %arg14[%add3A_15, %dma_start3A_69] : memref<10000x64xf32, #tpu.memory_space<vmem_shared>> -> memref<125x64xf32, #tpu.memory_space<vmem_shared>>
      tpu.enqueue_dma source(%arg13 : memref<125x64xf32, #tpu.memory_space<vmem>>) target(%dma_start3A_70 : memref<125x64xf32, #tpu.memory_space<vmem_shared>>) target_semaphore(%run_scoped3A : memref<!tpu.dma_semaphore, #tpu.memory_space<semaphore_mem>>)
      %dma_wait3A_71 = arith.constant 0 : i32
      %dma_wait3A_72 = tpu.memref_slice %arg14[%add3A_15, %dma_wait3A_71] : memref<10000x64xf32, #tpu.memory_space<vmem_shared>> -> memref<125x64xf32, #tpu.memory_space<vmem_shared>>
      %dma_wait3A_73 = arith.constant 0 : i32
      %dma_wait3A_74 = tpu.memref_slice %arg14[%add3A_15, %dma_wait3A_73] : memref<10000x64xf32, #tpu.memory_space<vmem_shared>> -> memref<125x64xf32, #tpu.memory_space<vmem_shared>>
      tpu.wait_dma2 semaphore(%run_scoped3A : memref<!tpu.dma_semaphore, #tpu.memory_space<semaphore_mem>>) src(%arg13 : memref<125x64xf32, #tpu.memory_space<vmem>>) dst(%dma_wait3A_74 : memref<125x64xf32, #tpu.memory_space<vmem_shared>>)
      tpu.yield
    }) : () -> ()
    %add3A_16 = arith.constant 500 : i32
    %add3A_17 = arith.addi %mul3A_2, %add3A_16 : i32
    "tpu.region"() ({
      %run_scoped3A = tpu.sem_alloc : memref<!tpu.dma_semaphore, #tpu.memory_space<semaphore_mem>>
      %dma_start3A_67 = arith.constant 0 : i32
      %dma_start3A_68 = tpu.memref_slice %arg14[%add3A_17, %dma_start3A_67] : memref<10000x64xf32, #tpu.memory_space<vmem_shared>> -> memref<125x64xf32, #tpu.memory_space<vmem_shared>>
      %dma_start3A_69 = arith.constant 0 : i32
      %dma_start3A_70 = tpu.memref_slice %arg14[%add3A_17, %dma_start3A_69] : memref<10000x64xf32, #tpu.memory_space<vmem_shared>> -> memref<125x64xf32, #tpu.memory_space<vmem_shared>>
      tpu.enqueue_dma source(%arg13 : memref<125x64xf32, #tpu.memory_space<vmem>>) target(%dma_start3A_70 : memref<125x64xf32, #tpu.memory_space<vmem_shared>>) target_semaphore(%run_scoped3A : memref<!tpu.dma_semaphore, #tpu.memory_space<semaphore_mem>>)
      %dma_wait3A_71 = arith.constant 0 : i32
      %dma_wait3A_72 = tpu.memref_slice %arg14[%add3A_17, %dma_wait3A_71] : memref<10000x64xf32, #tpu.memory_space<vmem_shared>> -> memref<125x64xf32, #tpu.memory_space<vmem_shared>>
      %dma_wait3A_73 = arith.constant 0 : i32
      %dma_wait3A_74 = tpu.memref_slice %arg14[%add3A_17, %dma_wait3A_73] : memref<10000x64xf32, #tpu.memory_space<vmem_shared>> -> memref<125x64xf32, #tpu.memory_space<vmem_shared>>
      tpu.wait_dma2 semaphore(%run_scoped3A : memref<!tpu.dma_semaphore, #tpu.memory_space<semaphore_mem>>) src(%arg13 : memref<125x64xf32, #tpu.memory_space<vmem>>) dst(%dma_wait3A_74 : memref<125x64xf32, #tpu.memory_space<vmem_shared>>)
      tpu.yield
    }) : () -> ()
    %barrier3A = arith.constant 0 : index
    tpu.barrier barrier_id(%barrier3A)
    %dma_start3A = arith.constant 0 : i32
    %dma_start3A_18 = arith.constant 0 : i32
    %dma_start3A_19 = tpu.memref_slice %arg6[%dma_start3A, %dma_start3A_18] : memref<160x125xi32, #tpu.memory_space<vmem>> -> memref<1x125xi32, #tpu.memory_space<vmem>>
    %dma_start3A_20 = tpu.memref_squeeze %dma_start3A_19 : memref<1x125xi32, #tpu.memory_space<vmem>> -> memref<125xi32, #tpu.memory_space<vmem>>
    %dma_start3A_21 = arith.constant 0 : i32
    %dma_start3A_22 = arith.constant 0 : i32
    %dma_start3A_23 = tpu.memref_slice %arg2[%arg0, %dma_start3A_21, %dma_start3A_22] : memref<2x10000x64xf32, #tpu.memory_space<hbm>> -> memref<1x10000x64xf32, #tpu.memory_space<hbm>>
    %dma_start3A_24 = tpu.memref_squeeze %dma_start3A_23 : memref<1x10000x64xf32, #tpu.memory_space<hbm>> -> memref<10000x64xf32, #tpu.memory_space<hbm>>
    %dma_start3A_25 = arith.constant 0 : i32
    %dma_start3A_26 = arith.constant 0 : i32
    %dma_start3A_27 = tpu.memref_slice %dma_start3A_24[%dma_start3A_25, %dma_start3A_26] : memref<10000x64xf32, #tpu.memory_space<hbm>> -> memref<10000x64xf32, #tpu.memory_space<hbm>>
    tpu.enqueue_indirect_dma source(%dma_start3A_27 : memref<10000x64xf32, #tpu.memory_space<hbm>>) target(%arg8 : memref<125x64xf32, #tpu.memory_space<vmem>>) offsets(%dma_start3A_20 : memref<125xi32, #tpu.memory_space<vmem>>) semaphore(%arg15 : memref<!tpu.dma_semaphore, #tpu.memory_space<semaphore_mem>>)
    %dma_start3A_28 = arith.constant 1 : i32
    %dma_start3A_29 = arith.constant 0 : i32
    %dma_start3A_30 = tpu.memref_slice %arg6[%dma_start3A_28, %dma_start3A_29] : memref<160x125xi32, #tpu.memory_space<vmem>> -> memref<1x125xi32, #tpu.memory_space<vmem>>
    %dma_start3A_31 = tpu.memref_squeeze %dma_start3A_30 : memref<1x125xi32, #tpu.memory_space<vmem>> -> memref<125xi32, #tpu.memory_space<vmem>>
    %dma_start3A_32 = arith.constant 0 : i32
    %dma_start3A_33 = arith.constant 0 : i32
    %dma_start3A_34 = tpu.memref_slice %arg2[%arg0, %dma_start3A_32, %dma_start3A_33] : memref<2x10000x64xf32, #tpu.memory_space<hbm>> -> memref<1x10000x64xf32, #tpu.memory_space<hbm>>
    %dma_start3A_35 = tpu.memref_squeeze %dma_start3A_34 : memref<1x10000x64xf32, #tpu.memory_space<hbm>> -> memref<10000x64xf32, #tpu.memory_space<hbm>>
    %dma_start3A_36 = arith.constant 0 : i32
    %dma_start3A_37 = arith.constant 0 : i32
    %dma_start3A_38 = tpu.memref_slice %dma_start3A_35[%dma_start3A_36, %dma_start3A_37] : memref<10000x64xf32, #tpu.memory_space<hbm>> -> memref<10000x64xf32, #tpu.memory_space<hbm>>
    tpu.enqueue_indirect_dma source(%dma_start3A_38 : memref<10000x64xf32, #tpu.memory_space<hbm>>) target(%arg9 : memref<125x64xf32, #tpu.memory_space<vmem>>) offsets(%dma_start3A_31 : memref<125xi32, #tpu.memory_space<vmem>>) semaphore(%arg16 : memref<!tpu.dma_semaphore, #tpu.memory_space<semaphore_mem>>)
    %scan3A_39 = arith.constant 0 : i32
    %scan3A_40 = arith.constant 0 : i32
    %scan3A_41 = arith.constant 32 : i32
    %scan3A_42 = arith.addi %scan3A_40, %scan3A_41 : i32
    %scan3A_43 = arith.constant 1 : i32
    %scan3A_44 = scf.for %scan3A_67 = %scan3A_40 to %scan3A_42 step %scan3A_43 iter_args(%scan3A_68 = %scan3A_39) -> (i32)  : i32 {
      %mul3A_69 = arith.constant 5 : i32
      %mul3A_70 = arith.muli %scan3A_67, %mul3A_69 : i32
      %add3A_71 = arith.constant 0 : i32
      %add3A_72 = arith.addi %mul3A_70, %add3A_71 : i32
      %dma_wait3A_73 = arith.constant 0 : i32
      %dma_wait3A_74 = arith.constant 0 : i32
      %dma_wait3A_75 = tpu.memref_slice %arg6[%dma_wait3A_73, %dma_wait3A_74] : memref<160x125xi32, #tpu.memory_space<vmem>> -> memref<1x125xi32, #tpu.memory_space<vmem>>
      %dma_wait3A_76 = tpu.memref_squeeze %dma_wait3A_75 : memref<1x125xi32, #tpu.memory_space<vmem>> -> memref<125xi32, #tpu.memory_space<vmem>>
      %dma_wait3A_77 = arith.constant 0 : i32
      %dma_wait3A_78 = arith.constant 0 : i32
      %dma_wait3A_79 = tpu.memref_slice %arg2[%arg0, %dma_wait3A_77, %dma_wait3A_78] : memref<2x10000x64xf32, #tpu.memory_space<hbm>> -> memref<1x10000x64xf32, #tpu.memory_space<hbm>>
      %dma_wait3A_80 = tpu.memref_squeeze %dma_wait3A_79 : memref<1x10000x64xf32, #tpu.memory_space<hbm>> -> memref<10000x64xf32, #tpu.memory_space<hbm>>
      %dma_wait3A_81 = arith.constant 0 : i32
      %dma_wait3A_82 = arith.constant 0 : i32
      %dma_wait3A_83 = tpu.memref_slice %dma_wait3A_80[%dma_wait3A_81, %dma_wait3A_82] : memref<10000x64xf32, #tpu.memory_space<hbm>> -> memref<10000x64xf32, #tpu.memory_space<hbm>>
      tpu.wait_indirect_dma semaphore(%arg15 : memref<!tpu.dma_semaphore, #tpu.memory_space<semaphore_mem>>) src(%dma_wait3A_83 : memref<10000x64xf32, #tpu.memory_space<hbm>>) dst(%arg8 : memref<125x64xf32, #tpu.memory_space<vmem>>)
      %dma_start3A_84 = arith.constant 0 : i32
      %dma_start3A_85 = tpu.memref_slice %arg7[%add3A_72, %dma_start3A_84] : memref<160x125xi32, #tpu.memory_space<vmem>> -> memref<1x125xi32, #tpu.memory_space<vmem>>
      %dma_start3A_86 = tpu.memref_squeeze %dma_start3A_85 : memref<1x125xi32, #tpu.memory_space<vmem>> -> memref<125xi32, #tpu.memory_space<vmem>>
      %dma_start3A_87 = arith.constant 0 : i32
      %dma_start3A_88 = arith.constant 0 : i32
      %dma_start3A_89 = tpu.memref_slice %arg14[%dma_start3A_87, %dma_start3A_88] : memref<10000x64xf32, #tpu.memory_space<vmem_shared>> -> memref<10000x64xf32, #tpu.memory_space<vmem_shared>>
      tpu.enqueue_indirect_dma source(%arg8 : memref<125x64xf32, #tpu.memory_space<vmem>>) target(%dma_start3A_89 : memref<10000x64xf32, #tpu.memory_space<vmem_shared>>) offsets(%dma_start3A_86 : memref<125xi32, #tpu.memory_space<vmem>>) semaphore(%arg20 : memref<!tpu.dma_semaphore, #tpu.memory_space<semaphore_mem>>) {add = true}
      %ge3A = arith.constant 3 : i32
      %ge3A_90 = arith.cmpi sge, %add3A_72, %ge3A : i32
      %convert_element_type3A = arith.extui %ge3A_90 : i1 to i32
      %cond3A = arith.constant 0 : i32
      %cond3A_91 = arith.cmpi ne, %convert_element_type3A, %cond3A : i32
      scf.if %cond3A_91 {
        %dma_wait3A_231 = arith.constant 0 : i32
        %dma_wait3A_232 = arith.constant 0 : i32
        %dma_wait3A_233 = tpu.memref_slice %arg7[%dma_wait3A_231, %dma_wait3A_232] : memref<160x125xi32, #tpu.memory_space<vmem>> -> memref<1x125xi32, #tpu.memory_space<vmem>>
        %dma_wait3A_234 = tpu.memref_squeeze %dma_wait3A_233 : memref<1x125xi32, #tpu.memory_space<vmem>> -> memref<125xi32, #tpu.memory_space<vmem>>
        %dma_wait3A_235 = arith.constant 0 : i32
        %dma_wait3A_236 = arith.constant 0 : i32
        %dma_wait3A_237 = tpu.memref_slice %arg14[%dma_wait3A_235, %dma_wait3A_236] : memref<10000x64xf32, #tpu.memory_space<vmem_shared>> -> memref<10000x64xf32, #tpu.memory_space<vmem_shared>>
        tpu.wait_indirect_dma semaphore(%arg22 : memref<!tpu.dma_semaphore, #tpu.memory_space<semaphore_mem>>) src(%arg10 : memref<125x64xf32, #tpu.memory_space<vmem>>) dst(%dma_wait3A_237 : memref<10000x64xf32, #tpu.memory_space<vmem_shared>>)
      } else {
      }
      %add3A_92 = arith.constant 2 : i32
      %add3A_93 = arith.addi %add3A_72, %add3A_92 : i32
      %lt3A = arith.constant 160 : i32
      %lt3A_94 = arith.cmpi slt, %add3A_93, %lt3A : i32
      %convert_element_type3A_95 = arith.extui %lt3A_94 : i1 to i32
      %cond3A_96 = arith.constant 0 : i32
      %cond3A_97 = arith.cmpi ne, %convert_element_type3A_95, %cond3A_96 : i32
      scf.if %cond3A_97 {
        %add3A_231 = arith.constant 2 : i32
        %add3A_232 = arith.addi %add3A_72, %add3A_231 : i32
        %dma_start3A_233 = arith.constant 0 : i32
        %dma_start3A_234 = tpu.memref_slice %arg6[%add3A_232, %dma_start3A_233] : memref<160x125xi32, #tpu.memory_space<vmem>> -> memref<1x125xi32, #tpu.memory_space<vmem>>
        %dma_start3A_235 = tpu.memref_squeeze %dma_start3A_234 : memref<1x125xi32, #tpu.memory_space<vmem>> -> memref<125xi32, #tpu.memory_space<vmem>>
        %dma_start3A_236 = arith.constant 0 : i32
        %dma_start3A_237 = arith.constant 0 : i32
        %dma_start3A_238 = tpu.memref_slice %arg2[%arg0, %dma_start3A_236, %dma_start3A_237] : memref<2x10000x64xf32, #tpu.memory_space<hbm>> -> memref<1x10000x64xf32, #tpu.memory_space<hbm>>
        %dma_start3A_239 = tpu.memref_squeeze %dma_start3A_238 : memref<1x10000x64xf32, #tpu.memory_space<hbm>> -> memref<10000x64xf32, #tpu.memory_space<hbm>>
        %dma_start3A_240 = arith.constant 0 : i32
        %dma_start3A_241 = arith.constant 0 : i32
        %dma_start3A_242 = tpu.memref_slice %dma_start3A_239[%dma_start3A_240, %dma_start3A_241] : memref<10000x64xf32, #tpu.memory_space<hbm>> -> memref<10000x64xf32, #tpu.memory_space<hbm>>
        tpu.enqueue_indirect_dma source(%dma_start3A_242 : memref<10000x64xf32, #tpu.memory_space<hbm>>) target(%arg10 : memref<125x64xf32, #tpu.memory_space<vmem>>) offsets(%dma_start3A_235 : memref<125xi32, #tpu.memory_space<vmem>>) semaphore(%arg17 : memref<!tpu.dma_semaphore, #tpu.memory_space<semaphore_mem>>)
      } else {
      }
      %mul3A_98 = arith.constant 5 : i32
      %mul3A_99 = arith.muli %scan3A_67, %mul3A_98 : i32
      %add3A_100 = arith.constant 1 : i32
      %add3A_101 = arith.addi %mul3A_99, %add3A_100 : i32
      %dma_wait3A_102 = arith.constant 0 : i32
      %dma_wait3A_103 = arith.constant 0 : i32
      %dma_wait3A_104 = tpu.memref_slice %arg6[%dma_wait3A_102, %dma_wait3A_103] : memref<160x125xi32, #tpu.memory_space<vmem>> -> memref<1x125xi32, #tpu.memory_space<vmem>>
      %dma_wait3A_105 = tpu.memref_squeeze %dma_wait3A_104 : memref<1x125xi32, #tpu.memory_space<vmem>> -> memref<125xi32, #tpu.memory_space<vmem>>
      %dma_wait3A_106 = arith.constant 0 : i32
      %dma_wait3A_107 = arith.constant 0 : i32
      %dma_wait3A_108 = tpu.memref_slice %arg2[%arg0, %dma_wait3A_106, %dma_wait3A_107] : memref<2x10000x64xf32, #tpu.memory_space<hbm>> -> memref<1x10000x64xf32, #tpu.memory_space<hbm>>
      %dma_wait3A_109 = tpu.memref_squeeze %dma_wait3A_108 : memref<1x10000x64xf32, #tpu.memory_space<hbm>> -> memref<10000x64xf32, #tpu.memory_space<hbm>>
      %dma_wait3A_110 = arith.constant 0 : i32
      %dma_wait3A_111 = arith.constant 0 : i32
      %dma_wait3A_112 = tpu.memref_slice %dma_wait3A_109[%dma_wait3A_110, %dma_wait3A_111] : memref<10000x64xf32, #tpu.memory_space<hbm>> -> memref<10000x64xf32, #tpu.memory_space<hbm>>
      tpu.wait_indirect_dma semaphore(%arg16 : memref<!tpu.dma_semaphore, #tpu.memory_space<semaphore_mem>>) src(%dma_wait3A_112 : memref<10000x64xf32, #tpu.memory_space<hbm>>) dst(%arg9 : memref<125x64xf32, #tpu.memory_space<vmem>>)
      %dma_start3A_113 = arith.constant 0 : i32
      %dma_start3A_114 = tpu.memref_slice %arg7[%add3A_101, %dma_start3A_113] : memref<160x125xi32, #tpu.memory_space<vmem>> -> memref<1x125xi32, #tpu.memory_space<vmem>>
      %dma_start3A_115 = tpu.memref_squeeze %dma_start3A_114 : memref<1x125xi32, #tpu.memory_space<vmem>> -> memref<125xi32, #tpu.memory_space<vmem>>
      %dma_start3A_116 = arith.constant 0 : i32
      %dma_start3A_117 = arith.constant 0 : i32
      %dma_start3A_118 = tpu.memref_slice %arg14[%dma_start3A_116, %dma_start3A_117] : memref<10000x64xf32, #tpu.memory_space<vmem_shared>> -> memref<10000x64xf32, #tpu.memory_space<vmem_shared>>
      tpu.enqueue_indirect_dma source(%arg9 : memref<125x64xf32, #tpu.memory_space<vmem>>) target(%dma_start3A_118 : memref<10000x64xf32, #tpu.memory_space<vmem_shared>>) offsets(%dma_start3A_115 : memref<125xi32, #tpu.memory_space<vmem>>) semaphore(%arg21 : memref<!tpu.dma_semaphore, #tpu.memory_space<semaphore_mem>>) {add = true}
      %ge3A_119 = arith.constant 3 : i32
      %ge3A_120 = arith.cmpi sge, %add3A_101, %ge3A_119 : i32
      %convert_element_type3A_121 = arith.extui %ge3A_120 : i1 to i32
      %cond3A_122 = arith.constant 0 : i32
      %cond3A_123 = arith.cmpi ne, %convert_element_type3A_121, %cond3A_122 : i32
      scf.if %cond3A_123 {
        %dma_wait3A_231 = arith.constant 0 : i32
        %dma_wait3A_232 = arith.constant 0 : i32
        %dma_wait3A_233 = tpu.memref_slice %arg7[%dma_wait3A_231, %dma_wait3A_232] : memref<160x125xi32, #tpu.memory_space<vmem>> -> memref<1x125xi32, #tpu.memory_space<vmem>>
        %dma_wait3A_234 = tpu.memref_squeeze %dma_wait3A_233 : memref<1x125xi32, #tpu.memory_space<vmem>> -> memref<125xi32, #tpu.memory_space<vmem>>
        %dma_wait3A_235 = arith.constant 0 : i32
        %dma_wait3A_236 = arith.constant 0 : i32
        %dma_wait3A_237 = tpu.memref_slice %arg14[%dma_wait3A_235, %dma_wait3A_236] : memref<10000x64xf32, #tpu.memory_space<vmem_shared>> -> memref<10000x64xf32, #tpu.memory_space<vmem_shared>>
        tpu.wait_indirect_dma semaphore(%arg23 : memref<!tpu.dma_semaphore, #tpu.memory_space<semaphore_mem>>) src(%arg11 : memref<125x64xf32, #tpu.memory_space<vmem>>) dst(%dma_wait3A_237 : memref<10000x64xf32, #tpu.memory_space<vmem_shared>>)
      } else {
      }
      %add3A_124 = arith.constant 2 : i32
      %add3A_125 = arith.addi %add3A_101, %add3A_124 : i32
      %lt3A_126 = arith.constant 160 : i32
      %lt3A_127 = arith.cmpi slt, %add3A_125, %lt3A_126 : i32
      %convert_element_type3A_128 = arith.extui %lt3A_127 : i1 to i32
      %cond3A_129 = arith.constant 0 : i32
      %cond3A_130 = arith.cmpi ne, %convert_element_type3A_128, %cond3A_129 : i32
      scf.if %cond3A_130 {
        %add3A_231 = arith.constant 2 : i32
        %add3A_232 = arith.addi %add3A_101, %add3A_231 : i32
        %dma_start3A_233 = arith.constant 0 : i32
        %dma_start3A_234 = tpu.memref_slice %arg6[%add3A_232, %dma_start3A_233] : memref<160x125xi32, #tpu.memory_space<vmem>> -> memref<1x125xi32, #tpu.memory_space<vmem>>
        %dma_start3A_235 = tpu.memref_squeeze %dma_start3A_234 : memref<1x125xi32, #tpu.memory_space<vmem>> -> memref<125xi32, #tpu.memory_space<vmem>>
        %dma_start3A_236 = arith.constant 0 : i32
        %dma_start3A_237 = arith.constant 0 : i32
        %dma_start3A_238 = tpu.memref_slice %arg2[%arg0, %dma_start3A_236, %dma_start3A_237] : memref<2x10000x64xf32, #tpu.memory_space<hbm>> -> memref<1x10000x64xf32, #tpu.memory_space<hbm>>
        %dma_start3A_239 = tpu.memref_squeeze %dma_start3A_238 : memref<1x10000x64xf32, #tpu.memory_space<hbm>> -> memref<10000x64xf32, #tpu.memory_space<hbm>>
        %dma_start3A_240 = arith.constant 0 : i32
        %dma_start3A_241 = arith.constant 0 : i32
        %dma_start3A_242 = tpu.memref_slice %dma_start3A_239[%dma_start3A_240, %dma_start3A_241] : memref<10000x64xf32, #tpu.memory_space<hbm>> -> memref<10000x64xf32, #tpu.memory_space<hbm>>
        tpu.enqueue_indirect_dma source(%dma_start3A_242 : memref<10000x64xf32, #tpu.memory_space<hbm>>) target(%arg11 : memref<125x64xf32, #tpu.memory_space<vmem>>) offsets(%dma_start3A_235 : memref<125xi32, #tpu.memory_space<vmem>>) semaphore(%arg18 : memref<!tpu.dma_semaphore, #tpu.memory_space<semaphore_mem>>)
      } else {
      }
      %mul3A_131 = arith.constant 5 : i32
      %mul3A_132 = arith.muli %scan3A_67, %mul3A_131 : i32
      %add3A_133 = arith.constant 2 : i32
      %add3A_134 = arith.addi %mul3A_132, %add3A_133 : i32
      %dma_wait3A_135 = arith.constant 0 : i32
      %dma_wait3A_136 = arith.constant 0 : i32
      %dma_wait3A_137 = tpu.memref_slice %arg6[%dma_wait3A_135, %dma_wait3A_136] : memref<160x125xi32, #tpu.memory_space<vmem>> -> memref<1x125xi32, #tpu.memory_space<vmem>>
      %dma_wait3A_138 = tpu.memref_squeeze %dma_wait3A_137 : memref<1x125xi32, #tpu.memory_space<vmem>> -> memref<125xi32, #tpu.memory_space<vmem>>
      %dma_wait3A_139 = arith.constant 0 : i32
      %dma_wait3A_140 = arith.constant 0 : i32
      %dma_wait3A_141 = tpu.memref_slice %arg2[%arg0, %dma_wait3A_139, %dma_wait3A_140] : memref<2x10000x64xf32, #tpu.memory_space<hbm>> -> memref<1x10000x64xf32, #tpu.memory_space<hbm>>
      %dma_wait3A_142 = tpu.memref_squeeze %dma_wait3A_141 : memref<1x10000x64xf32, #tpu.memory_space<hbm>> -> memref<10000x64xf32, #tpu.memory_space<hbm>>
      %dma_wait3A_143 = arith.constant 0 : i32
      %dma_wait3A_144 = arith.constant 0 : i32
      %dma_wait3A_145 = tpu.memref_slice %dma_wait3A_142[%dma_wait3A_143, %dma_wait3A_144] : memref<10000x64xf32, #tpu.memory_space<hbm>> -> memref<10000x64xf32, #tpu.memory_space<hbm>>
      tpu.wait_indirect_dma semaphore(%arg17 : memref<!tpu.dma_semaphore, #tpu.memory_space<semaphore_mem>>) src(%dma_wait3A_145 : memref<10000x64xf32, #tpu.memory_space<hbm>>) dst(%arg10 : memref<125x64xf32, #tpu.memory_space<vmem>>)
      %dma_start3A_146 = arith.constant 0 : i32
      %dma_start3A_147 = tpu.memref_slice %arg7[%add3A_134, %dma_start3A_146] : memref<160x125xi32, #tpu.memory_space<vmem>> -> memref<1x125xi32, #tpu.memory_space<vmem>>
      %dma_start3A_148 = tpu.memref_squeeze %dma_start3A_147 : memref<1x125xi32, #tpu.memory_space<vmem>> -> memref<125xi32, #tpu.memory_space<vmem>>
      %dma_start3A_149 = arith.constant 0 : i32
      %dma_start3A_150 = arith.constant 0 : i32
      %dma_start3A_151 = tpu.memref_slice %arg14[%dma_start3A_149, %dma_start3A_150] : memref<10000x64xf32, #tpu.memory_space<vmem_shared>> -> memref<10000x64xf32, #tpu.memory_space<vmem_shared>>
      tpu.enqueue_indirect_dma source(%arg10 : memref<125x64xf32, #tpu.memory_space<vmem>>) target(%dma_start3A_151 : memref<10000x64xf32, #tpu.memory_space<vmem_shared>>) offsets(%dma_start3A_148 : memref<125xi32, #tpu.memory_space<vmem>>) semaphore(%arg22 : memref<!tpu.dma_semaphore, #tpu.memory_space<semaphore_mem>>) {add = true}
      %ge3A_152 = arith.constant 3 : i32
      %ge3A_153 = arith.cmpi sge, %add3A_134, %ge3A_152 : i32
      %convert_element_type3A_154 = arith.extui %ge3A_153 : i1 to i32
      %cond3A_155 = arith.constant 0 : i32
      %cond3A_156 = arith.cmpi ne, %convert_element_type3A_154, %cond3A_155 : i32
      scf.if %cond3A_156 {
        %dma_wait3A_231 = arith.constant 0 : i32
        %dma_wait3A_232 = arith.constant 0 : i32
        %dma_wait3A_233 = tpu.memref_slice %arg7[%dma_wait3A_231, %dma_wait3A_232] : memref<160x125xi32, #tpu.memory_space<vmem>> -> memref<1x125xi32, #tpu.memory_space<vmem>>
        %dma_wait3A_234 = tpu.memref_squeeze %dma_wait3A_233 : memref<1x125xi32, #tpu.memory_space<vmem>> -> memref<125xi32, #tpu.memory_space<vmem>>
        %dma_wait3A_235 = arith.constant 0 : i32
        %dma_wait3A_236 = arith.constant 0 : i32
        %dma_wait3A_237 = tpu.memref_slice %arg14[%dma_wait3A_235, %dma_wait3A_236] : memref<10000x64xf32, #tpu.memory_space<vmem_shared>> -> memref<10000x64xf32, #tpu.memory_space<vmem_shared>>
        tpu.wait_indirect_dma semaphore(%arg24 : memref<!tpu.dma_semaphore, #tpu.memory_space<semaphore_mem>>) src(%arg12 : memref<125x64xf32, #tpu.memory_space<vmem>>) dst(%dma_wait3A_237 : memref<10000x64xf32, #tpu.memory_space<vmem_shared>>)
      } else {
      }
      %add3A_157 = arith.constant 2 : i32
      %add3A_158 = arith.addi %add3A_134, %add3A_157 : i32
      %lt3A_159 = arith.constant 160 : i32
      %lt3A_160 = arith.cmpi slt, %add3A_158, %lt3A_159 : i32
      %convert_element_type3A_161 = arith.extui %lt3A_160 : i1 to i32
      %cond3A_162 = arith.constant 0 : i32
      %cond3A_163 = arith.cmpi ne, %convert_element_type3A_161, %cond3A_162 : i32
      scf.if %cond3A_163 {
        %add3A_231 = arith.constant 2 : i32
        %add3A_232 = arith.addi %add3A_134, %add3A_231 : i32
        %dma_start3A_233 = arith.constant 0 : i32
        %dma_start3A_234 = tpu.memref_slice %arg6[%add3A_232, %dma_start3A_233] : memref<160x125xi32, #tpu.memory_space<vmem>> -> memref<1x125xi32, #tpu.memory_space<vmem>>
        %dma_start3A_235 = tpu.memref_squeeze %dma_start3A_234 : memref<1x125xi32, #tpu.memory_space<vmem>> -> memref<125xi32, #tpu.memory_space<vmem>>
        %dma_start3A_236 = arith.constant 0 : i32
        %dma_start3A_237 = arith.constant 0 : i32
        %dma_start3A_238 = tpu.memref_slice %arg2[%arg0, %dma_start3A_236, %dma_start3A_237] : memref<2x10000x64xf32, #tpu.memory_space<hbm>> -> memref<1x10000x64xf32, #tpu.memory_space<hbm>>
        %dma_start3A_239 = tpu.memref_squeeze %dma_start3A_238 : memref<1x10000x64xf32, #tpu.memory_space<hbm>> -> memref<10000x64xf32, #tpu.memory_space<hbm>>
        %dma_start3A_240 = arith.constant 0 : i32
        %dma_start3A_241 = arith.constant 0 : i32
        %dma_start3A_242 = tpu.memref_slice %dma_start3A_239[%dma_start3A_240, %dma_start3A_241] : memref<10000x64xf32, #tpu.memory_space<hbm>> -> memref<10000x64xf32, #tpu.memory_space<hbm>>
        tpu.enqueue_indirect_dma source(%dma_start3A_242 : memref<10000x64xf32, #tpu.memory_space<hbm>>) target(%arg12 : memref<125x64xf32, #tpu.memory_space<vmem>>) offsets(%dma_start3A_235 : memref<125xi32, #tpu.memory_space<vmem>>) semaphore(%arg19 : memref<!tpu.dma_semaphore, #tpu.memory_space<semaphore_mem>>)
      } else {
      }
      %mul3A_164 = arith.constant 5 : i32
      %mul3A_165 = arith.muli %scan3A_67, %mul3A_164 : i32
      %add3A_166 = arith.constant 3 : i32
      %add3A_167 = arith.addi %mul3A_165, %add3A_166 : i32
      %dma_wait3A_168 = arith.constant 0 : i32
      %dma_wait3A_169 = arith.constant 0 : i32
      %dma_wait3A_170 = tpu.memref_slice %arg6[%dma_wait3A_168, %dma_wait3A_169] : memref<160x125xi32, #tpu.memory_space<vmem>> -> memref<1x125xi32, #tpu.memory_space<vmem>>
      %dma_wait3A_171 = tpu.memref_squeeze %dma_wait3A_170 : memref<1x125xi32, #tpu.memory_space<vmem>> -> memref<125xi32, #tpu.memory_space<vmem>>
      %dma_wait3A_172 = arith.constant 0 : i32
      %dma_wait3A_173 = arith.constant 0 : i32
      %dma_wait3A_174 = tpu.memref_slice %arg2[%arg0, %dma_wait3A_172, %dma_wait3A_173] : memref<2x10000x64xf32, #tpu.memory_space<hbm>> -> memref<1x10000x64xf32, #tpu.memory_space<hbm>>
      %dma_wait3A_175 = tpu.memref_squeeze %dma_wait3A_174 : memref<1x10000x64xf32, #tpu.memory_space<hbm>> -> memref<10000x64xf32, #tpu.memory_space<hbm>>
      %dma_wait3A_176 = arith.constant 0 : i32
      %dma_wait3A_177 = arith.constant 0 : i32
      %dma_wait3A_178 = tpu.memref_slice %dma_wait3A_175[%dma_wait3A_176, %dma_wait3A_177] : memref<10000x64xf32, #tpu.memory_space<hbm>> -> memref<10000x64xf32, #tpu.memory_space<hbm>>
      tpu.wait_indirect_dma semaphore(%arg18 : memref<!tpu.dma_semaphore, #tpu.memory_space<semaphore_mem>>) src(%dma_wait3A_178 : memref<10000x64xf32, #tpu.memory_space<hbm>>) dst(%arg11 : memref<125x64xf32, #tpu.memory_space<vmem>>)
      %dma_start3A_179 = arith.constant 0 : i32
      %dma_start3A_180 = tpu.memref_slice %arg7[%add3A_167, %dma_start3A_179] : memref<160x125xi32, #tpu.memory_space<vmem>> -> memref<1x125xi32, #tpu.memory_space<vmem>>
      %dma_start3A_181 = tpu.memref_squeeze %dma_start3A_180 : memref<1x125xi32, #tpu.memory_space<vmem>> -> memref<125xi32, #tpu.memory_space<vmem>>
      %dma_start3A_182 = arith.constant 0 : i32
      %dma_start3A_183 = arith.constant 0 : i32
      %dma_start3A_184 = tpu.memref_slice %arg14[%dma_start3A_182, %dma_start3A_183] : memref<10000x64xf32, #tpu.memory_space<vmem_shared>> -> memref<10000x64xf32, #tpu.memory_space<vmem_shared>>
      tpu.enqueue_indirect_dma source(%arg11 : memref<125x64xf32, #tpu.memory_space<vmem>>) target(%dma_start3A_184 : memref<10000x64xf32, #tpu.memory_space<vmem_shared>>) offsets(%dma_start3A_181 : memref<125xi32, #tpu.memory_space<vmem>>) semaphore(%arg23 : memref<!tpu.dma_semaphore, #tpu.memory_space<semaphore_mem>>) {add = true}
      %ge3A_185 = arith.constant 3 : i32
      %ge3A_186 = arith.cmpi sge, %add3A_167, %ge3A_185 : i32
      %convert_element_type3A_187 = arith.extui %ge3A_186 : i1 to i32
      %cond3A_188 = arith.constant 0 : i32
      %cond3A_189 = arith.cmpi ne, %convert_element_type3A_187, %cond3A_188 : i32
      scf.if %cond3A_189 {
        %dma_wait3A_231 = arith.constant 0 : i32
        %dma_wait3A_232 = arith.constant 0 : i32
        %dma_wait3A_233 = tpu.memref_slice %arg7[%dma_wait3A_231, %dma_wait3A_232] : memref<160x125xi32, #tpu.memory_space<vmem>> -> memref<1x125xi32, #tpu.memory_space<vmem>>
        %dma_wait3A_234 = tpu.memref_squeeze %dma_wait3A_233 : memref<1x125xi32, #tpu.memory_space<vmem>> -> memref<125xi32, #tpu.memory_space<vmem>>
        %dma_wait3A_235 = arith.constant 0 : i32
        %dma_wait3A_236 = arith.constant 0 : i32
        %dma_wait3A_237 = tpu.memref_slice %arg14[%dma_wait3A_235, %dma_wait3A_236] : memref<10000x64xf32, #tpu.memory_space<vmem_shared>> -> memref<10000x64xf32, #tpu.memory_space<vmem_shared>>
        tpu.wait_indirect_dma semaphore(%arg20 : memref<!tpu.dma_semaphore, #tpu.memory_space<semaphore_mem>>) src(%arg8 : memref<125x64xf32, #tpu.memory_space<vmem>>) dst(%dma_wait3A_237 : memref<10000x64xf32, #tpu.memory_space<vmem_shared>>)
      } else {
      }
      %add3A_190 = arith.constant 2 : i32
      %add3A_191 = arith.addi %add3A_167, %add3A_190 : i32
      %lt3A_192 = arith.constant 160 : i32
      %lt3A_193 = arith.cmpi slt, %add3A_191, %lt3A_192 : i32
      %convert_element_type3A_194 = arith.extui %lt3A_193 : i1 to i32
      %cond3A_195 = arith.constant 0 : i32
      %cond3A_196 = arith.cmpi ne, %convert_element_type3A_194, %cond3A_195 : i32
      scf.if %cond3A_196 {
        %add3A_231 = arith.constant 2 : i32
        %add3A_232 = arith.addi %add3A_167, %add3A_231 : i32
        %dma_start3A_233 = arith.constant 0 : i32
        %dma_start3A_234 = tpu.memref_slice %arg6[%add3A_232, %dma_start3A_233] : memref<160x125xi32, #tpu.memory_space<vmem>> -> memref<1x125xi32, #tpu.memory_space<vmem>>
        %dma_start3A_235 = tpu.memref_squeeze %dma_start3A_234 : memref<1x125xi32, #tpu.memory_space<vmem>> -> memref<125xi32, #tpu.memory_space<vmem>>
        %dma_start3A_236 = arith.constant 0 : i32
        %dma_start3A_237 = arith.constant 0 : i32
        %dma_start3A_238 = tpu.memref_slice %arg2[%arg0, %dma_start3A_236, %dma_start3A_237] : memref<2x10000x64xf32, #tpu.memory_space<hbm>> -> memref<1x10000x64xf32, #tpu.memory_space<hbm>>
        %dma_start3A_239 = tpu.memref_squeeze %dma_start3A_238 : memref<1x10000x64xf32, #tpu.memory_space<hbm>> -> memref<10000x64xf32, #tpu.memory_space<hbm>>
        %dma_start3A_240 = arith.constant 0 : i32
        %dma_start3A_241 = arith.constant 0 : i32
        %dma_start3A_242 = tpu.memref_slice %dma_start3A_239[%dma_start3A_240, %dma_start3A_241] : memref<10000x64xf32, #tpu.memory_space<hbm>> -> memref<10000x64xf32, #tpu.memory_space<hbm>>
        tpu.enqueue_indirect_dma source(%dma_start3A_242 : memref<10000x64xf32, #tpu.memory_space<hbm>>) target(%arg8 : memref<125x64xf32, #tpu.memory_space<vmem>>) offsets(%dma_start3A_235 : memref<125xi32, #tpu.memory_space<vmem>>) semaphore(%arg15 : memref<!tpu.dma_semaphore, #tpu.memory_space<semaphore_mem>>)
      } else {
      }
      %mul3A_197 = arith.constant 5 : i32
      %mul3A_198 = arith.muli %scan3A_67, %mul3A_197 : i32
      %add3A_199 = arith.constant 4 : i32
      %add3A_200 = arith.addi %mul3A_198, %add3A_199 : i32
      %dma_wait3A_201 = arith.constant 0 : i32
      %dma_wait3A_202 = arith.constant 0 : i32
      %dma_wait3A_203 = tpu.memref_slice %arg6[%dma_wait3A_201, %dma_wait3A_202] : memref<160x125xi32, #tpu.memory_space<vmem>> -> memref<1x125xi32, #tpu.memory_space<vmem>>
      %dma_wait3A_204 = tpu.memref_squeeze %dma_wait3A_203 : memref<1x125xi32, #tpu.memory_space<vmem>> -> memref<125xi32, #tpu.memory_space<vmem>>
      %dma_wait3A_205 = arith.constant 0 : i32
      %dma_wait3A_206 = arith.constant 0 : i32
      %dma_wait3A_207 = tpu.memref_slice %arg2[%arg0, %dma_wait3A_205, %dma_wait3A_206] : memref<2x10000x64xf32, #tpu.memory_space<hbm>> -> memref<1x10000x64xf32, #tpu.memory_space<hbm>>
      %dma_wait3A_208 = tpu.memref_squeeze %dma_wait3A_207 : memref<1x10000x64xf32, #tpu.memory_space<hbm>> -> memref<10000x64xf32, #tpu.memory_space<hbm>>
      %dma_wait3A_209 = arith.constant 0 : i32
      %dma_wait3A_210 = arith.constant 0 : i32
      %dma_wait3A_211 = tpu.memref_slice %dma_wait3A_208[%dma_wait3A_209, %dma_wait3A_210] : memref<10000x64xf32, #tpu.memory_space<hbm>> -> memref<10000x64xf32, #tpu.memory_space<hbm>>
      tpu.wait_indirect_dma semaphore(%arg19 : memref<!tpu.dma_semaphore, #tpu.memory_space<semaphore_mem>>) src(%dma_wait3A_211 : memref<10000x64xf32, #tpu.memory_space<hbm>>) dst(%arg12 : memref<125x64xf32, #tpu.memory_space<vmem>>)
      %dma_start3A_212 = arith.constant 0 : i32
      %dma_start3A_213 = tpu.memref_slice %arg7[%add3A_200, %dma_start3A_212] : memref<160x125xi32, #tpu.memory_space<vmem>> -> memref<1x125xi32, #tpu.memory_space<vmem>>
      %dma_start3A_214 = tpu.memref_squeeze %dma_start3A_213 : memref<1x125xi32, #tpu.memory_space<vmem>> -> memref<125xi32, #tpu.memory_space<vmem>>
      %dma_start3A_215 = arith.constant 0 : i32
      %dma_start3A_216 = arith.constant 0 : i32
      %dma_start3A_217 = tpu.memref_slice %arg14[%dma_start3A_215, %dma_start3A_216] : memref<10000x64xf32, #tpu.memory_space<vmem_shared>> -> memref<10000x64xf32, #tpu.memory_space<vmem_shared>>
      tpu.enqueue_indirect_dma source(%arg12 : memref<125x64xf32, #tpu.memory_space<vmem>>) target(%dma_start3A_217 : memref<10000x64xf32, #tpu.memory_space<vmem_shared>>) offsets(%dma_start3A_214 : memref<125xi32, #tpu.memory_space<vmem>>) semaphore(%arg24 : memref<!tpu.dma_semaphore, #tpu.memory_space<semaphore_mem>>) {add = true}
      %ge3A_218 = arith.constant 3 : i32
      %ge3A_219 = arith.cmpi sge, %add3A_200, %ge3A_218 : i32
      %convert_element_type3A_220 = arith.extui %ge3A_219 : i1 to i32
      %cond3A_221 = arith.constant 0 : i32
      %cond3A_222 = arith.cmpi ne, %convert_element_type3A_220, %cond3A_221 : i32
      scf.if %cond3A_222 {
        %dma_wait3A_231 = arith.constant 0 : i32
        %dma_wait3A_232 = arith.constant 0 : i32
        %dma_wait3A_233 = tpu.memref_slice %arg7[%dma_wait3A_231, %dma_wait3A_232] : memref<160x125xi32, #tpu.memory_space<vmem>> -> memref<1x125xi32, #tpu.memory_space<vmem>>
        %dma_wait3A_234 = tpu.memref_squeeze %dma_wait3A_233 : memref<1x125xi32, #tpu.memory_space<vmem>> -> memref<125xi32, #tpu.memory_space<vmem>>
        %dma_wait3A_235 = arith.constant 0 : i32
        %dma_wait3A_236 = arith.constant 0 : i32
        %dma_wait3A_237 = tpu.memref_slice %arg14[%dma_wait3A_235, %dma_wait3A_236] : memref<10000x64xf32, #tpu.memory_space<vmem_shared>> -> memref<10000x64xf32, #tpu.memory_space<vmem_shared>>
        tpu.wait_indirect_dma semaphore(%arg21 : memref<!tpu.dma_semaphore, #tpu.memory_space<semaphore_mem>>) src(%arg9 : memref<125x64xf32, #tpu.memory_space<vmem>>) dst(%dma_wait3A_237 : memref<10000x64xf32, #tpu.memory_space<vmem_shared>>)
      } else {
      }
      %add3A_223 = arith.constant 2 : i32
      %add3A_224 = arith.addi %add3A_200, %add3A_223 : i32
      %lt3A_225 = arith.constant 160 : i32
      %lt3A_226 = arith.cmpi slt, %add3A_224, %lt3A_225 : i32
      %convert_element_type3A_227 = arith.extui %lt3A_226 : i1 to i32
      %cond3A_228 = arith.constant 0 : i32
      %cond3A_229 = arith.cmpi ne, %convert_element_type3A_227, %cond3A_228 : i32
      scf.if %cond3A_229 {
        %add3A_231 = arith.constant 2 : i32
        %add3A_232 = arith.addi %add3A_200, %add3A_231 : i32
        %dma_start3A_233 = arith.constant 0 : i32
        %dma_start3A_234 = tpu.memref_slice %arg6[%add3A_232, %dma_start3A_233] : memref<160x125xi32, #tpu.memory_space<vmem>> -> memref<1x125xi32, #tpu.memory_space<vmem>>
        %dma_start3A_235 = tpu.memref_squeeze %dma_start3A_234 : memref<1x125xi32, #tpu.memory_space<vmem>> -> memref<125xi32, #tpu.memory_space<vmem>>
        %dma_start3A_236 = arith.constant 0 : i32
        %dma_start3A_237 = arith.constant 0 : i32
        %dma_start3A_238 = tpu.memref_slice %arg2[%arg0, %dma_start3A_236, %dma_start3A_237] : memref<2x10000x64xf32, #tpu.memory_space<hbm>> -> memref<1x10000x64xf32, #tpu.memory_space<hbm>>
        %dma_start3A_239 = tpu.memref_squeeze %dma_start3A_238 : memref<1x10000x64xf32, #tpu.memory_space<hbm>> -> memref<10000x64xf32, #tpu.memory_space<hbm>>
        %dma_start3A_240 = arith.constant 0 : i32
        %dma_start3A_241 = arith.constant 0 : i32
        %dma_start3A_242 = tpu.memref_slice %dma_start3A_239[%dma_start3A_240, %dma_start3A_241] : memref<10000x64xf32, #tpu.memory_space<hbm>> -> memref<10000x64xf32, #tpu.memory_space<hbm>>
        tpu.enqueue_indirect_dma source(%dma_start3A_242 : memref<10000x64xf32, #tpu.memory_space<hbm>>) target(%arg9 : memref<125x64xf32, #tpu.memory_space<vmem>>) offsets(%dma_start3A_235 : memref<125xi32, #tpu.memory_space<vmem>>) semaphore(%arg16 : memref<!tpu.dma_semaphore, #tpu.memory_space<semaphore_mem>>)
      } else {
      }
      %scan3A_230 = arith.constant 0 : i32
      scf.yield %scan3A_230 : i32
    }
    %scan3A_45 = arith.constant 32 : i32
    %dma_wait3A = arith.constant 0 : i32
    %dma_wait3A_46 = arith.constant 0 : i32
    %dma_wait3A_47 = tpu.memref_slice %arg7[%dma_wait3A, %dma_wait3A_46] : memref<160x125xi32, #tpu.memory_space<vmem>> -> memref<1x125xi32, #tpu.memory_space<vmem>>
    %dma_wait3A_48 = tpu.memref_squeeze %dma_wait3A_47 : memref<1x125xi32, #tpu.memory_space<vmem>> -> memref<125xi32, #tpu.memory_space<vmem>>
    %dma_wait3A_49 = arith.constant 0 : i32
    %dma_wait3A_50 = arith.constant 0 : i32
    %dma_wait3A_51 = tpu.memref_slice %arg14[%dma_wait3A_49, %dma_wait3A_50] : memref<10000x64xf32, #tpu.memory_space<vmem_shared>> -> memref<10000x64xf32, #tpu.memory_space<vmem_shared>>
    tpu.wait_indirect_dma semaphore(%arg22 : memref<!tpu.dma_semaphore, #tpu.memory_space<semaphore_mem>>) src(%arg10 : memref<125x64xf32, #tpu.memory_space<vmem>>) dst(%dma_wait3A_51 : memref<10000x64xf32, #tpu.memory_space<vmem_shared>>)
    %dma_wait3A_52 = arith.constant 0 : i32
    %dma_wait3A_53 = arith.constant 0 : i32
    %dma_wait3A_54 = tpu.memref_slice %arg7[%dma_wait3A_52, %dma_wait3A_53] : memref<160x125xi32, #tpu.memory_space<vmem>> -> memref<1x125xi32, #tpu.memory_space<vmem>>
    %dma_wait3A_55 = tpu.memref_squeeze %dma_wait3A_54 : memref<1x125xi32, #tpu.memory_space<vmem>> -> memref<125xi32, #tpu.memory_space<vmem>>
    %dma_wait3A_56 = arith.constant 0 : i32
    %dma_wait3A_57 = arith.constant 0 : i32
    %dma_wait3A_58 = tpu.memref_slice %arg14[%dma_wait3A_56, %dma_wait3A_57] : memref<10000x64xf32, #tpu.memory_space<vmem_shared>> -> memref<10000x64xf32, #tpu.memory_space<vmem_shared>>
    tpu.wait_indirect_dma semaphore(%arg23 : memref<!tpu.dma_semaphore, #tpu.memory_space<semaphore_mem>>) src(%arg11 : memref<125x64xf32, #tpu.memory_space<vmem>>) dst(%dma_wait3A_58 : memref<10000x64xf32, #tpu.memory_space<vmem_shared>>)
    %dma_wait3A_59 = arith.constant 0 : i32
    %dma_wait3A_60 = arith.constant 0 : i32
    %dma_wait3A_61 = tpu.memref_slice %arg7[%dma_wait3A_59, %dma_wait3A_60] : memref<160x125xi32, #tpu.memory_space<vmem>> -> memref<1x125xi32, #tpu.memory_space<vmem>>
    %dma_wait3A_62 = tpu.memref_squeeze %dma_wait3A_61 : memref<1x125xi32, #tpu.memory_space<vmem>> -> memref<125xi32, #tpu.memory_space<vmem>>
    %dma_wait3A_63 = arith.constant 0 : i32
    %dma_wait3A_64 = arith.constant 0 : i32
    %dma_wait3A_65 = tpu.memref_slice %arg14[%dma_wait3A_63, %dma_wait3A_64] : memref<10000x64xf32, #tpu.memory_space<vmem_shared>> -> memref<10000x64xf32, #tpu.memory_space<vmem_shared>>
    tpu.wait_indirect_dma semaphore(%arg24 : memref<!tpu.dma_semaphore, #tpu.memory_space<semaphore_mem>>) src(%arg12 : memref<125x64xf32, #tpu.memory_space<vmem>>) dst(%dma_wait3A_65 : memref<10000x64xf32, #tpu.memory_space<vmem_shared>>)
    %barrier3A_66 = arith.constant 0 : index
    tpu.barrier barrier_id(%barrier3A_66)
    "tpu.region"() ({
      %run_scoped3A = tpu.sem_alloc : memref<!tpu.dma_semaphore, #tpu.memory_space<semaphore_mem>>
      %dma_start3A_67 = arith.constant 0 : i32
      %dma_start3A_68 = tpu.memref_slice %arg5[%arg0, %mul3A_2, %dma_start3A_67] : memref<2x10000x64xf32, #tpu.memory_space<hbm>> -> memref<1x625x64xf32, #tpu.memory_space<hbm>>
      %dma_start3A_69 = tpu.memref_squeeze %dma_start3A_68 : memref<1x625x64xf32, #tpu.memory_space<hbm>> -> memref<625x64xf32, #tpu.memory_space<hbm>>
      %dma_start3A_70 = arith.constant 0 : i32
      %dma_start3A_71 = tpu.memref_slice %arg14[%mul3A_2, %dma_start3A_70] : memref<10000x64xf32, #tpu.memory_space<vmem_shared>> -> memref<625x64xf32, #tpu.memory_space<vmem_shared>>
      tpu.enqueue_dma source(%dma_start3A_71 : memref<625x64xf32, #tpu.memory_space<vmem_shared>>) target(%dma_start3A_69 : memref<625x64xf32, #tpu.memory_space<hbm>>) target_semaphore(%run_scoped3A : memref<!tpu.dma_semaphore, #tpu.memory_space<semaphore_mem>>)
      %dma_wait3A_72 = arith.constant 0 : i32
      %dma_wait3A_73 = tpu.memref_slice %arg5[%arg0, %mul3A_2, %dma_wait3A_72] : memref<2x10000x64xf32, #tpu.memory_space<hbm>> -> memref<1x625x64xf32, #tpu.memory_space<hbm>>
      %dma_wait3A_74 = tpu.memref_squeeze %dma_wait3A_73 : memref<1x625x64xf32, #tpu.memory_space<hbm>> -> memref<625x64xf32, #tpu.memory_space<hbm>>
      %dma_wait3A_75 = arith.constant 0 : i32
      %dma_wait3A_76 = tpu.memref_slice %arg14[%mul3A_2, %dma_wait3A_75] : memref<10000x64xf32, #tpu.memory_space<vmem_shared>> -> memref<625x64xf32, #tpu.memory_space<vmem_shared>>
      tpu.wait_dma2 semaphore(%run_scoped3A : memref<!tpu.dma_semaphore, #tpu.memory_space<semaphore_mem>>) src(%dma_wait3A_76 : memref<625x64xf32, #tpu.memory_space<vmem_shared>>) dst(%dma_wait3A_74 : memref<625x64xf32, #tpu.memory_space<hbm>>)
      tpu.yield
    }) : () -> ()
    return
  }
}

#map = affine_map<(d0, d1) -> (0, 0, 0)>
#map1 = affine_map<(d0, d1) -> (0, 0)>
module attributes {stable_mosaic.version = 14 : i64} {
  func.func @body(%arg0: i32, %arg1: i32, %arg2: memref<2x10000x64xf32, #tpu.memory_space<hbm>>, %arg3: memref<2560x125xi32, #tpu.memory_space<hbm>>, %arg4: memref<2560x125xi32, #tpu.memory_space<hbm>>, %arg5: memref<2x10000x64xf32, #tpu.memory_space<hbm>>, %arg6: memref<160x125xi32, #tpu.memory_space<vmem>>, %arg7: memref<160x125xi32, #tpu.memory_space<vmem>>, %arg8: memref<125x64xf32, #tpu.memory_space<vmem>>, %arg9: memref<125x64xf32, #tpu.memory_space<vmem>>, %arg10: memref<125x64xf32, #tpu.memory_space<vmem>>, %arg11: memref<125x64xf32, #tpu.memory_space<vmem>>, %arg12: memref<125x64xf32, #tpu.memory_space<vmem>>, %arg13: memref<125x64xf32, #tpu.memory_space<vmem>>, %arg14: memref<10000x64xf32, #tpu.memory_space<vmem_shared>>, %arg15: memref<!tpu.dma_semaphore, #tpu.memory_space<semaphore_mem>>, %arg16: memref<!tpu.dma_semaphore, #tpu.memory_space<semaphore_mem>>, %arg17: memref<!tpu.dma_semaphore, #tpu.memory_space<semaphore_mem>>, %arg18: memref<!tpu.dma_semaphore, #tpu.memory_space<semaphore_mem>>, %arg19: memref<!tpu.dma_semaphore, #tpu.memory_space<semaphore_mem>>, %arg20: memref<!tpu.dma_semaphore, #tpu.memory_space<semaphore_mem>>, %arg21: memref<!tpu.dma_semaphore, #tpu.memory_space<semaphore_mem>>, %arg22: memref<!tpu.dma_semaphore, #tpu.memory_space<semaphore_mem>>, %arg23: memref<!tpu.dma_semaphore, #tpu.memory_space<semaphore_mem>>, %arg24: memref<!tpu.dma_semaphore, #tpu.memory_space<semaphore_mem>>) attributes {dimension_semantics = [#tpu.dimension_semantics<core_parallel>, #tpu.dimension_semantics<subcore_parallel>], iteration_bounds = array<i64: 2, 16>, scalar_prefetch = 0 : i64, scratch_operands = 19 : i64, tpu.core_type = #tpu.core_type<sc_vector_subcore>, window_params = [{transform_indices = #map}, {transform_indices = #map1}, {transform_indices = #map1}, {transform_indices = #map}]} {
    %mul3A = arith.constant 160 : i32
    %mul3A_0 = arith.muli %arg1, %mul3A : i32
    "tpu.region"() ({
      %run_scoped3A = tpu.sem_alloc : memref<!tpu.dma_semaphore, #tpu.memory_space<semaphore_mem>>
      %dma_start3A_67 = arith.constant 0 : i32
      %dma_start3A_68 = tpu.memref_slice %arg3[%mul3A_0, %dma_start3A_67] : memref<2560x125xi32, #tpu.memory_space<hbm>> -> memref<160x125xi32, #tpu.memory_space<hbm>>
      %dma_start3A_69 = arith.constant 0 : i32
      %dma_start3A_70 = tpu.memref_slice %arg3[%mul3A_0, %dma_start3A_69] : memref<2560x125xi32, #tpu.memory_space<hbm>> -> memref<160x125xi32, #tpu.memory_space<hbm>>
      tpu.enqueue_dma source(%dma_start3A_70 : memref<160x125xi32, #tpu.memory_space<hbm>>) target(%arg6 : memref<160x125xi32, #tpu.memory_space<vmem>>) target_semaphore(%run_scoped3A : memref<!tpu.dma_semaphore, #tpu.memory_space<semaphore_mem>>)
      %dma_wait3A_71 = arith.constant 0 : i32
      %dma_wait3A_72 = tpu.memref_slice %arg3[%mul3A_0, %dma_wait3A_71] : memref<2560x125xi32, #tpu.memory_space<hbm>> -> memref<160x125xi32, #tpu.memory_space<hbm>>
      %dma_wait3A_73 = arith.constant 0 : i32
      %dma_wait3A_74 = tpu.memref_slice %arg3[%mul3A_0, %dma_wait3A_73] : memref<2560x125xi32, #tpu.memory_space<hbm>> -> memref<160x125xi32, #tpu.memory_space<hbm>>
      tpu.wait_dma2 semaphore(%run_scoped3A : memref<!tpu.dma_semaphore, #tpu.memory_space<semaphore_mem>>) src(%dma_wait3A_74 : memref<160x125xi32, #tpu.memory_space<hbm>>) dst(%arg6 : memref<160x125xi32, #tpu.memory_space<vmem>>)
      tpu.yield
    }) : () -> ()
    "tpu.region"() ({
      %run_scoped3A = tpu.sem_alloc : memref<!tpu.dma_semaphore, #tpu.memory_space<semaphore_mem>>
      %dma_start3A_67 = arith.constant 0 : i32
      %dma_start3A_68 = tpu.memref_slice %arg4[%mul3A_0, %dma_start3A_67] : memref<2560x125xi32, #tpu.memory_space<hbm>> -> memref<160x125xi32, #tpu.memory_space<hbm>>
      %dma_start3A_69 = arith.constant 0 : i32
      %dma_start3A_70 = tpu.memref_slice %arg4[%mul3A_0, %dma_start3A_69] : memref<2560x125xi32, #tpu.memory_space<hbm>> -> memref<160x125xi32, #tpu.memory_space<hbm>>
      tpu.enqueue_dma source(%dma_start3A_70 : memref<160x125xi32, #tpu.memory_space<hbm>>) target(%arg7 : memref<160x125xi32, #tpu.memory_space<vmem>>) target_semaphore(%run_scoped3A : memref<!tpu.dma_semaphore, #tpu.memory_space<semaphore_mem>>)
      %dma_wait3A_71 = arith.constant 0 : i32
      %dma_wait3A_72 = tpu.memref_slice %arg4[%mul3A_0, %dma_wait3A_71] : memref<2560x125xi32, #tpu.memory_space<hbm>> -> memref<160x125xi32, #tpu.memory_space<hbm>>
      %dma_wait3A_73 = arith.constant 0 : i32
      %dma_wait3A_74 = tpu.memref_slice %arg4[%mul3A_0, %dma_wait3A_73] : memref<2560x125xi32, #tpu.memory_space<hbm>> -> memref<160x125xi32, #tpu.memory_space<hbm>>
      tpu.wait_dma2 semaphore(%run_scoped3A : memref<!tpu.dma_semaphore, #tpu.memory_space<semaphore_mem>>) src(%dma_wait3A_74 : memref<160x125xi32, #tpu.memory_space<hbm>>) dst(%arg7 : memref<160x125xi32, #tpu.memory_space<vmem>>)
      tpu.yield
    }) : () -> ()
    %mul3A_1 = arith.constant 625 : i32
    %mul3A_2 = arith.muli %arg1, %mul3A_1 : i32
    %scan3A = arith.constant 0 : i32
    %scan3A_3 = arith.constant 0 : i32
    %scan3A_4 = arith.constant 125 : i32
    %scan3A_5 = arith.addi %scan3A_3, %scan3A_4 : i32
    %scan3A_6 = arith.constant 1 : i32
    %scan3A_7 = scf.for %scan3A_67 = %scan3A_3 to %scan3A_5 step %scan3A_6 iter_args(%scan3A_68 = %scan3A) -> (i32)  : i32 {
      %broadcast_in_dim3A = arith.constant 0.000000e+00 : f32
      %broadcast_in_dim3A_69 = vector.broadcast %broadcast_in_dim3A : f32 to vector<16xf32>
      %swap3A = arith.index_cast %scan3A_67 : i32 to index
      %swap3A_70 = arith.constant 0 : index
      %swap3A_71 = tpu.vector_load %arg13[%swap3A, %swap3A_70] {strides = array<i32>} : memref<125x64xf32, #tpu.memory_space<vmem>>, vector<1x16xf32>,
      %swap3A_72 = vector.shape_cast %swap3A_71 : vector<1x16xf32> to vector<16xf32>
      %swap3A_73 = vector.shape_cast %broadcast_in_dim3A_69 : vector<16xf32> to vector<1x16xf32>
      tpu.vector_store %arg13[%swap3A, %swap3A_70], %swap3A_73 {strides = array<i32>} : memref<125x64xf32, #tpu.memory_space<vmem>>, vector<1x16xf32>,
      %swap3A_74 = arith.index_cast %scan3A_67 : i32 to index
      %swap3A_75 = arith.constant 16 : index
      %swap3A_76 = tpu.vector_load %arg13[%swap3A_74, %swap3A_75] {strides = array<i32>} : memref<125x64xf32, #tpu.memory_space<vmem>>, vector<1x16xf32>,
      %swap3A_77 = vector.shape_cast %swap3A_76 : vector<1x16xf32> to vector<16xf32>
      %swap3A_78 = vector.shape_cast %broadcast_in_dim3A_69 : vector<16xf32> to vector<1x16xf32>
      tpu.vector_store %arg13[%swap3A_74, %swap3A_75], %swap3A_78 {strides = array<i32>} : memref<125x64xf32, #tpu.memory_space<vmem>>, vector<1x16xf32>,
      %swap3A_79 = arith.index_cast %scan3A_67 : i32 to index
      %swap3A_80 = arith.constant 32 : index
      %swap3A_81 = tpu.vector_load %arg13[%swap3A_79, %swap3A_80] {strides = array<i32>} : memref<125x64xf32, #tpu.memory_space<vmem>>, vector<1x16xf32>,
      %swap3A_82 = vector.shape_cast %swap3A_81 : vector<1x16xf32> to vector<16xf32>
      %swap3A_83 = vector.shape_cast %broadcast_in_dim3A_69 : vector<16xf32> to vector<1x16xf32>
      tpu.vector_store %arg13[%swap3A_79, %swap3A_80], %swap3A_83 {strides = array<i32>} : memref<125x64xf32, #tpu.memory_space<vmem>>, vector<1x16xf32>,
      %swap3A_84 = arith.index_cast %scan3A_67 : i32 to index
      %swap3A_85 = arith.constant 48 : index
      %swap3A_86 = tpu.vector_load %arg13[%swap3A_84, %swap3A_85] {strides = array<i32>} : memref<125x64xf32, #tpu.memory_space<vmem>>, vector<1x16xf32>,
      %swap3A_87 = vector.shape_cast %swap3A_86 : vector<1x16xf32> to vector<16xf32>
      %swap3A_88 = vector.shape_cast %broadcast_in_dim3A_69 : vector<16xf32> to vector<1x16xf32>
      tpu.vector_store %arg13[%swap3A_84, %swap3A_85], %swap3A_88 {strides = array<i32>} : memref<125x64xf32, #tpu.memory_space<vmem>>, vector<1x16xf32>,
      %scan3A_89 = arith.constant 0 : i32
      scf.yield %scan3A_89 : i32
    }
    %scan3A_8 = arith.constant 125 : i32
    %add3A = arith.constant 0 : i32
    %add3A_9 = arith.addi %mul3A_2, %add3A : i32
    "tpu.region"() ({
      %run_scoped3A = tpu.sem_alloc : memref<!tpu.dma_semaphore, #tpu.memory_space<semaphore_mem>>
      %dma_start3A_67 = arith.constant 0 : i32
      %dma_start3A_68 = tpu.memref_slice %arg14[%add3A_9, %dma_start3A_67] : memref<10000x64xf32, #tpu.memory_space<vmem_shared>> -> memref<125x64xf32, #tpu.memory_space<vmem_shared>>
      %dma_start3A_69 = arith.constant 0 : i32
      %dma_start3A_70 = tpu.memref_slice %arg14[%add3A_9, %dma_start3A_69] : memref<10000x64xf32, #tpu.memory_space<vmem_shared>> -> memref<125x64xf32, #tpu.memory_space<vmem_shared>>
      tpu.enqueue_dma source(%arg13 : memref<125x64xf32, #tpu.memory_space<vmem>>) target(%dma_start3A_70 : memref<125x64xf32, #tpu.memory_space<vmem_shared>>) target_semaphore(%run_scoped3A : memref<!tpu.dma_semaphore, #tpu.memory_space<semaphore_mem>>)
      %dma_wait3A_71 = arith.constant 0 : i32
      %dma_wait3A_72 = tpu.memref_slice %arg14[%add3A_9, %dma_wait3A_71] : memref<10000x64xf32, #tpu.memory_space<vmem_shared>> -> memref<125x64xf32, #tpu.memory_space<vmem_shared>>
      %dma_wait3A_73 = arith.constant 0 : i32
      %dma_wait3A_74 = tpu.memref_slice %arg14[%add3A_9, %dma_wait3A_73] : memref<10000x64xf32, #tpu.memory_space<vmem_shared>> -> memref<125x64xf32, #tpu.memory_space<vmem_shared>>
      tpu.wait_dma2 semaphore(%run_scoped3A : memref<!tpu.dma_semaphore, #tpu.memory_space<semaphore_mem>>) src(%arg13 : memref<125x64xf32, #tpu.memory_space<vmem>>) dst(%dma_wait3A_74 : memref<125x64xf32, #tpu.memory_space<vmem_shared>>)
      tpu.yield
    }) : () -> ()
    %add3A_10 = arith.constant 125 : i32
    %add3A_11 = arith.addi %mul3A_2, %add3A_10 : i32
    "tpu.region"() ({
      %run_scoped3A = tpu.sem_alloc : memref<!tpu.dma_semaphore, #tpu.memory_space<semaphore_mem>>
      %dma_start3A_67 = arith.constant 0 : i32
      %dma_start3A_68 = tpu.memref_slice %arg14[%add3A_11, %dma_start3A_67] : memref<10000x64xf32, #tpu.memory_space<vmem_shared>> -> memref<125x64xf32, #tpu.memory_space<vmem_shared>>
      %dma_start3A_69 = arith.constant 0 : i32
      %dma_start3A_70 = tpu.memref_slice %arg14[%add3A_11, %dma_start3A_69] : memref<10000x64xf32, #tpu.memory_space<vmem_shared>> -> memref<125x64xf32, #tpu.memory_space<vmem_shared>>
      tpu.enqueue_dma source(%arg13 : memref<125x64xf32, #tpu.memory_space<vmem>>) target(%dma_start3A_70 : memref<125x64xf32, #tpu.memory_space<vmem_shared>>) target_semaphore(%run_scoped3A : memref<!tpu.dma_semaphore, #tpu.memory_space<semaphore_mem>>)
      %dma_wait3A_71 = arith.constant 0 : i32
      %dma_wait3A_72 = tpu.memref_slice %arg14[%add3A_11, %dma_wait3A_71] : memref<10000x64xf32, #tpu.memory_space<vmem_shared>> -> memref<125x64xf32, #tpu.memory_space<vmem_shared>>
      %dma_wait3A_73 = arith.constant 0 : i32
      %dma_wait3A_74 = tpu.memref_slice %arg14[%add3A_11, %dma_wait3A_73] : memref<10000x64xf32, #tpu.memory_space<vmem_shared>> -> memref<125x64xf32, #tpu.memory_space<vmem_shared>>
      tpu.wait_dma2 semaphore(%run_scoped3A : memref<!tpu.dma_semaphore, #tpu.memory_space<semaphore_mem>>) src(%arg13 : memref<125x64xf32, #tpu.memory_space<vmem>>) dst(%dma_wait3A_74 : memref<125x64xf32, #tpu.memory_space<vmem_shared>>)
      tpu.yield
    }) : () -> ()
    %add3A_12 = arith.constant 250 : i32
    %add3A_13 = arith.addi %mul3A_2, %add3A_12 : i32
    "tpu.region"() ({
      %run_scoped3A = tpu.sem_alloc : memref<!tpu.dma_semaphore, #tpu.memory_space<semaphore_mem>>
      %dma_start3A_67 = arith.constant 0 : i32
      %dma_start3A_68 = tpu.memref_slice %arg14[%add3A_13, %dma_start3A_67] : memref<10000x64xf32, #tpu.memory_space<vmem_shared>> -> memref<125x64xf32, #tpu.memory_space<vmem_shared>>
      %dma_start3A_69 = arith.constant 0 : i32
      %dma_start3A_70 = tpu.memref_slice %arg14[%add3A_13, %dma_start3A_69] : memref<10000x64xf32, #tpu.memory_space<vmem_shared>> -> memref<125x64xf32, #tpu.memory_space<vmem_shared>>
      tpu.enqueue_dma source(%arg13 : memref<125x64xf32, #tpu.memory_space<vmem>>) target(%dma_start3A_70 : memref<125x64xf32, #tpu.memory_space<vmem_shared>>) target_semaphore(%run_scoped3A : memref<!tpu.dma_semaphore, #tpu.memory_space<semaphore_mem>>)
      %dma_wait3A_71 = arith.constant 0 : i32
      %dma_wait3A_72 = tpu.memref_slice %arg14[%add3A_13, %dma_wait3A_71] : memref<10000x64xf32, #tpu.memory_space<vmem_shared>> -> memref<125x64xf32, #tpu.memory_space<vmem_shared>>
      %dma_wait3A_73 = arith.constant 0 : i32
      %dma_wait3A_74 = tpu.memref_slice %arg14[%add3A_13, %dma_wait3A_73] : memref<10000x64xf32, #tpu.memory_space<vmem_shared>> -> memref<125x64xf32, #tpu.memory_space<vmem_shared>>
      tpu.wait_dma2 semaphore(%run_scoped3A : memref<!tpu.dma_semaphore, #tpu.memory_space<semaphore_mem>>) src(%arg13 : memref<125x64xf32, #tpu.memory_space<vmem>>) dst(%dma_wait3A_74 : memref<125x64xf32, #tpu.memory_space<vmem_shared>>)
      tpu.yield
    }) : () -> ()
    %add3A_14 = arith.constant 375 : i32
    %add3A_15 = arith.addi %mul3A_2, %add3A_14 : i32
    "tpu.region"() ({
      %run_scoped3A = tpu.sem_alloc : memref<!tpu.dma_semaphore, #tpu.memory_space<semaphore_mem>>
      %dma_start3A_67 = arith.constant 0 : i32
      %dma_start3A_68 = tpu.memref_slice %arg14[%add3A_15, %dma_start3A_67] : memref<10000x64xf32, #tpu.memory_space<vmem_shared>> -> memref<125x64xf32, #tpu.memory_space<vmem_shared>>
      %dma_start3A_69 = arith.constant 0 : i32
      %dma_start3A_70 = tpu.memref_slice %arg14[%add3A_15, %dma_start3A_69] : memref<10000x64xf32, #tpu.memory_space<vmem_shared>> -> memref<125x64xf32, #tpu.memory_space<vmem_shared>>
      tpu.enqueue_dma source(%arg13 : memref<125x64xf32, #tpu.memory_space<vmem>>) target(%dma_start3A_70 : memref<125x64xf32, #tpu.memory_space<vmem_shared>>) target_semaphore(%run_scoped3A : memref<!tpu.dma_semaphore, #tpu.memory_space<semaphore_mem>>)
      %dma_wait3A_71 = arith.constant 0 : i32
      %dma_wait3A_72 = tpu.memref_slice %arg14[%add3A_15, %dma_wait3A_71] : memref<10000x64xf32, #tpu.memory_space<vmem_shared>> -> memref<125x64xf32, #tpu.memory_space<vmem_shared>>
      %dma_wait3A_73 = arith.constant 0 : i32
      %dma_wait3A_74 = tpu.memref_slice %arg14[%add3A_15, %dma_wait3A_73] : memref<10000x64xf32, #tpu.memory_space<vmem_shared>> -> memref<125x64xf32, #tpu.memory_space<vmem_shared>>
      tpu.wait_dma2 semaphore(%run_scoped3A : memref<!tpu.dma_semaphore, #tpu.memory_space<semaphore_mem>>) src(%arg13 : memref<125x64xf32, #tpu.memory_space<vmem>>) dst(%dma_wait3A_74 : memref<125x64xf32, #tpu.memory_space<vmem_shared>>)
      tpu.yield
    }) : () -> ()
    %add3A_16 = arith.constant 500 : i32
    %add3A_17 = arith.addi %mul3A_2, %add3A_16 : i32
    "tpu.region"() ({
      %run_scoped3A = tpu.sem_alloc : memref<!tpu.dma_semaphore, #tpu.memory_space<semaphore_mem>>
      %dma_start3A_67 = arith.constant 0 : i32
      %dma_start3A_68 = tpu.memref_slice %arg14[%add3A_17, %dma_start3A_67] : memref<10000x64xf32, #tpu.memory_space<vmem_shared>> -> memref<125x64xf32, #tpu.memory_space<vmem_shared>>
      %dma_start3A_69 = arith.constant 0 : i32
      %dma_start3A_70 = tpu.memref_slice %arg14[%add3A_17, %dma_start3A_69] : memref<10000x64xf32, #tpu.memory_space<vmem_shared>> -> memref<125x64xf32, #tpu.memory_space<vmem_shared>>
      tpu.enqueue_dma source(%arg13 : memref<125x64xf32, #tpu.memory_space<vmem>>) target(%dma_start3A_70 : memref<125x64xf32, #tpu.memory_space<vmem_shared>>) target_semaphore(%run_scoped3A : memref<!tpu.dma_semaphore, #tpu.memory_space<semaphore_mem>>)
      %dma_wait3A_71 = arith.constant 0 : i32
      %dma_wait3A_72 = tpu.memref_slice %arg14[%add3A_17, %dma_wait3A_71] : memref<10000x64xf32, #tpu.memory_space<vmem_shared>> -> memref<125x64xf32, #tpu.memory_space<vmem_shared>>
      %dma_wait3A_73 = arith.constant 0 : i32
      %dma_wait3A_74 = tpu.memref_slice %arg14[%add3A_17, %dma_wait3A_73] : memref<10000x64xf32, #tpu.memory_space<vmem_shared>> -> memref<125x64xf32, #tpu.memory_space<vmem_shared>>
      tpu.wait_dma2 semaphore(%run_scoped3A : memref<!tpu.dma_semaphore, #tpu.memory_space<semaphore_mem>>) src(%arg13 : memref<125x64xf32, #tpu.memory_space<vmem>>) dst(%dma_wait3A_74 : memref<125x64xf32, #tpu.memory_space<vmem_shared>>)
      tpu.yield
    }) : () -> ()
    %barrier3A = arith.constant 0 : index
    tpu.barrier barrier_id(%barrier3A)
    %dma_start3A = arith.constant 0 : i32
    %dma_start3A_18 = arith.constant 0 : i32
    %dma_start3A_19 = tpu.memref_slice %arg6[%dma_start3A, %dma_start3A_18] : memref<160x125xi32, #tpu.memory_space<vmem>> -> memref<1x125xi32, #tpu.memory_space<vmem>>
    %dma_start3A_20 = tpu.memref_squeeze %dma_start3A_19 : memref<1x125xi32, #tpu.memory_space<vmem>> -> memref<125xi32, #tpu.memory_space<vmem>>
    %dma_start3A_21 = arith.constant 0 : i32
    %dma_start3A_22 = arith.constant 0 : i32
    %dma_start3A_23 = tpu.memref_slice %arg2[%arg0, %dma_start3A_21, %dma_start3A_22] : memref<2x10000x64xf32, #tpu.memory_space<hbm>> -> memref<1x10000x64xf32, #tpu.memory_space<hbm>>
    %dma_start3A_24 = tpu.memref_squeeze %dma_start3A_23 : memref<1x10000x64xf32, #tpu.memory_space<hbm>> -> memref<10000x64xf32, #tpu.memory_space<hbm>>
    %dma_start3A_25 = arith.constant 0 : i32
    %dma_start3A_26 = arith.constant 0 : i32
    %dma_start3A_27 = tpu.memref_slice %dma_start3A_24[%dma_start3A_25, %dma_start3A_26] : memref<10000x64xf32, #tpu.memory_space<hbm>> -> memref<10000x64xf32, #tpu.memory_space<hbm>>
    tpu.enqueue_indirect_dma source(%dma_start3A_27 : memref<10000x64xf32, #tpu.memory_space<hbm>>) target(%arg8 : memref<125x64xf32, #tpu.memory_space<vmem>>) offsets(%dma_start3A_20 : memref<125xi32, #tpu.memory_space<vmem>>) semaphore(%arg15 : memref<!tpu.dma_semaphore, #tpu.memory_space<semaphore_mem>>)
    %dma_start3A_28 = arith.constant 1 : i32
    %dma_start3A_29 = arith.constant 0 : i32
    %dma_start3A_30 = tpu.memref_slice %arg6[%dma_start3A_28, %dma_start3A_29] : memref<160x125xi32, #tpu.memory_space<vmem>> -> memref<1x125xi32, #tpu.memory_space<vmem>>
    %dma_start3A_31 = tpu.memref_squeeze %dma_start3A_30 : memref<1x125xi32, #tpu.memory_space<vmem>> -> memref<125xi32, #tpu.memory_space<vmem>>
    %dma_start3A_32 = arith.constant 0 : i32
    %dma_start3A_33 = arith.constant 0 : i32
    %dma_start3A_34 = tpu.memref_slice %arg2[%arg0, %dma_start3A_32, %dma_start3A_33] : memref<2x10000x64xf32, #tpu.memory_space<hbm>> -> memref<1x10000x64xf32, #tpu.memory_space<hbm>>
    %dma_start3A_35 = tpu.memref_squeeze %dma_start3A_34 : memref<1x10000x64xf32, #tpu.memory_space<hbm>> -> memref<10000x64xf32, #tpu.memory_space<hbm>>
    %dma_start3A_36 = arith.constant 0 : i32
    %dma_start3A_37 = arith.constant 0 : i32
    %dma_start3A_38 = tpu.memref_slice %dma_start3A_35[%dma_start3A_36, %dma_start3A_37] : memref<10000x64xf32, #tpu.memory_space<hbm>> -> memref<10000x64xf32, #tpu.memory_space<hbm>>
    tpu.enqueue_indirect_dma source(%dma_start3A_38 : memref<10000x64xf32, #tpu.memory_space<hbm>>) target(%arg9 : memref<125x64xf32, #tpu.memory_space<vmem>>) offsets(%dma_start3A_31 : memref<125xi32, #tpu.memory_space<vmem>>) semaphore(%arg16 : memref<!tpu.dma_semaphore, #tpu.memory_space<semaphore_mem>>)
    %scan3A_39 = arith.constant 0 : i32
    %scan3A_40 = arith.constant 0 : i32
    %scan3A_41 = arith.constant 32 : i32
    %scan3A_42 = arith.addi %scan3A_40, %scan3A_41 : i32
    %scan3A_43 = arith.constant 1 : i32
    %scan3A_44 = scf.for %scan3A_67 = %scan3A_40 to %scan3A_42 step %scan3A_43 iter_args(%scan3A_68 = %scan3A_39) -> (i32)  : i32 {
      %mul3A_69 = arith.constant 5 : i32
      %mul3A_70 = arith.muli %scan3A_67, %mul3A_69 : i32
      %add3A_71 = arith.constant 0 : i32
      %add3A_72 = arith.addi %mul3A_70, %add3A_71 : i32
      %dma_wait3A_73 = arith.constant 0 : i32
      %dma_wait3A_74 = arith.constant 0 : i32
      %dma_wait3A_75 = tpu.memref_slice %arg6[%dma_wait3A_73, %dma_wait3A_74] : memref<160x125xi32, #tpu.memory_space<vmem>> -> memref<1x125xi32, #tpu.memory_space<vmem>>
      %dma_wait3A_76 = tpu.memref_squeeze %dma_wait3A_75 : memref<1x125xi32, #tpu.memory_space<vmem>> -> memref<125xi32, #tpu.memory_space<vmem>>
      %dma_wait3A_77 = arith.constant 0 : i32
      %dma_wait3A_78 = arith.constant 0 : i32
      %dma_wait3A_79 = tpu.memref_slice %arg2[%arg0, %dma_wait3A_77, %dma_wait3A_78] : memref<2x10000x64xf32, #tpu.memory_space<hbm>> -> memref<1x10000x64xf32, #tpu.memory_space<hbm>>
      %dma_wait3A_80 = tpu.memref_squeeze %dma_wait3A_79 : memref<1x10000x64xf32, #tpu.memory_space<hbm>> -> memref<10000x64xf32, #tpu.memory_space<hbm>>
      %dma_wait3A_81 = arith.constant 0 : i32
      %dma_wait3A_82 = arith.constant 0 : i32
      %dma_wait3A_83 = tpu.memref_slice %dma_wait3A_80[%dma_wait3A_81, %dma_wait3A_82] : memref<10000x64xf32, #tpu.memory_space<hbm>> -> memref<10000x64xf32, #tpu.memory_space<hbm>>
      tpu.wait_indirect_dma semaphore(%arg15 : memref<!tpu.dma_semaphore, #tpu.memory_space<semaphore_mem>>) src(%dma_wait3A_83 : memref<10000x64xf32, #tpu.memory_space<hbm>>) dst(%arg8 : memref<125x64xf32, #tpu.memory_space<vmem>>)
      %dma_start3A_84 = arith.constant 0 : i32
      %dma_start3A_85 = tpu.memref_slice %arg7[%add3A_72, %dma_start3A_84] : memref<160x125xi32, #tpu.memory_space<vmem>> -> memref<1x125xi32, #tpu.memory_space<vmem>>
      %dma_start3A_86 = tpu.memref_squeeze %dma_start3A_85 : memref<1x125xi32, #tpu.memory_space<vmem>> -> memref<125xi32, #tpu.memory_space<vmem>>
      %dma_start3A_87 = arith.constant 0 : i32
      %dma_start3A_88 = arith.constant 0 : i32
      %dma_start3A_89 = tpu.memref_slice %arg14[%dma_start3A_87, %dma_start3A_88] : memref<10000x64xf32, #tpu.memory_space<vmem_shared>> -> memref<10000x64xf32, #tpu.memory_space<vmem_shared>>
      tpu.enqueue_indirect_dma source(%arg8 : memref<125x64xf32, #tpu.memory_space<vmem>>) target(%dma_start3A_89 : memref<10000x64xf32, #tpu.memory_space<vmem_shared>>) offsets(%dma_start3A_86 : memref<125xi32, #tpu.memory_space<vmem>>) semaphore(%arg20 : memref<!tpu.dma_semaphore, #tpu.memory_space<semaphore_mem>>) {add = true}
      %ge3A = arith.constant 3 : i32
      %ge3A_90 = arith.cmpi sge, %add3A_72, %ge3A : i32
      %convert_element_type3A = arith.extui %ge3A_90 : i1 to i32
      %cond3A = arith.constant 0 : i32
      %cond3A_91 = arith.cmpi ne, %convert_element_type3A, %cond3A : i32
      scf.if %cond3A_91 {
        %dma_wait3A_231 = arith.constant 0 : i32
        %dma_wait3A_232 = arith.constant 0 : i32
        %dma_wait3A_233 = tpu.memref_slice %arg7[%dma_wait3A_231, %dma_wait3A_232] : memref<160x125xi32, #tpu.memory_space<vmem>> -> memref<1x125xi32, #tpu.memory_space<vmem>>
        %dma_wait3A_234 = tpu.memref_squeeze %dma_wait3A_233 : memref<1x125xi32, #tpu.memory_space<vmem>> -> memref<125xi32, #tpu.memory_space<vmem>>
        %dma_wait3A_235 = arith.constant 0 : i32
        %dma_wait3A_236 = arith.constant 0 : i32
        %dma_wait3A_237 = tpu.memref_slice %arg14[%dma_wait3A_235, %dma_wait3A_236] : memref<10000x64xf32, #tpu.memory_space<vmem_shared>> -> memref<10000x64xf32, #tpu.memory_space<vmem_shared>>
        tpu.wait_indirect_dma semaphore(%arg22 : memref<!tpu.dma_semaphore, #tpu.memory_space<semaphore_mem>>) src(%arg10 : memref<125x64xf32, #tpu.memory_space<vmem>>) dst(%dma_wait3A_237 : memref<10000x64xf32, #tpu.memory_space<vmem_shared>>)
      } else {
      }
      %add3A_92 = arith.constant 2 : i32
      %add3A_93 = arith.addi %add3A_72, %add3A_92 : i32
      %lt3A = arith.constant 160 : i32
      %lt3A_94 = arith.cmpi slt, %add3A_93, %lt3A : i32
      %convert_element_type3A_95 = arith.extui %lt3A_94 : i1 to i32
      %cond3A_96 = arith.constant 0 : i32
      %cond3A_97 = arith.cmpi ne, %convert_element_type3A_95, %cond3A_96 : i32
      scf.if %cond3A_97 {
        %add3A_231 = arith.constant 2 : i32
        %add3A_232 = arith.addi %add3A_72, %add3A_231 : i32
        %dma_start3A_233 = arith.constant 0 : i32
        %dma_start3A_234 = tpu.memref_slice %arg6[%add3A_232, %dma_start3A_233] : memref<160x125xi32, #tpu.memory_space<vmem>> -> memref<1x125xi32, #tpu.memory_space<vmem>>
        %dma_start3A_235 = tpu.memref_squeeze %dma_start3A_234 : memref<1x125xi32, #tpu.memory_space<vmem>> -> memref<125xi32, #tpu.memory_space<vmem>>
        %dma_start3A_236 = arith.constant 0 : i32
        %dma_start3A_237 = arith.constant 0 : i32
        %dma_start3A_238 = tpu.memref_slice %arg2[%arg0, %dma_start3A_236, %dma_start3A_237] : memref<2x10000x64xf32, #tpu.memory_space<hbm>> -> memref<1x10000x64xf32, #tpu.memory_space<hbm>>
        %dma_start3A_239 = tpu.memref_squeeze %dma_start3A_238 : memref<1x10000x64xf32, #tpu.memory_space<hbm>> -> memref<10000x64xf32, #tpu.memory_space<hbm>>
        %dma_start3A_240 = arith.constant 0 : i32
        %dma_start3A_241 = arith.constant 0 : i32
        %dma_start3A_242 = tpu.memref_slice %dma_start3A_239[%dma_start3A_240, %dma_start3A_241] : memref<10000x64xf32, #tpu.memory_space<hbm>> -> memref<10000x64xf32, #tpu.memory_space<hbm>>
        tpu.enqueue_indirect_dma source(%dma_start3A_242 : memref<10000x64xf32, #tpu.memory_space<hbm>>) target(%arg10 : memref<125x64xf32, #tpu.memory_space<vmem>>) offsets(%dma_start3A_235 : memref<125xi32, #tpu.memory_space<vmem>>) semaphore(%arg17 : memref<!tpu.dma_semaphore, #tpu.memory_space<semaphore_mem>>)
      } else {
      }
      %mul3A_98 = arith.constant 5 : i32
      %mul3A_99 = arith.muli %scan3A_67, %mul3A_98 : i32
      %add3A_100 = arith.constant 1 : i32
      %add3A_101 = arith.addi %mul3A_99, %add3A_100 : i32
      %dma_wait3A_102 = arith.constant 0 : i32
      %dma_wait3A_103 = arith.constant 0 : i32
      %dma_wait3A_104 = tpu.memref_slice %arg6[%dma_wait3A_102, %dma_wait3A_103] : memref<160x125xi32, #tpu.memory_space<vmem>> -> memref<1x125xi32, #tpu.memory_space<vmem>>
      %dma_wait3A_105 = tpu.memref_squeeze %dma_wait3A_104 : memref<1x125xi32, #tpu.memory_space<vmem>> -> memref<125xi32, #tpu.memory_space<vmem>>
      %dma_wait3A_106 = arith.constant 0 : i32
      %dma_wait3A_107 = arith.constant 0 : i32
      %dma_wait3A_108 = tpu.memref_slice %arg2[%arg0, %dma_wait3A_106, %dma_wait3A_107] : memref<2x10000x64xf32, #tpu.memory_space<hbm>> -> memref<1x10000x64xf32, #tpu.memory_space<hbm>>
      %dma_wait3A_109 = tpu.memref_squeeze %dma_wait3A_108 : memref<1x10000x64xf32, #tpu.memory_space<hbm>> -> memref<10000x64xf32, #tpu.memory_space<hbm>>
      %dma_wait3A_110 = arith.constant 0 : i32
      %dma_wait3A_111 = arith.constant 0 : i32
      %dma_wait3A_112 = tpu.memref_slice %dma_wait3A_109[%dma_wait3A_110, %dma_wait3A_111] : memref<10000x64xf32, #tpu.memory_space<hbm>> -> memref<10000x64xf32, #tpu.memory_space<hbm>>
      tpu.wait_indirect_dma semaphore(%arg16 : memref<!tpu.dma_semaphore, #tpu.memory_space<semaphore_mem>>) src(%dma_wait3A_112 : memref<10000x64xf32, #tpu.memory_space<hbm>>) dst(%arg9 : memref<125x64xf32, #tpu.memory_space<vmem>>)
      %dma_start3A_113 = arith.constant 0 : i32
      %dma_start3A_114 = tpu.memref_slice %arg7[%add3A_101, %dma_start3A_113] : memref<160x125xi32, #tpu.memory_space<vmem>> -> memref<1x125xi32, #tpu.memory_space<vmem>>
      %dma_start3A_115 = tpu.memref_squeeze %dma_start3A_114 : memref<1x125xi32, #tpu.memory_space<vmem>> -> memref<125xi32, #tpu.memory_space<vmem>>
      %dma_start3A_116 = arith.constant 0 : i32
      %dma_start3A_117 = arith.constant 0 : i32
      %dma_start3A_118 = tpu.memref_slice %arg14[%dma_start3A_116, %dma_start3A_117] : memref<10000x64xf32, #tpu.memory_space<vmem_shared>> -> memref<10000x64xf32, #tpu.memory_space<vmem_shared>>
      tpu.enqueue_indirect_dma source(%arg9 : memref<125x64xf32, #tpu.memory_space<vmem>>) target(%dma_start3A_118 : memref<10000x64xf32, #tpu.memory_space<vmem_shared>>) offsets(%dma_start3A_115 : memref<125xi32, #tpu.memory_space<vmem>>) semaphore(%arg21 : memref<!tpu.dma_semaphore, #tpu.memory_space<semaphore_mem>>) {add = true}
      %ge3A_119 = arith.constant 3 : i32
      %ge3A_120 = arith.cmpi sge, %add3A_101, %ge3A_119 : i32
      %convert_element_type3A_121 = arith.extui %ge3A_120 : i1 to i32
      %cond3A_122 = arith.constant 0 : i32
      %cond3A_123 = arith.cmpi ne, %convert_element_type3A_121, %cond3A_122 : i32
      scf.if %cond3A_123 {
        %dma_wait3A_231 = arith.constant 0 : i32
        %dma_wait3A_232 = arith.constant 0 : i32
        %dma_wait3A_233 = tpu.memref_slice %arg7[%dma_wait3A_231, %dma_wait3A_232] : memref<160x125xi32, #tpu.memory_space<vmem>> -> memref<1x125xi32, #tpu.memory_space<vmem>>
        %dma_wait3A_234 = tpu.memref_squeeze %dma_wait3A_233 : memref<1x125xi32, #tpu.memory_space<vmem>> -> memref<125xi32, #tpu.memory_space<vmem>>
        %dma_wait3A_235 = arith.constant 0 : i32
        %dma_wait3A_236 = arith.constant 0 : i32
        %dma_wait3A_237 = tpu.memref_slice %arg14[%dma_wait3A_235, %dma_wait3A_236] : memref<10000x64xf32, #tpu.memory_space<vmem_shared>> -> memref<10000x64xf32, #tpu.memory_space<vmem_shared>>
        tpu.wait_indirect_dma semaphore(%arg23 : memref<!tpu.dma_semaphore, #tpu.memory_space<semaphore_mem>>) src(%arg11 : memref<125x64xf32, #tpu.memory_space<vmem>>) dst(%dma_wait3A_237 : memref<10000x64xf32, #tpu.memory_space<vmem_shared>>)
      } else {
      }
      %add3A_124 = arith.constant 2 : i32
      %add3A_125 = arith.addi %add3A_101, %add3A_124 : i32
      %lt3A_126 = arith.constant 160 : i32
      %lt3A_127 = arith.cmpi slt, %add3A_125, %lt3A_126 : i32
      %convert_element_type3A_128 = arith.extui %lt3A_127 : i1 to i32
      %cond3A_129 = arith.constant 0 : i32
      %cond3A_130 = arith.cmpi ne, %convert_element_type3A_128, %cond3A_129 : i32
      scf.if %cond3A_130 {
        %add3A_231 = arith.constant 2 : i32
        %add3A_232 = arith.addi %add3A_101, %add3A_231 : i32
        %dma_start3A_233 = arith.constant 0 : i32
        %dma_start3A_234 = tpu.memref_slice %arg6[%add3A_232, %dma_start3A_233] : memref<160x125xi32, #tpu.memory_space<vmem>> -> memref<1x125xi32, #tpu.memory_space<vmem>>
        %dma_start3A_235 = tpu.memref_squeeze %dma_start3A_234 : memref<1x125xi32, #tpu.memory_space<vmem>> -> memref<125xi32, #tpu.memory_space<vmem>>
        %dma_start3A_236 = arith.constant 0 : i32
        %dma_start3A_237 = arith.constant 0 : i32
        %dma_start3A_238 = tpu.memref_slice %arg2[%arg0, %dma_start3A_236, %dma_start3A_237] : memref<2x10000x64xf32, #tpu.memory_space<hbm>> -> memref<1x10000x64xf32, #tpu.memory_space<hbm>>
        %dma_start3A_239 = tpu.memref_squeeze %dma_start3A_238 : memref<1x10000x64xf32, #tpu.memory_space<hbm>> -> memref<10000x64xf32, #tpu.memory_space<hbm>>
        %dma_start3A_240 = arith.constant 0 : i32
        %dma_start3A_241 = arith.constant 0 : i32
        %dma_start3A_242 = tpu.memref_slice %dma_start3A_239[%dma_start3A_240, %dma_start3A_241] : memref<10000x64xf32, #tpu.memory_space<hbm>> -> memref<10000x64xf32, #tpu.memory_space<hbm>>
        tpu.enqueue_indirect_dma source(%dma_start3A_242 : memref<10000x64xf32, #tpu.memory_space<hbm>>) target(%arg11 : memref<125x64xf32, #tpu.memory_space<vmem>>) offsets(%dma_start3A_235 : memref<125xi32, #tpu.memory_space<vmem>>) semaphore(%arg18 : memref<!tpu.dma_semaphore, #tpu.memory_space<semaphore_mem>>)
      } else {
      }
      %mul3A_131 = arith.constant 5 : i32
      %mul3A_132 = arith.muli %scan3A_67, %mul3A_131 : i32
      %add3A_133 = arith.constant 2 : i32
      %add3A_134 = arith.addi %mul3A_132, %add3A_133 : i32
      %dma_wait3A_135 = arith.constant 0 : i32
      %dma_wait3A_136 = arith.constant 0 : i32
      %dma_wait3A_137 = tpu.memref_slice %arg6[%dma_wait3A_135, %dma_wait3A_136] : memref<160x125xi32, #tpu.memory_space<vmem>> -> memref<1x125xi32, #tpu.memory_space<vmem>>
      %dma_wait3A_138 = tpu.memref_squeeze %dma_wait3A_137 : memref<1x125xi32, #tpu.memory_space<vmem>> -> memref<125xi32, #tpu.memory_space<vmem>>
      %dma_wait3A_139 = arith.constant 0 : i32
      %dma_wait3A_140 = arith.constant 0 : i32
      %dma_wait3A_141 = tpu.memref_slice %arg2[%arg0, %dma_wait3A_139, %dma_wait3A_140] : memref<2x10000x64xf32, #tpu.memory_space<hbm>> -> memref<1x10000x64xf32, #tpu.memory_space<hbm>>
      %dma_wait3A_142 = tpu.memref_squeeze %dma_wait3A_141 : memref<1x10000x64xf32, #tpu.memory_space<hbm>> -> memref<10000x64xf32, #tpu.memory_space<hbm>>
      %dma_wait3A_143 = arith.constant 0 : i32
      %dma_wait3A_144 = arith.constant 0 : i32
      %dma_wait3A_145 = tpu.memref_slice %dma_wait3A_142[%dma_wait3A_143, %dma_wait3A_144] : memref<10000x64xf32, #tpu.memory_space<hbm>> -> memref<10000x64xf32, #tpu.memory_space<hbm>>
      tpu.wait_indirect_dma semaphore(%arg17 : memref<!tpu.dma_semaphore, #tpu.memory_space<semaphore_mem>>) src(%dma_wait3A_145 : memref<10000x64xf32, #tpu.memory_space<hbm>>) dst(%arg10 : memref<125x64xf32, #tpu.memory_space<vmem>>)
      %dma_start3A_146 = arith.constant 0 : i32
      %dma_start3A_147 = tpu.memref_slice %arg7[%add3A_134, %dma_start3A_146] : memref<160x125xi32, #tpu.memory_space<vmem>> -> memref<1x125xi32, #tpu.memory_space<vmem>>
      %dma_start3A_148 = tpu.memref_squeeze %dma_start3A_147 : memref<1x125xi32, #tpu.memory_space<vmem>> -> memref<125xi32, #tpu.memory_space<vmem>>
      %dma_start3A_149 = arith.constant 0 : i32
      %dma_start3A_150 = arith.constant 0 : i32
      %dma_start3A_151 = tpu.memref_slice %arg14[%dma_start3A_149, %dma_start3A_150] : memref<10000x64xf32, #tpu.memory_space<vmem_shared>> -> memref<10000x64xf32, #tpu.memory_space<vmem_shared>>
      tpu.enqueue_indirect_dma source(%arg10 : memref<125x64xf32, #tpu.memory_space<vmem>>) target(%dma_start3A_151 : memref<10000x64xf32, #tpu.memory_space<vmem_shared>>) offsets(%dma_start3A_148 : memref<125xi32, #tpu.memory_space<vmem>>) semaphore(%arg22 : memref<!tpu.dma_semaphore, #tpu.memory_space<semaphore_mem>>) {add = true}
      %ge3A_152 = arith.constant 3 : i32
      %ge3A_153 = arith.cmpi sge, %add3A_134, %ge3A_152 : i32
      %convert_element_type3A_154 = arith.extui %ge3A_153 : i1 to i32
      %cond3A_155 = arith.constant 0 : i32
      %cond3A_156 = arith.cmpi ne, %convert_element_type3A_154, %cond3A_155 : i32
      scf.if %cond3A_156 {
        %dma_wait3A_231 = arith.constant 0 : i32
        %dma_wait3A_232 = arith.constant 0 : i32
        %dma_wait3A_233 = tpu.memref_slice %arg7[%dma_wait3A_231, %dma_wait3A_232] : memref<160x125xi32, #tpu.memory_space<vmem>> -> memref<1x125xi32, #tpu.memory_space<vmem>>
        %dma_wait3A_234 = tpu.memref_squeeze %dma_wait3A_233 : memref<1x125xi32, #tpu.memory_space<vmem>> -> memref<125xi32, #tpu.memory_space<vmem>>
        %dma_wait3A_235 = arith.constant 0 : i32
        %dma_wait3A_236 = arith.constant 0 : i32
        %dma_wait3A_237 = tpu.memref_slice %arg14[%dma_wait3A_235, %dma_wait3A_236] : memref<10000x64xf32, #tpu.memory_space<vmem_shared>> -> memref<10000x64xf32, #tpu.memory_space<vmem_shared>>
        tpu.wait_indirect_dma semaphore(%arg24 : memref<!tpu.dma_semaphore, #tpu.memory_space<semaphore_mem>>) src(%arg12 : memref<125x64xf32, #tpu.memory_space<vmem>>) dst(%dma_wait3A_237 : memref<10000x64xf32, #tpu.memory_space<vmem_shared>>)
      } else {
      }
      %add3A_157 = arith.constant 2 : i32
      %add3A_158 = arith.addi %add3A_134, %add3A_157 : i32
      %lt3A_159 = arith.constant 160 : i32
      %lt3A_160 = arith.cmpi slt, %add3A_158, %lt3A_159 : i32
      %convert_element_type3A_161 = arith.extui %lt3A_160 : i1 to i32
      %cond3A_162 = arith.constant 0 : i32
      %cond3A_163 = arith.cmpi ne, %convert_element_type3A_161, %cond3A_162 : i32
      scf.if %cond3A_163 {
        %add3A_231 = arith.constant 2 : i32
        %add3A_232 = arith.addi %add3A_134, %add3A_231 : i32
        %dma_start3A_233 = arith.constant 0 : i32
        %dma_start3A_234 = tpu.memref_slice %arg6[%add3A_232, %dma_start3A_233] : memref<160x125xi32, #tpu.memory_space<vmem>> -> memref<1x125xi32, #tpu.memory_space<vmem>>
        %dma_start3A_235 = tpu.memref_squeeze %dma_start3A_234 : memref<1x125xi32, #tpu.memory_space<vmem>> -> memref<125xi32, #tpu.memory_space<vmem>>
        %dma_start3A_236 = arith.constant 0 : i32
        %dma_start3A_237 = arith.constant 0 : i32
        %dma_start3A_238 = tpu.memref_slice %arg2[%arg0, %dma_start3A_236, %dma_start3A_237] : memref<2x10000x64xf32, #tpu.memory_space<hbm>> -> memref<1x10000x64xf32, #tpu.memory_space<hbm>>
        %dma_start3A_239 = tpu.memref_squeeze %dma_start3A_238 : memref<1x10000x64xf32, #tpu.memory_space<hbm>> -> memref<10000x64xf32, #tpu.memory_space<hbm>>
        %dma_start3A_240 = arith.constant 0 : i32
        %dma_start3A_241 = arith.constant 0 : i32
        %dma_start3A_242 = tpu.memref_slice %dma_start3A_239[%dma_start3A_240, %dma_start3A_241] : memref<10000x64xf32, #tpu.memory_space<hbm>> -> memref<10000x64xf32, #tpu.memory_space<hbm>>
        tpu.enqueue_indirect_dma source(%dma_start3A_242 : memref<10000x64xf32, #tpu.memory_space<hbm>>) target(%arg12 : memref<125x64xf32, #tpu.memory_space<vmem>>) offsets(%dma_start3A_235 : memref<125xi32, #tpu.memory_space<vmem>>) semaphore(%arg19 : memref<!tpu.dma_semaphore, #tpu.memory_space<semaphore_mem>>)
      } else {
      }
      %mul3A_164 = arith.constant 5 : i32
      %mul3A_165 = arith.muli %scan3A_67, %mul3A_164 : i32
      %add3A_166 = arith.constant 3 : i32
      %add3A_167 = arith.addi %mul3A_165, %add3A_166 : i32
      %dma_wait3A_168 = arith.constant 0 : i32
      %dma_wait3A_169 = arith.constant 0 : i32
      %dma_wait3A_170 = tpu.memref_slice %arg6[%dma_wait3A_168, %dma_wait3A_169] : memref<160x125xi32, #tpu.memory_space<vmem>> -> memref<1x125xi32, #tpu.memory_space<vmem>>
      %dma_wait3A_171 = tpu.memref_squeeze %dma_wait3A_170 : memref<1x125xi32, #tpu.memory_space<vmem>> -> memref<125xi32, #tpu.memory_space<vmem>>
      %dma_wait3A_172 = arith.constant 0 : i32
      %dma_wait3A_173 = arith.constant 0 : i32
      %dma_wait3A_174 = tpu.memref_slice %arg2[%arg0, %dma_wait3A_172, %dma_wait3A_173] : memref<2x10000x64xf32, #tpu.memory_space<hbm>> -> memref<1x10000x64xf32, #tpu.memory_space<hbm>>
      %dma_wait3A_175 = tpu.memref_squeeze %dma_wait3A_174 : memref<1x10000x64xf32, #tpu.memory_space<hbm>> -> memref<10000x64xf32, #tpu.memory_space<hbm>>
      %dma_wait3A_176 = arith.constant 0 : i32
      %dma_wait3A_177 = arith.constant 0 : i32
      %dma_wait3A_178 = tpu.memref_slice %dma_wait3A_175[%dma_wait3A_176, %dma_wait3A_177] : memref<10000x64xf32, #tpu.memory_space<hbm>> -> memref<10000x64xf32, #tpu.memory_space<hbm>>
      tpu.wait_indirect_dma semaphore(%arg18 : memref<!tpu.dma_semaphore, #tpu.memory_space<semaphore_mem>>) src(%dma_wait3A_178 : memref<10000x64xf32, #tpu.memory_space<hbm>>) dst(%arg11 : memref<125x64xf32, #tpu.memory_space<vmem>>)
      %dma_start3A_179 = arith.constant 0 : i32
      %dma_start3A_180 = tpu.memref_slice %arg7[%add3A_167, %dma_start3A_179] : memref<160x125xi32, #tpu.memory_space<vmem>> -> memref<1x125xi32, #tpu.memory_space<vmem>>
      %dma_start3A_181 = tpu.memref_squeeze %dma_start3A_180 : memref<1x125xi32, #tpu.memory_space<vmem>> -> memref<125xi32, #tpu.memory_space<vmem>>
      %dma_start3A_182 = arith.constant 0 : i32
      %dma_start3A_183 = arith.constant 0 : i32
      %dma_start3A_184 = tpu.memref_slice %arg14[%dma_start3A_182, %dma_start3A_183] : memref<10000x64xf32, #tpu.memory_space<vmem_shared>> -> memref<10000x64xf32, #tpu.memory_space<vmem_shared>>
      tpu.enqueue_indirect_dma source(%arg11 : memref<125x64xf32, #tpu.memory_space<vmem>>) target(%dma_start3A_184 : memref<10000x64xf32, #tpu.memory_space<vmem_shared>>) offsets(%dma_start3A_181 : memref<125xi32, #tpu.memory_space<vmem>>) semaphore(%arg23 : memref<!tpu.dma_semaphore, #tpu.memory_space<semaphore_mem>>) {add = true}
      %ge3A_185 = arith.constant 3 : i32
      %ge3A_186 = arith.cmpi sge, %add3A_167, %ge3A_185 : i32
      %convert_element_type3A_187 = arith.extui %ge3A_186 : i1 to i32
      %cond3A_188 = arith.constant 0 : i32
      %cond3A_189 = arith.cmpi ne, %convert_element_type3A_187, %cond3A_188 : i32
      scf.if %cond3A_189 {
        %dma_wait3A_231 = arith.constant 0 : i32
        %dma_wait3A_232 = arith.constant 0 : i32
        %dma_wait3A_233 = tpu.memref_slice %arg7[%dma_wait3A_231, %dma_wait3A_232] : memref<160x125xi32, #tpu.memory_space<vmem>> -> memref<1x125xi32, #tpu.memory_space<vmem>>
        %dma_wait3A_234 = tpu.memref_squeeze %dma_wait3A_233 : memref<1x125xi32, #tpu.memory_space<vmem>> -> memref<125xi32, #tpu.memory_space<vmem>>
        %dma_wait3A_235 = arith.constant 0 : i32
        %dma_wait3A_236 = arith.constant 0 : i32
        %dma_wait3A_237 = tpu.memref_slice %arg14[%dma_wait3A_235, %dma_wait3A_236] : memref<10000x64xf32, #tpu.memory_space<vmem_shared>> -> memref<10000x64xf32, #tpu.memory_space<vmem_shared>>
        tpu.wait_indirect_dma semaphore(%arg20 : memref<!tpu.dma_semaphore, #tpu.memory_space<semaphore_mem>>) src(%arg8 : memref<125x64xf32, #tpu.memory_space<vmem>>) dst(%dma_wait3A_237 : memref<10000x64xf32, #tpu.memory_space<vmem_shared>>)
      } else {
      }
      %add3A_190 = arith.constant 2 : i32
      %add3A_191 = arith.addi %add3A_167, %add3A_190 : i32
      %lt3A_192 = arith.constant 160 : i32
      %lt3A_193 = arith.cmpi slt, %add3A_191, %lt3A_192 : i32
      %convert_element_type3A_194 = arith.extui %lt3A_193 : i1 to i32
      %cond3A_195 = arith.constant 0 : i32
      %cond3A_196 = arith.cmpi ne, %convert_element_type3A_194, %cond3A_195 : i32
      scf.if %cond3A_196 {
        %add3A_231 = arith.constant 2 : i32
        %add3A_232 = arith.addi %add3A_167, %add3A_231 : i32
        %dma_start3A_233 = arith.constant 0 : i32
        %dma_start3A_234 = tpu.memref_slice %arg6[%add3A_232, %dma_start3A_233] : memref<160x125xi32, #tpu.memory_space<vmem>> -> memref<1x125xi32, #tpu.memory_space<vmem>>
        %dma_start3A_235 = tpu.memref_squeeze %dma_start3A_234 : memref<1x125xi32, #tpu.memory_space<vmem>> -> memref<125xi32, #tpu.memory_space<vmem>>
        %dma_start3A_236 = arith.constant 0 : i32
        %dma_start3A_237 = arith.constant 0 : i32
        %dma_start3A_238 = tpu.memref_slice %arg2[%arg0, %dma_start3A_236, %dma_start3A_237] : memref<2x10000x64xf32, #tpu.memory_space<hbm>> -> memref<1x10000x64xf32, #tpu.memory_space<hbm>>
        %dma_start3A_239 = tpu.memref_squeeze %dma_start3A_238 : memref<1x10000x64xf32, #tpu.memory_space<hbm>> -> memref<10000x64xf32, #tpu.memory_space<hbm>>
        %dma_start3A_240 = arith.constant 0 : i32
        %dma_start3A_241 = arith.constant 0 : i32
        %dma_start3A_242 = tpu.memref_slice %dma_start3A_239[%dma_start3A_240, %dma_start3A_241] : memref<10000x64xf32, #tpu.memory_space<hbm>> -> memref<10000x64xf32, #tpu.memory_space<hbm>>
        tpu.enqueue_indirect_dma source(%dma_start3A_242 : memref<10000x64xf32, #tpu.memory_space<hbm>>) target(%arg8 : memref<125x64xf32, #tpu.memory_space<vmem>>) offsets(%dma_start3A_235 : memref<125xi32, #tpu.memory_space<vmem>>) semaphore(%arg15 : memref<!tpu.dma_semaphore, #tpu.memory_space<semaphore_mem>>)
      } else {
      }
      %mul3A_197 = arith.constant 5 : i32
      %mul3A_198 = arith.muli %scan3A_67, %mul3A_197 : i32
      %add3A_199 = arith.constant 4 : i32
      %add3A_200 = arith.addi %mul3A_198, %add3A_199 : i32
      %dma_wait3A_201 = arith.constant 0 : i32
      %dma_wait3A_202 = arith.constant 0 : i32
      %dma_wait3A_203 = tpu.memref_slice %arg6[%dma_wait3A_201, %dma_wait3A_202] : memref<160x125xi32, #tpu.memory_space<vmem>> -> memref<1x125xi32, #tpu.memory_space<vmem>>
      %dma_wait3A_204 = tpu.memref_squeeze %dma_wait3A_203 : memref<1x125xi32, #tpu.memory_space<vmem>> -> memref<125xi32, #tpu.memory_space<vmem>>
      %dma_wait3A_205 = arith.constant 0 : i32
      %dma_wait3A_206 = arith.constant 0 : i32
      %dma_wait3A_207 = tpu.memref_slice %arg2[%arg0, %dma_wait3A_205, %dma_wait3A_206] : memref<2x10000x64xf32, #tpu.memory_space<hbm>> -> memref<1x10000x64xf32, #tpu.memory_space<hbm>>
      %dma_wait3A_208 = tpu.memref_squeeze %dma_wait3A_207 : memref<1x10000x64xf32, #tpu.memory_space<hbm>> -> memref<10000x64xf32, #tpu.memory_space<hbm>>
      %dma_wait3A_209 = arith.constant 0 : i32
      %dma_wait3A_210 = arith.constant 0 : i32
      %dma_wait3A_211 = tpu.memref_slice %dma_wait3A_208[%dma_wait3A_209, %dma_wait3A_210] : memref<10000x64xf32, #tpu.memory_space<hbm>> -> memref<10000x64xf32, #tpu.memory_space<hbm>>
      tpu.wait_indirect_dma semaphore(%arg19 : memref<!tpu.dma_semaphore, #tpu.memory_space<semaphore_mem>>) src(%dma_wait3A_211 : memref<10000x64xf32, #tpu.memory_space<hbm>>) dst(%arg12 : memref<125x64xf32, #tpu.memory_space<vmem>>)
      %dma_start3A_212 = arith.constant 0 : i32
      %dma_start3A_213 = tpu.memref_slice %arg7[%add3A_200, %dma_start3A_212] : memref<160x125xi32, #tpu.memory_space<vmem>> -> memref<1x125xi32, #tpu.memory_space<vmem>>
      %dma_start3A_214 = tpu.memref_squeeze %dma_start3A_213 : memref<1x125xi32, #tpu.memory_space<vmem>> -> memref<125xi32, #tpu.memory_space<vmem>>
      %dma_start3A_215 = arith.constant 0 : i32
      %dma_start3A_216 = arith.constant 0 : i32
      %dma_start3A_217 = tpu.memref_slice %arg14[%dma_start3A_215, %dma_start3A_216] : memref<10000x64xf32, #tpu.memory_space<vmem_shared>> -> memref<10000x64xf32, #tpu.memory_space<vmem_shared>>
      tpu.enqueue_indirect_dma source(%arg12 : memref<125x64xf32, #tpu.memory_space<vmem>>) target(%dma_start3A_217 : memref<10000x64xf32, #tpu.memory_space<vmem_shared>>) offsets(%dma_start3A_214 : memref<125xi32, #tpu.memory_space<vmem>>) semaphore(%arg24 : memref<!tpu.dma_semaphore, #tpu.memory_space<semaphore_mem>>) {add = true}
      %ge3A_218 = arith.constant 3 : i32
      %ge3A_219 = arith.cmpi sge, %add3A_200, %ge3A_218 : i32
      %convert_element_type3A_220 = arith.extui %ge3A_219 : i1 to i32
      %cond3A_221 = arith.constant 0 : i32
      %cond3A_222 = arith.cmpi ne, %convert_element_type3A_220, %cond3A_221 : i32
      scf.if %cond3A_222 {
        %dma_wait3A_231 = arith.constant 0 : i32
        %dma_wait3A_232 = arith.constant 0 : i32
        %dma_wait3A_233 = tpu.memref_slice %arg7[%dma_wait3A_231, %dma_wait3A_232] : memref<160x125xi32, #tpu.memory_space<vmem>> -> memref<1x125xi32, #tpu.memory_space<vmem>>
        %dma_wait3A_234 = tpu.memref_squeeze %dma_wait3A_233 : memref<1x125xi32, #tpu.memory_space<vmem>> -> memref<125xi32, #tpu.memory_space<vmem>>
        %dma_wait3A_235 = arith.constant 0 : i32
        %dma_wait3A_236 = arith.constant 0 : i32
        %dma_wait3A_237 = tpu.memref_slice %arg14[%dma_wait3A_235, %dma_wait3A_236] : memref<10000x64xf32, #tpu.memory_space<vmem_shared>> -> memref<10000x64xf32, #tpu.memory_space<vmem_shared>>
        tpu.wait_indirect_dma semaphore(%arg21 : memref<!tpu.dma_semaphore, #tpu.memory_space<semaphore_mem>>) src(%arg9 : memref<125x64xf32, #tpu.memory_space<vmem>>) dst(%dma_wait3A_237 : memref<10000x64xf32, #tpu.memory_space<vmem_shared>>)
      } else {
      }
      %add3A_223 = arith.constant 2 : i32
      %add3A_224 = arith.addi %add3A_200, %add3A_223 : i32
      %lt3A_225 = arith.constant 160 : i32
      %lt3A_226 = arith.cmpi slt, %add3A_224, %lt3A_225 : i32
      %convert_element_type3A_227 = arith.extui %lt3A_226 : i1 to i32
      %cond3A_228 = arith.constant 0 : i32
      %cond3A_229 = arith.cmpi ne, %convert_element_type3A_227, %cond3A_228 : i32
      scf.if %cond3A_229 {
        %add3A_231 = arith.constant 2 : i32
        %add3A_232 = arith.addi %add3A_200, %add3A_231 : i32
        %dma_start3A_233 = arith.constant 0 : i32
        %dma_start3A_234 = tpu.memref_slice %arg6[%add3A_232, %dma_start3A_233] : memref<160x125xi32, #tpu.memory_space<vmem>> -> memref<1x125xi32, #tpu.memory_space<vmem>>
        %dma_start3A_235 = tpu.memref_squeeze %dma_start3A_234 : memref<1x125xi32, #tpu.memory_space<vmem>> -> memref<125xi32, #tpu.memory_space<vmem>>
        %dma_start3A_236 = arith.constant 0 : i32
        %dma_start3A_237 = arith.constant 0 : i32
        %dma_start3A_238 = tpu.memref_slice %arg2[%arg0, %dma_start3A_236, %dma_start3A_237] : memref<2x10000x64xf32, #tpu.memory_space<hbm>> -> memref<1x10000x64xf32, #tpu.memory_space<hbm>>
        %dma_start3A_239 = tpu.memref_squeeze %dma_start3A_238 : memref<1x10000x64xf32, #tpu.memory_space<hbm>> -> memref<10000x64xf32, #tpu.memory_space<hbm>>
        %dma_start3A_240 = arith.constant 0 : i32
        %dma_start3A_241 = arith.constant 0 : i32
        %dma_start3A_242 = tpu.memref_slice %dma_start3A_239[%dma_start3A_240, %dma_start3A_241] : memref<10000x64xf32, #tpu.memory_space<hbm>> -> memref<10000x64xf32, #tpu.memory_space<hbm>>
        tpu.enqueue_indirect_dma source(%dma_start3A_242 : memref<10000x64xf32, #tpu.memory_space<hbm>>) target(%arg9 : memref<125x64xf32, #tpu.memory_space<vmem>>) offsets(%dma_start3A_235 : memref<125xi32, #tpu.memory_space<vmem>>) semaphore(%arg16 : memref<!tpu.dma_semaphore, #tpu.memory_space<semaphore_mem>>)
      } else {
      }
      %scan3A_230 = arith.constant 0 : i32
      scf.yield %scan3A_230 : i32
    }
    %scan3A_45 = arith.constant 32 : i32
    %dma_wait3A = arith.constant 0 : i32
    %dma_wait3A_46 = arith.constant 0 : i32
    %dma_wait3A_47 = tpu.memref_slice %arg7[%dma_wait3A, %dma_wait3A_46] : memref<160x125xi32, #tpu.memory_space<vmem>> -> memref<1x125xi32, #tpu.memory_space<vmem>>
    %dma_wait3A_48 = tpu.memref_squeeze %dma_wait3A_47 : memref<1x125xi32, #tpu.memory_space<vmem>> -> memref<125xi32, #tpu.memory_space<vmem>>
    %dma_wait3A_49 = arith.constant 0 : i32
    %dma_wait3A_50 = arith.constant 0 : i32
    %dma_wait3A_51 = tpu.memref_slice %arg14[%dma_wait3A_49, %dma_wait3A_50] : memref<10000x64xf32, #tpu.memory_space<vmem_shared>> -> memref<10000x64xf32, #tpu.memory_space<vmem_shared>>
    tpu.wait_indirect_dma semaphore(%arg22 : memref<!tpu.dma_semaphore, #tpu.memory_space<semaphore_mem>>) src(%arg10 : memref<125x64xf32, #tpu.memory_space<vmem>>) dst(%dma_wait3A_51 : memref<10000x64xf32, #tpu.memory_space<vmem_shared>>)
    %dma_wait3A_52 = arith.constant 0 : i32
    %dma_wait3A_53 = arith.constant 0 : i32
    %dma_wait3A_54 = tpu.memref_slice %arg7[%dma_wait3A_52, %dma_wait3A_53] : memref<160x125xi32, #tpu.memory_space<vmem>> -> memref<1x125xi32, #tpu.memory_space<vmem>>
    %dma_wait3A_55 = tpu.memref_squeeze %dma_wait3A_54 : memref<1x125xi32, #tpu.memory_space<vmem>> -> memref<125xi32, #tpu.memory_space<vmem>>
    %dma_wait3A_56 = arith.constant 0 : i32
    %dma_wait3A_57 = arith.constant 0 : i32
    %dma_wait3A_58 = tpu.memref_slice %arg14[%dma_wait3A_56, %dma_wait3A_57] : memref<10000x64xf32, #tpu.memory_space<vmem_shared>> -> memref<10000x64xf32, #tpu.memory_space<vmem_shared>>
    tpu.wait_indirect_dma semaphore(%arg23 : memref<!tpu.dma_semaphore, #tpu.memory_space<semaphore_mem>>) src(%arg11 : memref<125x64xf32, #tpu.memory_space<vmem>>) dst(%dma_wait3A_58 : memref<10000x64xf32, #tpu.memory_space<vmem_shared>>)
    %dma_wait3A_59 = arith.constant 0 : i32
    %dma_wait3A_60 = arith.constant 0 : i32
    %dma_wait3A_61 = tpu.memref_slice %arg7[%dma_wait3A_59, %dma_wait3A_60] : memref<160x125xi32, #tpu.memory_space<vmem>> -> memref<1x125xi32, #tpu.memory_space<vmem>>
    %dma_wait3A_62 = tpu.memref_squeeze %dma_wait3A_61 : memref<1x125xi32, #tpu.memory_space<vmem>> -> memref<125xi32, #tpu.memory_space<vmem>>
    %dma_wait3A_63 = arith.constant 0 : i32
    %dma_wait3A_64 = arith.constant 0 : i32
    %dma_wait3A_65 = tpu.memref_slice %arg14[%dma_wait3A_63, %dma_wait3A_64] : memref<10000x64xf32, #tpu.memory_space<vmem_shared>> -> memref<10000x64xf32, #tpu.memory_space<vmem_shared>>
    tpu.wait_indirect_dma semaphore(%arg24 : memref<!tpu.dma_semaphore, #tpu.memory_space<semaphore_mem>>) src(%arg12 : memref<125x64xf32, #tpu.memory_space<vmem>>) dst(%dma_wait3A_65 : memref<10000x64xf32, #tpu.memory_space<vmem_shared>>)
    %barrier3A_66 = arith.constant 0 : index
    tpu.barrier barrier_id(%barrier3A_66)
    "tpu.region"() ({
      %run_scoped3A = tpu.sem_alloc : memref<!tpu.dma_semaphore, #tpu.memory_space<semaphore_mem>>
      %dma_start3A_67 = arith.constant 0 : i32
      %dma_start3A_68 = tpu.memref_slice %arg5[%arg0, %mul3A_2, %dma_start3A_67] : memref<2x10000x64xf32, #tpu.memory_space<hbm>> -> memref<1x625x64xf32, #tpu.memory_space<hbm>>
      %dma_start3A_69 = tpu.memref_squeeze %dma_start3A_68 : memref<1x625x64xf32, #tpu.memory_space<hbm>> -> memref<625x64xf32, #tpu.memory_space<hbm>>
      %dma_start3A_70 = arith.constant 0 : i32
      %dma_start3A_71 = tpu.memref_slice %arg14[%mul3A_2, %dma_start3A_70] : memref<10000x64xf32, #tpu.memory_space<vmem_shared>> -> memref<625x64xf32, #tpu.memory_space<vmem_shared>>
      tpu.enqueue_dma source(%dma_start3A_71 : memref<625x64xf32, #tpu.memory_space<vmem_shared>>) target(%dma_start3A_69 : memref<625x64xf32, #tpu.memory_space<hbm>>) target_semaphore(%run_scoped3A : memref<!tpu.dma_semaphore, #tpu.memory_space<semaphore_mem>>)
      %dma_wait3A_72 = arith.constant 0 : i32
      %dma_wait3A_73 = tpu.memref_slice %arg5[%arg0, %mul3A_2, %dma_wait3A_72] : memref<2x10000x64xf32, #tpu.memory_space<hbm>> -> memref<1x625x64xf32, #tpu.memory_space<hbm>>
      %dma_wait3A_74 = tpu.memref_squeeze %dma_wait3A_73 : memref<1x625x64xf32, #tpu.memory_space<hbm>> -> memref<625x64xf32, #tpu.memory_space<hbm>>
      %dma_wait3A_75 = arith.constant 0 : i32
      %dma_wait3A_76 = tpu.memref_slice %arg14[%mul3A_2, %dma_wait3A_75] : memref<10000x64xf32, #tpu.memory_space<vmem_shared>> -> memref<625x64xf32, #tpu.memory_space<vmem_shared>>
      tpu.wait_dma2 semaphore(%run_scoped3A : memref<!tpu.dma_semaphore, #tpu.memory_space<semaphore_mem>>) src(%dma_wait3A_76 : memref<625x64xf32, #tpu.memory_space<vmem_shared>>) dst(%dma_wait3A_74 : memref<625x64xf32, #tpu.memory_space<hbm>>)
      tpu.yield
    }) : () -> ()
    return
  }
}

#map = affine_map<(d0, d1) -> (0, 0, 0)>
#map1 = affine_map<(d0, d1) -> (0, 0)>
module attributes {stable_mosaic.version = 14 : i64} {
  func.func @body(%arg0: i32, %arg1: i32, %arg2: memref<2x10000x64xf32, #tpu.memory_space<hbm>>, %arg3: memref<2560x125xi32, #tpu.memory_space<hbm>>, %arg4: memref<2560x125xi32, #tpu.memory_space<hbm>>, %arg5: memref<2x10000x64xf32, #tpu.memory_space<hbm>>, %arg6: memref<160x125xi32, #tpu.memory_space<vmem>>, %arg7: memref<160x125xi32, #tpu.memory_space<vmem>>, %arg8: memref<125x64xf32, #tpu.memory_space<vmem>>, %arg9: memref<125x64xf32, #tpu.memory_space<vmem>>, %arg10: memref<125x64xf32, #tpu.memory_space<vmem>>, %arg11: memref<125x64xf32, #tpu.memory_space<vmem>>, %arg12: memref<125x64xf32, #tpu.memory_space<vmem>>, %arg13: memref<125x64xf32, #tpu.memory_space<vmem>>, %arg14: memref<10000x64xf32, #tpu.memory_space<vmem_shared>>, %arg15: memref<!tpu.dma_semaphore, #tpu.memory_space<semaphore_mem>>, %arg16: memref<!tpu.dma_semaphore, #tpu.memory_space<semaphore_mem>>, %arg17: memref<!tpu.dma_semaphore, #tpu.memory_space<semaphore_mem>>, %arg18: memref<!tpu.dma_semaphore, #tpu.memory_space<semaphore_mem>>, %arg19: memref<!tpu.dma_semaphore, #tpu.memory_space<semaphore_mem>>, %arg20: memref<!tpu.dma_semaphore, #tpu.memory_space<semaphore_mem>>, %arg21: memref<!tpu.dma_semaphore, #tpu.memory_space<semaphore_mem>>, %arg22: memref<!tpu.dma_semaphore, #tpu.memory_space<semaphore_mem>>, %arg23: memref<!tpu.dma_semaphore, #tpu.memory_space<semaphore_mem>>, %arg24: memref<!tpu.dma_semaphore, #tpu.memory_space<semaphore_mem>>) attributes {dimension_semantics = [#tpu.dimension_semantics<core_parallel>, #tpu.dimension_semantics<subcore_parallel>], iteration_bounds = array<i64: 2, 16>, scalar_prefetch = 0 : i64, scratch_operands = 19 : i64, tpu.core_type = #tpu.core_type<sc_vector_subcore>, window_params = [{transform_indices = #map}, {transform_indices = #map1}, {transform_indices = #map1}, {transform_indices = #map}]} {
    %mul3A = arith.constant 160 : i32
    %mul3A_0 = arith.muli %arg1, %mul3A : i32
    "tpu.region"() ({
      %run_scoped3A = tpu.sem_alloc : memref<!tpu.dma_semaphore, #tpu.memory_space<semaphore_mem>>
      %dma_start3A_67 = arith.constant 0 : i32
      %dma_start3A_68 = tpu.memref_slice %arg3[%mul3A_0, %dma_start3A_67] : memref<2560x125xi32, #tpu.memory_space<hbm>> -> memref<160x125xi32, #tpu.memory_space<hbm>>
      %dma_start3A_69 = arith.constant 0 : i32
      %dma_start3A_70 = tpu.memref_slice %arg3[%mul3A_0, %dma_start3A_69] : memref<2560x125xi32, #tpu.memory_space<hbm>> -> memref<160x125xi32, #tpu.memory_space<hbm>>
      tpu.enqueue_dma source(%dma_start3A_70 : memref<160x125xi32, #tpu.memory_space<hbm>>) target(%arg6 : memref<160x125xi32, #tpu.memory_space<vmem>>) target_semaphore(%run_scoped3A : memref<!tpu.dma_semaphore, #tpu.memory_space<semaphore_mem>>)
      %dma_wait3A_71 = arith.constant 0 : i32
      %dma_wait3A_72 = tpu.memref_slice %arg3[%mul3A_0, %dma_wait3A_71] : memref<2560x125xi32, #tpu.memory_space<hbm>> -> memref<160x125xi32, #tpu.memory_space<hbm>>
      %dma_wait3A_73 = arith.constant 0 : i32
      %dma_wait3A_74 = tpu.memref_slice %arg3[%mul3A_0, %dma_wait3A_73] : memref<2560x125xi32, #tpu.memory_space<hbm>> -> memref<160x125xi32, #tpu.memory_space<hbm>>
      tpu.wait_dma2 semaphore(%run_scoped3A : memref<!tpu.dma_semaphore, #tpu.memory_space<semaphore_mem>>) src(%dma_wait3A_74 : memref<160x125xi32, #tpu.memory_space<hbm>>) dst(%arg6 : memref<160x125xi32, #tpu.memory_space<vmem>>)
      tpu.yield
    }) : () -> ()
    "tpu.region"() ({
      %run_scoped3A = tpu.sem_alloc : memref<!tpu.dma_semaphore, #tpu.memory_space<semaphore_mem>>
      %dma_start3A_67 = arith.constant 0 : i32
      %dma_start3A_68 = tpu.memref_slice %arg4[%mul3A_0, %dma_start3A_67] : memref<2560x125xi32, #tpu.memory_space<hbm>> -> memref<160x125xi32, #tpu.memory_space<hbm>>
      %dma_start3A_69 = arith.constant 0 : i32
      %dma_start3A_70 = tpu.memref_slice %arg4[%mul3A_0, %dma_start3A_69] : memref<2560x125xi32, #tpu.memory_space<hbm>> -> memref<160x125xi32, #tpu.memory_space<hbm>>
      tpu.enqueue_dma source(%dma_start3A_70 : memref<160x125xi32, #tpu.memory_space<hbm>>) target(%arg7 : memref<160x125xi32, #tpu.memory_space<vmem>>) target_semaphore(%run_scoped3A : memref<!tpu.dma_semaphore, #tpu.memory_space<semaphore_mem>>)
      %dma_wait3A_71 = arith.constant 0 : i32
      %dma_wait3A_72 = tpu.memref_slice %arg4[%mul3A_0, %dma_wait3A_71] : memref<2560x125xi32, #tpu.memory_space<hbm>> -> memref<160x125xi32, #tpu.memory_space<hbm>>
      %dma_wait3A_73 = arith.constant 0 : i32
      %dma_wait3A_74 = tpu.memref_slice %arg4[%mul3A_0, %dma_wait3A_73] : memref<2560x125xi32, #tpu.memory_space<hbm>> -> memref<160x125xi32, #tpu.memory_space<hbm>>
      tpu.wait_dma2 semaphore(%run_scoped3A : memref<!tpu.dma_semaphore, #tpu.memory_space<semaphore_mem>>) src(%dma_wait3A_74 : memref<160x125xi32, #tpu.memory_space<hbm>>) dst(%arg7 : memref<160x125xi32, #tpu.memory_space<vmem>>)
      tpu.yield
    }) : () -> ()
    %mul3A_1 = arith.constant 625 : i32
    %mul3A_2 = arith.muli %arg1, %mul3A_1 : i32
    %scan3A = arith.constant 0 : i32
    %scan3A_3 = arith.constant 0 : i32
    %scan3A_4 = arith.constant 125 : i32
    %scan3A_5 = arith.addi %scan3A_3, %scan3A_4 : i32
    %scan3A_6 = arith.constant 1 : i32
    %scan3A_7 = scf.for %scan3A_67 = %scan3A_3 to %scan3A_5 step %scan3A_6 iter_args(%scan3A_68 = %scan3A) -> (i32)  : i32 {
      %broadcast_in_dim3A = arith.constant 0.000000e+00 : f32
      %broadcast_in_dim3A_69 = vector.broadcast %broadcast_in_dim3A : f32 to vector<16xf32>
      %swap3A = arith.index_cast %scan3A_67 : i32 to index
      %swap3A_70 = arith.constant 0 : index
      %swap3A_71 = tpu.vector_load %arg13[%swap3A, %swap3A_70] {strides = array<i32>} : memref<125x64xf32, #tpu.memory_space<vmem>>, vector<1x16xf32>,
      %swap3A_72 = vector.shape_cast %swap3A_71 : vector<1x16xf32> to vector<16xf32>
      %swap3A_73 = vector.shape_cast %broadcast_in_dim3A_69 : vector<16xf32> to vector<1x16xf32>
      tpu.vector_store %arg13[%swap3A, %swap3A_70], %swap3A_73 {strides = array<i32>} : memref<125x64xf32, #tpu.memory_space<vmem>>, vector<1x16xf32>,
      %swap3A_74 = arith.index_cast %scan3A_67 : i32 to index
      %swap3A_75 = arith.constant 16 : index
      %swap3A_76 = tpu.vector_load %arg13[%swap3A_74, %swap3A_75] {strides = array<i32>} : memref<125x64xf32, #tpu.memory_space<vmem>>, vector<1x16xf32>,
      %swap3A_77 = vector.shape_cast %swap3A_76 : vector<1x16xf32> to vector<16xf32>
      %swap3A_78 = vector.shape_cast %broadcast_in_dim3A_69 : vector<16xf32> to vector<1x16xf32>
      tpu.vector_store %arg13[%swap3A_74, %swap3A_75], %swap3A_78 {strides = array<i32>} : memref<125x64xf32, #tpu.memory_space<vmem>>, vector<1x16xf32>,
      %swap3A_79 = arith.index_cast %scan3A_67 : i32 to index
      %swap3A_80 = arith.constant 32 : index
      %swap3A_81 = tpu.vector_load %arg13[%swap3A_79, %swap3A_80] {strides = array<i32>} : memref<125x64xf32, #tpu.memory_space<vmem>>, vector<1x16xf32>,
      %swap3A_82 = vector.shape_cast %swap3A_81 : vector<1x16xf32> to vector<16xf32>
      %swap3A_83 = vector.shape_cast %broadcast_in_dim3A_69 : vector<16xf32> to vector<1x16xf32>
      tpu.vector_store %arg13[%swap3A_79, %swap3A_80], %swap3A_83 {strides = array<i32>} : memref<125x64xf32, #tpu.memory_space<vmem>>, vector<1x16xf32>,
      %swap3A_84 = arith.index_cast %scan3A_67 : i32 to index
      %swap3A_85 = arith.constant 48 : index
      %swap3A_86 = tpu.vector_load %arg13[%swap3A_84, %swap3A_85] {strides = array<i32>} : memref<125x64xf32, #tpu.memory_space<vmem>>, vector<1x16xf32>,
      %swap3A_87 = vector.shape_cast %swap3A_86 : vector<1x16xf32> to vector<16xf32>
      %swap3A_88 = vector.shape_cast %broadcast_in_dim3A_69 : vector<16xf32> to vector<1x16xf32>
      tpu.vector_store %arg13[%swap3A_84, %swap3A_85], %swap3A_88 {strides = array<i32>} : memref<125x64xf32, #tpu.memory_space<vmem>>, vector<1x16xf32>,
      %scan3A_89 = arith.constant 0 : i32
      scf.yield %scan3A_89 : i32
    }
    %scan3A_8 = arith.constant 125 : i32
    %add3A = arith.constant 0 : i32
    %add3A_9 = arith.addi %mul3A_2, %add3A : i32
    "tpu.region"() ({
      %run_scoped3A = tpu.sem_alloc : memref<!tpu.dma_semaphore, #tpu.memory_space<semaphore_mem>>
      %dma_start3A_67 = arith.constant 0 : i32
      %dma_start3A_68 = tpu.memref_slice %arg14[%add3A_9, %dma_start3A_67] : memref<10000x64xf32, #tpu.memory_space<vmem_shared>> -> memref<125x64xf32, #tpu.memory_space<vmem_shared>>
      %dma_start3A_69 = arith.constant 0 : i32
      %dma_start3A_70 = tpu.memref_slice %arg14[%add3A_9, %dma_start3A_69] : memref<10000x64xf32, #tpu.memory_space<vmem_shared>> -> memref<125x64xf32, #tpu.memory_space<vmem_shared>>
      tpu.enqueue_dma source(%arg13 : memref<125x64xf32, #tpu.memory_space<vmem>>) target(%dma_start3A_70 : memref<125x64xf32, #tpu.memory_space<vmem_shared>>) target_semaphore(%run_scoped3A : memref<!tpu.dma_semaphore, #tpu.memory_space<semaphore_mem>>)
      %dma_wait3A_71 = arith.constant 0 : i32
      %dma_wait3A_72 = tpu.memref_slice %arg14[%add3A_9, %dma_wait3A_71] : memref<10000x64xf32, #tpu.memory_space<vmem_shared>> -> memref<125x64xf32, #tpu.memory_space<vmem_shared>>
      %dma_wait3A_73 = arith.constant 0 : i32
      %dma_wait3A_74 = tpu.memref_slice %arg14[%add3A_9, %dma_wait3A_73] : memref<10000x64xf32, #tpu.memory_space<vmem_shared>> -> memref<125x64xf32, #tpu.memory_space<vmem_shared>>
      tpu.wait_dma2 semaphore(%run_scoped3A : memref<!tpu.dma_semaphore, #tpu.memory_space<semaphore_mem>>) src(%arg13 : memref<125x64xf32, #tpu.memory_space<vmem>>) dst(%dma_wait3A_74 : memref<125x64xf32, #tpu.memory_space<vmem_shared>>)
      tpu.yield
    }) : () -> ()
    %add3A_10 = arith.constant 125 : i32
    %add3A_11 = arith.addi %mul3A_2, %add3A_10 : i32
    "tpu.region"() ({
      %run_scoped3A = tpu.sem_alloc : memref<!tpu.dma_semaphore, #tpu.memory_space<semaphore_mem>>
      %dma_start3A_67 = arith.constant 0 : i32
      %dma_start3A_68 = tpu.memref_slice %arg14[%add3A_11, %dma_start3A_67] : memref<10000x64xf32, #tpu.memory_space<vmem_shared>> -> memref<125x64xf32, #tpu.memory_space<vmem_shared>>
      %dma_start3A_69 = arith.constant 0 : i32
      %dma_start3A_70 = tpu.memref_slice %arg14[%add3A_11, %dma_start3A_69] : memref<10000x64xf32, #tpu.memory_space<vmem_shared>> -> memref<125x64xf32, #tpu.memory_space<vmem_shared>>
      tpu.enqueue_dma source(%arg13 : memref<125x64xf32, #tpu.memory_space<vmem>>) target(%dma_start3A_70 : memref<125x64xf32, #tpu.memory_space<vmem_shared>>) target_semaphore(%run_scoped3A : memref<!tpu.dma_semaphore, #tpu.memory_space<semaphore_mem>>)
      %dma_wait3A_71 = arith.constant 0 : i32
      %dma_wait3A_72 = tpu.memref_slice %arg14[%add3A_11, %dma_wait3A_71] : memref<10000x64xf32, #tpu.memory_space<vmem_shared>> -> memref<125x64xf32, #tpu.memory_space<vmem_shared>>
      %dma_wait3A_73 = arith.constant 0 : i32
      %dma_wait3A_74 = tpu.memref_slice %arg14[%add3A_11, %dma_wait3A_73] : memref<10000x64xf32, #tpu.memory_space<vmem_shared>> -> memref<125x64xf32, #tpu.memory_space<vmem_shared>>
      tpu.wait_dma2 semaphore(%run_scoped3A : memref<!tpu.dma_semaphore, #tpu.memory_space<semaphore_mem>>) src(%arg13 : memref<125x64xf32, #tpu.memory_space<vmem>>) dst(%dma_wait3A_74 : memref<125x64xf32, #tpu.memory_space<vmem_shared>>)
      tpu.yield
    }) : () -> ()
    %add3A_12 = arith.constant 250 : i32
    %add3A_13 = arith.addi %mul3A_2, %add3A_12 : i32
    "tpu.region"() ({
      %run_scoped3A = tpu.sem_alloc : memref<!tpu.dma_semaphore, #tpu.memory_space<semaphore_mem>>
      %dma_start3A_67 = arith.constant 0 : i32
      %dma_start3A_68 = tpu.memref_slice %arg14[%add3A_13, %dma_start3A_67] : memref<10000x64xf32, #tpu.memory_space<vmem_shared>> -> memref<125x64xf32, #tpu.memory_space<vmem_shared>>
      %dma_start3A_69 = arith.constant 0 : i32
      %dma_start3A_70 = tpu.memref_slice %arg14[%add3A_13, %dma_start3A_69] : memref<10000x64xf32, #tpu.memory_space<vmem_shared>> -> memref<125x64xf32, #tpu.memory_space<vmem_shared>>
      tpu.enqueue_dma source(%arg13 : memref<125x64xf32, #tpu.memory_space<vmem>>) target(%dma_start3A_70 : memref<125x64xf32, #tpu.memory_space<vmem_shared>>) target_semaphore(%run_scoped3A : memref<!tpu.dma_semaphore, #tpu.memory_space<semaphore_mem>>)
      %dma_wait3A_71 = arith.constant 0 : i32
      %dma_wait3A_72 = tpu.memref_slice %arg14[%add3A_13, %dma_wait3A_71] : memref<10000x64xf32, #tpu.memory_space<vmem_shared>> -> memref<125x64xf32, #tpu.memory_space<vmem_shared>>
      %dma_wait3A_73 = arith.constant 0 : i32
      %dma_wait3A_74 = tpu.memref_slice %arg14[%add3A_13, %dma_wait3A_73] : memref<10000x64xf32, #tpu.memory_space<vmem_shared>> -> memref<125x64xf32, #tpu.memory_space<vmem_shared>>
      tpu.wait_dma2 semaphore(%run_scoped3A : memref<!tpu.dma_semaphore, #tpu.memory_space<semaphore_mem>>) src(%arg13 : memref<125x64xf32, #tpu.memory_space<vmem>>) dst(%dma_wait3A_74 : memref<125x64xf32, #tpu.memory_space<vmem_shared>>)
      tpu.yield
    }) : () -> ()
    %add3A_14 = arith.constant 375 : i32
    %add3A_15 = arith.addi %mul3A_2, %add3A_14 : i32
    "tpu.region"() ({
      %run_scoped3A = tpu.sem_alloc : memref<!tpu.dma_semaphore, #tpu.memory_space<semaphore_mem>>
      %dma_start3A_67 = arith.constant 0 : i32
      %dma_start3A_68 = tpu.memref_slice %arg14[%add3A_15, %dma_start3A_67] : memref<10000x64xf32, #tpu.memory_space<vmem_shared>> -> memref<125x64xf32, #tpu.memory_space<vmem_shared>>
      %dma_start3A_69 = arith.constant 0 : i32
      %dma_start3A_70 = tpu.memref_slice %arg14[%add3A_15, %dma_start3A_69] : memref<10000x64xf32, #tpu.memory_space<vmem_shared>> -> memref<125x64xf32, #tpu.memory_space<vmem_shared>>
      tpu.enqueue_dma source(%arg13 : memref<125x64xf32, #tpu.memory_space<vmem>>) target(%dma_start3A_70 : memref<125x64xf32, #tpu.memory_space<vmem_shared>>) target_semaphore(%run_scoped3A : memref<!tpu.dma_semaphore, #tpu.memory_space<semaphore_mem>>)
      %dma_wait3A_71 = arith.constant 0 : i32
      %dma_wait3A_72 = tpu.memref_slice %arg14[%add3A_15, %dma_wait3A_71] : memref<10000x64xf32, #tpu.memory_space<vmem_shared>> -> memref<125x64xf32, #tpu.memory_space<vmem_shared>>
      %dma_wait3A_73 = arith.constant 0 : i32
      %dma_wait3A_74 = tpu.memref_slice %arg14[%add3A_15, %dma_wait3A_73] : memref<10000x64xf32, #tpu.memory_space<vmem_shared>> -> memref<125x64xf32, #tpu.memory_space<vmem_shared>>
      tpu.wait_dma2 semaphore(%run_scoped3A : memref<!tpu.dma_semaphore, #tpu.memory_space<semaphore_mem>>) src(%arg13 : memref<125x64xf32, #tpu.memory_space<vmem>>) dst(%dma_wait3A_74 : memref<125x64xf32, #tpu.memory_space<vmem_shared>>)
      tpu.yield
    }) : () -> ()
    %add3A_16 = arith.constant 500 : i32
    %add3A_17 = arith.addi %mul3A_2, %add3A_16 : i32
    "tpu.region"() ({
      %run_scoped3A = tpu.sem_alloc : memref<!tpu.dma_semaphore, #tpu.memory_space<semaphore_mem>>
      %dma_start3A_67 = arith.constant 0 : i32
      %dma_start3A_68 = tpu.memref_slice %arg14[%add3A_17, %dma_start3A_67] : memref<10000x64xf32, #tpu.memory_space<vmem_shared>> -> memref<125x64xf32, #tpu.memory_space<vmem_shared>>
      %dma_start3A_69 = arith.constant 0 : i32
      %dma_start3A_70 = tpu.memref_slice %arg14[%add3A_17, %dma_start3A_69] : memref<10000x64xf32, #tpu.memory_space<vmem_shared>> -> memref<125x64xf32, #tpu.memory_space<vmem_shared>>
      tpu.enqueue_dma source(%arg13 : memref<125x64xf32, #tpu.memory_space<vmem>>) target(%dma_start3A_70 : memref<125x64xf32, #tpu.memory_space<vmem_shared>>) target_semaphore(%run_scoped3A : memref<!tpu.dma_semaphore, #tpu.memory_space<semaphore_mem>>)
      %dma_wait3A_71 = arith.constant 0 : i32
      %dma_wait3A_72 = tpu.memref_slice %arg14[%add3A_17, %dma_wait3A_71] : memref<10000x64xf32, #tpu.memory_space<vmem_shared>> -> memref<125x64xf32, #tpu.memory_space<vmem_shared>>
      %dma_wait3A_73 = arith.constant 0 : i32
      %dma_wait3A_74 = tpu.memref_slice %arg14[%add3A_17, %dma_wait3A_73] : memref<10000x64xf32, #tpu.memory_space<vmem_shared>> -> memref<125x64xf32, #tpu.memory_space<vmem_shared>>
      tpu.wait_dma2 semaphore(%run_scoped3A : memref<!tpu.dma_semaphore, #tpu.memory_space<semaphore_mem>>) src(%arg13 : memref<125x64xf32, #tpu.memory_space<vmem>>) dst(%dma_wait3A_74 : memref<125x64xf32, #tpu.memory_space<vmem_shared>>)
      tpu.yield
    }) : () -> ()
    %barrier3A = arith.constant 0 : index
    tpu.barrier barrier_id(%barrier3A)
    %dma_start3A = arith.constant 0 : i32
    %dma_start3A_18 = arith.constant 0 : i32
    %dma_start3A_19 = tpu.memref_slice %arg6[%dma_start3A, %dma_start3A_18] : memref<160x125xi32, #tpu.memory_space<vmem>> -> memref<1x125xi32, #tpu.memory_space<vmem>>
    %dma_start3A_20 = tpu.memref_squeeze %dma_start3A_19 : memref<1x125xi32, #tpu.memory_space<vmem>> -> memref<125xi32, #tpu.memory_space<vmem>>
    %dma_start3A_21 = arith.constant 0 : i32
    %dma_start3A_22 = arith.constant 0 : i32
    %dma_start3A_23 = tpu.memref_slice %arg2[%arg0, %dma_start3A_21, %dma_start3A_22] : memref<2x10000x64xf32, #tpu.memory_space<hbm>> -> memref<1x10000x64xf32, #tpu.memory_space<hbm>>
    %dma_start3A_24 = tpu.memref_squeeze %dma_start3A_23 : memref<1x10000x64xf32, #tpu.memory_space<hbm>> -> memref<10000x64xf32, #tpu.memory_space<hbm>>
    %dma_start3A_25 = arith.constant 0 : i32
    %dma_start3A_26 = arith.constant 0 : i32
    %dma_start3A_27 = tpu.memref_slice %dma_start3A_24[%dma_start3A_25, %dma_start3A_26] : memref<10000x64xf32, #tpu.memory_space<hbm>> -> memref<10000x64xf32, #tpu.memory_space<hbm>>
    tpu.enqueue_indirect_dma source(%dma_start3A_27 : memref<10000x64xf32, #tpu.memory_space<hbm>>) target(%arg8 : memref<125x64xf32, #tpu.memory_space<vmem>>) offsets(%dma_start3A_20 : memref<125xi32, #tpu.memory_space<vmem>>) semaphore(%arg15 : memref<!tpu.dma_semaphore, #tpu.memory_space<semaphore_mem>>)
    %dma_start3A_28 = arith.constant 1 : i32
    %dma_start3A_29 = arith.constant 0 : i32
    %dma_start3A_30 = tpu.memref_slice %arg6[%dma_start3A_28, %dma_start3A_29] : memref<160x125xi32, #tpu.memory_space<vmem>> -> memref<1x125xi32, #tpu.memory_space<vmem>>
    %dma_start3A_31 = tpu.memref_squeeze %dma_start3A_30 : memref<1x125xi32, #tpu.memory_space<vmem>> -> memref<125xi32, #tpu.memory_space<vmem>>
    %dma_start3A_32 = arith.constant 0 : i32
    %dma_start3A_33 = arith.constant 0 : i32
    %dma_start3A_34 = tpu.memref_slice %arg2[%arg0, %dma_start3A_32, %dma_start3A_33] : memref<2x10000x64xf32, #tpu.memory_space<hbm>> -> memref<1x10000x64xf32, #tpu.memory_space<hbm>>
    %dma_start3A_35 = tpu.memref_squeeze %dma_start3A_34 : memref<1x10000x64xf32, #tpu.memory_space<hbm>> -> memref<10000x64xf32, #tpu.memory_space<hbm>>
    %dma_start3A_36 = arith.constant 0 : i32
    %dma_start3A_37 = arith.constant 0 : i32
    %dma_start3A_38 = tpu.memref_slice %dma_start3A_35[%dma_start3A_36, %dma_start3A_37] : memref<10000x64xf32, #tpu.memory_space<hbm>> -> memref<10000x64xf32, #tpu.memory_space<hbm>>
    tpu.enqueue_indirect_dma source(%dma_start3A_38 : memref<10000x64xf32, #tpu.memory_space<hbm>>) target(%arg9 : memref<125x64xf32, #tpu.memory_space<vmem>>) offsets(%dma_start3A_31 : memref<125xi32, #tpu.memory_space<vmem>>) semaphore(%arg16 : memref<!tpu.dma_semaphore, #tpu.memory_space<semaphore_mem>>)
    %scan3A_39 = arith.constant 0 : i32
    %scan3A_40 = arith.constant 0 : i32
    %scan3A_41 = arith.constant 32 : i32
    %scan3A_42 = arith.addi %scan3A_40, %scan3A_41 : i32
    %scan3A_43 = arith.constant 1 : i32
    %scan3A_44 = scf.for %scan3A_67 = %scan3A_40 to %scan3A_42 step %scan3A_43 iter_args(%scan3A_68 = %scan3A_39) -> (i32)  : i32 {
      %mul3A_69 = arith.constant 5 : i32
      %mul3A_70 = arith.muli %scan3A_67, %mul3A_69 : i32
      %add3A_71 = arith.constant 0 : i32
      %add3A_72 = arith.addi %mul3A_70, %add3A_71 : i32
      %dma_wait3A_73 = arith.constant 0 : i32
      %dma_wait3A_74 = arith.constant 0 : i32
      %dma_wait3A_75 = tpu.memref_slice %arg6[%dma_wait3A_73, %dma_wait3A_74] : memref<160x125xi32, #tpu.memory_space<vmem>> -> memref<1x125xi32, #tpu.memory_space<vmem>>
      %dma_wait3A_76 = tpu.memref_squeeze %dma_wait3A_75 : memref<1x125xi32, #tpu.memory_space<vmem>> -> memref<125xi32, #tpu.memory_space<vmem>>
      %dma_wait3A_77 = arith.constant 0 : i32
      %dma_wait3A_78 = arith.constant 0 : i32
      %dma_wait3A_79 = tpu.memref_slice %arg2[%arg0, %dma_wait3A_77, %dma_wait3A_78] : memref<2x10000x64xf32, #tpu.memory_space<hbm>> -> memref<1x10000x64xf32, #tpu.memory_space<hbm>>
      %dma_wait3A_80 = tpu.memref_squeeze %dma_wait3A_79 : memref<1x10000x64xf32, #tpu.memory_space<hbm>> -> memref<10000x64xf32, #tpu.memory_space<hbm>>
      %dma_wait3A_81 = arith.constant 0 : i32
      %dma_wait3A_82 = arith.constant 0 : i32
      %dma_wait3A_83 = tpu.memref_slice %dma_wait3A_80[%dma_wait3A_81, %dma_wait3A_82] : memref<10000x64xf32, #tpu.memory_space<hbm>> -> memref<10000x64xf32, #tpu.memory_space<hbm>>
      tpu.wait_indirect_dma semaphore(%arg15 : memref<!tpu.dma_semaphore, #tpu.memory_space<semaphore_mem>>) src(%dma_wait3A_83 : memref<10000x64xf32, #tpu.memory_space<hbm>>) dst(%arg8 : memref<125x64xf32, #tpu.memory_space<vmem>>)
      %dma_start3A_84 = arith.constant 0 : i32
      %dma_start3A_85 = tpu.memref_slice %arg7[%add3A_72, %dma_start3A_84] : memref<160x125xi32, #tpu.memory_space<vmem>> -> memref<1x125xi32, #tpu.memory_space<vmem>>
      %dma_start3A_86 = tpu.memref_squeeze %dma_start3A_85 : memref<1x125xi32, #tpu.memory_space<vmem>> -> memref<125xi32, #tpu.memory_space<vmem>>
      %dma_start3A_87 = arith.constant 0 : i32
      %dma_start3A_88 = arith.constant 0 : i32
      %dma_start3A_89 = tpu.memref_slice %arg14[%dma_start3A_87, %dma_start3A_88] : memref<10000x64xf32, #tpu.memory_space<vmem_shared>> -> memref<10000x64xf32, #tpu.memory_space<vmem_shared>>
      tpu.enqueue_indirect_dma source(%arg8 : memref<125x64xf32, #tpu.memory_space<vmem>>) target(%dma_start3A_89 : memref<10000x64xf32, #tpu.memory_space<vmem_shared>>) offsets(%dma_start3A_86 : memref<125xi32, #tpu.memory_space<vmem>>) semaphore(%arg20 : memref<!tpu.dma_semaphore, #tpu.memory_space<semaphore_mem>>) {add = true}
      %ge3A = arith.constant 3 : i32
      %ge3A_90 = arith.cmpi sge, %add3A_72, %ge3A : i32
      %convert_element_type3A = arith.extui %ge3A_90 : i1 to i32
      %cond3A = arith.constant 0 : i32
      %cond3A_91 = arith.cmpi ne, %convert_element_type3A, %cond3A : i32
      scf.if %cond3A_91 {
        %dma_wait3A_231 = arith.constant 0 : i32
        %dma_wait3A_232 = arith.constant 0 : i32
        %dma_wait3A_233 = tpu.memref_slice %arg7[%dma_wait3A_231, %dma_wait3A_232] : memref<160x125xi32, #tpu.memory_space<vmem>> -> memref<1x125xi32, #tpu.memory_space<vmem>>
        %dma_wait3A_234 = tpu.memref_squeeze %dma_wait3A_233 : memref<1x125xi32, #tpu.memory_space<vmem>> -> memref<125xi32, #tpu.memory_space<vmem>>
        %dma_wait3A_235 = arith.constant 0 : i32
        %dma_wait3A_236 = arith.constant 0 : i32
        %dma_wait3A_237 = tpu.memref_slice %arg14[%dma_wait3A_235, %dma_wait3A_236] : memref<10000x64xf32, #tpu.memory_space<vmem_shared>> -> memref<10000x64xf32, #tpu.memory_space<vmem_shared>>
        tpu.wait_indirect_dma semaphore(%arg22 : memref<!tpu.dma_semaphore, #tpu.memory_space<semaphore_mem>>) src(%arg10 : memref<125x64xf32, #tpu.memory_space<vmem>>) dst(%dma_wait3A_237 : memref<10000x64xf32, #tpu.memory_space<vmem_shared>>)
      } else {
      }
      %add3A_92 = arith.constant 2 : i32
      %add3A_93 = arith.addi %add3A_72, %add3A_92 : i32
      %lt3A = arith.constant 160 : i32
      %lt3A_94 = arith.cmpi slt, %add3A_93, %lt3A : i32
      %convert_element_type3A_95 = arith.extui %lt3A_94 : i1 to i32
      %cond3A_96 = arith.constant 0 : i32
      %cond3A_97 = arith.cmpi ne, %convert_element_type3A_95, %cond3A_96 : i32
      scf.if %cond3A_97 {
        %add3A_231 = arith.constant 2 : i32
        %add3A_232 = arith.addi %add3A_72, %add3A_231 : i32
        %dma_start3A_233 = arith.constant 0 : i32
        %dma_start3A_234 = tpu.memref_slice %arg6[%add3A_232, %dma_start3A_233] : memref<160x125xi32, #tpu.memory_space<vmem>> -> memref<1x125xi32, #tpu.memory_space<vmem>>
        %dma_start3A_235 = tpu.memref_squeeze %dma_start3A_234 : memref<1x125xi32, #tpu.memory_space<vmem>> -> memref<125xi32, #tpu.memory_space<vmem>>
        %dma_start3A_236 = arith.constant 0 : i32
        %dma_start3A_237 = arith.constant 0 : i32
        %dma_start3A_238 = tpu.memref_slice %arg2[%arg0, %dma_start3A_236, %dma_start3A_237] : memref<2x10000x64xf32, #tpu.memory_space<hbm>> -> memref<1x10000x64xf32, #tpu.memory_space<hbm>>
        %dma_start3A_239 = tpu.memref_squeeze %dma_start3A_238 : memref<1x10000x64xf32, #tpu.memory_space<hbm>> -> memref<10000x64xf32, #tpu.memory_space<hbm>>
        %dma_start3A_240 = arith.constant 0 : i32
        %dma_start3A_241 = arith.constant 0 : i32
        %dma_start3A_242 = tpu.memref_slice %dma_start3A_239[%dma_start3A_240, %dma_start3A_241] : memref<10000x64xf32, #tpu.memory_space<hbm>> -> memref<10000x64xf32, #tpu.memory_space<hbm>>
        tpu.enqueue_indirect_dma source(%dma_start3A_242 : memref<10000x64xf32, #tpu.memory_space<hbm>>) target(%arg10 : memref<125x64xf32, #tpu.memory_space<vmem>>) offsets(%dma_start3A_235 : memref<125xi32, #tpu.memory_space<vmem>>) semaphore(%arg17 : memref<!tpu.dma_semaphore, #tpu.memory_space<semaphore_mem>>)
      } else {
      }
      %mul3A_98 = arith.constant 5 : i32
      %mul3A_99 = arith.muli %scan3A_67, %mul3A_98 : i32
      %add3A_100 = arith.constant 1 : i32
      %add3A_101 = arith.addi %mul3A_99, %add3A_100 : i32
      %dma_wait3A_102 = arith.constant 0 : i32
      %dma_wait3A_103 = arith.constant 0 : i32
      %dma_wait3A_104 = tpu.memref_slice %arg6[%dma_wait3A_102, %dma_wait3A_103] : memref<160x125xi32, #tpu.memory_space<vmem>> -> memref<1x125xi32, #tpu.memory_space<vmem>>
      %dma_wait3A_105 = tpu.memref_squeeze %dma_wait3A_104 : memref<1x125xi32, #tpu.memory_space<vmem>> -> memref<125xi32, #tpu.memory_space<vmem>>
      %dma_wait3A_106 = arith.constant 0 : i32
      %dma_wait3A_107 = arith.constant 0 : i32
      %dma_wait3A_108 = tpu.memref_slice %arg2[%arg0, %dma_wait3A_106, %dma_wait3A_107] : memref<2x10000x64xf32, #tpu.memory_space<hbm>> -> memref<1x10000x64xf32, #tpu.memory_space<hbm>>
      %dma_wait3A_109 = tpu.memref_squeeze %dma_wait3A_108 : memref<1x10000x64xf32, #tpu.memory_space<hbm>> -> memref<10000x64xf32, #tpu.memory_space<hbm>>
      %dma_wait3A_110 = arith.constant 0 : i32
      %dma_wait3A_111 = arith.constant 0 : i32
      %dma_wait3A_112 = tpu.memref_slice %dma_wait3A_109[%dma_wait3A_110, %dma_wait3A_111] : memref<10000x64xf32, #tpu.memory_space<hbm>> -> memref<10000x64xf32, #tpu.memory_space<hbm>>
      tpu.wait_indirect_dma semaphore(%arg16 : memref<!tpu.dma_semaphore, #tpu.memory_space<semaphore_mem>>) src(%dma_wait3A_112 : memref<10000x64xf32, #tpu.memory_space<hbm>>) dst(%arg9 : memref<125x64xf32, #tpu.memory_space<vmem>>)
      %dma_start3A_113 = arith.constant 0 : i32
      %dma_start3A_114 = tpu.memref_slice %arg7[%add3A_101, %dma_start3A_113] : memref<160x125xi32, #tpu.memory_space<vmem>> -> memref<1x125xi32, #tpu.memory_space<vmem>>
      %dma_start3A_115 = tpu.memref_squeeze %dma_start3A_114 : memref<1x125xi32, #tpu.memory_space<vmem>> -> memref<125xi32, #tpu.memory_space<vmem>>
      %dma_start3A_116 = arith.constant 0 : i32
      %dma_start3A_117 = arith.constant 0 : i32
      %dma_start3A_118 = tpu.memref_slice %arg14[%dma_start3A_116, %dma_start3A_117] : memref<10000x64xf32, #tpu.memory_space<vmem_shared>> -> memref<10000x64xf32, #tpu.memory_space<vmem_shared>>
      tpu.enqueue_indirect_dma source(%arg9 : memref<125x64xf32, #tpu.memory_space<vmem>>) target(%dma_start3A_118 : memref<10000x64xf32, #tpu.memory_space<vmem_shared>>) offsets(%dma_start3A_115 : memref<125xi32, #tpu.memory_space<vmem>>) semaphore(%arg21 : memref<!tpu.dma_semaphore, #tpu.memory_space<semaphore_mem>>) {add = true}
      %ge3A_119 = arith.constant 3 : i32
      %ge3A_120 = arith.cmpi sge, %add3A_101, %ge3A_119 : i32
      %convert_element_type3A_121 = arith.extui %ge3A_120 : i1 to i32
      %cond3A_122 = arith.constant 0 : i32
      %cond3A_123 = arith.cmpi ne, %convert_element_type3A_121, %cond3A_122 : i32
      scf.if %cond3A_123 {
        %dma_wait3A_231 = arith.constant 0 : i32
        %dma_wait3A_232 = arith.constant 0 : i32
        %dma_wait3A_233 = tpu.memref_slice %arg7[%dma_wait3A_231, %dma_wait3A_232] : memref<160x125xi32, #tpu.memory_space<vmem>> -> memref<1x125xi32, #tpu.memory_space<vmem>>
        %dma_wait3A_234 = tpu.memref_squeeze %dma_wait3A_233 : memref<1x125xi32, #tpu.memory_space<vmem>> -> memref<125xi32, #tpu.memory_space<vmem>>
        %dma_wait3A_235 = arith.constant 0 : i32
        %dma_wait3A_236 = arith.constant 0 : i32
        %dma_wait3A_237 = tpu.memref_slice %arg14[%dma_wait3A_235, %dma_wait3A_236] : memref<10000x64xf32, #tpu.memory_space<vmem_shared>> -> memref<10000x64xf32, #tpu.memory_space<vmem_shared>>
        tpu.wait_indirect_dma semaphore(%arg23 : memref<!tpu.dma_semaphore, #tpu.memory_space<semaphore_mem>>) src(%arg11 : memref<125x64xf32, #tpu.memory_space<vmem>>) dst(%dma_wait3A_237 : memref<10000x64xf32, #tpu.memory_space<vmem_shared>>)
      } else {
      }
      %add3A_124 = arith.constant 2 : i32
      %add3A_125 = arith.addi %add3A_101, %add3A_124 : i32
      %lt3A_126 = arith.constant 160 : i32
      %lt3A_127 = arith.cmpi slt, %add3A_125, %lt3A_126 : i32
      %convert_element_type3A_128 = arith.extui %lt3A_127 : i1 to i32
      %cond3A_129 = arith.constant 0 : i32
      %cond3A_130 = arith.cmpi ne, %convert_element_type3A_128, %cond3A_129 : i32
      scf.if %cond3A_130 {
        %add3A_231 = arith.constant 2 : i32
        %add3A_232 = arith.addi %add3A_101, %add3A_231 : i32
        %dma_start3A_233 = arith.constant 0 : i32
        %dma_start3A_234 = tpu.memref_slice %arg6[%add3A_232, %dma_start3A_233] : memref<160x125xi32, #tpu.memory_space<vmem>> -> memref<1x125xi32, #tpu.memory_space<vmem>>
        %dma_start3A_235 = tpu.memref_squeeze %dma_start3A_234 : memref<1x125xi32, #tpu.memory_space<vmem>> -> memref<125xi32, #tpu.memory_space<vmem>>
        %dma_start3A_236 = arith.constant 0 : i32
        %dma_start3A_237 = arith.constant 0 : i32
        %dma_start3A_238 = tpu.memref_slice %arg2[%arg0, %dma_start3A_236, %dma_start3A_237] : memref<2x10000x64xf32, #tpu.memory_space<hbm>> -> memref<1x10000x64xf32, #tpu.memory_space<hbm>>
        %dma_start3A_239 = tpu.memref_squeeze %dma_start3A_238 : memref<1x10000x64xf32, #tpu.memory_space<hbm>> -> memref<10000x64xf32, #tpu.memory_space<hbm>>
        %dma_start3A_240 = arith.constant 0 : i32
        %dma_start3A_241 = arith.constant 0 : i32
        %dma_start3A_242 = tpu.memref_slice %dma_start3A_239[%dma_start3A_240, %dma_start3A_241] : memref<10000x64xf32, #tpu.memory_space<hbm>> -> memref<10000x64xf32, #tpu.memory_space<hbm>>
        tpu.enqueue_indirect_dma source(%dma_start3A_242 : memref<10000x64xf32, #tpu.memory_space<hbm>>) target(%arg11 : memref<125x64xf32, #tpu.memory_space<vmem>>) offsets(%dma_start3A_235 : memref<125xi32, #tpu.memory_space<vmem>>) semaphore(%arg18 : memref<!tpu.dma_semaphore, #tpu.memory_space<semaphore_mem>>)
      } else {
      }
      %mul3A_131 = arith.constant 5 : i32
      %mul3A_132 = arith.muli %scan3A_67, %mul3A_131 : i32
      %add3A_133 = arith.constant 2 : i32
      %add3A_134 = arith.addi %mul3A_132, %add3A_133 : i32
      %dma_wait3A_135 = arith.constant 0 : i32
      %dma_wait3A_136 = arith.constant 0 : i32
      %dma_wait3A_137 = tpu.memref_slice %arg6[%dma_wait3A_135, %dma_wait3A_136] : memref<160x125xi32, #tpu.memory_space<vmem>> -> memref<1x125xi32, #tpu.memory_space<vmem>>
      %dma_wait3A_138 = tpu.memref_squeeze %dma_wait3A_137 : memref<1x125xi32, #tpu.memory_space<vmem>> -> memref<125xi32, #tpu.memory_space<vmem>>
      %dma_wait3A_139 = arith.constant 0 : i32
      %dma_wait3A_140 = arith.constant 0 : i32
      %dma_wait3A_141 = tpu.memref_slice %arg2[%arg0, %dma_wait3A_139, %dma_wait3A_140] : memref<2x10000x64xf32, #tpu.memory_space<hbm>> -> memref<1x10000x64xf32, #tpu.memory_space<hbm>>
      %dma_wait3A_142 = tpu.memref_squeeze %dma_wait3A_141 : memref<1x10000x64xf32, #tpu.memory_space<hbm>> -> memref<10000x64xf32, #tpu.memory_space<hbm>>
      %dma_wait3A_143 = arith.constant 0 : i32
      %dma_wait3A_144 = arith.constant 0 : i32
      %dma_wait3A_145 = tpu.memref_slice %dma_wait3A_142[%dma_wait3A_143, %dma_wait3A_144] : memref<10000x64xf32, #tpu.memory_space<hbm>> -> memref<10000x64xf32, #tpu.memory_space<hbm>>
      tpu.wait_indirect_dma semaphore(%arg17 : memref<!tpu.dma_semaphore, #tpu.memory_space<semaphore_mem>>) src(%dma_wait3A_145 : memref<10000x64xf32, #tpu.memory_space<hbm>>) dst(%arg10 : memref<125x64xf32, #tpu.memory_space<vmem>>)
      %dma_start3A_146 = arith.constant 0 : i32
      %dma_start3A_147 = tpu.memref_slice %arg7[%add3A_134, %dma_start3A_146] : memref<160x125xi32, #tpu.memory_space<vmem>> -> memref<1x125xi32, #tpu.memory_space<vmem>>
      %dma_start3A_148 = tpu.memref_squeeze %dma_start3A_147 : memref<1x125xi32, #tpu.memory_space<vmem>> -> memref<125xi32, #tpu.memory_space<vmem>>
      %dma_start3A_149 = arith.constant 0 : i32
      %dma_start3A_150 = arith.constant 0 : i32
      %dma_start3A_151 = tpu.memref_slice %arg14[%dma_start3A_149, %dma_start3A_150] : memref<10000x64xf32, #tpu.memory_space<vmem_shared>> -> memref<10000x64xf32, #tpu.memory_space<vmem_shared>>
      tpu.enqueue_indirect_dma source(%arg10 : memref<125x64xf32, #tpu.memory_space<vmem>>) target(%dma_start3A_151 : memref<10000x64xf32, #tpu.memory_space<vmem_shared>>) offsets(%dma_start3A_148 : memref<125xi32, #tpu.memory_space<vmem>>) semaphore(%arg22 : memref<!tpu.dma_semaphore, #tpu.memory_space<semaphore_mem>>) {add = true}
      %ge3A_152 = arith.constant 3 : i32
      %ge3A_153 = arith.cmpi sge, %add3A_134, %ge3A_152 : i32
      %convert_element_type3A_154 = arith.extui %ge3A_153 : i1 to i32
      %cond3A_155 = arith.constant 0 : i32
      %cond3A_156 = arith.cmpi ne, %convert_element_type3A_154, %cond3A_155 : i32
      scf.if %cond3A_156 {
        %dma_wait3A_231 = arith.constant 0 : i32
        %dma_wait3A_232 = arith.constant 0 : i32
        %dma_wait3A_233 = tpu.memref_slice %arg7[%dma_wait3A_231, %dma_wait3A_232] : memref<160x125xi32, #tpu.memory_space<vmem>> -> memref<1x125xi32, #tpu.memory_space<vmem>>
        %dma_wait3A_234 = tpu.memref_squeeze %dma_wait3A_233 : memref<1x125xi32, #tpu.memory_space<vmem>> -> memref<125xi32, #tpu.memory_space<vmem>>
        %dma_wait3A_235 = arith.constant 0 : i32
        %dma_wait3A_236 = arith.constant 0 : i32
        %dma_wait3A_237 = tpu.memref_slice %arg14[%dma_wait3A_235, %dma_wait3A_236] : memref<10000x64xf32, #tpu.memory_space<vmem_shared>> -> memref<10000x64xf32, #tpu.memory_space<vmem_shared>>
        tpu.wait_indirect_dma semaphore(%arg24 : memref<!tpu.dma_semaphore, #tpu.memory_space<semaphore_mem>>) src(%arg12 : memref<125x64xf32, #tpu.memory_space<vmem>>) dst(%dma_wait3A_237 : memref<10000x64xf32, #tpu.memory_space<vmem_shared>>)
      } else {
      }
      %add3A_157 = arith.constant 2 : i32
      %add3A_158 = arith.addi %add3A_134, %add3A_157 : i32
      %lt3A_159 = arith.constant 160 : i32
      %lt3A_160 = arith.cmpi slt, %add3A_158, %lt3A_159 : i32
      %convert_element_type3A_161 = arith.extui %lt3A_160 : i1 to i32
      %cond3A_162 = arith.constant 0 : i32
      %cond3A_163 = arith.cmpi ne, %convert_element_type3A_161, %cond3A_162 : i32
      scf.if %cond3A_163 {
        %add3A_231 = arith.constant 2 : i32
        %add3A_232 = arith.addi %add3A_134, %add3A_231 : i32
        %dma_start3A_233 = arith.constant 0 : i32
        %dma_start3A_234 = tpu.memref_slice %arg6[%add3A_232, %dma_start3A_233] : memref<160x125xi32, #tpu.memory_space<vmem>> -> memref<1x125xi32, #tpu.memory_space<vmem>>
        %dma_start3A_235 = tpu.memref_squeeze %dma_start3A_234 : memref<1x125xi32, #tpu.memory_space<vmem>> -> memref<125xi32, #tpu.memory_space<vmem>>
        %dma_start3A_236 = arith.constant 0 : i32
        %dma_start3A_237 = arith.constant 0 : i32
        %dma_start3A_238 = tpu.memref_slice %arg2[%arg0, %dma_start3A_236, %dma_start3A_237] : memref<2x10000x64xf32, #tpu.memory_space<hbm>> -> memref<1x10000x64xf32, #tpu.memory_space<hbm>>
        %dma_start3A_239 = tpu.memref_squeeze %dma_start3A_238 : memref<1x10000x64xf32, #tpu.memory_space<hbm>> -> memref<10000x64xf32, #tpu.memory_space<hbm>>
        %dma_start3A_240 = arith.constant 0 : i32
        %dma_start3A_241 = arith.constant 0 : i32
        %dma_start3A_242 = tpu.memref_slice %dma_start3A_239[%dma_start3A_240, %dma_start3A_241] : memref<10000x64xf32, #tpu.memory_space<hbm>> -> memref<10000x64xf32, #tpu.memory_space<hbm>>
        tpu.enqueue_indirect_dma source(%dma_start3A_242 : memref<10000x64xf32, #tpu.memory_space<hbm>>) target(%arg12 : memref<125x64xf32, #tpu.memory_space<vmem>>) offsets(%dma_start3A_235 : memref<125xi32, #tpu.memory_space<vmem>>) semaphore(%arg19 : memref<!tpu.dma_semaphore, #tpu.memory_space<semaphore_mem>>)
      } else {
      }
      %mul3A_164 = arith.constant 5 : i32
      %mul3A_165 = arith.muli %scan3A_67, %mul3A_164 : i32
      %add3A_166 = arith.constant 3 : i32
      %add3A_167 = arith.addi %mul3A_165, %add3A_166 : i32
      %dma_wait3A_168 = arith.constant 0 : i32
      %dma_wait3A_169 = arith.constant 0 : i32
      %dma_wait3A_170 = tpu.memref_slice %arg6[%dma_wait3A_168, %dma_wait3A_169] : memref<160x125xi32, #tpu.memory_space<vmem>> -> memref<1x125xi32, #tpu.memory_space<vmem>>
      %dma_wait3A_171 = tpu.memref_squeeze %dma_wait3A_170 : memref<1x125xi32, #tpu.memory_space<vmem>> -> memref<125xi32, #tpu.memory_space<vmem>>
      %dma_wait3A_172 = arith.constant 0 : i32
      %dma_wait3A_173 = arith.constant 0 : i32
      %dma_wait3A_174 = tpu.memref_slice %arg2[%arg0, %dma_wait3A_172, %dma_wait3A_173] : memref<2x10000x64xf32, #tpu.memory_space<hbm>> -> memref<1x10000x64xf32, #tpu.memory_space<hbm>>
      %dma_wait3A_175 = tpu.memref_squeeze %dma_wait3A_174 : memref<1x10000x64xf32, #tpu.memory_space<hbm>> -> memref<10000x64xf32, #tpu.memory_space<hbm>>
      %dma_wait3A_176 = arith.constant 0 : i32
      %dma_wait3A_177 = arith.constant 0 : i32
      %dma_wait3A_178 = tpu.memref_slice %dma_wait3A_175[%dma_wait3A_176, %dma_wait3A_177] : memref<10000x64xf32, #tpu.memory_space<hbm>> -> memref<10000x64xf32, #tpu.memory_space<hbm>>
      tpu.wait_indirect_dma semaphore(%arg18 : memref<!tpu.dma_semaphore, #tpu.memory_space<semaphore_mem>>) src(%dma_wait3A_178 : memref<10000x64xf32, #tpu.memory_space<hbm>>) dst(%arg11 : memref<125x64xf32, #tpu.memory_space<vmem>>)
      %dma_start3A_179 = arith.constant 0 : i32
      %dma_start3A_180 = tpu.memref_slice %arg7[%add3A_167, %dma_start3A_179] : memref<160x125xi32, #tpu.memory_space<vmem>> -> memref<1x125xi32, #tpu.memory_space<vmem>>
      %dma_start3A_181 = tpu.memref_squeeze %dma_start3A_180 : memref<1x125xi32, #tpu.memory_space<vmem>> -> memref<125xi32, #tpu.memory_space<vmem>>
      %dma_start3A_182 = arith.constant 0 : i32
      %dma_start3A_183 = arith.constant 0 : i32
      %dma_start3A_184 = tpu.memref_slice %arg14[%dma_start3A_182, %dma_start3A_183] : memref<10000x64xf32, #tpu.memory_space<vmem_shared>> -> memref<10000x64xf32, #tpu.memory_space<vmem_shared>>
      tpu.enqueue_indirect_dma source(%arg11 : memref<125x64xf32, #tpu.memory_space<vmem>>) target(%dma_start3A_184 : memref<10000x64xf32, #tpu.memory_space<vmem_shared>>) offsets(%dma_start3A_181 : memref<125xi32, #tpu.memory_space<vmem>>) semaphore(%arg23 : memref<!tpu.dma_semaphore, #tpu.memory_space<semaphore_mem>>) {add = true}
      %ge3A_185 = arith.constant 3 : i32
      %ge3A_186 = arith.cmpi sge, %add3A_167, %ge3A_185 : i32
      %convert_element_type3A_187 = arith.extui %ge3A_186 : i1 to i32
      %cond3A_188 = arith.constant 0 : i32
      %cond3A_189 = arith.cmpi ne, %convert_element_type3A_187, %cond3A_188 : i32
      scf.if %cond3A_189 {
        %dma_wait3A_231 = arith.constant 0 : i32
        %dma_wait3A_232 = arith.constant 0 : i32
        %dma_wait3A_233 = tpu.memref_slice %arg7[%dma_wait3A_231, %dma_wait3A_232] : memref<160x125xi32, #tpu.memory_space<vmem>> -> memref<1x125xi32, #tpu.memory_space<vmem>>
        %dma_wait3A_234 = tpu.memref_squeeze %dma_wait3A_233 : memref<1x125xi32, #tpu.memory_space<vmem>> -> memref<125xi32, #tpu.memory_space<vmem>>
        %dma_wait3A_235 = arith.constant 0 : i32
        %dma_wait3A_236 = arith.constant 0 : i32
        %dma_wait3A_237 = tpu.memref_slice %arg14[%dma_wait3A_235, %dma_wait3A_236] : memref<10000x64xf32, #tpu.memory_space<vmem_shared>> -> memref<10000x64xf32, #tpu.memory_space<vmem_shared>>
        tpu.wait_indirect_dma semaphore(%arg20 : memref<!tpu.dma_semaphore, #tpu.memory_space<semaphore_mem>>) src(%arg8 : memref<125x64xf32, #tpu.memory_space<vmem>>) dst(%dma_wait3A_237 : memref<10000x64xf32, #tpu.memory_space<vmem_shared>>)
      } else {
      }
      %add3A_190 = arith.constant 2 : i32
      %add3A_191 = arith.addi %add3A_167, %add3A_190 : i32
      %lt3A_192 = arith.constant 160 : i32
      %lt3A_193 = arith.cmpi slt, %add3A_191, %lt3A_192 : i32
      %convert_element_type3A_194 = arith.extui %lt3A_193 : i1 to i32
      %cond3A_195 = arith.constant 0 : i32
      %cond3A_196 = arith.cmpi ne, %convert_element_type3A_194, %cond3A_195 : i32
      scf.if %cond3A_196 {
        %add3A_231 = arith.constant 2 : i32
        %add3A_232 = arith.addi %add3A_167, %add3A_231 : i32
        %dma_start3A_233 = arith.constant 0 : i32
        %dma_start3A_234 = tpu.memref_slice %arg6[%add3A_232, %dma_start3A_233] : memref<160x125xi32, #tpu.memory_space<vmem>> -> memref<1x125xi32, #tpu.memory_space<vmem>>
        %dma_start3A_235 = tpu.memref_squeeze %dma_start3A_234 : memref<1x125xi32, #tpu.memory_space<vmem>> -> memref<125xi32, #tpu.memory_space<vmem>>
        %dma_start3A_236 = arith.constant 0 : i32
        %dma_start3A_237 = arith.constant 0 : i32
        %dma_start3A_238 = tpu.memref_slice %arg2[%arg0, %dma_start3A_236, %dma_start3A_237] : memref<2x10000x64xf32, #tpu.memory_space<hbm>> -> memref<1x10000x64xf32, #tpu.memory_space<hbm>>
        %dma_start3A_239 = tpu.memref_squeeze %dma_start3A_238 : memref<1x10000x64xf32, #tpu.memory_space<hbm>> -> memref<10000x64xf32, #tpu.memory_space<hbm>>
        %dma_start3A_240 = arith.constant 0 : i32
        %dma_start3A_241 = arith.constant 0 : i32
        %dma_start3A_242 = tpu.memref_slice %dma_start3A_239[%dma_start3A_240, %dma_start3A_241] : memref<10000x64xf32, #tpu.memory_space<hbm>> -> memref<10000x64xf32, #tpu.memory_space<hbm>>
        tpu.enqueue_indirect_dma source(%dma_start3A_242 : memref<10000x64xf32, #tpu.memory_space<hbm>>) target(%arg8 : memref<125x64xf32, #tpu.memory_space<vmem>>) offsets(%dma_start3A_235 : memref<125xi32, #tpu.memory_space<vmem>>) semaphore(%arg15 : memref<!tpu.dma_semaphore, #tpu.memory_space<semaphore_mem>>)
      } else {
      }
      %mul3A_197 = arith.constant 5 : i32
      %mul3A_198 = arith.muli %scan3A_67, %mul3A_197 : i32
      %add3A_199 = arith.constant 4 : i32
      %add3A_200 = arith.addi %mul3A_198, %add3A_199 : i32
      %dma_wait3A_201 = arith.constant 0 : i32
      %dma_wait3A_202 = arith.constant 0 : i32
      %dma_wait3A_203 = tpu.memref_slice %arg6[%dma_wait3A_201, %dma_wait3A_202] : memref<160x125xi32, #tpu.memory_space<vmem>> -> memref<1x125xi32, #tpu.memory_space<vmem>>
      %dma_wait3A_204 = tpu.memref_squeeze %dma_wait3A_203 : memref<1x125xi32, #tpu.memory_space<vmem>> -> memref<125xi32, #tpu.memory_space<vmem>>
      %dma_wait3A_205 = arith.constant 0 : i32
      %dma_wait3A_206 = arith.constant 0 : i32
      %dma_wait3A_207 = tpu.memref_slice %arg2[%arg0, %dma_wait3A_205, %dma_wait3A_206] : memref<2x10000x64xf32, #tpu.memory_space<hbm>> -> memref<1x10000x64xf32, #tpu.memory_space<hbm>>
      %dma_wait3A_208 = tpu.memref_squeeze %dma_wait3A_207 : memref<1x10000x64xf32, #tpu.memory_space<hbm>> -> memref<10000x64xf32, #tpu.memory_space<hbm>>
      %dma_wait3A_209 = arith.constant 0 : i32
      %dma_wait3A_210 = arith.constant 0 : i32
      %dma_wait3A_211 = tpu.memref_slice %dma_wait3A_208[%dma_wait3A_209, %dma_wait3A_210] : memref<10000x64xf32, #tpu.memory_space<hbm>> -> memref<10000x64xf32, #tpu.memory_space<hbm>>
      tpu.wait_indirect_dma semaphore(%arg19 : memref<!tpu.dma_semaphore, #tpu.memory_space<semaphore_mem>>) src(%dma_wait3A_211 : memref<10000x64xf32, #tpu.memory_space<hbm>>) dst(%arg12 : memref<125x64xf32, #tpu.memory_space<vmem>>)
      %dma_start3A_212 = arith.constant 0 : i32
      %dma_start3A_213 = tpu.memref_slice %arg7[%add3A_200, %dma_start3A_212] : memref<160x125xi32, #tpu.memory_space<vmem>> -> memref<1x125xi32, #tpu.memory_space<vmem>>
      %dma_start3A_214 = tpu.memref_squeeze %dma_start3A_213 : memref<1x125xi32, #tpu.memory_space<vmem>> -> memref<125xi32, #tpu.memory_space<vmem>>
      %dma_start3A_215 = arith.constant 0 : i32
      %dma_start3A_216 = arith.constant 0 : i32
      %dma_start3A_217 = tpu.memref_slice %arg14[%dma_start3A_215, %dma_start3A_216] : memref<10000x64xf32, #tpu.memory_space<vmem_shared>> -> memref<10000x64xf32, #tpu.memory_space<vmem_shared>>
      tpu.enqueue_indirect_dma source(%arg12 : memref<125x64xf32, #tpu.memory_space<vmem>>) target(%dma_start3A_217 : memref<10000x64xf32, #tpu.memory_space<vmem_shared>>) offsets(%dma_start3A_214 : memref<125xi32, #tpu.memory_space<vmem>>) semaphore(%arg24 : memref<!tpu.dma_semaphore, #tpu.memory_space<semaphore_mem>>) {add = true}
      %ge3A_218 = arith.constant 3 : i32
      %ge3A_219 = arith.cmpi sge, %add3A_200, %ge3A_218 : i32
      %convert_element_type3A_220 = arith.extui %ge3A_219 : i1 to i32
      %cond3A_221 = arith.constant 0 : i32
      %cond3A_222 = arith.cmpi ne, %convert_element_type3A_220, %cond3A_221 : i32
      scf.if %cond3A_222 {
        %dma_wait3A_231 = arith.constant 0 : i32
        %dma_wait3A_232 = arith.constant 0 : i32
        %dma_wait3A_233 = tpu.memref_slice %arg7[%dma_wait3A_231, %dma_wait3A_232] : memref<160x125xi32, #tpu.memory_space<vmem>> -> memref<1x125xi32, #tpu.memory_space<vmem>>
        %dma_wait3A_234 = tpu.memref_squeeze %dma_wait3A_233 : memref<1x125xi32, #tpu.memory_space<vmem>> -> memref<125xi32, #tpu.memory_space<vmem>>
        %dma_wait3A_235 = arith.constant 0 : i32
        %dma_wait3A_236 = arith.constant 0 : i32
        %dma_wait3A_237 = tpu.memref_slice %arg14[%dma_wait3A_235, %dma_wait3A_236] : memref<10000x64xf32, #tpu.memory_space<vmem_shared>> -> memref<10000x64xf32, #tpu.memory_space<vmem_shared>>
        tpu.wait_indirect_dma semaphore(%arg21 : memref<!tpu.dma_semaphore, #tpu.memory_space<semaphore_mem>>) src(%arg9 : memref<125x64xf32, #tpu.memory_space<vmem>>) dst(%dma_wait3A_237 : memref<10000x64xf32, #tpu.memory_space<vmem_shared>>)
      } else {
      }
      %add3A_223 = arith.constant 2 : i32
      %add3A_224 = arith.addi %add3A_200, %add3A_223 : i32
      %lt3A_225 = arith.constant 160 : i32
      %lt3A_226 = arith.cmpi slt, %add3A_224, %lt3A_225 : i32
      %convert_element_type3A_227 = arith.extui %lt3A_226 : i1 to i32
      %cond3A_228 = arith.constant 0 : i32
      %cond3A_229 = arith.cmpi ne, %convert_element_type3A_227, %cond3A_228 : i32
      scf.if %cond3A_229 {
        %add3A_231 = arith.constant 2 : i32
        %add3A_232 = arith.addi %add3A_200, %add3A_231 : i32
        %dma_start3A_233 = arith.constant 0 : i32
        %dma_start3A_234 = tpu.memref_slice %arg6[%add3A_232, %dma_start3A_233] : memref<160x125xi32, #tpu.memory_space<vmem>> -> memref<1x125xi32, #tpu.memory_space<vmem>>
        %dma_start3A_235 = tpu.memref_squeeze %dma_start3A_234 : memref<1x125xi32, #tpu.memory_space<vmem>> -> memref<125xi32, #tpu.memory_space<vmem>>
        %dma_start3A_236 = arith.constant 0 : i32
        %dma_start3A_237 = arith.constant 0 : i32
        %dma_start3A_238 = tpu.memref_slice %arg2[%arg0, %dma_start3A_236, %dma_start3A_237] : memref<2x10000x64xf32, #tpu.memory_space<hbm>> -> memref<1x10000x64xf32, #tpu.memory_space<hbm>>
        %dma_start3A_239 = tpu.memref_squeeze %dma_start3A_238 : memref<1x10000x64xf32, #tpu.memory_space<hbm>> -> memref<10000x64xf32, #tpu.memory_space<hbm>>
        %dma_start3A_240 = arith.constant 0 : i32
        %dma_start3A_241 = arith.constant 0 : i32
        %dma_start3A_242 = tpu.memref_slice %dma_start3A_239[%dma_start3A_240, %dma_start3A_241] : memref<10000x64xf32, #tpu.memory_space<hbm>> -> memref<10000x64xf32, #tpu.memory_space<hbm>>
        tpu.enqueue_indirect_dma source(%dma_start3A_242 : memref<10000x64xf32, #tpu.memory_space<hbm>>) target(%arg9 : memref<125x64xf32, #tpu.memory_space<vmem>>) offsets(%dma_start3A_235 : memref<125xi32, #tpu.memory_space<vmem>>) semaphore(%arg16 : memref<!tpu.dma_semaphore, #tpu.memory_space<semaphore_mem>>)
      } else {
      }
      %scan3A_230 = arith.constant 0 : i32
      scf.yield %scan3A_230 : i32
    }
    %scan3A_45 = arith.constant 32 : i32
    %dma_wait3A = arith.constant 0 : i32
    %dma_wait3A_46 = arith.constant 0 : i32
    %dma_wait3A_47 = tpu.memref_slice %arg7[%dma_wait3A, %dma_wait3A_46] : memref<160x125xi32, #tpu.memory_space<vmem>> -> memref<1x125xi32, #tpu.memory_space<vmem>>
    %dma_wait3A_48 = tpu.memref_squeeze %dma_wait3A_47 : memref<1x125xi32, #tpu.memory_space<vmem>> -> memref<125xi32, #tpu.memory_space<vmem>>
    %dma_wait3A_49 = arith.constant 0 : i32
    %dma_wait3A_50 = arith.constant 0 : i32
    %dma_wait3A_51 = tpu.memref_slice %arg14[%dma_wait3A_49, %dma_wait3A_50] : memref<10000x64xf32, #tpu.memory_space<vmem_shared>> -> memref<10000x64xf32, #tpu.memory_space<vmem_shared>>
    tpu.wait_indirect_dma semaphore(%arg22 : memref<!tpu.dma_semaphore, #tpu.memory_space<semaphore_mem>>) src(%arg10 : memref<125x64xf32, #tpu.memory_space<vmem>>) dst(%dma_wait3A_51 : memref<10000x64xf32, #tpu.memory_space<vmem_shared>>)
    %dma_wait3A_52 = arith.constant 0 : i32
    %dma_wait3A_53 = arith.constant 0 : i32
    %dma_wait3A_54 = tpu.memref_slice %arg7[%dma_wait3A_52, %dma_wait3A_53] : memref<160x125xi32, #tpu.memory_space<vmem>> -> memref<1x125xi32, #tpu.memory_space<vmem>>
    %dma_wait3A_55 = tpu.memref_squeeze %dma_wait3A_54 : memref<1x125xi32, #tpu.memory_space<vmem>> -> memref<125xi32, #tpu.memory_space<vmem>>
    %dma_wait3A_56 = arith.constant 0 : i32
    %dma_wait3A_57 = arith.constant 0 : i32
    %dma_wait3A_58 = tpu.memref_slice %arg14[%dma_wait3A_56, %dma_wait3A_57] : memref<10000x64xf32, #tpu.memory_space<vmem_shared>> -> memref<10000x64xf32, #tpu.memory_space<vmem_shared>>
    tpu.wait_indirect_dma semaphore(%arg23 : memref<!tpu.dma_semaphore, #tpu.memory_space<semaphore_mem>>) src(%arg11 : memref<125x64xf32, #tpu.memory_space<vmem>>) dst(%dma_wait3A_58 : memref<10000x64xf32, #tpu.memory_space<vmem_shared>>)
    %dma_wait3A_59 = arith.constant 0 : i32
    %dma_wait3A_60 = arith.constant 0 : i32
    %dma_wait3A_61 = tpu.memref_slice %arg7[%dma_wait3A_59, %dma_wait3A_60] : memref<160x125xi32, #tpu.memory_space<vmem>> -> memref<1x125xi32, #tpu.memory_space<vmem>>
    %dma_wait3A_62 = tpu.memref_squeeze %dma_wait3A_61 : memref<1x125xi32, #tpu.memory_space<vmem>> -> memref<125xi32, #tpu.memory_space<vmem>>
    %dma_wait3A_63 = arith.constant 0 : i32
    %dma_wait3A_64 = arith.constant 0 : i32
    %dma_wait3A_65 = tpu.memref_slice %arg14[%dma_wait3A_63, %dma_wait3A_64] : memref<10000x64xf32, #tpu.memory_space<vmem_shared>> -> memref<10000x64xf32, #tpu.memory_space<vmem_shared>>
    tpu.wait_indirect_dma semaphore(%arg24 : memref<!tpu.dma_semaphore, #tpu.memory_space<semaphore_mem>>) src(%arg12 : memref<125x64xf32, #tpu.memory_space<vmem>>) dst(%dma_wait3A_65 : memref<10000x64xf32, #tpu.memory_space<vmem_shared>>)
    %barrier3A_66 = arith.constant 0 : index
    tpu.barrier barrier_id(%barrier3A_66)
    "tpu.region"() ({
      %run_scoped3A = tpu.sem_alloc : memref<!tpu.dma_semaphore, #tpu.memory_space<semaphore_mem>>
      %dma_start3A_67 = arith.constant 0 : i32
      %dma_start3A_68 = tpu.memref_slice %arg5[%arg0, %mul3A_2, %dma_start3A_67] : memref<2x10000x64xf32, #tpu.memory_space<hbm>> -> memref<1x625x64xf32, #tpu.memory_space<hbm>>
      %dma_start3A_69 = tpu.memref_squeeze %dma_start3A_68 : memref<1x625x64xf32, #tpu.memory_space<hbm>> -> memref<625x64xf32, #tpu.memory_space<hbm>>
      %dma_start3A_70 = arith.constant 0 : i32
      %dma_start3A_71 = tpu.memref_slice %arg14[%mul3A_2, %dma_start3A_70] : memref<10000x64xf32, #tpu.memory_space<vmem_shared>> -> memref<625x64xf32, #tpu.memory_space<vmem_shared>>
      tpu.enqueue_dma source(%dma_start3A_71 : memref<625x64xf32, #tpu.memory_space<vmem_shared>>) target(%dma_start3A_69 : memref<625x64xf32, #tpu.memory_space<hbm>>) target_semaphore(%run_scoped3A : memref<!tpu.dma_semaphore, #tpu.memory_space<semaphore_mem>>)
      %dma_wait3A_72 = arith.constant 0 : i32
      %dma_wait3A_73 = tpu.memref_slice %arg5[%arg0, %mul3A_2, %dma_wait3A_72] : memref<2x10000x64xf32, #tpu.memory_space<hbm>> -> memref<1x625x64xf32, #tpu.memory_space<hbm>>
      %dma_wait3A_74 = tpu.memref_squeeze %dma_wait3A_73 : memref<1x625x64xf32, #tpu.memory_space<hbm>> -> memref<625x64xf32, #tpu.memory_space<hbm>>
      %dma_wait3A_75 = arith.constant 0 : i32
      %dma_wait3A_76 = tpu.memref_slice %arg14[%mul3A_2, %dma_wait3A_75] : memref<10000x64xf32, #tpu.memory_space<vmem_shared>> -> memref<625x64xf32, #tpu.memory_space<vmem_shared>>
      tpu.wait_dma2 semaphore(%run_scoped3A : memref<!tpu.dma_semaphore, #tpu.memory_space<semaphore_mem>>) src(%dma_wait3A_76 : memref<625x64xf32, #tpu.memory_space<vmem_shared>>) dst(%dma_wait3A_74 : memref<625x64xf32, #tpu.memory_space<hbm>>)
      tpu.yield
    }) : () -> ()
    return
  }
}

#map = affine_map<(d0, d1) -> (0, 0, 0)>
#map1 = affine_map<(d0, d1) -> (0, 0)>
module attributes {stable_mosaic.version = 14 : i64} {
  func.func @body(%arg0: i32, %arg1: i32, %arg2: memref<2x10000x64xf32, #tpu.memory_space<hbm>>, %arg3: memref<2560x125xi32, #tpu.memory_space<hbm>>, %arg4: memref<2560x125xi32, #tpu.memory_space<hbm>>, %arg5: memref<2x10000x64xf32, #tpu.memory_space<hbm>>, %arg6: memref<160x125xi32, #tpu.memory_space<vmem>>, %arg7: memref<160x125xi32, #tpu.memory_space<vmem>>, %arg8: memref<125x64xf32, #tpu.memory_space<vmem>>, %arg9: memref<125x64xf32, #tpu.memory_space<vmem>>, %arg10: memref<125x64xf32, #tpu.memory_space<vmem>>, %arg11: memref<125x64xf32, #tpu.memory_space<vmem>>, %arg12: memref<125x64xf32, #tpu.memory_space<vmem>>, %arg13: memref<125x64xf32, #tpu.memory_space<vmem>>, %arg14: memref<10000x64xf32, #tpu.memory_space<vmem_shared>>, %arg15: memref<!tpu.dma_semaphore, #tpu.memory_space<semaphore_mem>>, %arg16: memref<!tpu.dma_semaphore, #tpu.memory_space<semaphore_mem>>, %arg17: memref<!tpu.dma_semaphore, #tpu.memory_space<semaphore_mem>>, %arg18: memref<!tpu.dma_semaphore, #tpu.memory_space<semaphore_mem>>, %arg19: memref<!tpu.dma_semaphore, #tpu.memory_space<semaphore_mem>>, %arg20: memref<!tpu.dma_semaphore, #tpu.memory_space<semaphore_mem>>, %arg21: memref<!tpu.dma_semaphore, #tpu.memory_space<semaphore_mem>>, %arg22: memref<!tpu.dma_semaphore, #tpu.memory_space<semaphore_mem>>, %arg23: memref<!tpu.dma_semaphore, #tpu.memory_space<semaphore_mem>>, %arg24: memref<!tpu.dma_semaphore, #tpu.memory_space<semaphore_mem>>) attributes {dimension_semantics = [#tpu.dimension_semantics<core_parallel>, #tpu.dimension_semantics<subcore_parallel>], iteration_bounds = array<i64: 2, 16>, scalar_prefetch = 0 : i64, scratch_operands = 19 : i64, tpu.core_type = #tpu.core_type<sc_vector_subcore>, window_params = [{transform_indices = #map}, {transform_indices = #map1}, {transform_indices = #map1}, {transform_indices = #map}]} {
    %mul3A = arith.constant 160 : i32
    %mul3A_0 = arith.muli %arg1, %mul3A : i32
    "tpu.region"() ({
      %run_scoped3A = tpu.sem_alloc : memref<!tpu.dma_semaphore, #tpu.memory_space<semaphore_mem>>
      %dma_start3A_67 = arith.constant 0 : i32
      %dma_start3A_68 = tpu.memref_slice %arg3[%mul3A_0, %dma_start3A_67] : memref<2560x125xi32, #tpu.memory_space<hbm>> -> memref<160x125xi32, #tpu.memory_space<hbm>>
      %dma_start3A_69 = arith.constant 0 : i32
      %dma_start3A_70 = tpu.memref_slice %arg3[%mul3A_0, %dma_start3A_69] : memref<2560x125xi32, #tpu.memory_space<hbm>> -> memref<160x125xi32, #tpu.memory_space<hbm>>
      tpu.enqueue_dma source(%dma_start3A_70 : memref<160x125xi32, #tpu.memory_space<hbm>>) target(%arg6 : memref<160x125xi32, #tpu.memory_space<vmem>>) target_semaphore(%run_scoped3A : memref<!tpu.dma_semaphore, #tpu.memory_space<semaphore_mem>>)
      %dma_wait3A_71 = arith.constant 0 : i32
      %dma_wait3A_72 = tpu.memref_slice %arg3[%mul3A_0, %dma_wait3A_71] : memref<2560x125xi32, #tpu.memory_space<hbm>> -> memref<160x125xi32, #tpu.memory_space<hbm>>
      %dma_wait3A_73 = arith.constant 0 : i32
      %dma_wait3A_74 = tpu.memref_slice %arg3[%mul3A_0, %dma_wait3A_73] : memref<2560x125xi32, #tpu.memory_space<hbm>> -> memref<160x125xi32, #tpu.memory_space<hbm>>
      tpu.wait_dma2 semaphore(%run_scoped3A : memref<!tpu.dma_semaphore, #tpu.memory_space<semaphore_mem>>) src(%dma_wait3A_74 : memref<160x125xi32, #tpu.memory_space<hbm>>) dst(%arg6 : memref<160x125xi32, #tpu.memory_space<vmem>>)
      tpu.yield
    }) : () -> ()
    "tpu.region"() ({
      %run_scoped3A = tpu.sem_alloc : memref<!tpu.dma_semaphore, #tpu.memory_space<semaphore_mem>>
      %dma_start3A_67 = arith.constant 0 : i32
      %dma_start3A_68 = tpu.memref_slice %arg4[%mul3A_0, %dma_start3A_67] : memref<2560x125xi32, #tpu.memory_space<hbm>> -> memref<160x125xi32, #tpu.memory_space<hbm>>
      %dma_start3A_69 = arith.constant 0 : i32
      %dma_start3A_70 = tpu.memref_slice %arg4[%mul3A_0, %dma_start3A_69] : memref<2560x125xi32, #tpu.memory_space<hbm>> -> memref<160x125xi32, #tpu.memory_space<hbm>>
      tpu.enqueue_dma source(%dma_start3A_70 : memref<160x125xi32, #tpu.memory_space<hbm>>) target(%arg7 : memref<160x125xi32, #tpu.memory_space<vmem>>) target_semaphore(%run_scoped3A : memref<!tpu.dma_semaphore, #tpu.memory_space<semaphore_mem>>)
      %dma_wait3A_71 = arith.constant 0 : i32
      %dma_wait3A_72 = tpu.memref_slice %arg4[%mul3A_0, %dma_wait3A_71] : memref<2560x125xi32, #tpu.memory_space<hbm>> -> memref<160x125xi32, #tpu.memory_space<hbm>>
      %dma_wait3A_73 = arith.constant 0 : i32
      %dma_wait3A_74 = tpu.memref_slice %arg4[%mul3A_0, %dma_wait3A_73] : memref<2560x125xi32, #tpu.memory_space<hbm>> -> memref<160x125xi32, #tpu.memory_space<hbm>>
      tpu.wait_dma2 semaphore(%run_scoped3A : memref<!tpu.dma_semaphore, #tpu.memory_space<semaphore_mem>>) src(%dma_wait3A_74 : memref<160x125xi32, #tpu.memory_space<hbm>>) dst(%arg7 : memref<160x125xi32, #tpu.memory_space<vmem>>)
      tpu.yield
    }) : () -> ()
    %mul3A_1 = arith.constant 625 : i32
    %mul3A_2 = arith.muli %arg1, %mul3A_1 : i32
    %scan3A = arith.constant 0 : i32
    %scan3A_3 = arith.constant 0 : i32
    %scan3A_4 = arith.constant 125 : i32
    %scan3A_5 = arith.addi %scan3A_3, %scan3A_4 : i32
    %scan3A_6 = arith.constant 1 : i32
    %scan3A_7 = scf.for %scan3A_67 = %scan3A_3 to %scan3A_5 step %scan3A_6 iter_args(%scan3A_68 = %scan3A) -> (i32)  : i32 {
      %broadcast_in_dim3A = arith.constant 0.000000e+00 : f32
      %broadcast_in_dim3A_69 = vector.broadcast %broadcast_in_dim3A : f32 to vector<16xf32>
      %swap3A = arith.index_cast %scan3A_67 : i32 to index
      %swap3A_70 = arith.constant 0 : index
      %swap3A_71 = tpu.vector_load %arg13[%swap3A, %swap3A_70] {strides = array<i32>} : memref<125x64xf32, #tpu.memory_space<vmem>>, vector<1x16xf32>,
      %swap3A_72 = vector.shape_cast %swap3A_71 : vector<1x16xf32> to vector<16xf32>
      %swap3A_73 = vector.shape_cast %broadcast_in_dim3A_69 : vector<16xf32> to vector<1x16xf32>
      tpu.vector_store %arg13[%swap3A, %swap3A_70], %swap3A_73 {strides = array<i32>} : memref<125x64xf32, #tpu.memory_space<vmem>>, vector<1x16xf32>,
      %swap3A_74 = arith.index_cast %scan3A_67 : i32 to index
      %swap3A_75 = arith.constant 16 : index
      %swap3A_76 = tpu.vector_load %arg13[%swap3A_74, %swap3A_75] {strides = array<i32>} : memref<125x64xf32, #tpu.memory_space<vmem>>, vector<1x16xf32>,
      %swap3A_77 = vector.shape_cast %swap3A_76 : vector<1x16xf32> to vector<16xf32>
      %swap3A_78 = vector.shape_cast %broadcast_in_dim3A_69 : vector<16xf32> to vector<1x16xf32>
      tpu.vector_store %arg13[%swap3A_74, %swap3A_75], %swap3A_78 {strides = array<i32>} : memref<125x64xf32, #tpu.memory_space<vmem>>, vector<1x16xf32>,
      %swap3A_79 = arith.index_cast %scan3A_67 : i32 to index
      %swap3A_80 = arith.constant 32 : index
      %swap3A_81 = tpu.vector_load %arg13[%swap3A_79, %swap3A_80] {strides = array<i32>} : memref<125x64xf32, #tpu.memory_space<vmem>>, vector<1x16xf32>,
      %swap3A_82 = vector.shape_cast %swap3A_81 : vector<1x16xf32> to vector<16xf32>
      %swap3A_83 = vector.shape_cast %broadcast_in_dim3A_69 : vector<16xf32> to vector<1x16xf32>
      tpu.vector_store %arg13[%swap3A_79, %swap3A_80], %swap3A_83 {strides = array<i32>} : memref<125x64xf32, #tpu.memory_space<vmem>>, vector<1x16xf32>,
      %swap3A_84 = arith.index_cast %scan3A_67 : i32 to index
      %swap3A_85 = arith.constant 48 : index
      %swap3A_86 = tpu.vector_load %arg13[%swap3A_84, %swap3A_85] {strides = array<i32>} : memref<125x64xf32, #tpu.memory_space<vmem>>, vector<1x16xf32>,
      %swap3A_87 = vector.shape_cast %swap3A_86 : vector<1x16xf32> to vector<16xf32>
      %swap3A_88 = vector.shape_cast %broadcast_in_dim3A_69 : vector<16xf32> to vector<1x16xf32>
      tpu.vector_store %arg13[%swap3A_84, %swap3A_85], %swap3A_88 {strides = array<i32>} : memref<125x64xf32, #tpu.memory_space<vmem>>, vector<1x16xf32>,
      %scan3A_89 = arith.constant 0 : i32
      scf.yield %scan3A_89 : i32
    }
    %scan3A_8 = arith.constant 125 : i32
    %add3A = arith.constant 0 : i32
    %add3A_9 = arith.addi %mul3A_2, %add3A : i32
    "tpu.region"() ({
      %run_scoped3A = tpu.sem_alloc : memref<!tpu.dma_semaphore, #tpu.memory_space<semaphore_mem>>
      %dma_start3A_67 = arith.constant 0 : i32
      %dma_start3A_68 = tpu.memref_slice %arg14[%add3A_9, %dma_start3A_67] : memref<10000x64xf32, #tpu.memory_space<vmem_shared>> -> memref<125x64xf32, #tpu.memory_space<vmem_shared>>
      %dma_start3A_69 = arith.constant 0 : i32
      %dma_start3A_70 = tpu.memref_slice %arg14[%add3A_9, %dma_start3A_69] : memref<10000x64xf32, #tpu.memory_space<vmem_shared>> -> memref<125x64xf32, #tpu.memory_space<vmem_shared>>
      tpu.enqueue_dma source(%arg13 : memref<125x64xf32, #tpu.memory_space<vmem>>) target(%dma_start3A_70 : memref<125x64xf32, #tpu.memory_space<vmem_shared>>) target_semaphore(%run_scoped3A : memref<!tpu.dma_semaphore, #tpu.memory_space<semaphore_mem>>)
      %dma_wait3A_71 = arith.constant 0 : i32
      %dma_wait3A_72 = tpu.memref_slice %arg14[%add3A_9, %dma_wait3A_71] : memref<10000x64xf32, #tpu.memory_space<vmem_shared>> -> memref<125x64xf32, #tpu.memory_space<vmem_shared>>
      %dma_wait3A_73 = arith.constant 0 : i32
      %dma_wait3A_74 = tpu.memref_slice %arg14[%add3A_9, %dma_wait3A_73] : memref<10000x64xf32, #tpu.memory_space<vmem_shared>> -> memref<125x64xf32, #tpu.memory_space<vmem_shared>>
      tpu.wait_dma2 semaphore(%run_scoped3A : memref<!tpu.dma_semaphore, #tpu.memory_space<semaphore_mem>>) src(%arg13 : memref<125x64xf32, #tpu.memory_space<vmem>>) dst(%dma_wait3A_74 : memref<125x64xf32, #tpu.memory_space<vmem_shared>>)
      tpu.yield
    }) : () -> ()
    %add3A_10 = arith.constant 125 : i32
    %add3A_11 = arith.addi %mul3A_2, %add3A_10 : i32
    "tpu.region"() ({
      %run_scoped3A = tpu.sem_alloc : memref<!tpu.dma_semaphore, #tpu.memory_space<semaphore_mem>>
      %dma_start3A_67 = arith.constant 0 : i32
      %dma_start3A_68 = tpu.memref_slice %arg14[%add3A_11, %dma_start3A_67] : memref<10000x64xf32, #tpu.memory_space<vmem_shared>> -> memref<125x64xf32, #tpu.memory_space<vmem_shared>>
      %dma_start3A_69 = arith.constant 0 : i32
      %dma_start3A_70 = tpu.memref_slice %arg14[%add3A_11, %dma_start3A_69] : memref<10000x64xf32, #tpu.memory_space<vmem_shared>> -> memref<125x64xf32, #tpu.memory_space<vmem_shared>>
      tpu.enqueue_dma source(%arg13 : memref<125x64xf32, #tpu.memory_space<vmem>>) target(%dma_start3A_70 : memref<125x64xf32, #tpu.memory_space<vmem_shared>>) target_semaphore(%run_scoped3A : memref<!tpu.dma_semaphore, #tpu.memory_space<semaphore_mem>>)
      %dma_wait3A_71 = arith.constant 0 : i32
      %dma_wait3A_72 = tpu.memref_slice %arg14[%add3A_11, %dma_wait3A_71] : memref<10000x64xf32, #tpu.memory_space<vmem_shared>> -> memref<125x64xf32, #tpu.memory_space<vmem_shared>>
      %dma_wait3A_73 = arith.constant 0 : i32
      %dma_wait3A_74 = tpu.memref_slice %arg14[%add3A_11, %dma_wait3A_73] : memref<10000x64xf32, #tpu.memory_space<vmem_shared>> -> memref<125x64xf32, #tpu.memory_space<vmem_shared>>
      tpu.wait_dma2 semaphore(%run_scoped3A : memref<!tpu.dma_semaphore, #tpu.memory_space<semaphore_mem>>) src(%arg13 : memref<125x64xf32, #tpu.memory_space<vmem>>) dst(%dma_wait3A_74 : memref<125x64xf32, #tpu.memory_space<vmem_shared>>)
      tpu.yield
    }) : () -> ()
    %add3A_12 = arith.constant 250 : i32
    %add3A_13 = arith.addi %mul3A_2, %add3A_12 : i32
    "tpu.region"() ({
      %run_scoped3A = tpu.sem_alloc : memref<!tpu.dma_semaphore, #tpu.memory_space<semaphore_mem>>
      %dma_start3A_67 = arith.constant 0 : i32
      %dma_start3A_68 = tpu.memref_slice %arg14[%add3A_13, %dma_start3A_67] : memref<10000x64xf32, #tpu.memory_space<vmem_shared>> -> memref<125x64xf32, #tpu.memory_space<vmem_shared>>
      %dma_start3A_69 = arith.constant 0 : i32
      %dma_start3A_70 = tpu.memref_slice %arg14[%add3A_13, %dma_start3A_69] : memref<10000x64xf32, #tpu.memory_space<vmem_shared>> -> memref<125x64xf32, #tpu.memory_space<vmem_shared>>
      tpu.enqueue_dma source(%arg13 : memref<125x64xf32, #tpu.memory_space<vmem>>) target(%dma_start3A_70 : memref<125x64xf32, #tpu.memory_space<vmem_shared>>) target_semaphore(%run_scoped3A : memref<!tpu.dma_semaphore, #tpu.memory_space<semaphore_mem>>)
      %dma_wait3A_71 = arith.constant 0 : i32
      %dma_wait3A_72 = tpu.memref_slice %arg14[%add3A_13, %dma_wait3A_71] : memref<10000x64xf32, #tpu.memory_space<vmem_shared>> -> memref<125x64xf32, #tpu.memory_space<vmem_shared>>
      %dma_wait3A_73 = arith.constant 0 : i32
      %dma_wait3A_74 = tpu.memref_slice %arg14[%add3A_13, %dma_wait3A_73] : memref<10000x64xf32, #tpu.memory_space<vmem_shared>> -> memref<125x64xf32, #tpu.memory_space<vmem_shared>>
      tpu.wait_dma2 semaphore(%run_scoped3A : memref<!tpu.dma_semaphore, #tpu.memory_space<semaphore_mem>>) src(%arg13 : memref<125x64xf32, #tpu.memory_space<vmem>>) dst(%dma_wait3A_74 : memref<125x64xf32, #tpu.memory_space<vmem_shared>>)
      tpu.yield
    }) : () -> ()
    %add3A_14 = arith.constant 375 : i32
    %add3A_15 = arith.addi %mul3A_2, %add3A_14 : i32
    "tpu.region"() ({
      %run_scoped3A = tpu.sem_alloc : memref<!tpu.dma_semaphore, #tpu.memory_space<semaphore_mem>>
      %dma_start3A_67 = arith.constant 0 : i32
      %dma_start3A_68 = tpu.memref_slice %arg14[%add3A_15, %dma_start3A_67] : memref<10000x64xf32, #tpu.memory_space<vmem_shared>> -> memref<125x64xf32, #tpu.memory_space<vmem_shared>>
      %dma_start3A_69 = arith.constant 0 : i32
      %dma_start3A_70 = tpu.memref_slice %arg14[%add3A_15, %dma_start3A_69] : memref<10000x64xf32, #tpu.memory_space<vmem_shared>> -> memref<125x64xf32, #tpu.memory_space<vmem_shared>>
      tpu.enqueue_dma source(%arg13 : memref<125x64xf32, #tpu.memory_space<vmem>>) target(%dma_start3A_70 : memref<125x64xf32, #tpu.memory_space<vmem_shared>>) target_semaphore(%run_scoped3A : memref<!tpu.dma_semaphore, #tpu.memory_space<semaphore_mem>>)
      %dma_wait3A_71 = arith.constant 0 : i32
      %dma_wait3A_72 = tpu.memref_slice %arg14[%add3A_15, %dma_wait3A_71] : memref<10000x64xf32, #tpu.memory_space<vmem_shared>> -> memref<125x64xf32, #tpu.memory_space<vmem_shared>>
      %dma_wait3A_73 = arith.constant 0 : i32
      %dma_wait3A_74 = tpu.memref_slice %arg14[%add3A_15, %dma_wait3A_73] : memref<10000x64xf32, #tpu.memory_space<vmem_shared>> -> memref<125x64xf32, #tpu.memory_space<vmem_shared>>
      tpu.wait_dma2 semaphore(%run_scoped3A : memref<!tpu.dma_semaphore, #tpu.memory_space<semaphore_mem>>) src(%arg13 : memref<125x64xf32, #tpu.memory_space<vmem>>) dst(%dma_wait3A_74 : memref<125x64xf32, #tpu.memory_space<vmem_shared>>)
      tpu.yield
    }) : () -> ()
    %add3A_16 = arith.constant 500 : i32
    %add3A_17 = arith.addi %mul3A_2, %add3A_16 : i32
    "tpu.region"() ({
      %run_scoped3A = tpu.sem_alloc : memref<!tpu.dma_semaphore, #tpu.memory_space<semaphore_mem>>
      %dma_start3A_67 = arith.constant 0 : i32
      %dma_start3A_68 = tpu.memref_slice %arg14[%add3A_17, %dma_start3A_67] : memref<10000x64xf32, #tpu.memory_space<vmem_shared>> -> memref<125x64xf32, #tpu.memory_space<vmem_shared>>
      %dma_start3A_69 = arith.constant 0 : i32
      %dma_start3A_70 = tpu.memref_slice %arg14[%add3A_17, %dma_start3A_69] : memref<10000x64xf32, #tpu.memory_space<vmem_shared>> -> memref<125x64xf32, #tpu.memory_space<vmem_shared>>
      tpu.enqueue_dma source(%arg13 : memref<125x64xf32, #tpu.memory_space<vmem>>) target(%dma_start3A_70 : memref<125x64xf32, #tpu.memory_space<vmem_shared>>) target_semaphore(%run_scoped3A : memref<!tpu.dma_semaphore, #tpu.memory_space<semaphore_mem>>)
      %dma_wait3A_71 = arith.constant 0 : i32
      %dma_wait3A_72 = tpu.memref_slice %arg14[%add3A_17, %dma_wait3A_71] : memref<10000x64xf32, #tpu.memory_space<vmem_shared>> -> memref<125x64xf32, #tpu.memory_space<vmem_shared>>
      %dma_wait3A_73 = arith.constant 0 : i32
      %dma_wait3A_74 = tpu.memref_slice %arg14[%add3A_17, %dma_wait3A_73] : memref<10000x64xf32, #tpu.memory_space<vmem_shared>> -> memref<125x64xf32, #tpu.memory_space<vmem_shared>>
      tpu.wait_dma2 semaphore(%run_scoped3A : memref<!tpu.dma_semaphore, #tpu.memory_space<semaphore_mem>>) src(%arg13 : memref<125x64xf32, #tpu.memory_space<vmem>>) dst(%dma_wait3A_74 : memref<125x64xf32, #tpu.memory_space<vmem_shared>>)
      tpu.yield
    }) : () -> ()
    %barrier3A = arith.constant 0 : index
    tpu.barrier barrier_id(%barrier3A)
    %dma_start3A = arith.constant 0 : i32
    %dma_start3A_18 = arith.constant 0 : i32
    %dma_start3A_19 = tpu.memref_slice %arg6[%dma_start3A, %dma_start3A_18] : memref<160x125xi32, #tpu.memory_space<vmem>> -> memref<1x125xi32, #tpu.memory_space<vmem>>
    %dma_start3A_20 = tpu.memref_squeeze %dma_start3A_19 : memref<1x125xi32, #tpu.memory_space<vmem>> -> memref<125xi32, #tpu.memory_space<vmem>>
    %dma_start3A_21 = arith.constant 0 : i32
    %dma_start3A_22 = arith.constant 0 : i32
    %dma_start3A_23 = tpu.memref_slice %arg2[%arg0, %dma_start3A_21, %dma_start3A_22] : memref<2x10000x64xf32, #tpu.memory_space<hbm>> -> memref<1x10000x64xf32, #tpu.memory_space<hbm>>
    %dma_start3A_24 = tpu.memref_squeeze %dma_start3A_23 : memref<1x10000x64xf32, #tpu.memory_space<hbm>> -> memref<10000x64xf32, #tpu.memory_space<hbm>>
    %dma_start3A_25 = arith.constant 0 : i32
    %dma_start3A_26 = arith.constant 0 : i32
    %dma_start3A_27 = tpu.memref_slice %dma_start3A_24[%dma_start3A_25, %dma_start3A_26] : memref<10000x64xf32, #tpu.memory_space<hbm>> -> memref<10000x64xf32, #tpu.memory_space<hbm>>
    tpu.enqueue_indirect_dma source(%dma_start3A_27 : memref<10000x64xf32, #tpu.memory_space<hbm>>) target(%arg8 : memref<125x64xf32, #tpu.memory_space<vmem>>) offsets(%dma_start3A_20 : memref<125xi32, #tpu.memory_space<vmem>>) semaphore(%arg15 : memref<!tpu.dma_semaphore, #tpu.memory_space<semaphore_mem>>)
    %dma_start3A_28 = arith.constant 1 : i32
    %dma_start3A_29 = arith.constant 0 : i32
    %dma_start3A_30 = tpu.memref_slice %arg6[%dma_start3A_28, %dma_start3A_29] : memref<160x125xi32, #tpu.memory_space<vmem>> -> memref<1x125xi32, #tpu.memory_space<vmem>>
    %dma_start3A_31 = tpu.memref_squeeze %dma_start3A_30 : memref<1x125xi32, #tpu.memory_space<vmem>> -> memref<125xi32, #tpu.memory_space<vmem>>
    %dma_start3A_32 = arith.constant 0 : i32
    %dma_start3A_33 = arith.constant 0 : i32
    %dma_start3A_34 = tpu.memref_slice %arg2[%arg0, %dma_start3A_32, %dma_start3A_33] : memref<2x10000x64xf32, #tpu.memory_space<hbm>> -> memref<1x10000x64xf32, #tpu.memory_space<hbm>>
    %dma_start3A_35 = tpu.memref_squeeze %dma_start3A_34 : memref<1x10000x64xf32, #tpu.memory_space<hbm>> -> memref<10000x64xf32, #tpu.memory_space<hbm>>
    %dma_start3A_36 = arith.constant 0 : i32
    %dma_start3A_37 = arith.constant 0 : i32
    %dma_start3A_38 = tpu.memref_slice %dma_start3A_35[%dma_start3A_36, %dma_start3A_37] : memref<10000x64xf32, #tpu.memory_space<hbm>> -> memref<10000x64xf32, #tpu.memory_space<hbm>>
    tpu.enqueue_indirect_dma source(%dma_start3A_38 : memref<10000x64xf32, #tpu.memory_space<hbm>>) target(%arg9 : memref<125x64xf32, #tpu.memory_space<vmem>>) offsets(%dma_start3A_31 : memref<125xi32, #tpu.memory_space<vmem>>) semaphore(%arg16 : memref<!tpu.dma_semaphore, #tpu.memory_space<semaphore_mem>>)
    %scan3A_39 = arith.constant 0 : i32
    %scan3A_40 = arith.constant 0 : i32
    %scan3A_41 = arith.constant 32 : i32
    %scan3A_42 = arith.addi %scan3A_40, %scan3A_41 : i32
    %scan3A_43 = arith.constant 1 : i32
    %scan3A_44 = scf.for %scan3A_67 = %scan3A_40 to %scan3A_42 step %scan3A_43 iter_args(%scan3A_68 = %scan3A_39) -> (i32)  : i32 {
      %mul3A_69 = arith.constant 5 : i32
      %mul3A_70 = arith.muli %scan3A_67, %mul3A_69 : i32
      %add3A_71 = arith.constant 0 : i32
      %add3A_72 = arith.addi %mul3A_70, %add3A_71 : i32
      %dma_wait3A_73 = arith.constant 0 : i32
      %dma_wait3A_74 = arith.constant 0 : i32
      %dma_wait3A_75 = tpu.memref_slice %arg6[%dma_wait3A_73, %dma_wait3A_74] : memref<160x125xi32, #tpu.memory_space<vmem>> -> memref<1x125xi32, #tpu.memory_space<vmem>>
      %dma_wait3A_76 = tpu.memref_squeeze %dma_wait3A_75 : memref<1x125xi32, #tpu.memory_space<vmem>> -> memref<125xi32, #tpu.memory_space<vmem>>
      %dma_wait3A_77 = arith.constant 0 : i32
      %dma_wait3A_78 = arith.constant 0 : i32
      %dma_wait3A_79 = tpu.memref_slice %arg2[%arg0, %dma_wait3A_77, %dma_wait3A_78] : memref<2x10000x64xf32, #tpu.memory_space<hbm>> -> memref<1x10000x64xf32, #tpu.memory_space<hbm>>
      %dma_wait3A_80 = tpu.memref_squeeze %dma_wait3A_79 : memref<1x10000x64xf32, #tpu.memory_space<hbm>> -> memref<10000x64xf32, #tpu.memory_space<hbm>>
      %dma_wait3A_81 = arith.constant 0 : i32
      %dma_wait3A_82 = arith.constant 0 : i32
      %dma_wait3A_83 = tpu.memref_slice %dma_wait3A_80[%dma_wait3A_81, %dma_wait3A_82] : memref<10000x64xf32, #tpu.memory_space<hbm>> -> memref<10000x64xf32, #tpu.memory_space<hbm>>
      tpu.wait_indirect_dma semaphore(%arg15 : memref<!tpu.dma_semaphore, #tpu.memory_space<semaphore_mem>>) src(%dma_wait3A_83 : memref<10000x64xf32, #tpu.memory_space<hbm>>) dst(%arg8 : memref<125x64xf32, #tpu.memory_space<vmem>>)
      %dma_start3A_84 = arith.constant 0 : i32
      %dma_start3A_85 = tpu.memref_slice %arg7[%add3A_72, %dma_start3A_84] : memref<160x125xi32, #tpu.memory_space<vmem>> -> memref<1x125xi32, #tpu.memory_space<vmem>>
      %dma_start3A_86 = tpu.memref_squeeze %dma_start3A_85 : memref<1x125xi32, #tpu.memory_space<vmem>> -> memref<125xi32, #tpu.memory_space<vmem>>
      %dma_start3A_87 = arith.constant 0 : i32
      %dma_start3A_88 = arith.constant 0 : i32
      %dma_start3A_89 = tpu.memref_slice %arg14[%dma_start3A_87, %dma_start3A_88] : memref<10000x64xf32, #tpu.memory_space<vmem_shared>> -> memref<10000x64xf32, #tpu.memory_space<vmem_shared>>
      tpu.enqueue_indirect_dma source(%arg8 : memref<125x64xf32, #tpu.memory_space<vmem>>) target(%dma_start3A_89 : memref<10000x64xf32, #tpu.memory_space<vmem_shared>>) offsets(%dma_start3A_86 : memref<125xi32, #tpu.memory_space<vmem>>) semaphore(%arg20 : memref<!tpu.dma_semaphore, #tpu.memory_space<semaphore_mem>>) {add = true}
      %ge3A = arith.constant 3 : i32
      %ge3A_90 = arith.cmpi sge, %add3A_72, %ge3A : i32
      %convert_element_type3A = arith.extui %ge3A_90 : i1 to i32
      %cond3A = arith.constant 0 : i32
      %cond3A_91 = arith.cmpi ne, %convert_element_type3A, %cond3A : i32
      scf.if %cond3A_91 {
        %dma_wait3A_231 = arith.constant 0 : i32
        %dma_wait3A_232 = arith.constant 0 : i32
        %dma_wait3A_233 = tpu.memref_slice %arg7[%dma_wait3A_231, %dma_wait3A_232] : memref<160x125xi32, #tpu.memory_space<vmem>> -> memref<1x125xi32, #tpu.memory_space<vmem>>
        %dma_wait3A_234 = tpu.memref_squeeze %dma_wait3A_233 : memref<1x125xi32, #tpu.memory_space<vmem>> -> memref<125xi32, #tpu.memory_space<vmem>>
        %dma_wait3A_235 = arith.constant 0 : i32
        %dma_wait3A_236 = arith.constant 0 : i32
        %dma_wait3A_237 = tpu.memref_slice %arg14[%dma_wait3A_235, %dma_wait3A_236] : memref<10000x64xf32, #tpu.memory_space<vmem_shared>> -> memref<10000x64xf32, #tpu.memory_space<vmem_shared>>
        tpu.wait_indirect_dma semaphore(%arg22 : memref<!tpu.dma_semaphore, #tpu.memory_space<semaphore_mem>>) src(%arg10 : memref<125x64xf32, #tpu.memory_space<vmem>>) dst(%dma_wait3A_237 : memref<10000x64xf32, #tpu.memory_space<vmem_shared>>)
      } else {
      }
      %add3A_92 = arith.constant 2 : i32
      %add3A_93 = arith.addi %add3A_72, %add3A_92 : i32
      %lt3A = arith.constant 160 : i32
      %lt3A_94 = arith.cmpi slt, %add3A_93, %lt3A : i32
      %convert_element_type3A_95 = arith.extui %lt3A_94 : i1 to i32
      %cond3A_96 = arith.constant 0 : i32
      %cond3A_97 = arith.cmpi ne, %convert_element_type3A_95, %cond3A_96 : i32
      scf.if %cond3A_97 {
        %add3A_231 = arith.constant 2 : i32
        %add3A_232 = arith.addi %add3A_72, %add3A_231 : i32
        %dma_start3A_233 = arith.constant 0 : i32
        %dma_start3A_234 = tpu.memref_slice %arg6[%add3A_232, %dma_start3A_233] : memref<160x125xi32, #tpu.memory_space<vmem>> -> memref<1x125xi32, #tpu.memory_space<vmem>>
        %dma_start3A_235 = tpu.memref_squeeze %dma_start3A_234 : memref<1x125xi32, #tpu.memory_space<vmem>> -> memref<125xi32, #tpu.memory_space<vmem>>
        %dma_start3A_236 = arith.constant 0 : i32
        %dma_start3A_237 = arith.constant 0 : i32
        %dma_start3A_238 = tpu.memref_slice %arg2[%arg0, %dma_start3A_236, %dma_start3A_237] : memref<2x10000x64xf32, #tpu.memory_space<hbm>> -> memref<1x10000x64xf32, #tpu.memory_space<hbm>>
        %dma_start3A_239 = tpu.memref_squeeze %dma_start3A_238 : memref<1x10000x64xf32, #tpu.memory_space<hbm>> -> memref<10000x64xf32, #tpu.memory_space<hbm>>
        %dma_start3A_240 = arith.constant 0 : i32
        %dma_start3A_241 = arith.constant 0 : i32
        %dma_start3A_242 = tpu.memref_slice %dma_start3A_239[%dma_start3A_240, %dma_start3A_241] : memref<10000x64xf32, #tpu.memory_space<hbm>> -> memref<10000x64xf32, #tpu.memory_space<hbm>>
        tpu.enqueue_indirect_dma source(%dma_start3A_242 : memref<10000x64xf32, #tpu.memory_space<hbm>>) target(%arg10 : memref<125x64xf32, #tpu.memory_space<vmem>>) offsets(%dma_start3A_235 : memref<125xi32, #tpu.memory_space<vmem>>) semaphore(%arg17 : memref<!tpu.dma_semaphore, #tpu.memory_space<semaphore_mem>>)
      } else {
      }
      %mul3A_98 = arith.constant 5 : i32
      %mul3A_99 = arith.muli %scan3A_67, %mul3A_98 : i32
      %add3A_100 = arith.constant 1 : i32
      %add3A_101 = arith.addi %mul3A_99, %add3A_100 : i32
      %dma_wait3A_102 = arith.constant 0 : i32
      %dma_wait3A_103 = arith.constant 0 : i32
      %dma_wait3A_104 = tpu.memref_slice %arg6[%dma_wait3A_102, %dma_wait3A_103] : memref<160x125xi32, #tpu.memory_space<vmem>> -> memref<1x125xi32, #tpu.memory_space<vmem>>
      %dma_wait3A_105 = tpu.memref_squeeze %dma_wait3A_104 : memref<1x125xi32, #tpu.memory_space<vmem>> -> memref<125xi32, #tpu.memory_space<vmem>>
      %dma_wait3A_106 = arith.constant 0 : i32
      %dma_wait3A_107 = arith.constant 0 : i32
      %dma_wait3A_108 = tpu.memref_slice %arg2[%arg0, %dma_wait3A_106, %dma_wait3A_107] : memref<2x10000x64xf32, #tpu.memory_space<hbm>> -> memref<1x10000x64xf32, #tpu.memory_space<hbm>>
      %dma_wait3A_109 = tpu.memref_squeeze %dma_wait3A_108 : memref<1x10000x64xf32, #tpu.memory_space<hbm>> -> memref<10000x64xf32, #tpu.memory_space<hbm>>
      %dma_wait3A_110 = arith.constant 0 : i32
      %dma_wait3A_111 = arith.constant 0 : i32
      %dma_wait3A_112 = tpu.memref_slice %dma_wait3A_109[%dma_wait3A_110, %dma_wait3A_111] : memref<10000x64xf32, #tpu.memory_space<hbm>> -> memref<10000x64xf32, #tpu.memory_space<hbm>>
      tpu.wait_indirect_dma semaphore(%arg16 : memref<!tpu.dma_semaphore, #tpu.memory_space<semaphore_mem>>) src(%dma_wait3A_112 : memref<10000x64xf32, #tpu.memory_space<hbm>>) dst(%arg9 : memref<125x64xf32, #tpu.memory_space<vmem>>)
      %dma_start3A_113 = arith.constant 0 : i32
      %dma_start3A_114 = tpu.memref_slice %arg7[%add3A_101, %dma_start3A_113] : memref<160x125xi32, #tpu.memory_space<vmem>> -> memref<1x125xi32, #tpu.memory_space<vmem>>
      %dma_start3A_115 = tpu.memref_squeeze %dma_start3A_114 : memref<1x125xi32, #tpu.memory_space<vmem>> -> memref<125xi32, #tpu.memory_space<vmem>>
      %dma_start3A_116 = arith.constant 0 : i32
      %dma_start3A_117 = arith.constant 0 : i32
      %dma_start3A_118 = tpu.memref_slice %arg14[%dma_start3A_116, %dma_start3A_117] : memref<10000x64xf32, #tpu.memory_space<vmem_shared>> -> memref<10000x64xf32, #tpu.memory_space<vmem_shared>>
      tpu.enqueue_indirect_dma source(%arg9 : memref<125x64xf32, #tpu.memory_space<vmem>>) target(%dma_start3A_118 : memref<10000x64xf32, #tpu.memory_space<vmem_shared>>) offsets(%dma_start3A_115 : memref<125xi32, #tpu.memory_space<vmem>>) semaphore(%arg21 : memref<!tpu.dma_semaphore, #tpu.memory_space<semaphore_mem>>) {add = true}
      %ge3A_119 = arith.constant 3 : i32
      %ge3A_120 = arith.cmpi sge, %add3A_101, %ge3A_119 : i32
      %convert_element_type3A_121 = arith.extui %ge3A_120 : i1 to i32
      %cond3A_122 = arith.constant 0 : i32
      %cond3A_123 = arith.cmpi ne, %convert_element_type3A_121, %cond3A_122 : i32
      scf.if %cond3A_123 {
        %dma_wait3A_231 = arith.constant 0 : i32
        %dma_wait3A_232 = arith.constant 0 : i32
        %dma_wait3A_233 = tpu.memref_slice %arg7[%dma_wait3A_231, %dma_wait3A_232] : memref<160x125xi32, #tpu.memory_space<vmem>> -> memref<1x125xi32, #tpu.memory_space<vmem>>
        %dma_wait3A_234 = tpu.memref_squeeze %dma_wait3A_233 : memref<1x125xi32, #tpu.memory_space<vmem>> -> memref<125xi32, #tpu.memory_space<vmem>>
        %dma_wait3A_235 = arith.constant 0 : i32
        %dma_wait3A_236 = arith.constant 0 : i32
        %dma_wait3A_237 = tpu.memref_slice %arg14[%dma_wait3A_235, %dma_wait3A_236] : memref<10000x64xf32, #tpu.memory_space<vmem_shared>> -> memref<10000x64xf32, #tpu.memory_space<vmem_shared>>
        tpu.wait_indirect_dma semaphore(%arg23 : memref<!tpu.dma_semaphore, #tpu.memory_space<semaphore_mem>>) src(%arg11 : memref<125x64xf32, #tpu.memory_space<vmem>>) dst(%dma_wait3A_237 : memref<10000x64xf32, #tpu.memory_space<vmem_shared>>)
      } else {
      }
      %add3A_124 = arith.constant 2 : i32
      %add3A_125 = arith.addi %add3A_101, %add3A_124 : i32
      %lt3A_126 = arith.constant 160 : i32
      %lt3A_127 = arith.cmpi slt, %add3A_125, %lt3A_126 : i32
      %convert_element_type3A_128 = arith.extui %lt3A_127 : i1 to i32
      %cond3A_129 = arith.constant 0 : i32
      %cond3A_130 = arith.cmpi ne, %convert_element_type3A_128, %cond3A_129 : i32
      scf.if %cond3A_130 {
        %add3A_231 = arith.constant 2 : i32
        %add3A_232 = arith.addi %add3A_101, %add3A_231 : i32
        %dma_start3A_233 = arith.constant 0 : i32
        %dma_start3A_234 = tpu.memref_slice %arg6[%add3A_232, %dma_start3A_233] : memref<160x125xi32, #tpu.memory_space<vmem>> -> memref<1x125xi32, #tpu.memory_space<vmem>>
        %dma_start3A_235 = tpu.memref_squeeze %dma_start3A_234 : memref<1x125xi32, #tpu.memory_space<vmem>> -> memref<125xi32, #tpu.memory_space<vmem>>
        %dma_start3A_236 = arith.constant 0 : i32
        %dma_start3A_237 = arith.constant 0 : i32
        %dma_start3A_238 = tpu.memref_slice %arg2[%arg0, %dma_start3A_236, %dma_start3A_237] : memref<2x10000x64xf32, #tpu.memory_space<hbm>> -> memref<1x10000x64xf32, #tpu.memory_space<hbm>>
        %dma_start3A_239 = tpu.memref_squeeze %dma_start3A_238 : memref<1x10000x64xf32, #tpu.memory_space<hbm>> -> memref<10000x64xf32, #tpu.memory_space<hbm>>
        %dma_start3A_240 = arith.constant 0 : i32
        %dma_start3A_241 = arith.constant 0 : i32
        %dma_start3A_242 = tpu.memref_slice %dma_start3A_239[%dma_start3A_240, %dma_start3A_241] : memref<10000x64xf32, #tpu.memory_space<hbm>> -> memref<10000x64xf32, #tpu.memory_space<hbm>>
        tpu.enqueue_indirect_dma source(%dma_start3A_242 : memref<10000x64xf32, #tpu.memory_space<hbm>>) target(%arg11 : memref<125x64xf32, #tpu.memory_space<vmem>>) offsets(%dma_start3A_235 : memref<125xi32, #tpu.memory_space<vmem>>) semaphore(%arg18 : memref<!tpu.dma_semaphore, #tpu.memory_space<semaphore_mem>>)
      } else {
      }
      %mul3A_131 = arith.constant 5 : i32
      %mul3A_132 = arith.muli %scan3A_67, %mul3A_131 : i32
      %add3A_133 = arith.constant 2 : i32
      %add3A_134 = arith.addi %mul3A_132, %add3A_133 : i32
      %dma_wait3A_135 = arith.constant 0 : i32
      %dma_wait3A_136 = arith.constant 0 : i32
      %dma_wait3A_137 = tpu.memref_slice %arg6[%dma_wait3A_135, %dma_wait3A_136] : memref<160x125xi32, #tpu.memory_space<vmem>> -> memref<1x125xi32, #tpu.memory_space<vmem>>
      %dma_wait3A_138 = tpu.memref_squeeze %dma_wait3A_137 : memref<1x125xi32, #tpu.memory_space<vmem>> -> memref<125xi32, #tpu.memory_space<vmem>>
      %dma_wait3A_139 = arith.constant 0 : i32
      %dma_wait3A_140 = arith.constant 0 : i32
      %dma_wait3A_141 = tpu.memref_slice %arg2[%arg0, %dma_wait3A_139, %dma_wait3A_140] : memref<2x10000x64xf32, #tpu.memory_space<hbm>> -> memref<1x10000x64xf32, #tpu.memory_space<hbm>>
      %dma_wait3A_142 = tpu.memref_squeeze %dma_wait3A_141 : memref<1x10000x64xf32, #tpu.memory_space<hbm>> -> memref<10000x64xf32, #tpu.memory_space<hbm>>
      %dma_wait3A_143 = arith.constant 0 : i32
      %dma_wait3A_144 = arith.constant 0 : i32
      %dma_wait3A_145 = tpu.memref_slice %dma_wait3A_142[%dma_wait3A_143, %dma_wait3A_144] : memref<10000x64xf32, #tpu.memory_space<hbm>> -> memref<10000x64xf32, #tpu.memory_space<hbm>>
      tpu.wait_indirect_dma semaphore(%arg17 : memref<!tpu.dma_semaphore, #tpu.memory_space<semaphore_mem>>) src(%dma_wait3A_145 : memref<10000x64xf32, #tpu.memory_space<hbm>>) dst(%arg10 : memref<125x64xf32, #tpu.memory_space<vmem>>)
      %dma_start3A_146 = arith.constant 0 : i32
      %dma_start3A_147 = tpu.memref_slice %arg7[%add3A_134, %dma_start3A_146] : memref<160x125xi32, #tpu.memory_space<vmem>> -> memref<1x125xi32, #tpu.memory_space<vmem>>
      %dma_start3A_148 = tpu.memref_squeeze %dma_start3A_147 : memref<1x125xi32, #tpu.memory_space<vmem>> -> memref<125xi32, #tpu.memory_space<vmem>>
      %dma_start3A_149 = arith.constant 0 : i32
      %dma_start3A_150 = arith.constant 0 : i32
      %dma_start3A_151 = tpu.memref_slice %arg14[%dma_start3A_149, %dma_start3A_150] : memref<10000x64xf32, #tpu.memory_space<vmem_shared>> -> memref<10000x64xf32, #tpu.memory_space<vmem_shared>>
      tpu.enqueue_indirect_dma source(%arg10 : memref<125x64xf32, #tpu.memory_space<vmem>>) target(%dma_start3A_151 : memref<10000x64xf32, #tpu.memory_space<vmem_shared>>) offsets(%dma_start3A_148 : memref<125xi32, #tpu.memory_space<vmem>>) semaphore(%arg22 : memref<!tpu.dma_semaphore, #tpu.memory_space<semaphore_mem>>) {add = true}
      %ge3A_152 = arith.constant 3 : i32
      %ge3A_153 = arith.cmpi sge, %add3A_134, %ge3A_152 : i32
      %convert_element_type3A_154 = arith.extui %ge3A_153 : i1 to i32
      %cond3A_155 = arith.constant 0 : i32
      %cond3A_156 = arith.cmpi ne, %convert_element_type3A_154, %cond3A_155 : i32
      scf.if %cond3A_156 {
        %dma_wait3A_231 = arith.constant 0 : i32
        %dma_wait3A_232 = arith.constant 0 : i32
        %dma_wait3A_233 = tpu.memref_slice %arg7[%dma_wait3A_231, %dma_wait3A_232] : memref<160x125xi32, #tpu.memory_space<vmem>> -> memref<1x125xi32, #tpu.memory_space<vmem>>
        %dma_wait3A_234 = tpu.memref_squeeze %dma_wait3A_233 : memref<1x125xi32, #tpu.memory_space<vmem>> -> memref<125xi32, #tpu.memory_space<vmem>>
        %dma_wait3A_235 = arith.constant 0 : i32
        %dma_wait3A_236 = arith.constant 0 : i32
        %dma_wait3A_237 = tpu.memref_slice %arg14[%dma_wait3A_235, %dma_wait3A_236] : memref<10000x64xf32, #tpu.memory_space<vmem_shared>> -> memref<10000x64xf32, #tpu.memory_space<vmem_shared>>
        tpu.wait_indirect_dma semaphore(%arg24 : memref<!tpu.dma_semaphore, #tpu.memory_space<semaphore_mem>>) src(%arg12 : memref<125x64xf32, #tpu.memory_space<vmem>>) dst(%dma_wait3A_237 : memref<10000x64xf32, #tpu.memory_space<vmem_shared>>)
      } else {
      }
      %add3A_157 = arith.constant 2 : i32
      %add3A_158 = arith.addi %add3A_134, %add3A_157 : i32
      %lt3A_159 = arith.constant 160 : i32
      %lt3A_160 = arith.cmpi slt, %add3A_158, %lt3A_159 : i32
      %convert_element_type3A_161 = arith.extui %lt3A_160 : i1 to i32
      %cond3A_162 = arith.constant 0 : i32
      %cond3A_163 = arith.cmpi ne, %convert_element_type3A_161, %cond3A_162 : i32
      scf.if %cond3A_163 {
        %add3A_231 = arith.constant 2 : i32
        %add3A_232 = arith.addi %add3A_134, %add3A_231 : i32
        %dma_start3A_233 = arith.constant 0 : i32
        %dma_start3A_234 = tpu.memref_slice %arg6[%add3A_232, %dma_start3A_233] : memref<160x125xi32, #tpu.memory_space<vmem>> -> memref<1x125xi32, #tpu.memory_space<vmem>>
        %dma_start3A_235 = tpu.memref_squeeze %dma_start3A_234 : memref<1x125xi32, #tpu.memory_space<vmem>> -> memref<125xi32, #tpu.memory_space<vmem>>
        %dma_start3A_236 = arith.constant 0 : i32
        %dma_start3A_237 = arith.constant 0 : i32
        %dma_start3A_238 = tpu.memref_slice %arg2[%arg0, %dma_start3A_236, %dma_start3A_237] : memref<2x10000x64xf32, #tpu.memory_space<hbm>> -> memref<1x10000x64xf32, #tpu.memory_space<hbm>>
        %dma_start3A_239 = tpu.memref_squeeze %dma_start3A_238 : memref<1x10000x64xf32, #tpu.memory_space<hbm>> -> memref<10000x64xf32, #tpu.memory_space<hbm>>
        %dma_start3A_240 = arith.constant 0 : i32
        %dma_start3A_241 = arith.constant 0 : i32
        %dma_start3A_242 = tpu.memref_slice %dma_start3A_239[%dma_start3A_240, %dma_start3A_241] : memref<10000x64xf32, #tpu.memory_space<hbm>> -> memref<10000x64xf32, #tpu.memory_space<hbm>>
        tpu.enqueue_indirect_dma source(%dma_start3A_242 : memref<10000x64xf32, #tpu.memory_space<hbm>>) target(%arg12 : memref<125x64xf32, #tpu.memory_space<vmem>>) offsets(%dma_start3A_235 : memref<125xi32, #tpu.memory_space<vmem>>) semaphore(%arg19 : memref<!tpu.dma_semaphore, #tpu.memory_space<semaphore_mem>>)
      } else {
      }
      %mul3A_164 = arith.constant 5 : i32
      %mul3A_165 = arith.muli %scan3A_67, %mul3A_164 : i32
      %add3A_166 = arith.constant 3 : i32
      %add3A_167 = arith.addi %mul3A_165, %add3A_166 : i32
      %dma_wait3A_168 = arith.constant 0 : i32
      %dma_wait3A_169 = arith.constant 0 : i32
      %dma_wait3A_170 = tpu.memref_slice %arg6[%dma_wait3A_168, %dma_wait3A_169] : memref<160x125xi32, #tpu.memory_space<vmem>> -> memref<1x125xi32, #tpu.memory_space<vmem>>
      %dma_wait3A_171 = tpu.memref_squeeze %dma_wait3A_170 : memref<1x125xi32, #tpu.memory_space<vmem>> -> memref<125xi32, #tpu.memory_space<vmem>>
      %dma_wait3A_172 = arith.constant 0 : i32
      %dma_wait3A_173 = arith.constant 0 : i32
      %dma_wait3A_174 = tpu.memref_slice %arg2[%arg0, %dma_wait3A_172, %dma_wait3A_173] : memref<2x10000x64xf32, #tpu.memory_space<hbm>> -> memref<1x10000x64xf32, #tpu.memory_space<hbm>>
      %dma_wait3A_175 = tpu.memref_squeeze %dma_wait3A_174 : memref<1x10000x64xf32, #tpu.memory_space<hbm>> -> memref<10000x64xf32, #tpu.memory_space<hbm>>
      %dma_wait3A_176 = arith.constant 0 : i32
      %dma_wait3A_177 = arith.constant 0 : i32
      %dma_wait3A_178 = tpu.memref_slice %dma_wait3A_175[%dma_wait3A_176, %dma_wait3A_177] : memref<10000x64xf32, #tpu.memory_space<hbm>> -> memref<10000x64xf32, #tpu.memory_space<hbm>>
      tpu.wait_indirect_dma semaphore(%arg18 : memref<!tpu.dma_semaphore, #tpu.memory_space<semaphore_mem>>) src(%dma_wait3A_178 : memref<10000x64xf32, #tpu.memory_space<hbm>>) dst(%arg11 : memref<125x64xf32, #tpu.memory_space<vmem>>)
      %dma_start3A_179 = arith.constant 0 : i32
      %dma_start3A_180 = tpu.memref_slice %arg7[%add3A_167, %dma_start3A_179] : memref<160x125xi32, #tpu.memory_space<vmem>> -> memref<1x125xi32, #tpu.memory_space<vmem>>
      %dma_start3A_181 = tpu.memref_squeeze %dma_start3A_180 : memref<1x125xi32, #tpu.memory_space<vmem>> -> memref<125xi32, #tpu.memory_space<vmem>>
      %dma_start3A_182 = arith.constant 0 : i32
      %dma_start3A_183 = arith.constant 0 : i32
      %dma_start3A_184 = tpu.memref_slice %arg14[%dma_start3A_182, %dma_start3A_183] : memref<10000x64xf32, #tpu.memory_space<vmem_shared>> -> memref<10000x64xf32, #tpu.memory_space<vmem_shared>>
      tpu.enqueue_indirect_dma source(%arg11 : memref<125x64xf32, #tpu.memory_space<vmem>>) target(%dma_start3A_184 : memref<10000x64xf32, #tpu.memory_space<vmem_shared>>) offsets(%dma_start3A_181 : memref<125xi32, #tpu.memory_space<vmem>>) semaphore(%arg23 : memref<!tpu.dma_semaphore, #tpu.memory_space<semaphore_mem>>) {add = true}
      %ge3A_185 = arith.constant 3 : i32
      %ge3A_186 = arith.cmpi sge, %add3A_167, %ge3A_185 : i32
      %convert_element_type3A_187 = arith.extui %ge3A_186 : i1 to i32
      %cond3A_188 = arith.constant 0 : i32
      %cond3A_189 = arith.cmpi ne, %convert_element_type3A_187, %cond3A_188 : i32
      scf.if %cond3A_189 {
        %dma_wait3A_231 = arith.constant 0 : i32
        %dma_wait3A_232 = arith.constant 0 : i32
        %dma_wait3A_233 = tpu.memref_slice %arg7[%dma_wait3A_231, %dma_wait3A_232] : memref<160x125xi32, #tpu.memory_space<vmem>> -> memref<1x125xi32, #tpu.memory_space<vmem>>
        %dma_wait3A_234 = tpu.memref_squeeze %dma_wait3A_233 : memref<1x125xi32, #tpu.memory_space<vmem>> -> memref<125xi32, #tpu.memory_space<vmem>>
        %dma_wait3A_235 = arith.constant 0 : i32
        %dma_wait3A_236 = arith.constant 0 : i32
        %dma_wait3A_237 = tpu.memref_slice %arg14[%dma_wait3A_235, %dma_wait3A_236] : memref<10000x64xf32, #tpu.memory_space<vmem_shared>> -> memref<10000x64xf32, #tpu.memory_space<vmem_shared>>
        tpu.wait_indirect_dma semaphore(%arg20 : memref<!tpu.dma_semaphore, #tpu.memory_space<semaphore_mem>>) src(%arg8 : memref<125x64xf32, #tpu.memory_space<vmem>>) dst(%dma_wait3A_237 : memref<10000x64xf32, #tpu.memory_space<vmem_shared>>)
      } else {
      }
      %add3A_190 = arith.constant 2 : i32
      %add3A_191 = arith.addi %add3A_167, %add3A_190 : i32
      %lt3A_192 = arith.constant 160 : i32
      %lt3A_193 = arith.cmpi slt, %add3A_191, %lt3A_192 : i32
      %convert_element_type3A_194 = arith.extui %lt3A_193 : i1 to i32
      %cond3A_195 = arith.constant 0 : i32
      %cond3A_196 = arith.cmpi ne, %convert_element_type3A_194, %cond3A_195 : i32
      scf.if %cond3A_196 {
        %add3A_231 = arith.constant 2 : i32
        %add3A_232 = arith.addi %add3A_167, %add3A_231 : i32
        %dma_start3A_233 = arith.constant 0 : i32
        %dma_start3A_234 = tpu.memref_slice %arg6[%add3A_232, %dma_start3A_233] : memref<160x125xi32, #tpu.memory_space<vmem>> -> memref<1x125xi32, #tpu.memory_space<vmem>>
        %dma_start3A_235 = tpu.memref_squeeze %dma_start3A_234 : memref<1x125xi32, #tpu.memory_space<vmem>> -> memref<125xi32, #tpu.memory_space<vmem>>
        %dma_start3A_236 = arith.constant 0 : i32
        %dma_start3A_237 = arith.constant 0 : i32
        %dma_start3A_238 = tpu.memref_slice %arg2[%arg0, %dma_start3A_236, %dma_start3A_237] : memref<2x10000x64xf32, #tpu.memory_space<hbm>> -> memref<1x10000x64xf32, #tpu.memory_space<hbm>>
        %dma_start3A_239 = tpu.memref_squeeze %dma_start3A_238 : memref<1x10000x64xf32, #tpu.memory_space<hbm>> -> memref<10000x64xf32, #tpu.memory_space<hbm>>
        %dma_start3A_240 = arith.constant 0 : i32
        %dma_start3A_241 = arith.constant 0 : i32
        %dma_start3A_242 = tpu.memref_slice %dma_start3A_239[%dma_start3A_240, %dma_start3A_241] : memref<10000x64xf32, #tpu.memory_space<hbm>> -> memref<10000x64xf32, #tpu.memory_space<hbm>>
        tpu.enqueue_indirect_dma source(%dma_start3A_242 : memref<10000x64xf32, #tpu.memory_space<hbm>>) target(%arg8 : memref<125x64xf32, #tpu.memory_space<vmem>>) offsets(%dma_start3A_235 : memref<125xi32, #tpu.memory_space<vmem>>) semaphore(%arg15 : memref<!tpu.dma_semaphore, #tpu.memory_space<semaphore_mem>>)
      } else {
      }
      %mul3A_197 = arith.constant 5 : i32
      %mul3A_198 = arith.muli %scan3A_67, %mul3A_197 : i32
      %add3A_199 = arith.constant 4 : i32
      %add3A_200 = arith.addi %mul3A_198, %add3A_199 : i32
      %dma_wait3A_201 = arith.constant 0 : i32
      %dma_wait3A_202 = arith.constant 0 : i32
      %dma_wait3A_203 = tpu.memref_slice %arg6[%dma_wait3A_201, %dma_wait3A_202] : memref<160x125xi32, #tpu.memory_space<vmem>> -> memref<1x125xi32, #tpu.memory_space<vmem>>
      %dma_wait3A_204 = tpu.memref_squeeze %dma_wait3A_203 : memref<1x125xi32, #tpu.memory_space<vmem>> -> memref<125xi32, #tpu.memory_space<vmem>>
      %dma_wait3A_205 = arith.constant 0 : i32
      %dma_wait3A_206 = arith.constant 0 : i32
      %dma_wait3A_207 = tpu.memref_slice %arg2[%arg0, %dma_wait3A_205, %dma_wait3A_206] : memref<2x10000x64xf32, #tpu.memory_space<hbm>> -> memref<1x10000x64xf32, #tpu.memory_space<hbm>>
      %dma_wait3A_208 = tpu.memref_squeeze %dma_wait3A_207 : memref<1x10000x64xf32, #tpu.memory_space<hbm>> -> memref<10000x64xf32, #tpu.memory_space<hbm>>
      %dma_wait3A_209 = arith.constant 0 : i32
      %dma_wait3A_210 = arith.constant 0 : i32
      %dma_wait3A_211 = tpu.memref_slice %dma_wait3A_208[%dma_wait3A_209, %dma_wait3A_210] : memref<10000x64xf32, #tpu.memory_space<hbm>> -> memref<10000x64xf32, #tpu.memory_space<hbm>>
      tpu.wait_indirect_dma semaphore(%arg19 : memref<!tpu.dma_semaphore, #tpu.memory_space<semaphore_mem>>) src(%dma_wait3A_211 : memref<10000x64xf32, #tpu.memory_space<hbm>>) dst(%arg12 : memref<125x64xf32, #tpu.memory_space<vmem>>)
      %dma_start3A_212 = arith.constant 0 : i32
      %dma_start3A_213 = tpu.memref_slice %arg7[%add3A_200, %dma_start3A_212] : memref<160x125xi32, #tpu.memory_space<vmem>> -> memref<1x125xi32, #tpu.memory_space<vmem>>
      %dma_start3A_214 = tpu.memref_squeeze %dma_start3A_213 : memref<1x125xi32, #tpu.memory_space<vmem>> -> memref<125xi32, #tpu.memory_space<vmem>>
      %dma_start3A_215 = arith.constant 0 : i32
      %dma_start3A_216 = arith.constant 0 : i32
      %dma_start3A_217 = tpu.memref_slice %arg14[%dma_start3A_215, %dma_start3A_216] : memref<10000x64xf32, #tpu.memory_space<vmem_shared>> -> memref<10000x64xf32, #tpu.memory_space<vmem_shared>>
      tpu.enqueue_indirect_dma source(%arg12 : memref<125x64xf32, #tpu.memory_space<vmem>>) target(%dma_start3A_217 : memref<10000x64xf32, #tpu.memory_space<vmem_shared>>) offsets(%dma_start3A_214 : memref<125xi32, #tpu.memory_space<vmem>>) semaphore(%arg24 : memref<!tpu.dma_semaphore, #tpu.memory_space<semaphore_mem>>) {add = true}
      %ge3A_218 = arith.constant 3 : i32
      %ge3A_219 = arith.cmpi sge, %add3A_200, %ge3A_218 : i32
      %convert_element_type3A_220 = arith.extui %ge3A_219 : i1 to i32
      %cond3A_221 = arith.constant 0 : i32
      %cond3A_222 = arith.cmpi ne, %convert_element_type3A_220, %cond3A_221 : i32
      scf.if %cond3A_222 {
        %dma_wait3A_231 = arith.constant 0 : i32
        %dma_wait3A_232 = arith.constant 0 : i32
        %dma_wait3A_233 = tpu.memref_slice %arg7[%dma_wait3A_231, %dma_wait3A_232] : memref<160x125xi32, #tpu.memory_space<vmem>> -> memref<1x125xi32, #tpu.memory_space<vmem>>
        %dma_wait3A_234 = tpu.memref_squeeze %dma_wait3A_233 : memref<1x125xi32, #tpu.memory_space<vmem>> -> memref<125xi32, #tpu.memory_space<vmem>>
        %dma_wait3A_235 = arith.constant 0 : i32
        %dma_wait3A_236 = arith.constant 0 : i32
        %dma_wait3A_237 = tpu.memref_slice %arg14[%dma_wait3A_235, %dma_wait3A_236] : memref<10000x64xf32, #tpu.memory_space<vmem_shared>> -> memref<10000x64xf32, #tpu.memory_space<vmem_shared>>
        tpu.wait_indirect_dma semaphore(%arg21 : memref<!tpu.dma_semaphore, #tpu.memory_space<semaphore_mem>>) src(%arg9 : memref<125x64xf32, #tpu.memory_space<vmem>>) dst(%dma_wait3A_237 : memref<10000x64xf32, #tpu.memory_space<vmem_shared>>)
      } else {
      }
      %add3A_223 = arith.constant 2 : i32
      %add3A_224 = arith.addi %add3A_200, %add3A_223 : i32
      %lt3A_225 = arith.constant 160 : i32
      %lt3A_226 = arith.cmpi slt, %add3A_224, %lt3A_225 : i32
      %convert_element_type3A_227 = arith.extui %lt3A_226 : i1 to i32
      %cond3A_228 = arith.constant 0 : i32
      %cond3A_229 = arith.cmpi ne, %convert_element_type3A_227, %cond3A_228 : i32
      scf.if %cond3A_229 {
        %add3A_231 = arith.constant 2 : i32
        %add3A_232 = arith.addi %add3A_200, %add3A_231 : i32
        %dma_start3A_233 = arith.constant 0 : i32
        %dma_start3A_234 = tpu.memref_slice %arg6[%add3A_232, %dma_start3A_233] : memref<160x125xi32, #tpu.memory_space<vmem>> -> memref<1x125xi32, #tpu.memory_space<vmem>>
        %dma_start3A_235 = tpu.memref_squeeze %dma_start3A_234 : memref<1x125xi32, #tpu.memory_space<vmem>> -> memref<125xi32, #tpu.memory_space<vmem>>
        %dma_start3A_236 = arith.constant 0 : i32
        %dma_start3A_237 = arith.constant 0 : i32
        %dma_start3A_238 = tpu.memref_slice %arg2[%arg0, %dma_start3A_236, %dma_start3A_237] : memref<2x10000x64xf32, #tpu.memory_space<hbm>> -> memref<1x10000x64xf32, #tpu.memory_space<hbm>>
        %dma_start3A_239 = tpu.memref_squeeze %dma_start3A_238 : memref<1x10000x64xf32, #tpu.memory_space<hbm>> -> memref<10000x64xf32, #tpu.memory_space<hbm>>
        %dma_start3A_240 = arith.constant 0 : i32
        %dma_start3A_241 = arith.constant 0 : i32
        %dma_start3A_242 = tpu.memref_slice %dma_start3A_239[%dma_start3A_240, %dma_start3A_241] : memref<10000x64xf32, #tpu.memory_space<hbm>> -> memref<10000x64xf32, #tpu.memory_space<hbm>>
        tpu.enqueue_indirect_dma source(%dma_start3A_242 : memref<10000x64xf32, #tpu.memory_space<hbm>>) target(%arg9 : memref<125x64xf32, #tpu.memory_space<vmem>>) offsets(%dma_start3A_235 : memref<125xi32, #tpu.memory_space<vmem>>) semaphore(%arg16 : memref<!tpu.dma_semaphore, #tpu.memory_space<semaphore_mem>>)
      } else {
      }
      %scan3A_230 = arith.constant 0 : i32
      scf.yield %scan3A_230 : i32
    }
    %scan3A_45 = arith.constant 32 : i32
    %dma_wait3A = arith.constant 0 : i32
    %dma_wait3A_46 = arith.constant 0 : i32
    %dma_wait3A_47 = tpu.memref_slice %arg7[%dma_wait3A, %dma_wait3A_46] : memref<160x125xi32, #tpu.memory_space<vmem>> -> memref<1x125xi32, #tpu.memory_space<vmem>>
    %dma_wait3A_48 = tpu.memref_squeeze %dma_wait3A_47 : memref<1x125xi32, #tpu.memory_space<vmem>> -> memref<125xi32, #tpu.memory_space<vmem>>
    %dma_wait3A_49 = arith.constant 0 : i32
    %dma_wait3A_50 = arith.constant 0 : i32
    %dma_wait3A_51 = tpu.memref_slice %arg14[%dma_wait3A_49, %dma_wait3A_50] : memref<10000x64xf32, #tpu.memory_space<vmem_shared>> -> memref<10000x64xf32, #tpu.memory_space<vmem_shared>>
    tpu.wait_indirect_dma semaphore(%arg22 : memref<!tpu.dma_semaphore, #tpu.memory_space<semaphore_mem>>) src(%arg10 : memref<125x64xf32, #tpu.memory_space<vmem>>) dst(%dma_wait3A_51 : memref<10000x64xf32, #tpu.memory_space<vmem_shared>>)
    %dma_wait3A_52 = arith.constant 0 : i32
    %dma_wait3A_53 = arith.constant 0 : i32
    %dma_wait3A_54 = tpu.memref_slice %arg7[%dma_wait3A_52, %dma_wait3A_53] : memref<160x125xi32, #tpu.memory_space<vmem>> -> memref<1x125xi32, #tpu.memory_space<vmem>>
    %dma_wait3A_55 = tpu.memref_squeeze %dma_wait3A_54 : memref<1x125xi32, #tpu.memory_space<vmem>> -> memref<125xi32, #tpu.memory_space<vmem>>
    %dma_wait3A_56 = arith.constant 0 : i32
    %dma_wait3A_57 = arith.constant 0 : i32
    %dma_wait3A_58 = tpu.memref_slice %arg14[%dma_wait3A_56, %dma_wait3A_57] : memref<10000x64xf32, #tpu.memory_space<vmem_shared>> -> memref<10000x64xf32, #tpu.memory_space<vmem_shared>>
    tpu.wait_indirect_dma semaphore(%arg23 : memref<!tpu.dma_semaphore, #tpu.memory_space<semaphore_mem>>) src(%arg11 : memref<125x64xf32, #tpu.memory_space<vmem>>) dst(%dma_wait3A_58 : memref<10000x64xf32, #tpu.memory_space<vmem_shared>>)
    %dma_wait3A_59 = arith.constant 0 : i32
    %dma_wait3A_60 = arith.constant 0 : i32
    %dma_wait3A_61 = tpu.memref_slice %arg7[%dma_wait3A_59, %dma_wait3A_60] : memref<160x125xi32, #tpu.memory_space<vmem>> -> memref<1x125xi32, #tpu.memory_space<vmem>>
    %dma_wait3A_62 = tpu.memref_squeeze %dma_wait3A_61 : memref<1x125xi32, #tpu.memory_space<vmem>> -> memref<125xi32, #tpu.memory_space<vmem>>
    %dma_wait3A_63 = arith.constant 0 : i32
    %dma_wait3A_64 = arith.constant 0 : i32
    %dma_wait3A_65 = tpu.memref_slice %arg14[%dma_wait3A_63, %dma_wait3A_64] : memref<10000x64xf32, #tpu.memory_space<vmem_shared>> -> memref<10000x64xf32, #tpu.memory_space<vmem_shared>>
    tpu.wait_indirect_dma semaphore(%arg24 : memref<!tpu.dma_semaphore, #tpu.memory_space<semaphore_mem>>) src(%arg12 : memref<125x64xf32, #tpu.memory_space<vmem>>) dst(%dma_wait3A_65 : memref<10000x64xf32, #tpu.memory_space<vmem_shared>>)
    %barrier3A_66 = arith.constant 0 : index
    tpu.barrier barrier_id(%barrier3A_66)
    "tpu.region"() ({
      %run_scoped3A = tpu.sem_alloc : memref<!tpu.dma_semaphore, #tpu.memory_space<semaphore_mem>>
      %dma_start3A_67 = arith.constant 0 : i32
      %dma_start3A_68 = tpu.memref_slice %arg5[%arg0, %mul3A_2, %dma_start3A_67] : memref<2x10000x64xf32, #tpu.memory_space<hbm>> -> memref<1x625x64xf32, #tpu.memory_space<hbm>>
      %dma_start3A_69 = tpu.memref_squeeze %dma_start3A_68 : memref<1x625x64xf32, #tpu.memory_space<hbm>> -> memref<625x64xf32, #tpu.memory_space<hbm>>
      %dma_start3A_70 = arith.constant 0 : i32
      %dma_start3A_71 = tpu.memref_slice %arg14[%mul3A_2, %dma_start3A_70] : memref<10000x64xf32, #tpu.memory_space<vmem_shared>> -> memref<625x64xf32, #tpu.memory_space<vmem_shared>>
      tpu.enqueue_dma source(%dma_start3A_71 : memref<625x64xf32, #tpu.memory_space<vmem_shared>>) target(%dma_start3A_69 : memref<625x64xf32, #tpu.memory_space<hbm>>) target_semaphore(%run_scoped3A : memref<!tpu.dma_semaphore, #tpu.memory_space<semaphore_mem>>)
      %dma_wait3A_72 = arith.constant 0 : i32
      %dma_wait3A_73 = tpu.memref_slice %arg5[%arg0, %mul3A_2, %dma_wait3A_72] : memref<2x10000x64xf32, #tpu.memory_space<hbm>> -> memref<1x625x64xf32, #tpu.memory_space<hbm>>
      %dma_wait3A_74 = tpu.memref_squeeze %dma_wait3A_73 : memref<1x625x64xf32, #tpu.memory_space<hbm>> -> memref<625x64xf32, #tpu.memory_space<hbm>>
      %dma_wait3A_75 = arith.constant 0 : i32
      %dma_wait3A_76 = tpu.memref_slice %arg14[%mul3A_2, %dma_wait3A_75] : memref<10000x64xf32, #tpu.memory_space<vmem_shared>> -> memref<625x64xf32, #tpu.memory_space<vmem_shared>>
      tpu.wait_dma2 semaphore(%run_scoped3A : memref<!tpu.dma_semaphore, #tpu.memory_space<semaphore_mem>>) src(%dma_wait3A_76 : memref<625x64xf32, #tpu.memory_space<vmem_shared>>) dst(%dma_wait3A_74 : memref<625x64xf32, #tpu.memory_space<hbm>>)
      tpu.yield
    }) : () -> ()
    return
  }
}

#map = affine_map<(d0, d1) -> (0, 0, 0)>
#map1 = affine_map<(d0, d1) -> (0, 0)>
module attributes {stable_mosaic.version = 14 : i64} {
  func.func @body(%arg0: i32, %arg1: i32, %arg2: memref<2x10000x64xf32, #tpu.memory_space<hbm>>, %arg3: memref<2560x125xi32, #tpu.memory_space<hbm>>, %arg4: memref<2560x125xi32, #tpu.memory_space<hbm>>, %arg5: memref<2x10000x64xf32, #tpu.memory_space<hbm>>, %arg6: memref<160x125xi32, #tpu.memory_space<vmem>>, %arg7: memref<160x125xi32, #tpu.memory_space<vmem>>, %arg8: memref<125x64xf32, #tpu.memory_space<vmem>>, %arg9: memref<125x64xf32, #tpu.memory_space<vmem>>, %arg10: memref<125x64xf32, #tpu.memory_space<vmem>>, %arg11: memref<125x64xf32, #tpu.memory_space<vmem>>, %arg12: memref<125x64xf32, #tpu.memory_space<vmem>>, %arg13: memref<125x64xf32, #tpu.memory_space<vmem>>, %arg14: memref<10000x64xf32, #tpu.memory_space<vmem_shared>>, %arg15: memref<!tpu.dma_semaphore, #tpu.memory_space<semaphore_mem>>, %arg16: memref<!tpu.dma_semaphore, #tpu.memory_space<semaphore_mem>>, %arg17: memref<!tpu.dma_semaphore, #tpu.memory_space<semaphore_mem>>, %arg18: memref<!tpu.dma_semaphore, #tpu.memory_space<semaphore_mem>>, %arg19: memref<!tpu.dma_semaphore, #tpu.memory_space<semaphore_mem>>, %arg20: memref<!tpu.dma_semaphore, #tpu.memory_space<semaphore_mem>>, %arg21: memref<!tpu.dma_semaphore, #tpu.memory_space<semaphore_mem>>, %arg22: memref<!tpu.dma_semaphore, #tpu.memory_space<semaphore_mem>>, %arg23: memref<!tpu.dma_semaphore, #tpu.memory_space<semaphore_mem>>, %arg24: memref<!tpu.dma_semaphore, #tpu.memory_space<semaphore_mem>>) attributes {dimension_semantics = [#tpu.dimension_semantics<core_parallel>, #tpu.dimension_semantics<subcore_parallel>], iteration_bounds = array<i64: 2, 16>, scalar_prefetch = 0 : i64, scratch_operands = 19 : i64, tpu.core_type = #tpu.core_type<sc_vector_subcore>, window_params = [{transform_indices = #map}, {transform_indices = #map1}, {transform_indices = #map1}, {transform_indices = #map}]} {
    %mul3A = arith.constant 160 : i32
    %mul3A_0 = arith.muli %arg1, %mul3A : i32
    "tpu.region"() ({
      %run_scoped3A = tpu.sem_alloc : memref<!tpu.dma_semaphore, #tpu.memory_space<semaphore_mem>>
      %dma_start3A_67 = arith.constant 0 : i32
      %dma_start3A_68 = tpu.memref_slice %arg3[%mul3A_0, %dma_start3A_67] : memref<2560x125xi32, #tpu.memory_space<hbm>> -> memref<160x125xi32, #tpu.memory_space<hbm>>
      %dma_start3A_69 = arith.constant 0 : i32
      %dma_start3A_70 = tpu.memref_slice %arg3[%mul3A_0, %dma_start3A_69] : memref<2560x125xi32, #tpu.memory_space<hbm>> -> memref<160x125xi32, #tpu.memory_space<hbm>>
      tpu.enqueue_dma source(%dma_start3A_70 : memref<160x125xi32, #tpu.memory_space<hbm>>) target(%arg6 : memref<160x125xi32, #tpu.memory_space<vmem>>) target_semaphore(%run_scoped3A : memref<!tpu.dma_semaphore, #tpu.memory_space<semaphore_mem>>)
      %dma_wait3A_71 = arith.constant 0 : i32
      %dma_wait3A_72 = tpu.memref_slice %arg3[%mul3A_0, %dma_wait3A_71] : memref<2560x125xi32, #tpu.memory_space<hbm>> -> memref<160x125xi32, #tpu.memory_space<hbm>>
      %dma_wait3A_73 = arith.constant 0 : i32
      %dma_wait3A_74 = tpu.memref_slice %arg3[%mul3A_0, %dma_wait3A_73] : memref<2560x125xi32, #tpu.memory_space<hbm>> -> memref<160x125xi32, #tpu.memory_space<hbm>>
      tpu.wait_dma2 semaphore(%run_scoped3A : memref<!tpu.dma_semaphore, #tpu.memory_space<semaphore_mem>>) src(%dma_wait3A_74 : memref<160x125xi32, #tpu.memory_space<hbm>>) dst(%arg6 : memref<160x125xi32, #tpu.memory_space<vmem>>)
      tpu.yield
    }) : () -> ()
    "tpu.region"() ({
      %run_scoped3A = tpu.sem_alloc : memref<!tpu.dma_semaphore, #tpu.memory_space<semaphore_mem>>
      %dma_start3A_67 = arith.constant 0 : i32
      %dma_start3A_68 = tpu.memref_slice %arg4[%mul3A_0, %dma_start3A_67] : memref<2560x125xi32, #tpu.memory_space<hbm>> -> memref<160x125xi32, #tpu.memory_space<hbm>>
      %dma_start3A_69 = arith.constant 0 : i32
      %dma_start3A_70 = tpu.memref_slice %arg4[%mul3A_0, %dma_start3A_69] : memref<2560x125xi32, #tpu.memory_space<hbm>> -> memref<160x125xi32, #tpu.memory_space<hbm>>
      tpu.enqueue_dma source(%dma_start3A_70 : memref<160x125xi32, #tpu.memory_space<hbm>>) target(%arg7 : memref<160x125xi32, #tpu.memory_space<vmem>>) target_semaphore(%run_scoped3A : memref<!tpu.dma_semaphore, #tpu.memory_space<semaphore_mem>>)
      %dma_wait3A_71 = arith.constant 0 : i32
      %dma_wait3A_72 = tpu.memref_slice %arg4[%mul3A_0, %dma_wait3A_71] : memref<2560x125xi32, #tpu.memory_space<hbm>> -> memref<160x125xi32, #tpu.memory_space<hbm>>
      %dma_wait3A_73 = arith.constant 0 : i32
      %dma_wait3A_74 = tpu.memref_slice %arg4[%mul3A_0, %dma_wait3A_73] : memref<2560x125xi32, #tpu.memory_space<hbm>> -> memref<160x125xi32, #tpu.memory_space<hbm>>
      tpu.wait_dma2 semaphore(%run_scoped3A : memref<!tpu.dma_semaphore, #tpu.memory_space<semaphore_mem>>) src(%dma_wait3A_74 : memref<160x125xi32, #tpu.memory_space<hbm>>) dst(%arg7 : memref<160x125xi32, #tpu.memory_space<vmem>>)
      tpu.yield
    }) : () -> ()
    %mul3A_1 = arith.constant 625 : i32
    %mul3A_2 = arith.muli %arg1, %mul3A_1 : i32
    %scan3A = arith.constant 0 : i32
    %scan3A_3 = arith.constant 0 : i32
    %scan3A_4 = arith.constant 125 : i32
    %scan3A_5 = arith.addi %scan3A_3, %scan3A_4 : i32
    %scan3A_6 = arith.constant 1 : i32
    %scan3A_7 = scf.for %scan3A_67 = %scan3A_3 to %scan3A_5 step %scan3A_6 iter_args(%scan3A_68 = %scan3A) -> (i32)  : i32 {
      %broadcast_in_dim3A = arith.constant 0.000000e+00 : f32
      %broadcast_in_dim3A_69 = vector.broadcast %broadcast_in_dim3A : f32 to vector<16xf32>
      %swap3A = arith.index_cast %scan3A_67 : i32 to index
      %swap3A_70 = arith.constant 0 : index
      %swap3A_71 = tpu.vector_load %arg13[%swap3A, %swap3A_70] {strides = array<i32>} : memref<125x64xf32, #tpu.memory_space<vmem>>, vector<1x16xf32>,
      %swap3A_72 = vector.shape_cast %swap3A_71 : vector<1x16xf32> to vector<16xf32>
      %swap3A_73 = vector.shape_cast %broadcast_in_dim3A_69 : vector<16xf32> to vector<1x16xf32>
      tpu.vector_store %arg13[%swap3A, %swap3A_70], %swap3A_73 {strides = array<i32>} : memref<125x64xf32, #tpu.memory_space<vmem>>, vector<1x16xf32>,
      %swap3A_74 = arith.index_cast %scan3A_67 : i32 to index
      %swap3A_75 = arith.constant 16 : index
      %swap3A_76 = tpu.vector_load %arg13[%swap3A_74, %swap3A_75] {strides = array<i32>} : memref<125x64xf32, #tpu.memory_space<vmem>>, vector<1x16xf32>,
      %swap3A_77 = vector.shape_cast %swap3A_76 : vector<1x16xf32> to vector<16xf32>
      %swap3A_78 = vector.shape_cast %broadcast_in_dim3A_69 : vector<16xf32> to vector<1x16xf32>
      tpu.vector_store %arg13[%swap3A_74, %swap3A_75], %swap3A_78 {strides = array<i32>} : memref<125x64xf32, #tpu.memory_space<vmem>>, vector<1x16xf32>,
      %swap3A_79 = arith.index_cast %scan3A_67 : i32 to index
      %swap3A_80 = arith.constant 32 : index
      %swap3A_81 = tpu.vector_load %arg13[%swap3A_79, %swap3A_80] {strides = array<i32>} : memref<125x64xf32, #tpu.memory_space<vmem>>, vector<1x16xf32>,
      %swap3A_82 = vector.shape_cast %swap3A_81 : vector<1x16xf32> to vector<16xf32>
      %swap3A_83 = vector.shape_cast %broadcast_in_dim3A_69 : vector<16xf32> to vector<1x16xf32>
      tpu.vector_store %arg13[%swap3A_79, %swap3A_80], %swap3A_83 {strides = array<i32>} : memref<125x64xf32, #tpu.memory_space<vmem>>, vector<1x16xf32>,
      %swap3A_84 = arith.index_cast %scan3A_67 : i32 to index
      %swap3A_85 = arith.constant 48 : index
      %swap3A_86 = tpu.vector_load %arg13[%swap3A_84, %swap3A_85] {strides = array<i32>} : memref<125x64xf32, #tpu.memory_space<vmem>>, vector<1x16xf32>,
      %swap3A_87 = vector.shape_cast %swap3A_86 : vector<1x16xf32> to vector<16xf32>
      %swap3A_88 = vector.shape_cast %broadcast_in_dim3A_69 : vector<16xf32> to vector<1x16xf32>
      tpu.vector_store %arg13[%swap3A_84, %swap3A_85], %swap3A_88 {strides = array<i32>} : memref<125x64xf32, #tpu.memory_space<vmem>>, vector<1x16xf32>,
      %scan3A_89 = arith.constant 0 : i32
      scf.yield %scan3A_89 : i32
    }
    %scan3A_8 = arith.constant 125 : i32
    %add3A = arith.constant 0 : i32
    %add3A_9 = arith.addi %mul3A_2, %add3A : i32
    "tpu.region"() ({
      %run_scoped3A = tpu.sem_alloc : memref<!tpu.dma_semaphore, #tpu.memory_space<semaphore_mem>>
      %dma_start3A_67 = arith.constant 0 : i32
      %dma_start3A_68 = tpu.memref_slice %arg14[%add3A_9, %dma_start3A_67] : memref<10000x64xf32, #tpu.memory_space<vmem_shared>> -> memref<125x64xf32, #tpu.memory_space<vmem_shared>>
      %dma_start3A_69 = arith.constant 0 : i32
      %dma_start3A_70 = tpu.memref_slice %arg14[%add3A_9, %dma_start3A_69] : memref<10000x64xf32, #tpu.memory_space<vmem_shared>> -> memref<125x64xf32, #tpu.memory_space<vmem_shared>>
      tpu.enqueue_dma source(%arg13 : memref<125x64xf32, #tpu.memory_space<vmem>>) target(%dma_start3A_70 : memref<125x64xf32, #tpu.memory_space<vmem_shared>>) target_semaphore(%run_scoped3A : memref<!tpu.dma_semaphore, #tpu.memory_space<semaphore_mem>>)
      %dma_wait3A_71 = arith.constant 0 : i32
      %dma_wait3A_72 = tpu.memref_slice %arg14[%add3A_9, %dma_wait3A_71] : memref<10000x64xf32, #tpu.memory_space<vmem_shared>> -> memref<125x64xf32, #tpu.memory_space<vmem_shared>>
      %dma_wait3A_73 = arith.constant 0 : i32
      %dma_wait3A_74 = tpu.memref_slice %arg14[%add3A_9, %dma_wait3A_73] : memref<10000x64xf32, #tpu.memory_space<vmem_shared>> -> memref<125x64xf32, #tpu.memory_space<vmem_shared>>
      tpu.wait_dma2 semaphore(%run_scoped3A : memref<!tpu.dma_semaphore, #tpu.memory_space<semaphore_mem>>) src(%arg13 : memref<125x64xf32, #tpu.memory_space<vmem>>) dst(%dma_wait3A_74 : memref<125x64xf32, #tpu.memory_space<vmem_shared>>)
      tpu.yield
    }) : () -> ()
    %add3A_10 = arith.constant 125 : i32
    %add3A_11 = arith.addi %mul3A_2, %add3A_10 : i32
    "tpu.region"() ({
      %run_scoped3A = tpu.sem_alloc : memref<!tpu.dma_semaphore, #tpu.memory_space<semaphore_mem>>
      %dma_start3A_67 = arith.constant 0 : i32
      %dma_start3A_68 = tpu.memref_slice %arg14[%add3A_11, %dma_start3A_67] : memref<10000x64xf32, #tpu.memory_space<vmem_shared>> -> memref<125x64xf32, #tpu.memory_space<vmem_shared>>
      %dma_start3A_69 = arith.constant 0 : i32
      %dma_start3A_70 = tpu.memref_slice %arg14[%add3A_11, %dma_start3A_69] : memref<10000x64xf32, #tpu.memory_space<vmem_shared>> -> memref<125x64xf32, #tpu.memory_space<vmem_shared>>
      tpu.enqueue_dma source(%arg13 : memref<125x64xf32, #tpu.memory_space<vmem>>) target(%dma_start3A_70 : memref<125x64xf32, #tpu.memory_space<vmem_shared>>) target_semaphore(%run_scoped3A : memref<!tpu.dma_semaphore, #tpu.memory_space<semaphore_mem>>)
      %dma_wait3A_71 = arith.constant 0 : i32
      %dma_wait3A_72 = tpu.memref_slice %arg14[%add3A_11, %dma_wait3A_71] : memref<10000x64xf32, #tpu.memory_space<vmem_shared>> -> memref<125x64xf32, #tpu.memory_space<vmem_shared>>
      %dma_wait3A_73 = arith.constant 0 : i32
      %dma_wait3A_74 = tpu.memref_slice %arg14[%add3A_11, %dma_wait3A_73] : memref<10000x64xf32, #tpu.memory_space<vmem_shared>> -> memref<125x64xf32, #tpu.memory_space<vmem_shared>>
      tpu.wait_dma2 semaphore(%run_scoped3A : memref<!tpu.dma_semaphore, #tpu.memory_space<semaphore_mem>>) src(%arg13 : memref<125x64xf32, #tpu.memory_space<vmem>>) dst(%dma_wait3A_74 : memref<125x64xf32, #tpu.memory_space<vmem_shared>>)
      tpu.yield
    }) : () -> ()
    %add3A_12 = arith.constant 250 : i32
    %add3A_13 = arith.addi %mul3A_2, %add3A_12 : i32
    "tpu.region"() ({
      %run_scoped3A = tpu.sem_alloc : memref<!tpu.dma_semaphore, #tpu.memory_space<semaphore_mem>>
      %dma_start3A_67 = arith.constant 0 : i32
      %dma_start3A_68 = tpu.memref_slice %arg14[%add3A_13, %dma_start3A_67] : memref<10000x64xf32, #tpu.memory_space<vmem_shared>> -> memref<125x64xf32, #tpu.memory_space<vmem_shared>>
      %dma_start3A_69 = arith.constant 0 : i32
      %dma_start3A_70 = tpu.memref_slice %arg14[%add3A_13, %dma_start3A_69] : memref<10000x64xf32, #tpu.memory_space<vmem_shared>> -> memref<125x64xf32, #tpu.memory_space<vmem_shared>>
      tpu.enqueue_dma source(%arg13 : memref<125x64xf32, #tpu.memory_space<vmem>>) target(%dma_start3A_70 : memref<125x64xf32, #tpu.memory_space<vmem_shared>>) target_semaphore(%run_scoped3A : memref<!tpu.dma_semaphore, #tpu.memory_space<semaphore_mem>>)
      %dma_wait3A_71 = arith.constant 0 : i32
      %dma_wait3A_72 = tpu.memref_slice %arg14[%add3A_13, %dma_wait3A_71] : memref<10000x64xf32, #tpu.memory_space<vmem_shared>> -> memref<125x64xf32, #tpu.memory_space<vmem_shared>>
      %dma_wait3A_73 = arith.constant 0 : i32
      %dma_wait3A_74 = tpu.memref_slice %arg14[%add3A_13, %dma_wait3A_73] : memref<10000x64xf32, #tpu.memory_space<vmem_shared>> -> memref<125x64xf32, #tpu.memory_space<vmem_shared>>
      tpu.wait_dma2 semaphore(%run_scoped3A : memref<!tpu.dma_semaphore, #tpu.memory_space<semaphore_mem>>) src(%arg13 : memref<125x64xf32, #tpu.memory_space<vmem>>) dst(%dma_wait3A_74 : memref<125x64xf32, #tpu.memory_space<vmem_shared>>)
      tpu.yield
    }) : () -> ()
    %add3A_14 = arith.constant 375 : i32
    %add3A_15 = arith.addi %mul3A_2, %add3A_14 : i32
    "tpu.region"() ({
      %run_scoped3A = tpu.sem_alloc : memref<!tpu.dma_semaphore, #tpu.memory_space<semaphore_mem>>
      %dma_start3A_67 = arith.constant 0 : i32
      %dma_start3A_68 = tpu.memref_slice %arg14[%add3A_15, %dma_start3A_67] : memref<10000x64xf32, #tpu.memory_space<vmem_shared>> -> memref<125x64xf32, #tpu.memory_space<vmem_shared>>
      %dma_start3A_69 = arith.constant 0 : i32
      %dma_start3A_70 = tpu.memref_slice %arg14[%add3A_15, %dma_start3A_69] : memref<10000x64xf32, #tpu.memory_space<vmem_shared>> -> memref<125x64xf32, #tpu.memory_space<vmem_shared>>
      tpu.enqueue_dma source(%arg13 : memref<125x64xf32, #tpu.memory_space<vmem>>) target(%dma_start3A_70 : memref<125x64xf32, #tpu.memory_space<vmem_shared>>) target_semaphore(%run_scoped3A : memref<!tpu.dma_semaphore, #tpu.memory_space<semaphore_mem>>)
      %dma_wait3A_71 = arith.constant 0 : i32
      %dma_wait3A_72 = tpu.memref_slice %arg14[%add3A_15, %dma_wait3A_71] : memref<10000x64xf32, #tpu.memory_space<vmem_shared>> -> memref<125x64xf32, #tpu.memory_space<vmem_shared>>
      %dma_wait3A_73 = arith.constant 0 : i32
      %dma_wait3A_74 = tpu.memref_slice %arg14[%add3A_15, %dma_wait3A_73] : memref<10000x64xf32, #tpu.memory_space<vmem_shared>> -> memref<125x64xf32, #tpu.memory_space<vmem_shared>>
      tpu.wait_dma2 semaphore(%run_scoped3A : memref<!tpu.dma_semaphore, #tpu.memory_space<semaphore_mem>>) src(%arg13 : memref<125x64xf32, #tpu.memory_space<vmem>>) dst(%dma_wait3A_74 : memref<125x64xf32, #tpu.memory_space<vmem_shared>>)
      tpu.yield
    }) : () -> ()
    %add3A_16 = arith.constant 500 : i32
    %add3A_17 = arith.addi %mul3A_2, %add3A_16 : i32
    "tpu.region"() ({
      %run_scoped3A = tpu.sem_alloc : memref<!tpu.dma_semaphore, #tpu.memory_space<semaphore_mem>>
      %dma_start3A_67 = arith.constant 0 : i32
      %dma_start3A_68 = tpu.memref_slice %arg14[%add3A_17, %dma_start3A_67] : memref<10000x64xf32, #tpu.memory_space<vmem_shared>> -> memref<125x64xf32, #tpu.memory_space<vmem_shared>>
      %dma_start3A_69 = arith.constant 0 : i32
      %dma_start3A_70 = tpu.memref_slice %arg14[%add3A_17, %dma_start3A_69] : memref<10000x64xf32, #tpu.memory_space<vmem_shared>> -> memref<125x64xf32, #tpu.memory_space<vmem_shared>>
      tpu.enqueue_dma source(%arg13 : memref<125x64xf32, #tpu.memory_space<vmem>>) target(%dma_start3A_70 : memref<125x64xf32, #tpu.memory_space<vmem_shared>>) target_semaphore(%run_scoped3A : memref<!tpu.dma_semaphore, #tpu.memory_space<semaphore_mem>>)
      %dma_wait3A_71 = arith.constant 0 : i32
      %dma_wait3A_72 = tpu.memref_slice %arg14[%add3A_17, %dma_wait3A_71] : memref<10000x64xf32, #tpu.memory_space<vmem_shared>> -> memref<125x64xf32, #tpu.memory_space<vmem_shared>>
      %dma_wait3A_73 = arith.constant 0 : i32
      %dma_wait3A_74 = tpu.memref_slice %arg14[%add3A_17, %dma_wait3A_73] : memref<10000x64xf32, #tpu.memory_space<vmem_shared>> -> memref<125x64xf32, #tpu.memory_space<vmem_shared>>
      tpu.wait_dma2 semaphore(%run_scoped3A : memref<!tpu.dma_semaphore, #tpu.memory_space<semaphore_mem>>) src(%arg13 : memref<125x64xf32, #tpu.memory_space<vmem>>) dst(%dma_wait3A_74 : memref<125x64xf32, #tpu.memory_space<vmem_shared>>)
      tpu.yield
    }) : () -> ()
    %barrier3A = arith.constant 0 : index
    tpu.barrier barrier_id(%barrier3A)
    %dma_start3A = arith.constant 0 : i32
    %dma_start3A_18 = arith.constant 0 : i32
    %dma_start3A_19 = tpu.memref_slice %arg6[%dma_start3A, %dma_start3A_18] : memref<160x125xi32, #tpu.memory_space<vmem>> -> memref<1x125xi32, #tpu.memory_space<vmem>>
    %dma_start3A_20 = tpu.memref_squeeze %dma_start3A_19 : memref<1x125xi32, #tpu.memory_space<vmem>> -> memref<125xi32, #tpu.memory_space<vmem>>
    %dma_start3A_21 = arith.constant 0 : i32
    %dma_start3A_22 = arith.constant 0 : i32
    %dma_start3A_23 = tpu.memref_slice %arg2[%arg0, %dma_start3A_21, %dma_start3A_22] : memref<2x10000x64xf32, #tpu.memory_space<hbm>> -> memref<1x10000x64xf32, #tpu.memory_space<hbm>>
    %dma_start3A_24 = tpu.memref_squeeze %dma_start3A_23 : memref<1x10000x64xf32, #tpu.memory_space<hbm>> -> memref<10000x64xf32, #tpu.memory_space<hbm>>
    %dma_start3A_25 = arith.constant 0 : i32
    %dma_start3A_26 = arith.constant 0 : i32
    %dma_start3A_27 = tpu.memref_slice %dma_start3A_24[%dma_start3A_25, %dma_start3A_26] : memref<10000x64xf32, #tpu.memory_space<hbm>> -> memref<10000x64xf32, #tpu.memory_space<hbm>>
    tpu.enqueue_indirect_dma source(%dma_start3A_27 : memref<10000x64xf32, #tpu.memory_space<hbm>>) target(%arg8 : memref<125x64xf32, #tpu.memory_space<vmem>>) offsets(%dma_start3A_20 : memref<125xi32, #tpu.memory_space<vmem>>) semaphore(%arg15 : memref<!tpu.dma_semaphore, #tpu.memory_space<semaphore_mem>>)
    %dma_start3A_28 = arith.constant 1 : i32
    %dma_start3A_29 = arith.constant 0 : i32
    %dma_start3A_30 = tpu.memref_slice %arg6[%dma_start3A_28, %dma_start3A_29] : memref<160x125xi32, #tpu.memory_space<vmem>> -> memref<1x125xi32, #tpu.memory_space<vmem>>
    %dma_start3A_31 = tpu.memref_squeeze %dma_start3A_30 : memref<1x125xi32, #tpu.memory_space<vmem>> -> memref<125xi32, #tpu.memory_space<vmem>>
    %dma_start3A_32 = arith.constant 0 : i32
    %dma_start3A_33 = arith.constant 0 : i32
    %dma_start3A_34 = tpu.memref_slice %arg2[%arg0, %dma_start3A_32, %dma_start3A_33] : memref<2x10000x64xf32, #tpu.memory_space<hbm>> -> memref<1x10000x64xf32, #tpu.memory_space<hbm>>
    %dma_start3A_35 = tpu.memref_squeeze %dma_start3A_34 : memref<1x10000x64xf32, #tpu.memory_space<hbm>> -> memref<10000x64xf32, #tpu.memory_space<hbm>>
    %dma_start3A_36 = arith.constant 0 : i32
    %dma_start3A_37 = arith.constant 0 : i32
    %dma_start3A_38 = tpu.memref_slice %dma_start3A_35[%dma_start3A_36, %dma_start3A_37] : memref<10000x64xf32, #tpu.memory_space<hbm>> -> memref<10000x64xf32, #tpu.memory_space<hbm>>
    tpu.enqueue_indirect_dma source(%dma_start3A_38 : memref<10000x64xf32, #tpu.memory_space<hbm>>) target(%arg9 : memref<125x64xf32, #tpu.memory_space<vmem>>) offsets(%dma_start3A_31 : memref<125xi32, #tpu.memory_space<vmem>>) semaphore(%arg16 : memref<!tpu.dma_semaphore, #tpu.memory_space<semaphore_mem>>)
    %scan3A_39 = arith.constant 0 : i32
    %scan3A_40 = arith.constant 0 : i32
    %scan3A_41 = arith.constant 32 : i32
    %scan3A_42 = arith.addi %scan3A_40, %scan3A_41 : i32
    %scan3A_43 = arith.constant 1 : i32
    %scan3A_44 = scf.for %scan3A_67 = %scan3A_40 to %scan3A_42 step %scan3A_43 iter_args(%scan3A_68 = %scan3A_39) -> (i32)  : i32 {
      %mul3A_69 = arith.constant 5 : i32
      %mul3A_70 = arith.muli %scan3A_67, %mul3A_69 : i32
      %add3A_71 = arith.constant 0 : i32
      %add3A_72 = arith.addi %mul3A_70, %add3A_71 : i32
      %dma_wait3A_73 = arith.constant 0 : i32
      %dma_wait3A_74 = arith.constant 0 : i32
      %dma_wait3A_75 = tpu.memref_slice %arg6[%dma_wait3A_73, %dma_wait3A_74] : memref<160x125xi32, #tpu.memory_space<vmem>> -> memref<1x125xi32, #tpu.memory_space<vmem>>
      %dma_wait3A_76 = tpu.memref_squeeze %dma_wait3A_75 : memref<1x125xi32, #tpu.memory_space<vmem>> -> memref<125xi32, #tpu.memory_space<vmem>>
      %dma_wait3A_77 = arith.constant 0 : i32
      %dma_wait3A_78 = arith.constant 0 : i32
      %dma_wait3A_79 = tpu.memref_slice %arg2[%arg0, %dma_wait3A_77, %dma_wait3A_78] : memref<2x10000x64xf32, #tpu.memory_space<hbm>> -> memref<1x10000x64xf32, #tpu.memory_space<hbm>>
      %dma_wait3A_80 = tpu.memref_squeeze %dma_wait3A_79 : memref<1x10000x64xf32, #tpu.memory_space<hbm>> -> memref<10000x64xf32, #tpu.memory_space<hbm>>
      %dma_wait3A_81 = arith.constant 0 : i32
      %dma_wait3A_82 = arith.constant 0 : i32
      %dma_wait3A_83 = tpu.memref_slice %dma_wait3A_80[%dma_wait3A_81, %dma_wait3A_82] : memref<10000x64xf32, #tpu.memory_space<hbm>> -> memref<10000x64xf32, #tpu.memory_space<hbm>>
      tpu.wait_indirect_dma semaphore(%arg15 : memref<!tpu.dma_semaphore, #tpu.memory_space<semaphore_mem>>) src(%dma_wait3A_83 : memref<10000x64xf32, #tpu.memory_space<hbm>>) dst(%arg8 : memref<125x64xf32, #tpu.memory_space<vmem>>)
      %dma_start3A_84 = arith.constant 0 : i32
      %dma_start3A_85 = tpu.memref_slice %arg7[%add3A_72, %dma_start3A_84] : memref<160x125xi32, #tpu.memory_space<vmem>> -> memref<1x125xi32, #tpu.memory_space<vmem>>
      %dma_start3A_86 = tpu.memref_squeeze %dma_start3A_85 : memref<1x125xi32, #tpu.memory_space<vmem>> -> memref<125xi32, #tpu.memory_space<vmem>>
      %dma_start3A_87 = arith.constant 0 : i32
      %dma_start3A_88 = arith.constant 0 : i32
      %dma_start3A_89 = tpu.memref_slice %arg14[%dma_start3A_87, %dma_start3A_88] : memref<10000x64xf32, #tpu.memory_space<vmem_shared>> -> memref<10000x64xf32, #tpu.memory_space<vmem_shared>>
      tpu.enqueue_indirect_dma source(%arg8 : memref<125x64xf32, #tpu.memory_space<vmem>>) target(%dma_start3A_89 : memref<10000x64xf32, #tpu.memory_space<vmem_shared>>) offsets(%dma_start3A_86 : memref<125xi32, #tpu.memory_space<vmem>>) semaphore(%arg20 : memref<!tpu.dma_semaphore, #tpu.memory_space<semaphore_mem>>) {add = true}
      %ge3A = arith.constant 3 : i32
      %ge3A_90 = arith.cmpi sge, %add3A_72, %ge3A : i32
      %convert_element_type3A = arith.extui %ge3A_90 : i1 to i32
      %cond3A = arith.constant 0 : i32
      %cond3A_91 = arith.cmpi ne, %convert_element_type3A, %cond3A : i32
      scf.if %cond3A_91 {
        %dma_wait3A_231 = arith.constant 0 : i32
        %dma_wait3A_232 = arith.constant 0 : i32
        %dma_wait3A_233 = tpu.memref_slice %arg7[%dma_wait3A_231, %dma_wait3A_232] : memref<160x125xi32, #tpu.memory_space<vmem>> -> memref<1x125xi32, #tpu.memory_space<vmem>>
        %dma_wait3A_234 = tpu.memref_squeeze %dma_wait3A_233 : memref<1x125xi32, #tpu.memory_space<vmem>> -> memref<125xi32, #tpu.memory_space<vmem>>
        %dma_wait3A_235 = arith.constant 0 : i32
        %dma_wait3A_236 = arith.constant 0 : i32
        %dma_wait3A_237 = tpu.memref_slice %arg14[%dma_wait3A_235, %dma_wait3A_236] : memref<10000x64xf32, #tpu.memory_space<vmem_shared>> -> memref<10000x64xf32, #tpu.memory_space<vmem_shared>>
        tpu.wait_indirect_dma semaphore(%arg22 : memref<!tpu.dma_semaphore, #tpu.memory_space<semaphore_mem>>) src(%arg10 : memref<125x64xf32, #tpu.memory_space<vmem>>) dst(%dma_wait3A_237 : memref<10000x64xf32, #tpu.memory_space<vmem_shared>>)
      } else {
      }
      %add3A_92 = arith.constant 2 : i32
      %add3A_93 = arith.addi %add3A_72, %add3A_92 : i32
      %lt3A = arith.constant 160 : i32
      %lt3A_94 = arith.cmpi slt, %add3A_93, %lt3A : i32
      %convert_element_type3A_95 = arith.extui %lt3A_94 : i1 to i32
      %cond3A_96 = arith.constant 0 : i32
      %cond3A_97 = arith.cmpi ne, %convert_element_type3A_95, %cond3A_96 : i32
      scf.if %cond3A_97 {
        %add3A_231 = arith.constant 2 : i32
        %add3A_232 = arith.addi %add3A_72, %add3A_231 : i32
        %dma_start3A_233 = arith.constant 0 : i32
        %dma_start3A_234 = tpu.memref_slice %arg6[%add3A_232, %dma_start3A_233] : memref<160x125xi32, #tpu.memory_space<vmem>> -> memref<1x125xi32, #tpu.memory_space<vmem>>
        %dma_start3A_235 = tpu.memref_squeeze %dma_start3A_234 : memref<1x125xi32, #tpu.memory_space<vmem>> -> memref<125xi32, #tpu.memory_space<vmem>>
        %dma_start3A_236 = arith.constant 0 : i32
        %dma_start3A_237 = arith.constant 0 : i32
        %dma_start3A_238 = tpu.memref_slice %arg2[%arg0, %dma_start3A_236, %dma_start3A_237] : memref<2x10000x64xf32, #tpu.memory_space<hbm>> -> memref<1x10000x64xf32, #tpu.memory_space<hbm>>
        %dma_start3A_239 = tpu.memref_squeeze %dma_start3A_238 : memref<1x10000x64xf32, #tpu.memory_space<hbm>> -> memref<10000x64xf32, #tpu.memory_space<hbm>>
        %dma_start3A_240 = arith.constant 0 : i32
        %dma_start3A_241 = arith.constant 0 : i32
        %dma_start3A_242 = tpu.memref_slice %dma_start3A_239[%dma_start3A_240, %dma_start3A_241] : memref<10000x64xf32, #tpu.memory_space<hbm>> -> memref<10000x64xf32, #tpu.memory_space<hbm>>
        tpu.enqueue_indirect_dma source(%dma_start3A_242 : memref<10000x64xf32, #tpu.memory_space<hbm>>) target(%arg10 : memref<125x64xf32, #tpu.memory_space<vmem>>) offsets(%dma_start3A_235 : memref<125xi32, #tpu.memory_space<vmem>>) semaphore(%arg17 : memref<!tpu.dma_semaphore, #tpu.memory_space<semaphore_mem>>)
      } else {
      }
      %mul3A_98 = arith.constant 5 : i32
      %mul3A_99 = arith.muli %scan3A_67, %mul3A_98 : i32
      %add3A_100 = arith.constant 1 : i32
      %add3A_101 = arith.addi %mul3A_99, %add3A_100 : i32
      %dma_wait3A_102 = arith.constant 0 : i32
      %dma_wait3A_103 = arith.constant 0 : i32
      %dma_wait3A_104 = tpu.memref_slice %arg6[%dma_wait3A_102, %dma_wait3A_103] : memref<160x125xi32, #tpu.memory_space<vmem>> -> memref<1x125xi32, #tpu.memory_space<vmem>>
      %dma_wait3A_105 = tpu.memref_squeeze %dma_wait3A_104 : memref<1x125xi32, #tpu.memory_space<vmem>> -> memref<125xi32, #tpu.memory_space<vmem>>
      %dma_wait3A_106 = arith.constant 0 : i32
      %dma_wait3A_107 = arith.constant 0 : i32
      %dma_wait3A_108 = tpu.memref_slice %arg2[%arg0, %dma_wait3A_106, %dma_wait3A_107] : memref<2x10000x64xf32, #tpu.memory_space<hbm>> -> memref<1x10000x64xf32, #tpu.memory_space<hbm>>
      %dma_wait3A_109 = tpu.memref_squeeze %dma_wait3A_108 : memref<1x10000x64xf32, #tpu.memory_space<hbm>> -> memref<10000x64xf32, #tpu.memory_space<hbm>>
      %dma_wait3A_110 = arith.constant 0 : i32
      %dma_wait3A_111 = arith.constant 0 : i32
      %dma_wait3A_112 = tpu.memref_slice %dma_wait3A_109[%dma_wait3A_110, %dma_wait3A_111] : memref<10000x64xf32, #tpu.memory_space<hbm>> -> memref<10000x64xf32, #tpu.memory_space<hbm>>
      tpu.wait_indirect_dma semaphore(%arg16 : memref<!tpu.dma_semaphore, #tpu.memory_space<semaphore_mem>>) src(%dma_wait3A_112 : memref<10000x64xf32, #tpu.memory_space<hbm>>) dst(%arg9 : memref<125x64xf32, #tpu.memory_space<vmem>>)
      %dma_start3A_113 = arith.constant 0 : i32
      %dma_start3A_114 = tpu.memref_slice %arg7[%add3A_101, %dma_start3A_113] : memref<160x125xi32, #tpu.memory_space<vmem>> -> memref<1x125xi32, #tpu.memory_space<vmem>>
      %dma_start3A_115 = tpu.memref_squeeze %dma_start3A_114 : memref<1x125xi32, #tpu.memory_space<vmem>> -> memref<125xi32, #tpu.memory_space<vmem>>
      %dma_start3A_116 = arith.constant 0 : i32
      %dma_start3A_117 = arith.constant 0 : i32
      %dma_start3A_118 = tpu.memref_slice %arg14[%dma_start3A_116, %dma_start3A_117] : memref<10000x64xf32, #tpu.memory_space<vmem_shared>> -> memref<10000x64xf32, #tpu.memory_space<vmem_shared>>
      tpu.enqueue_indirect_dma source(%arg9 : memref<125x64xf32, #tpu.memory_space<vmem>>) target(%dma_start3A_118 : memref<10000x64xf32, #tpu.memory_space<vmem_shared>>) offsets(%dma_start3A_115 : memref<125xi32, #tpu.memory_space<vmem>>) semaphore(%arg21 : memref<!tpu.dma_semaphore, #tpu.memory_space<semaphore_mem>>) {add = true}
      %ge3A_119 = arith.constant 3 : i32
      %ge3A_120 = arith.cmpi sge, %add3A_101, %ge3A_119 : i32
      %convert_element_type3A_121 = arith.extui %ge3A_120 : i1 to i32
      %cond3A_122 = arith.constant 0 : i32
      %cond3A_123 = arith.cmpi ne, %convert_element_type3A_121, %cond3A_122 : i32
      scf.if %cond3A_123 {
        %dma_wait3A_231 = arith.constant 0 : i32
        %dma_wait3A_232 = arith.constant 0 : i32
        %dma_wait3A_233 = tpu.memref_slice %arg7[%dma_wait3A_231, %dma_wait3A_232] : memref<160x125xi32, #tpu.memory_space<vmem>> -> memref<1x125xi32, #tpu.memory_space<vmem>>
        %dma_wait3A_234 = tpu.memref_squeeze %dma_wait3A_233 : memref<1x125xi32, #tpu.memory_space<vmem>> -> memref<125xi32, #tpu.memory_space<vmem>>
        %dma_wait3A_235 = arith.constant 0 : i32
        %dma_wait3A_236 = arith.constant 0 : i32
        %dma_wait3A_237 = tpu.memref_slice %arg14[%dma_wait3A_235, %dma_wait3A_236] : memref<10000x64xf32, #tpu.memory_space<vmem_shared>> -> memref<10000x64xf32, #tpu.memory_space<vmem_shared>>
        tpu.wait_indirect_dma semaphore(%arg23 : memref<!tpu.dma_semaphore, #tpu.memory_space<semaphore_mem>>) src(%arg11 : memref<125x64xf32, #tpu.memory_space<vmem>>) dst(%dma_wait3A_237 : memref<10000x64xf32, #tpu.memory_space<vmem_shared>>)
      } else {
      }
      %add3A_124 = arith.constant 2 : i32
      %add3A_125 = arith.addi %add3A_101, %add3A_124 : i32
      %lt3A_126 = arith.constant 160 : i32
      %lt3A_127 = arith.cmpi slt, %add3A_125, %lt3A_126 : i32
      %convert_element_type3A_128 = arith.extui %lt3A_127 : i1 to i32
      %cond3A_129 = arith.constant 0 : i32
      %cond3A_130 = arith.cmpi ne, %convert_element_type3A_128, %cond3A_129 : i32
      scf.if %cond3A_130 {
        %add3A_231 = arith.constant 2 : i32
        %add3A_232 = arith.addi %add3A_101, %add3A_231 : i32
        %dma_start3A_233 = arith.constant 0 : i32
        %dma_start3A_234 = tpu.memref_slice %arg6[%add3A_232, %dma_start3A_233] : memref<160x125xi32, #tpu.memory_space<vmem>> -> memref<1x125xi32, #tpu.memory_space<vmem>>
        %dma_start3A_235 = tpu.memref_squeeze %dma_start3A_234 : memref<1x125xi32, #tpu.memory_space<vmem>> -> memref<125xi32, #tpu.memory_space<vmem>>
        %dma_start3A_236 = arith.constant 0 : i32
        %dma_start3A_237 = arith.constant 0 : i32
        %dma_start3A_238 = tpu.memref_slice %arg2[%arg0, %dma_start3A_236, %dma_start3A_237] : memref<2x10000x64xf32, #tpu.memory_space<hbm>> -> memref<1x10000x64xf32, #tpu.memory_space<hbm>>
        %dma_start3A_239 = tpu.memref_squeeze %dma_start3A_238 : memref<1x10000x64xf32, #tpu.memory_space<hbm>> -> memref<10000x64xf32, #tpu.memory_space<hbm>>
        %dma_start3A_240 = arith.constant 0 : i32
        %dma_start3A_241 = arith.constant 0 : i32
        %dma_start3A_242 = tpu.memref_slice %dma_start3A_239[%dma_start3A_240, %dma_start3A_241] : memref<10000x64xf32, #tpu.memory_space<hbm>> -> memref<10000x64xf32, #tpu.memory_space<hbm>>
        tpu.enqueue_indirect_dma source(%dma_start3A_242 : memref<10000x64xf32, #tpu.memory_space<hbm>>) target(%arg11 : memref<125x64xf32, #tpu.memory_space<vmem>>) offsets(%dma_start3A_235 : memref<125xi32, #tpu.memory_space<vmem>>) semaphore(%arg18 : memref<!tpu.dma_semaphore, #tpu.memory_space<semaphore_mem>>)
      } else {
      }
      %mul3A_131 = arith.constant 5 : i32
      %mul3A_132 = arith.muli %scan3A_67, %mul3A_131 : i32
      %add3A_133 = arith.constant 2 : i32
      %add3A_134 = arith.addi %mul3A_132, %add3A_133 : i32
      %dma_wait3A_135 = arith.constant 0 : i32
      %dma_wait3A_136 = arith.constant 0 : i32
      %dma_wait3A_137 = tpu.memref_slice %arg6[%dma_wait3A_135, %dma_wait3A_136] : memref<160x125xi32, #tpu.memory_space<vmem>> -> memref<1x125xi32, #tpu.memory_space<vmem>>
      %dma_wait3A_138 = tpu.memref_squeeze %dma_wait3A_137 : memref<1x125xi32, #tpu.memory_space<vmem>> -> memref<125xi32, #tpu.memory_space<vmem>>
      %dma_wait3A_139 = arith.constant 0 : i32
      %dma_wait3A_140 = arith.constant 0 : i32
      %dma_wait3A_141 = tpu.memref_slice %arg2[%arg0, %dma_wait3A_139, %dma_wait3A_140] : memref<2x10000x64xf32, #tpu.memory_space<hbm>> -> memref<1x10000x64xf32, #tpu.memory_space<hbm>>
      %dma_wait3A_142 = tpu.memref_squeeze %dma_wait3A_141 : memref<1x10000x64xf32, #tpu.memory_space<hbm>> -> memref<10000x64xf32, #tpu.memory_space<hbm>>
      %dma_wait3A_143 = arith.constant 0 : i32
      %dma_wait3A_144 = arith.constant 0 : i32
      %dma_wait3A_145 = tpu.memref_slice %dma_wait3A_142[%dma_wait3A_143, %dma_wait3A_144] : memref<10000x64xf32, #tpu.memory_space<hbm>> -> memref<10000x64xf32, #tpu.memory_space<hbm>>
      tpu.wait_indirect_dma semaphore(%arg17 : memref<!tpu.dma_semaphore, #tpu.memory_space<semaphore_mem>>) src(%dma_wait3A_145 : memref<10000x64xf32, #tpu.memory_space<hbm>>) dst(%arg10 : memref<125x64xf32, #tpu.memory_space<vmem>>)
      %dma_start3A_146 = arith.constant 0 : i32
      %dma_start3A_147 = tpu.memref_slice %arg7[%add3A_134, %dma_start3A_146] : memref<160x125xi32, #tpu.memory_space<vmem>> -> memref<1x125xi32, #tpu.memory_space<vmem>>
      %dma_start3A_148 = tpu.memref_squeeze %dma_start3A_147 : memref<1x125xi32, #tpu.memory_space<vmem>> -> memref<125xi32, #tpu.memory_space<vmem>>
      %dma_start3A_149 = arith.constant 0 : i32
      %dma_start3A_150 = arith.constant 0 : i32
      %dma_start3A_151 = tpu.memref_slice %arg14[%dma_start3A_149, %dma_start3A_150] : memref<10000x64xf32, #tpu.memory_space<vmem_shared>> -> memref<10000x64xf32, #tpu.memory_space<vmem_shared>>
      tpu.enqueue_indirect_dma source(%arg10 : memref<125x64xf32, #tpu.memory_space<vmem>>) target(%dma_start3A_151 : memref<10000x64xf32, #tpu.memory_space<vmem_shared>>) offsets(%dma_start3A_148 : memref<125xi32, #tpu.memory_space<vmem>>) semaphore(%arg22 : memref<!tpu.dma_semaphore, #tpu.memory_space<semaphore_mem>>) {add = true}
      %ge3A_152 = arith.constant 3 : i32
      %ge3A_153 = arith.cmpi sge, %add3A_134, %ge3A_152 : i32
      %convert_element_type3A_154 = arith.extui %ge3A_153 : i1 to i32
      %cond3A_155 = arith.constant 0 : i32
      %cond3A_156 = arith.cmpi ne, %convert_element_type3A_154, %cond3A_155 : i32
      scf.if %cond3A_156 {
        %dma_wait3A_231 = arith.constant 0 : i32
        %dma_wait3A_232 = arith.constant 0 : i32
        %dma_wait3A_233 = tpu.memref_slice %arg7[%dma_wait3A_231, %dma_wait3A_232] : memref<160x125xi32, #tpu.memory_space<vmem>> -> memref<1x125xi32, #tpu.memory_space<vmem>>
        %dma_wait3A_234 = tpu.memref_squeeze %dma_wait3A_233 : memref<1x125xi32, #tpu.memory_space<vmem>> -> memref<125xi32, #tpu.memory_space<vmem>>
        %dma_wait3A_235 = arith.constant 0 : i32
        %dma_wait3A_236 = arith.constant 0 : i32
        %dma_wait3A_237 = tpu.memref_slice %arg14[%dma_wait3A_235, %dma_wait3A_236] : memref<10000x64xf32, #tpu.memory_space<vmem_shared>> -> memref<10000x64xf32, #tpu.memory_space<vmem_shared>>
        tpu.wait_indirect_dma semaphore(%arg24 : memref<!tpu.dma_semaphore, #tpu.memory_space<semaphore_mem>>) src(%arg12 : memref<125x64xf32, #tpu.memory_space<vmem>>) dst(%dma_wait3A_237 : memref<10000x64xf32, #tpu.memory_space<vmem_shared>>)
      } else {
      }
      %add3A_157 = arith.constant 2 : i32
      %add3A_158 = arith.addi %add3A_134, %add3A_157 : i32
      %lt3A_159 = arith.constant 160 : i32
      %lt3A_160 = arith.cmpi slt, %add3A_158, %lt3A_159 : i32
      %convert_element_type3A_161 = arith.extui %lt3A_160 : i1 to i32
      %cond3A_162 = arith.constant 0 : i32
      %cond3A_163 = arith.cmpi ne, %convert_element_type3A_161, %cond3A_162 : i32
      scf.if %cond3A_163 {
        %add3A_231 = arith.constant 2 : i32
        %add3A_232 = arith.addi %add3A_134, %add3A_231 : i32
        %dma_start3A_233 = arith.constant 0 : i32
        %dma_start3A_234 = tpu.memref_slice %arg6[%add3A_232, %dma_start3A_233] : memref<160x125xi32, #tpu.memory_space<vmem>> -> memref<1x125xi32, #tpu.memory_space<vmem>>
        %dma_start3A_235 = tpu.memref_squeeze %dma_start3A_234 : memref<1x125xi32, #tpu.memory_space<vmem>> -> memref<125xi32, #tpu.memory_space<vmem>>
        %dma_start3A_236 = arith.constant 0 : i32
        %dma_start3A_237 = arith.constant 0 : i32
        %dma_start3A_238 = tpu.memref_slice %arg2[%arg0, %dma_start3A_236, %dma_start3A_237] : memref<2x10000x64xf32, #tpu.memory_space<hbm>> -> memref<1x10000x64xf32, #tpu.memory_space<hbm>>
        %dma_start3A_239 = tpu.memref_squeeze %dma_start3A_238 : memref<1x10000x64xf32, #tpu.memory_space<hbm>> -> memref<10000x64xf32, #tpu.memory_space<hbm>>
        %dma_start3A_240 = arith.constant 0 : i32
        %dma_start3A_241 = arith.constant 0 : i32
        %dma_start3A_242 = tpu.memref_slice %dma_start3A_239[%dma_start3A_240, %dma_start3A_241] : memref<10000x64xf32, #tpu.memory_space<hbm>> -> memref<10000x64xf32, #tpu.memory_space<hbm>>
        tpu.enqueue_indirect_dma source(%dma_start3A_242 : memref<10000x64xf32, #tpu.memory_space<hbm>>) target(%arg12 : memref<125x64xf32, #tpu.memory_space<vmem>>) offsets(%dma_start3A_235 : memref<125xi32, #tpu.memory_space<vmem>>) semaphore(%arg19 : memref<!tpu.dma_semaphore, #tpu.memory_space<semaphore_mem>>)
      } else {
      }
      %mul3A_164 = arith.constant 5 : i32
      %mul3A_165 = arith.muli %scan3A_67, %mul3A_164 : i32
      %add3A_166 = arith.constant 3 : i32
      %add3A_167 = arith.addi %mul3A_165, %add3A_166 : i32
      %dma_wait3A_168 = arith.constant 0 : i32
      %dma_wait3A_169 = arith.constant 0 : i32
      %dma_wait3A_170 = tpu.memref_slice %arg6[%dma_wait3A_168, %dma_wait3A_169] : memref<160x125xi32, #tpu.memory_space<vmem>> -> memref<1x125xi32, #tpu.memory_space<vmem>>
      %dma_wait3A_171 = tpu.memref_squeeze %dma_wait3A_170 : memref<1x125xi32, #tpu.memory_space<vmem>> -> memref<125xi32, #tpu.memory_space<vmem>>
      %dma_wait3A_172 = arith.constant 0 : i32
      %dma_wait3A_173 = arith.constant 0 : i32
      %dma_wait3A_174 = tpu.memref_slice %arg2[%arg0, %dma_wait3A_172, %dma_wait3A_173] : memref<2x10000x64xf32, #tpu.memory_space<hbm>> -> memref<1x10000x64xf32, #tpu.memory_space<hbm>>
      %dma_wait3A_175 = tpu.memref_squeeze %dma_wait3A_174 : memref<1x10000x64xf32, #tpu.memory_space<hbm>> -> memref<10000x64xf32, #tpu.memory_space<hbm>>
      %dma_wait3A_176 = arith.constant 0 : i32
      %dma_wait3A_177 = arith.constant 0 : i32
      %dma_wait3A_178 = tpu.memref_slice %dma_wait3A_175[%dma_wait3A_176, %dma_wait3A_177] : memref<10000x64xf32, #tpu.memory_space<hbm>> -> memref<10000x64xf32, #tpu.memory_space<hbm>>
      tpu.wait_indirect_dma semaphore(%arg18 : memref<!tpu.dma_semaphore, #tpu.memory_space<semaphore_mem>>) src(%dma_wait3A_178 : memref<10000x64xf32, #tpu.memory_space<hbm>>) dst(%arg11 : memref<125x64xf32, #tpu.memory_space<vmem>>)
      %dma_start3A_179 = arith.constant 0 : i32
      %dma_start3A_180 = tpu.memref_slice %arg7[%add3A_167, %dma_start3A_179] : memref<160x125xi32, #tpu.memory_space<vmem>> -> memref<1x125xi32, #tpu.memory_space<vmem>>
      %dma_start3A_181 = tpu.memref_squeeze %dma_start3A_180 : memref<1x125xi32, #tpu.memory_space<vmem>> -> memref<125xi32, #tpu.memory_space<vmem>>
      %dma_start3A_182 = arith.constant 0 : i32
      %dma_start3A_183 = arith.constant 0 : i32
      %dma_start3A_184 = tpu.memref_slice %arg14[%dma_start3A_182, %dma_start3A_183] : memref<10000x64xf32, #tpu.memory_space<vmem_shared>> -> memref<10000x64xf32, #tpu.memory_space<vmem_shared>>
      tpu.enqueue_indirect_dma source(%arg11 : memref<125x64xf32, #tpu.memory_space<vmem>>) target(%dma_start3A_184 : memref<10000x64xf32, #tpu.memory_space<vmem_shared>>) offsets(%dma_start3A_181 : memref<125xi32, #tpu.memory_space<vmem>>) semaphore(%arg23 : memref<!tpu.dma_semaphore, #tpu.memory_space<semaphore_mem>>) {add = true}
      %ge3A_185 = arith.constant 3 : i32
      %ge3A_186 = arith.cmpi sge, %add3A_167, %ge3A_185 : i32
      %convert_element_type3A_187 = arith.extui %ge3A_186 : i1 to i32
      %cond3A_188 = arith.constant 0 : i32
      %cond3A_189 = arith.cmpi ne, %convert_element_type3A_187, %cond3A_188 : i32
      scf.if %cond3A_189 {
        %dma_wait3A_231 = arith.constant 0 : i32
        %dma_wait3A_232 = arith.constant 0 : i32
        %dma_wait3A_233 = tpu.memref_slice %arg7[%dma_wait3A_231, %dma_wait3A_232] : memref<160x125xi32, #tpu.memory_space<vmem>> -> memref<1x125xi32, #tpu.memory_space<vmem>>
        %dma_wait3A_234 = tpu.memref_squeeze %dma_wait3A_233 : memref<1x125xi32, #tpu.memory_space<vmem>> -> memref<125xi32, #tpu.memory_space<vmem>>
        %dma_wait3A_235 = arith.constant 0 : i32
        %dma_wait3A_236 = arith.constant 0 : i32
        %dma_wait3A_237 = tpu.memref_slice %arg14[%dma_wait3A_235, %dma_wait3A_236] : memref<10000x64xf32, #tpu.memory_space<vmem_shared>> -> memref<10000x64xf32, #tpu.memory_space<vmem_shared>>
        tpu.wait_indirect_dma semaphore(%arg20 : memref<!tpu.dma_semaphore, #tpu.memory_space<semaphore_mem>>) src(%arg8 : memref<125x64xf32, #tpu.memory_space<vmem>>) dst(%dma_wait3A_237 : memref<10000x64xf32, #tpu.memory_space<vmem_shared>>)
      } else {
      }
      %add3A_190 = arith.constant 2 : i32
      %add3A_191 = arith.addi %add3A_167, %add3A_190 : i32
      %lt3A_192 = arith.constant 160 : i32
      %lt3A_193 = arith.cmpi slt, %add3A_191, %lt3A_192 : i32
      %convert_element_type3A_194 = arith.extui %lt3A_193 : i1 to i32
      %cond3A_195 = arith.constant 0 : i32
      %cond3A_196 = arith.cmpi ne, %convert_element_type3A_194, %cond3A_195 : i32
      scf.if %cond3A_196 {
        %add3A_231 = arith.constant 2 : i32
        %add3A_232 = arith.addi %add3A_167, %add3A_231 : i32
        %dma_start3A_233 = arith.constant 0 : i32
        %dma_start3A_234 = tpu.memref_slice %arg6[%add3A_232, %dma_start3A_233] : memref<160x125xi32, #tpu.memory_space<vmem>> -> memref<1x125xi32, #tpu.memory_space<vmem>>
        %dma_start3A_235 = tpu.memref_squeeze %dma_start3A_234 : memref<1x125xi32, #tpu.memory_space<vmem>> -> memref<125xi32, #tpu.memory_space<vmem>>
        %dma_start3A_236 = arith.constant 0 : i32
        %dma_start3A_237 = arith.constant 0 : i32
        %dma_start3A_238 = tpu.memref_slice %arg2[%arg0, %dma_start3A_236, %dma_start3A_237] : memref<2x10000x64xf32, #tpu.memory_space<hbm>> -> memref<1x10000x64xf32, #tpu.memory_space<hbm>>
        %dma_start3A_239 = tpu.memref_squeeze %dma_start3A_238 : memref<1x10000x64xf32, #tpu.memory_space<hbm>> -> memref<10000x64xf32, #tpu.memory_space<hbm>>
        %dma_start3A_240 = arith.constant 0 : i32
        %dma_start3A_241 = arith.constant 0 : i32
        %dma_start3A_242 = tpu.memref_slice %dma_start3A_239[%dma_start3A_240, %dma_start3A_241] : memref<10000x64xf32, #tpu.memory_space<hbm>> -> memref<10000x64xf32, #tpu.memory_space<hbm>>
        tpu.enqueue_indirect_dma source(%dma_start3A_242 : memref<10000x64xf32, #tpu.memory_space<hbm>>) target(%arg8 : memref<125x64xf32, #tpu.memory_space<vmem>>) offsets(%dma_start3A_235 : memref<125xi32, #tpu.memory_space<vmem>>) semaphore(%arg15 : memref<!tpu.dma_semaphore, #tpu.memory_space<semaphore_mem>>)
      } else {
      }
      %mul3A_197 = arith.constant 5 : i32
      %mul3A_198 = arith.muli %scan3A_67, %mul3A_197 : i32
      %add3A_199 = arith.constant 4 : i32
      %add3A_200 = arith.addi %mul3A_198, %add3A_199 : i32
      %dma_wait3A_201 = arith.constant 0 : i32
      %dma_wait3A_202 = arith.constant 0 : i32
      %dma_wait3A_203 = tpu.memref_slice %arg6[%dma_wait3A_201, %dma_wait3A_202] : memref<160x125xi32, #tpu.memory_space<vmem>> -> memref<1x125xi32, #tpu.memory_space<vmem>>
      %dma_wait3A_204 = tpu.memref_squeeze %dma_wait3A_203 : memref<1x125xi32, #tpu.memory_space<vmem>> -> memref<125xi32, #tpu.memory_space<vmem>>
      %dma_wait3A_205 = arith.constant 0 : i32
      %dma_wait3A_206 = arith.constant 0 : i32
      %dma_wait3A_207 = tpu.memref_slice %arg2[%arg0, %dma_wait3A_205, %dma_wait3A_206] : memref<2x10000x64xf32, #tpu.memory_space<hbm>> -> memref<1x10000x64xf32, #tpu.memory_space<hbm>>
      %dma_wait3A_208 = tpu.memref_squeeze %dma_wait3A_207 : memref<1x10000x64xf32, #tpu.memory_space<hbm>> -> memref<10000x64xf32, #tpu.memory_space<hbm>>
      %dma_wait3A_209 = arith.constant 0 : i32
      %dma_wait3A_210 = arith.constant 0 : i32
      %dma_wait3A_211 = tpu.memref_slice %dma_wait3A_208[%dma_wait3A_209, %dma_wait3A_210] : memref<10000x64xf32, #tpu.memory_space<hbm>> -> memref<10000x64xf32, #tpu.memory_space<hbm>>
      tpu.wait_indirect_dma semaphore(%arg19 : memref<!tpu.dma_semaphore, #tpu.memory_space<semaphore_mem>>) src(%dma_wait3A_211 : memref<10000x64xf32, #tpu.memory_space<hbm>>) dst(%arg12 : memref<125x64xf32, #tpu.memory_space<vmem>>)
      %dma_start3A_212 = arith.constant 0 : i32
      %dma_start3A_213 = tpu.memref_slice %arg7[%add3A_200, %dma_start3A_212] : memref<160x125xi32, #tpu.memory_space<vmem>> -> memref<1x125xi32, #tpu.memory_space<vmem>>
      %dma_start3A_214 = tpu.memref_squeeze %dma_start3A_213 : memref<1x125xi32, #tpu.memory_space<vmem>> -> memref<125xi32, #tpu.memory_space<vmem>>
      %dma_start3A_215 = arith.constant 0 : i32
      %dma_start3A_216 = arith.constant 0 : i32
      %dma_start3A_217 = tpu.memref_slice %arg14[%dma_start3A_215, %dma_start3A_216] : memref<10000x64xf32, #tpu.memory_space<vmem_shared>> -> memref<10000x64xf32, #tpu.memory_space<vmem_shared>>
      tpu.enqueue_indirect_dma source(%arg12 : memref<125x64xf32, #tpu.memory_space<vmem>>) target(%dma_start3A_217 : memref<10000x64xf32, #tpu.memory_space<vmem_shared>>) offsets(%dma_start3A_214 : memref<125xi32, #tpu.memory_space<vmem>>) semaphore(%arg24 : memref<!tpu.dma_semaphore, #tpu.memory_space<semaphore_mem>>) {add = true}
      %ge3A_218 = arith.constant 3 : i32
      %ge3A_219 = arith.cmpi sge, %add3A_200, %ge3A_218 : i32
      %convert_element_type3A_220 = arith.extui %ge3A_219 : i1 to i32
      %cond3A_221 = arith.constant 0 : i32
      %cond3A_222 = arith.cmpi ne, %convert_element_type3A_220, %cond3A_221 : i32
      scf.if %cond3A_222 {
        %dma_wait3A_231 = arith.constant 0 : i32
        %dma_wait3A_232 = arith.constant 0 : i32
        %dma_wait3A_233 = tpu.memref_slice %arg7[%dma_wait3A_231, %dma_wait3A_232] : memref<160x125xi32, #tpu.memory_space<vmem>> -> memref<1x125xi32, #tpu.memory_space<vmem>>
        %dma_wait3A_234 = tpu.memref_squeeze %dma_wait3A_233 : memref<1x125xi32, #tpu.memory_space<vmem>> -> memref<125xi32, #tpu.memory_space<vmem>>
        %dma_wait3A_235 = arith.constant 0 : i32
        %dma_wait3A_236 = arith.constant 0 : i32
        %dma_wait3A_237 = tpu.memref_slice %arg14[%dma_wait3A_235, %dma_wait3A_236] : memref<10000x64xf32, #tpu.memory_space<vmem_shared>> -> memref<10000x64xf32, #tpu.memory_space<vmem_shared>>
        tpu.wait_indirect_dma semaphore(%arg21 : memref<!tpu.dma_semaphore, #tpu.memory_space<semaphore_mem>>) src(%arg9 : memref<125x64xf32, #tpu.memory_space<vmem>>) dst(%dma_wait3A_237 : memref<10000x64xf32, #tpu.memory_space<vmem_shared>>)
      } else {
      }
      %add3A_223 = arith.constant 2 : i32
      %add3A_224 = arith.addi %add3A_200, %add3A_223 : i32
      %lt3A_225 = arith.constant 160 : i32
      %lt3A_226 = arith.cmpi slt, %add3A_224, %lt3A_225 : i32
      %convert_element_type3A_227 = arith.extui %lt3A_226 : i1 to i32
      %cond3A_228 = arith.constant 0 : i32
      %cond3A_229 = arith.cmpi ne, %convert_element_type3A_227, %cond3A_228 : i32
      scf.if %cond3A_229 {
        %add3A_231 = arith.constant 2 : i32
        %add3A_232 = arith.addi %add3A_200, %add3A_231 : i32
        %dma_start3A_233 = arith.constant 0 : i32
        %dma_start3A_234 = tpu.memref_slice %arg6[%add3A_232, %dma_start3A_233] : memref<160x125xi32, #tpu.memory_space<vmem>> -> memref<1x125xi32, #tpu.memory_space<vmem>>
        %dma_start3A_235 = tpu.memref_squeeze %dma_start3A_234 : memref<1x125xi32, #tpu.memory_space<vmem>> -> memref<125xi32, #tpu.memory_space<vmem>>
        %dma_start3A_236 = arith.constant 0 : i32
        %dma_start3A_237 = arith.constant 0 : i32
        %dma_start3A_238 = tpu.memref_slice %arg2[%arg0, %dma_start3A_236, %dma_start3A_237] : memref<2x10000x64xf32, #tpu.memory_space<hbm>> -> memref<1x10000x64xf32, #tpu.memory_space<hbm>>
        %dma_start3A_239 = tpu.memref_squeeze %dma_start3A_238 : memref<1x10000x64xf32, #tpu.memory_space<hbm>> -> memref<10000x64xf32, #tpu.memory_space<hbm>>
        %dma_start3A_240 = arith.constant 0 : i32
        %dma_start3A_241 = arith.constant 0 : i32
        %dma_start3A_242 = tpu.memref_slice %dma_start3A_239[%dma_start3A_240, %dma_start3A_241] : memref<10000x64xf32, #tpu.memory_space<hbm>> -> memref<10000x64xf32, #tpu.memory_space<hbm>>
        tpu.enqueue_indirect_dma source(%dma_start3A_242 : memref<10000x64xf32, #tpu.memory_space<hbm>>) target(%arg9 : memref<125x64xf32, #tpu.memory_space<vmem>>) offsets(%dma_start3A_235 : memref<125xi32, #tpu.memory_space<vmem>>) semaphore(%arg16 : memref<!tpu.dma_semaphore, #tpu.memory_space<semaphore_mem>>)
      } else {
      }
      %scan3A_230 = arith.constant 0 : i32
      scf.yield %scan3A_230 : i32
    }
    %scan3A_45 = arith.constant 32 : i32
    %dma_wait3A = arith.constant 0 : i32
    %dma_wait3A_46 = arith.constant 0 : i32
    %dma_wait3A_47 = tpu.memref_slice %arg7[%dma_wait3A, %dma_wait3A_46] : memref<160x125xi32, #tpu.memory_space<vmem>> -> memref<1x125xi32, #tpu.memory_space<vmem>>
    %dma_wait3A_48 = tpu.memref_squeeze %dma_wait3A_47 : memref<1x125xi32, #tpu.memory_space<vmem>> -> memref<125xi32, #tpu.memory_space<vmem>>
    %dma_wait3A_49 = arith.constant 0 : i32
    %dma_wait3A_50 = arith.constant 0 : i32
    %dma_wait3A_51 = tpu.memref_slice %arg14[%dma_wait3A_49, %dma_wait3A_50] : memref<10000x64xf32, #tpu.memory_space<vmem_shared>> -> memref<10000x64xf32, #tpu.memory_space<vmem_shared>>
    tpu.wait_indirect_dma semaphore(%arg22 : memref<!tpu.dma_semaphore, #tpu.memory_space<semaphore_mem>>) src(%arg10 : memref<125x64xf32, #tpu.memory_space<vmem>>) dst(%dma_wait3A_51 : memref<10000x64xf32, #tpu.memory_space<vmem_shared>>)
    %dma_wait3A_52 = arith.constant 0 : i32
    %dma_wait3A_53 = arith.constant 0 : i32
    %dma_wait3A_54 = tpu.memref_slice %arg7[%dma_wait3A_52, %dma_wait3A_53] : memref<160x125xi32, #tpu.memory_space<vmem>> -> memref<1x125xi32, #tpu.memory_space<vmem>>
    %dma_wait3A_55 = tpu.memref_squeeze %dma_wait3A_54 : memref<1x125xi32, #tpu.memory_space<vmem>> -> memref<125xi32, #tpu.memory_space<vmem>>
    %dma_wait3A_56 = arith.constant 0 : i32
    %dma_wait3A_57 = arith.constant 0 : i32
    %dma_wait3A_58 = tpu.memref_slice %arg14[%dma_wait3A_56, %dma_wait3A_57] : memref<10000x64xf32, #tpu.memory_space<vmem_shared>> -> memref<10000x64xf32, #tpu.memory_space<vmem_shared>>
    tpu.wait_indirect_dma semaphore(%arg23 : memref<!tpu.dma_semaphore, #tpu.memory_space<semaphore_mem>>) src(%arg11 : memref<125x64xf32, #tpu.memory_space<vmem>>) dst(%dma_wait3A_58 : memref<10000x64xf32, #tpu.memory_space<vmem_shared>>)
    %dma_wait3A_59 = arith.constant 0 : i32
    %dma_wait3A_60 = arith.constant 0 : i32
    %dma_wait3A_61 = tpu.memref_slice %arg7[%dma_wait3A_59, %dma_wait3A_60] : memref<160x125xi32, #tpu.memory_space<vmem>> -> memref<1x125xi32, #tpu.memory_space<vmem>>
    %dma_wait3A_62 = tpu.memref_squeeze %dma_wait3A_61 : memref<1x125xi32, #tpu.memory_space<vmem>> -> memref<125xi32, #tpu.memory_space<vmem>>
    %dma_wait3A_63 = arith.constant 0 : i32
    %dma_wait3A_64 = arith.constant 0 : i32
    %dma_wait3A_65 = tpu.memref_slice %arg14[%dma_wait3A_63, %dma_wait3A_64] : memref<10000x64xf32, #tpu.memory_space<vmem_shared>> -> memref<10000x64xf32, #tpu.memory_space<vmem_shared>>
    tpu.wait_indirect_dma semaphore(%arg24 : memref<!tpu.dma_semaphore, #tpu.memory_space<semaphore_mem>>) src(%arg12 : memref<125x64xf32, #tpu.memory_space<vmem>>) dst(%dma_wait3A_65 : memref<10000x64xf32, #tpu.memory_space<vmem_shared>>)
    %barrier3A_66 = arith.constant 0 : index
    tpu.barrier barrier_id(%barrier3A_66)
    "tpu.region"() ({
      %run_scoped3A = tpu.sem_alloc : memref<!tpu.dma_semaphore, #tpu.memory_space<semaphore_mem>>
      %dma_start3A_67 = arith.constant 0 : i32
      %dma_start3A_68 = tpu.memref_slice %arg5[%arg0, %mul3A_2, %dma_start3A_67] : memref<2x10000x64xf32, #tpu.memory_space<hbm>> -> memref<1x625x64xf32, #tpu.memory_space<hbm>>
      %dma_start3A_69 = tpu.memref_squeeze %dma_start3A_68 : memref<1x625x64xf32, #tpu.memory_space<hbm>> -> memref<625x64xf32, #tpu.memory_space<hbm>>
      %dma_start3A_70 = arith.constant 0 : i32
      %dma_start3A_71 = tpu.memref_slice %arg14[%mul3A_2, %dma_start3A_70] : memref<10000x64xf32, #tpu.memory_space<vmem_shared>> -> memref<625x64xf32, #tpu.memory_space<vmem_shared>>
      tpu.enqueue_dma source(%dma_start3A_71 : memref<625x64xf32, #tpu.memory_space<vmem_shared>>) target(%dma_start3A_69 : memref<625x64xf32, #tpu.memory_space<hbm>>) target_semaphore(%run_scoped3A : memref<!tpu.dma_semaphore, #tpu.memory_space<semaphore_mem>>)
      %dma_wait3A_72 = arith.constant 0 : i32
      %dma_wait3A_73 = tpu.memref_slice %arg5[%arg0, %mul3A_2, %dma_wait3A_72] : memref<2x10000x64xf32, #tpu.memory_space<hbm>> -> memref<1x625x64xf32, #tpu.memory_space<hbm>>
      %dma_wait3A_74 = tpu.memref_squeeze %dma_wait3A_73 : memref<1x625x64xf32, #tpu.memory_space<hbm>> -> memref<625x64xf32, #tpu.memory_space<hbm>>
      %dma_wait3A_75 = arith.constant 0 : i32
      %dma_wait3A_76 = tpu.memref_slice %arg14[%mul3A_2, %dma_wait3A_75] : memref<10000x64xf32, #tpu.memory_space<vmem_shared>> -> memref<625x64xf32, #tpu.memory_space<vmem_shared>>
      tpu.wait_dma2 semaphore(%run_scoped3A : memref<!tpu.dma_semaphore, #tpu.memory_space<semaphore_mem>>) src(%dma_wait3A_76 : memref<625x64xf32, #tpu.memory_space<vmem_shared>>) dst(%dma_wait3A_74 : memref<625x64xf32, #tpu.memory_space<hbm>>)
      tpu.yield
    }) : () -> ()
    return
  }
}

module attributes {stable_mosaic.version = 14 : i64} {
  func.func @_mlp_body(%arg0: i32, %arg1: memref<2x2000x64xf32, #tpu.memory_space<vmem>>, %arg2: memref<2x2000x64xf32, #tpu.memory_space<vmem>>, %arg3: memref<128x256xf32, #tpu.memory_space<vmem>>, %arg4: memref<1x256xf32, #tpu.memory_space<vmem>>, %arg5: memref<256x128xf32, #tpu.memory_space<vmem>>, %arg6: memref<1x128xf32, #tpu.memory_space<vmem>>, %arg7: memref<2x2000x64xf32, #tpu.memory_space<vmem>>) attributes {dimension_semantics = [#tpu.dimension_semantics<arbitrary>], iteration_bounds = array<i64: 5>, scalar_prefetch = 0 : i64, scratch_operands = 0 : i64, tpu.core_type = #tpu.core_type<tc>, window_params = [{transform_indices = @transform_0, window_bounds = array<i64: 2, 2000, 64>}, {transform_indices = @transform_1, window_bounds = array<i64: 2, 2000, 64>}, {pipeline_mode = #tpu.pipeline_mode<synchronous>, transform_indices = @transform_2, window_bounds = array<i64: 128, 256>}, {pipeline_mode = #tpu.pipeline_mode<synchronous>, transform_indices = @transform_3, window_bounds = array<i64: 1, 256>}, {pipeline_mode = #tpu.pipeline_mode<synchronous>, transform_indices = @transform_4, window_bounds = array<i64: 256, 128>}, {pipeline_mode = #tpu.pipeline_mode<synchronous>, transform_indices = @transform_5, window_bounds = array<i64: 1, 128>}, {transform_indices = @transform_6, window_bounds = array<i64: 2, 2000, 64>}]} {
    %get3A = arith.constant 0 : index
    %get3A_0 = arith.constant 0 : index
    %get3A_1 = arith.constant 0 : index
    %get3A_2 = vector.load %arg1[%get3A, %get3A_0, %get3A_1] : memref<2x2000x64xf32, #tpu.memory_space<vmem>>, vector<2x2000x64xf32>
    %get3A_3 = arith.constant 0 : index
    %get3A_4 = arith.constant 0 : index
    %get3A_5 = arith.constant 0 : index
    %get3A_6 = vector.load %arg2[%get3A_3, %get3A_4, %get3A_5] : memref<2x2000x64xf32, #tpu.memory_space<vmem>>, vector<2x2000x64xf32>
    %slice3A = vector.extract_strided_slice %get3A_2 {offsets = [0, 0, 0], sizes = [1, 2000, 64], strides = [1, 1, 1]} : vector<2x2000x64xf32> to vector<1x2000x64xf32>
    %squeeze3A = vector.shape_cast %slice3A : vector<1x2000x64xf32> to vector<2000x64xf32>
    %slice3A_7 = vector.extract_strided_slice %get3A_6 {offsets = [0, 0, 0], sizes = [1, 2000, 64], strides = [1, 1, 1]} : vector<2x2000x64xf32> to vector<1x2000x64xf32>
    %squeeze3A_8 = vector.shape_cast %slice3A_7 : vector<1x2000x64xf32> to vector<2000x64xf32>
    %add3A = arith.addf %squeeze3A, %squeeze3A_8 : vector<2000x64xf32>
    %slice3A_9 = vector.extract_strided_slice %get3A_2 {offsets = [1, 0, 0], sizes = [1, 2000, 64], strides = [1, 1, 1]} : vector<2x2000x64xf32> to vector<1x2000x64xf32>
    %squeeze3A_10 = vector.shape_cast %slice3A_9 : vector<1x2000x64xf32> to vector<2000x64xf32>
    %slice3A_11 = vector.extract_strided_slice %get3A_6 {offsets = [1, 0, 0], sizes = [1, 2000, 64], strides = [1, 1, 1]} : vector<2x2000x64xf32> to vector<1x2000x64xf32>
    %squeeze3A_12 = vector.shape_cast %slice3A_11 : vector<1x2000x64xf32> to vector<2000x64xf32>
    %add3A_13 = arith.addf %squeeze3A_10, %squeeze3A_12 : vector<2000x64xf32>
    %concatenate3A = tpu.concatenate %add3A, %add3A_13 in 1 : vector<2000x64xf32>, vector<2000x64xf32> -> vector<2000x128xf32>
    %get3A_14 = arith.constant 0 : index
    %get3A_15 = arith.constant 0 : index
    %get3A_16 = vector.load %arg3[%get3A_14, %get3A_15] : memref<128x256xf32, #tpu.memory_space<vmem>>, vector<128x256xf32>
    %dot_general3A = arith.constant dense<0.000000e+00> : vector<2000x256xf32>
    %dot_general3A_17 = tpu.matmul %concatenate3A, %get3A_16, %dot_general3A {dimension_numbers = #tpu.dot_dimension_numbers<[1], [0], [0], [1], [0, 0, 1, 1], [], []>, precision = #tpu.contract_precision<fp32>, transpose_lhs_hint = false} : vector<2000x128xf32>, vector<128x256xf32>, vector<2000x256xf32> -> vector<2000x256xf32>
    %get3A_18 = arith.constant 0 : index
    %get3A_19 = arith.constant 0 : index
    %get3A_20 = vector.load %arg4[%get3A_18, %get3A_19] : memref<1x256xf32, #tpu.memory_space<vmem>>, vector<1x256xf32>
    %add3A_21 = vector.broadcast %get3A_20 : vector<1x256xf32> to vector<2000x256xf32>
    %add3A_22 = arith.addf %dot_general3A_17, %add3A_21 : vector<2000x256xf32>
    %max3A = arith.constant 0.000000e+00 : f32
    %max3A_23 = vector.broadcast %max3A : f32 to vector<2000x256xf32>
    %max3A_24 = arith.maximumf %add3A_22, %max3A_23 : vector<2000x256xf32>
    %get3A_25 = arith.constant 0 : index
    %get3A_26 = arith.constant 0 : index
    %get3A_27 = vector.load %arg5[%get3A_25, %get3A_26] : memref<256x128xf32, #tpu.memory_space<vmem>>, vector<256x128xf32>
    %dot_general3A_28 = arith.constant dense<0.000000e+00> : vector<2000x128xf32>
    %dot_general3A_29 = tpu.matmul %max3A_24, %get3A_27, %dot_general3A_28 {dimension_numbers = #tpu.dot_dimension_numbers<[1], [0], [0], [1], [0, 0, 1, 1], [], []>, precision = #tpu.contract_precision<fp32>, transpose_lhs_hint = false} : vector<2000x256xf32>, vector<256x128xf32>, vector<2000x128xf32> -> vector<2000x128xf32>
    %get3A_30 = arith.constant 0 : index
    %get3A_31 = arith.constant 0 : index
    %get3A_32 = vector.load %arg6[%get3A_30, %get3A_31] : memref<1x128xf32, #tpu.memory_space<vmem>>, vector<1x128xf32>
    %add3A_33 = vector.broadcast %get3A_32 : vector<1x128xf32> to vector<2000x128xf32>
    %add3A_34 = arith.addf %dot_general3A_29, %add3A_33 : vector<2000x128xf32>
    %max3A_35 = arith.constant 0.000000e+00 : f32
    %max3A_36 = vector.broadcast %max3A_35 : f32 to vector<2000x128xf32>
    %max3A_37 = arith.maximumf %add3A_34, %max3A_36 : vector<2000x128xf32>
    %slice3A_38 = vector.extract_strided_slice %max3A_37 {offsets = [0, 0], sizes = [2000, 64], strides = [1, 1]} : vector<2000x128xf32> to vector<2000x64xf32>
    %swap3A = arith.constant 0 : index
    %swap3A_39 = arith.constant 0 : index
    %swap3A_40 = arith.constant 0 : index
    %swap3A_41 = vector.load %arg7[%swap3A, %swap3A_39, %swap3A_40] : memref<2x2000x64xf32, #tpu.memory_space<vmem>>, vector<1x2000x64xf32>
    %swap3A_42 = vector.shape_cast %swap3A_41 : vector<1x2000x64xf32> to vector<2000x64xf32>
    %swap3A_43 = vector.shape_cast %slice3A_38 : vector<2000x64xf32> to vector<1x2000x64xf32>
    tpu.vector_store %arg7[%swap3A, %swap3A_39, %swap3A_40], %swap3A_43 {strides = array<i32>} : memref<2x2000x64xf32, #tpu.memory_space<vmem>>, vector<1x2000x64xf32>,
    %slice3A_44 = vector.extract_strided_slice %max3A_37 {offsets = [0, 64], sizes = [2000, 64], strides = [1, 1]} : vector<2000x128xf32> to vector<2000x64xf32>
    %swap3A_45 = arith.constant 1 : index
    %swap3A_46 = arith.constant 0 : index
    %swap3A_47 = arith.constant 0 : index
    %swap3A_48 = vector.load %arg7[%swap3A_45, %swap3A_46, %swap3A_47] : memref<2x2000x64xf32, #tpu.memory_space<vmem>>, vector<1x2000x64xf32>
    %swap3A_49 = vector.shape_cast %swap3A_48 : vector<1x2000x64xf32> to vector<2000x64xf32>
    %swap3A_50 = vector.shape_cast %slice3A_44 : vector<2000x64xf32> to vector<1x2000x64xf32>
    tpu.vector_store %arg7[%swap3A_45, %swap3A_46, %swap3A_47], %swap3A_50 {strides = array<i32>} : memref<2x2000x64xf32, #tpu.memory_space<vmem>>, vector<1x2000x64xf32>,
    return
  }
  func.func @transform_0(%arg0: i32) -> (i32, i32, i32) {
    %c0_i32 = arith.constant 0 : i32
    %c0_i32_0 = arith.constant 0 : i32
    %c0_i32_1 = arith.constant 0 : i32
    return %c0_i32, %arg0, %c0_i32_0 : i32, i32, i32
  }
  func.func @transform_1(%arg0: i32) -> (i32, i32, i32) {
    %c0_i32 = arith.constant 0 : i32
    %c0_i32_0 = arith.constant 0 : i32
    %c0_i32_1 = arith.constant 0 : i32
    return %c0_i32, %arg0, %c0_i32_0 : i32, i32, i32
  }
  func.func @transform_2(%arg0: i32) -> (i32, i32) {
    %c0_i32 = arith.constant 0 : i32
    %c0_i32_0 = arith.constant 0 : i32
    %c0_i32_1 = arith.constant 0 : i32
    return %c0_i32, %c0_i32_0 : i32, i32
  }
  func.func @transform_3(%arg0: i32) -> (i32, i32) {
    %c0_i32 = arith.constant 0 : i32
    %c0_i32_0 = arith.constant 0 : i32
    %c0_i32_1 = arith.constant 0 : i32
    return %c0_i32, %c0_i32_0 : i32, i32
  }
  func.func @transform_4(%arg0: i32) -> (i32, i32) {
    %c0_i32 = arith.constant 0 : i32
    %c0_i32_0 = arith.constant 0 : i32
    %c0_i32_1 = arith.constant 0 : i32
    return %c0_i32, %c0_i32_0 : i32, i32
  }
  func.func @transform_5(%arg0: i32) -> (i32, i32) {
    %c0_i32 = arith.constant 0 : i32
    %c0_i32_0 = arith.constant 0 : i32
    %c0_i32_1 = arith.constant 0 : i32
    return %c0_i32, %c0_i32_0 : i32, i32
  }
  func.func @transform_6(%arg0: i32) -> (i32, i32, i32) {
    %c0_i32 = arith.constant 0 : i32
    %c0_i32_0 = arith.constant 0 : i32
    %c0_i32_1 = arith.constant 0 : i32
    return %c0_i32, %arg0, %c0_i32_0 : i32, i32, i32
  }
}

module attributes {stable_mosaic.version = 14 : i64} {
  func.func @_seg_body(%arg0: i32, %arg1: memref<2x2000x64xf32, #tpu.memory_space<vmem>>, %arg2: memref<2x2000x64xf32, #tpu.memory_space<vmem>>, %arg3: memref<1x1x2000xi32, #tpu.memory_space<vmem>>, %arg4: memref<128x256xf32, #tpu.memory_space<vmem>>, %arg5: memref<1x256xf32, #tpu.memory_space<vmem>>, %arg6: memref<1x256xf32, #tpu.memory_space<vmem>>, %arg7: memref<1x1xf32, #tpu.memory_space<vmem>>, %arg8: memref<256x256xf32, #tpu.memory_space<vmem>>, %arg9: memref<256x128xf32, #tpu.memory_space<vmem>>) attributes {dimension_semantics = [#tpu.dimension_semantics<arbitrary>], iteration_bounds = array<i64: 5>, scalar_prefetch = 0 : i64, scratch_operands = 0 : i64, tpu.core_type = #tpu.core_type<tc>, window_params = [{transform_indices = @transform_0, window_bounds = array<i64: 2, 2000, 64>}, {transform_indices = @transform_1, window_bounds = array<i64: 2, 2000, 64>}, {transform_indices = @transform_2, window_bounds = array<i64: 1, 1, 2000>}, {pipeline_mode = #tpu.pipeline_mode<synchronous>, transform_indices = @transform_3, window_bounds = array<i64: 128, 256>}, {pipeline_mode = #tpu.pipeline_mode<synchronous>, transform_indices = @transform_4, window_bounds = array<i64: 1, 256>}, {pipeline_mode = #tpu.pipeline_mode<synchronous>, transform_indices = @transform_5, window_bounds = array<i64: 1, 256>}, {pipeline_mode = #tpu.pipeline_mode<synchronous>, transform_indices = @transform_6, window_bounds = array<i64: 1, 1>}, {pipeline_mode = #tpu.pipeline_mode<synchronous>, transform_indices = @transform_7, window_bounds = array<i64: 256, 256>}, {pipeline_mode = #tpu.pipeline_mode<synchronous>, transform_indices = @transform_8, window_bounds = array<i64: 256, 128>}]} {
    %get3A = arith.constant 0 : index
    %get3A_0 = arith.constant 0 : index
    %get3A_1 = arith.constant 0 : index
    %get3A_2 = vector.load %arg1[%get3A, %get3A_0, %get3A_1] : memref<2x2000x64xf32, #tpu.memory_space<vmem>>, vector<2x2000x64xf32>
    %slice3A = vector.extract_strided_slice %get3A_2 {offsets = [0, 0, 0], sizes = [1, 2000, 64], strides = [1, 1, 1]} : vector<2x2000x64xf32> to vector<1x2000x64xf32>
    %squeeze3A = vector.shape_cast %slice3A : vector<1x2000x64xf32> to vector<2000x64xf32>
    %slice3A_3 = vector.extract_strided_slice %get3A_2 {offsets = [1, 0, 0], sizes = [1, 2000, 64], strides = [1, 1, 1]} : vector<2x2000x64xf32> to vector<1x2000x64xf32>
    %squeeze3A_4 = vector.shape_cast %slice3A_3 : vector<1x2000x64xf32> to vector<2000x64xf32>
    %concatenate3A = tpu.concatenate %squeeze3A, %squeeze3A_4 in 1 : vector<2000x64xf32>, vector<2000x64xf32> -> vector<2000x128xf32>
    %get3A_5 = arith.constant 0 : index
    %get3A_6 = arith.constant 0 : index
    %get3A_7 = vector.load %arg4[%get3A_5, %get3A_6] : memref<128x256xf32, #tpu.memory_space<vmem>>, vector<128x256xf32>
    %dot_general3A = arith.constant dense<0.000000e+00> : vector<2000x256xf32>
    %dot_general3A_8 = tpu.matmul %concatenate3A, %get3A_7, %dot_general3A {dimension_numbers = #tpu.dot_dimension_numbers<[1], [0], [0], [1], [0, 0, 1, 1], [], []>, precision = #tpu.contract_precision<fp32>, transpose_lhs_hint = false} : vector<2000x128xf32>, vector<128x256xf32>, vector<2000x256xf32> -> vector<2000x256xf32>
    %get3A_9 = arith.constant 0 : index
    %get3A_10 = arith.constant 0 : index
    %get3A_11 = vector.load %arg5[%get3A_9, %get3A_10] : memref<1x256xf32, #tpu.memory_space<vmem>>, vector<1x256xf32>
    %add3A = vector.broadcast %get3A_11 : vector<1x256xf32> to vector<2000x256xf32>
    %add3A_12 = arith.addf %dot_general3A_8, %add3A : vector<2000x256xf32>
    %max3A = arith.constant 0.000000e+00 : f32
    %max3A_13 = vector.broadcast %max3A : f32 to vector<2000x256xf32>
    %max3A_14 = arith.maximumf %add3A_12, %max3A_13 : vector<2000x256xf32>
    %get3A_15 = arith.constant 0 : index
    %get3A_16 = arith.constant 0 : index
    %get3A_17 = vector.load %arg6[%get3A_15, %get3A_16] : memref<1x256xf32, #tpu.memory_space<vmem>>, vector<1x256xf32>
    %mul3A = vector.broadcast %get3A_17 : vector<1x256xf32> to vector<2000x256xf32>
    %mul3A_18 = arith.mulf %max3A_14, %mul3A : vector<2000x256xf32>
    %reduce_sum3A = arith.constant dense<0.000000e+00> : vector<2000xf32>
    %reduce_sum3A_19 = vector.multi_reduction <add>, %mul3A_18, %reduce_sum3A [1] : vector<2000x256xf32> to vector<2000xf32>
    %broadcast_in_dim3A = vector.shape_cast %reduce_sum3A_19 : vector<2000xf32> to vector<2000x1xf32>
    %get3A_20 = arith.constant 0 : index
    %get3A_21 = arith.constant 0 : index
    %get3A_22 = vector.load %arg7[%get3A_20, %get3A_21] : memref<1x1xf32, #tpu.memory_space<vmem>>, vector<1x1xf32>
    %get3A_23 = vector.extract %get3A_22[0, 0] : f32 from vector<1x1xf32>
    %add3A_24 = vector.broadcast %get3A_23 : f32 to vector<2000x1xf32>
    %add3A_25 = arith.addf %broadcast_in_dim3A, %add3A_24 : vector<2000x1xf32>
    %neg3A = arith.constant 0.000000e+00 : f32
    %neg3A_26 = vector.broadcast %neg3A : f32 to vector<2000x1xf32>
    %neg3A_27 = arith.subf %neg3A_26, %add3A_25 : vector<2000x1xf32>
    %exp3A = math.exp %neg3A_27 : vector<2000x1xf32>
    %add3A_28 = arith.constant 1.000000e+00 : f32
    %add3A_29 = vector.broadcast %add3A_28 : f32 to vector<2000x1xf32>
    %add3A_30 = arith.addf %add3A_29, %exp3A : vector<2000x1xf32>
    %div3A = arith.constant 1.000000e+00 : f32
    %div3A_31 = vector.broadcast %div3A : f32 to vector<2000x1xf32>
    %div3A_32 = arith.divf %div3A_31, %add3A_30 : vector<2000x1xf32>
    %get3A_33 = arith.constant 0 : index
    %get3A_34 = arith.constant 0 : index
    %get3A_35 = arith.constant 0 : index
    %get3A_36 = vector.load %arg3[%get3A_33, %get3A_34, %get3A_35] : memref<1x1x2000xi32, #tpu.memory_space<vmem>>, vector<1x1x2000xi32>
    %reshape3A = vector.shape_cast %get3A_36 : vector<1x1x2000xi32> to vector<1x2000xi32>
    %iota3A = tpu.iota {dimensions = array<i32: 0>} : vector<256x2000xi32>
    %eq3A = vector.broadcast %reshape3A : vector<1x2000xi32> to vector<256x2000xi32>
    %eq3A_37 = arith.cmpi eq, %iota3A, %eq3A : vector<256x2000xi32>
    %convert_element_type3A = arith.extui %eq3A_37 : vector<256x2000xi1> to vector<256x2000xi32>
    %convert_element_type3A_38 = arith.sitofp %convert_element_type3A : vector<256x2000xi32> to vector<256x2000xf32>
    %get3A_39 = arith.constant 0 : index
    %get3A_40 = arith.constant 0 : index
    %get3A_41 = arith.constant 0 : index
    %get3A_42 = vector.load %arg2[%get3A_39, %get3A_40, %get3A_41] : memref<2x2000x64xf32, #tpu.memory_space<vmem>>, vector<2x2000x64xf32>
    %slice3A_43 = vector.extract_strided_slice %get3A_42 {offsets = [0, 0, 0], sizes = [1, 2000, 64], strides = [1, 1, 1]} : vector<2x2000x64xf32> to vector<1x2000x64xf32>
    %squeeze3A_44 = vector.shape_cast %slice3A_43 : vector<1x2000x64xf32> to vector<2000x64xf32>
    %slice3A_45 = vector.extract_strided_slice %get3A_42 {offsets = [1, 0, 0], sizes = [1, 2000, 64], strides = [1, 1, 1]} : vector<2x2000x64xf32> to vector<1x2000x64xf32>
    %squeeze3A_46 = vector.shape_cast %slice3A_45 : vector<1x2000x64xf32> to vector<2000x64xf32>
    %concatenate3A_47 = tpu.concatenate %squeeze3A_44, %squeeze3A_46 in 1 : vector<2000x64xf32>, vector<2000x64xf32> -> vector<2000x128xf32>
    %mul3A_48 = vector.broadcast %div3A_32 : vector<2000x1xf32> to vector<2000x128xf32>
    %mul3A_49 = arith.mulf %mul3A_48, %concatenate3A_47 : vector<2000x128xf32>
    %concatenate3A_50 = tpu.concatenate %mul3A_49, %concatenate3A_47 in 1 : vector<2000x128xf32>, vector<2000x128xf32> -> vector<2000x256xf32>
    %dot_general3A_51 = arith.constant dense<0.000000e+00> : vector<256x256xf32>
    %dot_general3A_52 = tpu.matmul %convert_element_type3A_38, %concatenate3A_50, %dot_general3A_51 {dimension_numbers = #tpu.dot_dimension_numbers<[1], [0], [0], [1], [0, 0, 1, 1], [], []>, precision = #tpu.contract_precision<fp32>, transpose_lhs_hint = false} : vector<256x2000xf32>, vector<2000x256xf32>, vector<256x256xf32> -> vector<256x256xf32>
    %gt3A = arith.constant 0.000000e+00 : f32
    %gt3A_53 = vector.broadcast %gt3A : f32 to vector<2000x1xf32>
    %gt3A_54 = arith.cmpf ogt, %div3A_32, %gt3A_53 : vector<2000x1xf32>
    %convert_element_type3A_55 = arith.extui %gt3A_54 : vector<2000x1xi1> to vector<2000x1xi32>
    %convert_element_type3A_56 = arith.sitofp %convert_element_type3A_55 : vector<2000x1xi32> to vector<2000x1xf32>
    %broadcast_in_dim3A_57 = arith.constant 1.000000e+00 : f32
    %broadcast_in_dim3A_58 = vector.broadcast %broadcast_in_dim3A_57 : f32 to vector<2000x1xf32>
    %broadcast_in_dim3A_59 = arith.constant 0.000000e+00 : f32
    %broadcast_in_dim3A_60 = vector.broadcast %broadcast_in_dim3A_59 : f32 to vector<2000x125xf32>
    %concatenate3A_61 = tpu.concatenate %div3A_32, %convert_element_type3A_56, %broadcast_in_dim3A_58, %broadcast_in_dim3A_60 in 1 : vector<2000x1xf32>, vector<2000x1xf32>, vector<2000x1xf32>, vector<2000x125xf32> -> vector<2000x128xf32>
    %dot_general3A_62 = arith.constant dense<0.000000e+00> : vector<256x128xf32>
    %dot_general3A_63 = tpu.matmul %convert_element_type3A_38, %concatenate3A_61, %dot_general3A_62 {dimension_numbers = #tpu.dot_dimension_numbers<[1], [0], [0], [1], [0, 0, 1, 1], [], []>, precision = #tpu.contract_precision<fp32>, transpose_lhs_hint = false} : vector<256x2000xf32>, vector<2000x128xf32>, vector<256x128xf32> -> vector<256x128xf32>
    %eq3A_64 = arith.constant 0 : i32
    %eq3A_65 = arith.cmpi eq, %arg0, %eq3A_64 : i32
    %convert_element_type3A_66 = arith.extui %eq3A_65 : i1 to i32
    %cond3A = arith.constant 0 : i32
    %cond3A_67 = arith.cmpi ne, %convert_element_type3A_66, %cond3A : i32
    scf.if %cond3A_67 {
      %swap3A = arith.constant 0 : index
      %swap3A_73 = arith.constant 0 : index
      %swap3A_74 = vector.load %arg8[%swap3A, %swap3A_73] : memref<256x256xf32, #tpu.memory_space<vmem>>, vector<256x256xf32>
      tpu.vector_store %arg8[%swap3A, %swap3A_73], %dot_general3A_52 {strides = array<i32>} : memref<256x256xf32, #tpu.memory_space<vmem>>, vector<256x256xf32>,
      %swap3A_75 = arith.constant 0 : index
      %swap3A_76 = arith.constant 0 : index
      %swap3A_77 = vector.load %arg9[%swap3A_75, %swap3A_76] : memref<256x128xf32, #tpu.memory_space<vmem>>, vector<256x128xf32>
      tpu.vector_store %arg9[%swap3A_75, %swap3A_76], %dot_general3A_63 {strides = array<i32>} : memref<256x128xf32, #tpu.memory_space<vmem>>, vector<256x128xf32>,
    } else {
    }
    %gt3A_68 = arith.constant 0 : i32
    %gt3A_69 = arith.cmpi sgt, %arg0, %gt3A_68 : i32
    %convert_element_type3A_70 = arith.extui %gt3A_69 : i1 to i32
    %cond3A_71 = arith.constant 0 : i32
    %cond3A_72 = arith.cmpi ne, %convert_element_type3A_70, %cond3A_71 : i32
    scf.if %cond3A_72 {
      %get3A_73 = arith.constant 0 : index
      %get3A_74 = arith.constant 0 : index
      %get3A_75 = vector.load %arg8[%get3A_73, %get3A_74] : memref<256x256xf32, #tpu.memory_space<vmem>>, vector<256x256xf32>
      %add3A_76 = arith.addf %get3A_75, %dot_general3A_52 : vector<256x256xf32>
      %swap3A = arith.constant 0 : index
      %swap3A_77 = arith.constant 0 : index
      %swap3A_78 = vector.load %arg8[%swap3A, %swap3A_77] : memref<256x256xf32, #tpu.memory_space<vmem>>, vector<256x256xf32>
      tpu.vector_store %arg8[%swap3A, %swap3A_77], %add3A_76 {strides = array<i32>} : memref<256x256xf32, #tpu.memory_space<vmem>>, vector<256x256xf32>,
      %get3A_79 = arith.constant 0 : index
      %get3A_80 = arith.constant 0 : index
      %get3A_81 = vector.load %arg9[%get3A_79, %get3A_80] : memref<256x128xf32, #tpu.memory_space<vmem>>, vector<256x128xf32>
      %add3A_82 = arith.addf %get3A_81, %dot_general3A_63 : vector<256x128xf32>
      %swap3A_83 = arith.constant 0 : index
      %swap3A_84 = arith.constant 0 : index
      %swap3A_85 = vector.load %arg9[%swap3A_83, %swap3A_84] : memref<256x128xf32, #tpu.memory_space<vmem>>, vector<256x128xf32>
      tpu.vector_store %arg9[%swap3A_83, %swap3A_84], %add3A_82 {strides = array<i32>} : memref<256x128xf32, #tpu.memory_space<vmem>>, vector<256x128xf32>,
    } else {
    }
    return
  }
  func.func @transform_0(%arg0: i32) -> (i32, i32, i32) {
    %c0_i32 = arith.constant 0 : i32
    %c0_i32_0 = arith.constant 0 : i32
    %c0_i32_1 = arith.constant 0 : i32
    return %c0_i32, %arg0, %c0_i32_0 : i32, i32, i32
  }
  func.func @transform_1(%arg0: i32) -> (i32, i32, i32) {
    %c0_i32 = arith.constant 0 : i32
    %c0_i32_0 = arith.constant 0 : i32
    %c0_i32_1 = arith.constant 0 : i32
    return %c0_i32, %arg0, %c0_i32_0 : i32, i32, i32
  }
  func.func @transform_2(%arg0: i32) -> (i32, i32, i32) {
    %c0_i32 = arith.constant 0 : i32
    %c0_i32_0 = arith.constant 0 : i32
    %c0_i32_1 = arith.constant 0 : i32
    return %arg0, %c0_i32, %c0_i32_0 : i32, i32, i32
  }
  func.func @transform_3(%arg0: i32) -> (i32, i32) {
    %c0_i32 = arith.constant 0 : i32
    %c0_i32_0 = arith.constant 0 : i32
    %c0_i32_1 = arith.constant 0 : i32
    return %c0_i32, %c0_i32_0 : i32, i32
  }
  func.func @transform_4(%arg0: i32) -> (i32, i32) {
    %c0_i32 = arith.constant 0 : i32
    %c0_i32_0 = arith.constant 0 : i32
    %c0_i32_1 = arith.constant 0 : i32
    return %c0_i32, %c0_i32_0 : i32, i32
  }
  func.func @transform_5(%arg0: i32) -> (i32, i32) {
    %c0_i32 = arith.constant 0 : i32
    %c0_i32_0 = arith.constant 0 : i32
    %c0_i32_1 = arith.constant 0 : i32
    return %c0_i32, %c0_i32_0 : i32, i32
  }
  func.func @transform_6(%arg0: i32) -> (i32, i32) {
    %c0_i32 = arith.constant 0 : i32
    %c0_i32_0 = arith.constant 0 : i32
    %c0_i32_1 = arith.constant 0 : i32
    return %c0_i32, %c0_i32_0 : i32, i32
  }
  func.func @transform_7(%arg0: i32) -> (i32, i32) {
    %c0_i32 = arith.constant 0 : i32
    %c0_i32_0 = arith.constant 0 : i32
    %c0_i32_1 = arith.constant 0 : i32
    return %c0_i32, %c0_i32_0 : i32, i32
  }
  func.func @transform_8(%arg0: i32) -> (i32, i32) {
    %c0_i32 = arith.constant 0 : i32
    %c0_i32_0 = arith.constant 0 : i32
    %c0_i32_1 = arith.constant 0 : i32
    return %c0_i32, %c0_i32_0 : i32, i32
  }
}

module attributes {stable_mosaic.version = 14 : i64} {
  func.func @_head_body(%arg0: memref<256x256xf32, #tpu.memory_space<vmem>>, %arg1: memref<256x128xf32, #tpu.memory_space<vmem>>, %arg2: memref<128x256xf32, #tpu.memory_space<vmem>>, %arg3: memref<1x256xf32, #tpu.memory_space<vmem>>, %arg4: memref<1x256xf32, #tpu.memory_space<vmem>>, %arg5: memref<1x1xf32, #tpu.memory_space<vmem>>, %arg6: memref<256x128xf32, #tpu.memory_space<vmem>>, %arg7: memref<256x1xf32, #tpu.memory_space<vmem>>, %arg8: memref<1x1xf32, #tpu.memory_space<vmem>>) attributes {dimension_semantics = [], scalar_prefetch = 0 : i64, scratch_operands = 0 : i64, tpu.core_type = #tpu.core_type<tc>} {
    %get3A = arith.constant 0 : index
    %get3A_0 = arith.constant 0 : index
    %get3A_1 = vector.load %arg0[%get3A, %get3A_0] : memref<256x256xf32, #tpu.memory_space<vmem>>, vector<256x128xf32>
    %get3A_2 = arith.constant 0 : index
    %get3A_3 = arith.constant 128 : index
    %get3A_4 = vector.load %arg0[%get3A_2, %get3A_3] : memref<256x256xf32, #tpu.memory_space<vmem>>, vector<256x128xf32>
    %sub3A = arith.subf %get3A_4, %get3A_1 : vector<256x128xf32>
    %swap3A = arith.constant 0 : index
    %swap3A_5 = arith.constant 0 : index
    %swap3A_6 = vector.load %arg6[%swap3A, %swap3A_5] : memref<256x128xf32, #tpu.memory_space<vmem>>, vector<256x128xf32>
    tpu.vector_store %arg6[%swap3A, %swap3A_5], %sub3A {strides = array<i32>} : memref<256x128xf32, #tpu.memory_space<vmem>>, vector<256x128xf32>,
    %get3A_7 = arith.constant 0 : index
    %get3A_8 = arith.constant 0 : index
    %get3A_9 = vector.load %arg2[%get3A_7, %get3A_8] : memref<128x256xf32, #tpu.memory_space<vmem>>, vector<128x256xf32>
    %dot_general3A = arith.constant dense<0.000000e+00> : vector<256x256xf32>
    %dot_general3A_10 = tpu.matmul %get3A_1, %get3A_9, %dot_general3A {dimension_numbers = #tpu.dot_dimension_numbers<[1], [0], [0], [1], [0, 0, 1, 1], [], []>, precision = #tpu.contract_precision<fp32>, transpose_lhs_hint = false} : vector<256x128xf32>, vector<128x256xf32>, vector<256x256xf32> -> vector<256x256xf32>
    %get3A_11 = arith.constant 0 : index
    %get3A_12 = arith.constant 0 : index
    %get3A_13 = vector.load %arg3[%get3A_11, %get3A_12] : memref<1x256xf32, #tpu.memory_space<vmem>>, vector<1x256xf32>
    %add3A = vector.broadcast %get3A_13 : vector<1x256xf32> to vector<256x256xf32>
    %add3A_14 = arith.addf %dot_general3A_10, %add3A : vector<256x256xf32>
    %max3A = arith.constant 0.000000e+00 : f32
    %max3A_15 = vector.broadcast %max3A : f32 to vector<256x256xf32>
    %max3A_16 = arith.maximumf %add3A_14, %max3A_15 : vector<256x256xf32>
    %get3A_17 = arith.constant 0 : index
    %get3A_18 = arith.constant 0 : index
    %get3A_19 = vector.load %arg4[%get3A_17, %get3A_18] : memref<1x256xf32, #tpu.memory_space<vmem>>, vector<1x256xf32>
    %mul3A = vector.broadcast %get3A_19 : vector<1x256xf32> to vector<256x256xf32>
    %mul3A_20 = arith.mulf %max3A_16, %mul3A : vector<256x256xf32>
    %reduce_sum3A = arith.constant dense<0.000000e+00> : vector<256xf32>
    %reduce_sum3A_21 = vector.multi_reduction <add>, %mul3A_20, %reduce_sum3A [1] : vector<256x256xf32> to vector<256xf32>
    %broadcast_in_dim3A = vector.shape_cast %reduce_sum3A_21 : vector<256xf32> to vector<256x1xf32>
    %get3A_22 = arith.constant 0 : index
    %get3A_23 = arith.constant 0 : index
    %get3A_24 = vector.load %arg5[%get3A_22, %get3A_23] : memref<1x1xf32, #tpu.memory_space<vmem>>, vector<1x1xf32>
    %get3A_25 = vector.extract %get3A_24[0, 0] : f32 from vector<1x1xf32>
    %add3A_26 = vector.broadcast %get3A_25 : f32 to vector<256x1xf32>
    %add3A_27 = arith.addf %broadcast_in_dim3A, %add3A_26 : vector<256x1xf32>
    %swap3A_28 = arith.constant 0 : index
    %swap3A_29 = arith.constant 0 : index
    %swap3A_30 = vector.load %arg7[%swap3A_28, %swap3A_29] : memref<256x1xf32, #tpu.memory_space<vmem>>, vector<256x1xf32>
    tpu.vector_store %arg7[%swap3A_28, %swap3A_29], %add3A_27 {strides = array<i32>} : memref<256x1xf32, #tpu.memory_space<vmem>>, vector<256x1xf32>,
    %get3A_31 = arith.constant 0 : index
    %get3A_32 = arith.constant 0 : index
    %get3A_33 = vector.load %arg1[%get3A_31, %get3A_32] : memref<256x128xf32, #tpu.memory_space<vmem>>, vector<256x1xf32>
    %get3A_34 = arith.constant 0 : index
    %get3A_35 = arith.constant 1 : index
    %get3A_36 = vector.load %arg1[%get3A_34, %get3A_35] : memref<256x128xf32, #tpu.memory_space<vmem>>, vector<256x1xf32>
    %get3A_37 = arith.constant 0 : index
    %get3A_38 = arith.constant 2 : index
    %get3A_39 = vector.load %arg1[%get3A_37, %get3A_38] : memref<256x128xf32, #tpu.memory_space<vmem>>, vector<256x1xf32>
    %add3A_40 = arith.constant 9.99999993E-9 : f32
    %add3A_41 = vector.broadcast %add3A_40 : f32 to vector<256x1xf32>
    %add3A_42 = arith.addf %get3A_33, %add3A_41 : vector<256x1xf32>
    %add3A_43 = arith.constant 2.000000e-08 : f32
    %add3A_44 = vector.broadcast %add3A_43 : f32 to vector<256x1xf32>
    %add3A_45 = arith.addf %get3A_39, %add3A_44 : vector<256x1xf32>
    %div3A = arith.divf %add3A_42, %add3A_45 : vector<256x1xf32>
    %sub3A_46 = arith.constant 4.000000e-01 : f32
    %sub3A_47 = vector.broadcast %sub3A_46 : f32 to vector<256x1xf32>
    %sub3A_48 = arith.subf %div3A, %sub3A_47 : vector<256x1xf32>
    %abs3A = math.absf %sub3A_48 : vector<256x1xf32>
    %div3A_49 = arith.divf %get3A_36, %get3A_39 : vector<256x1xf32>
    %sub3A_50 = arith.constant 4.000000e-01 : f32
    %sub3A_51 = vector.broadcast %sub3A_50 : f32 to vector<256x1xf32>
    %sub3A_52 = arith.subf %div3A_49, %sub3A_51 : vector<256x1xf32>
    %reduce_sum3A_53 = vector.shape_cast %abs3A : vector<256x1xf32> to vector<1x256x1xf32>
    %reduce_sum3A_54 = arith.constant dense<0.000000e+00> : vector<1xf32>
    %reduce_sum3A_55 = vector.multi_reduction <add>, %reduce_sum3A_53, %reduce_sum3A_54 [1, 2] : vector<1x256x1xf32> to vector<1xf32>
    %reduce_sum3A_56 = vector.shape_cast %reduce_sum3A_55 : vector<1xf32> to vector<1x1x1xf32>
    %reduce_sum3A_57 = vector.extract %reduce_sum3A_56[0, 0, 0] : f32 from vector<1x1x1xf32>
    %div3A_58 = arith.constant 2.560000e+02 : f32
    %div3A_59 = arith.divf %reduce_sum3A_57, %div3A_58 : f32
    %reduce_sum3A_60 = vector.shape_cast %sub3A_52 : vector<256x1xf32> to vector<1x256x1xf32>
    %reduce_sum3A_61 = arith.constant dense<0.000000e+00> : vector<1xf32>
    %reduce_sum3A_62 = vector.multi_reduction <add>, %reduce_sum3A_60, %reduce_sum3A_61 [1, 2] : vector<1x256x1xf32> to vector<1xf32>
    %reduce_sum3A_63 = vector.shape_cast %reduce_sum3A_62 : vector<1xf32> to vector<1x1x1xf32>
    %reduce_sum3A_64 = vector.extract %reduce_sum3A_63[0, 0, 0] : f32 from vector<1x1x1xf32>
    %div3A_65 = arith.constant 2.560000e+02 : f32
    %div3A_66 = arith.divf %reduce_sum3A_64, %div3A_65 : f32
    %add3A_67 = arith.addf %div3A_59, %div3A_66 : f32
    %reshape3A = vector.broadcast %add3A_67 : f32 to vector<1x1xf32>
    %swap3A_68 = arith.constant 0 : index
    %swap3A_69 = arith.constant 0 : index
    %swap3A_70 = vector.load %arg8[%swap3A_68, %swap3A_69] : memref<1x1xf32, #tpu.memory_space<vmem>>, vector<1x1xf32>
    tpu.vector_store %arg8[%swap3A_68, %swap3A_69], %reshape3A {strides = array<i32>} : memref<1x1xf32, #tpu.memory_space<vmem>>, vector<1x1xf32>,
    return
  }
}

module attributes {stable_mosaic.version = 14 : i64} {
  func.func @_rep_body(%arg0: i32, %arg1: memref<8x128xf32, #tpu.memory_space<vmem>>, %arg2: memref<256x128xf32, #tpu.memory_space<vmem>>, %arg3: memref<128x256xf32, #tpu.memory_space<vmem>>, %arg4: memref<1x256xf32, #tpu.memory_space<vmem>>, %arg5: memref<1x256xf32, #tpu.memory_space<vmem>>, %arg6: memref<1x1xf32, #tpu.memory_space<vmem>>, %arg7: memref<2048x1xf32, #tpu.memory_space<vmem>>) attributes {dimension_semantics = [#tpu.dimension_semantics<arbitrary>], iteration_bounds = array<i64: 32>, scalar_prefetch = 0 : i64, scratch_operands = 0 : i64, tpu.core_type = #tpu.core_type<tc>, window_params = [{transform_indices = @transform_0, window_bounds = array<i64: 8, 128>}, {pipeline_mode = #tpu.pipeline_mode<synchronous>, transform_indices = @transform_1, window_bounds = array<i64: 256, 128>}, {pipeline_mode = #tpu.pipeline_mode<synchronous>, transform_indices = @transform_2, window_bounds = array<i64: 128, 256>}, {pipeline_mode = #tpu.pipeline_mode<synchronous>, transform_indices = @transform_3, window_bounds = array<i64: 1, 256>}, {pipeline_mode = #tpu.pipeline_mode<synchronous>, transform_indices = @transform_4, window_bounds = array<i64: 1, 256>}, {pipeline_mode = #tpu.pipeline_mode<synchronous>, transform_indices = @transform_5, window_bounds = array<i64: 1, 1>}, {transform_indices = @transform_6, window_bounds = array<i64: 2048, 1>}]} {
    %get3A = arith.constant 0 : index
    %get3A_0 = arith.constant 0 : index
    %get3A_1 = vector.load %arg1[%get3A, %get3A_0] : memref<8x128xf32, #tpu.memory_space<vmem>>, vector<8x128xf32>
    %get3A_2 = arith.constant 0 : index
    %get3A_3 = arith.constant 0 : index
    %get3A_4 = vector.load %arg2[%get3A_2, %get3A_3] : memref<256x128xf32, #tpu.memory_space<vmem>>, vector<256x128xf32>
    %broadcast_in_dim3A = vector.shape_cast %get3A_1 : vector<8x128xf32> to vector<8x1x128xf32>
    %broadcast_in_dim3A_5 = vector.shape_cast %get3A_4 : vector<256x128xf32> to vector<1x256x128xf32>
    %add3A = vector.broadcast %broadcast_in_dim3A : vector<8x1x128xf32> to vector<8x256x128xf32>
    %add3A_6 = vector.broadcast %broadcast_in_dim3A_5 : vector<1x256x128xf32> to vector<8x256x128xf32>
    %add3A_7 = arith.addf %add3A, %add3A_6 : vector<8x256x128xf32>
    %reshape3A = vector.shape_cast %add3A_7 : vector<8x256x128xf32> to vector<2048x128xf32>
    %get3A_8 = arith.constant 0 : index
    %get3A_9 = arith.constant 0 : index
    %get3A_10 = vector.load %arg3[%get3A_8, %get3A_9] : memref<128x256xf32, #tpu.memory_space<vmem>>, vector<128x256xf32>
    %dot_general3A = arith.constant dense<0.000000e+00> : vector<2048x256xf32>
    %dot_general3A_11 = tpu.matmul %reshape3A, %get3A_10, %dot_general3A {dimension_numbers = #tpu.dot_dimension_numbers<[1], [0], [0], [1], [0, 0, 1, 1], [], []>, precision = #tpu.contract_precision<fp32>, transpose_lhs_hint = false} : vector<2048x128xf32>, vector<128x256xf32>, vector<2048x256xf32> -> vector<2048x256xf32>
    %get3A_12 = arith.constant 0 : index
    %get3A_13 = arith.constant 0 : index
    %get3A_14 = vector.load %arg4[%get3A_12, %get3A_13] : memref<1x256xf32, #tpu.memory_space<vmem>>, vector<1x256xf32>
    %add3A_15 = vector.broadcast %get3A_14 : vector<1x256xf32> to vector<2048x256xf32>
    %add3A_16 = arith.addf %dot_general3A_11, %add3A_15 : vector<2048x256xf32>
    %max3A = arith.constant 0.000000e+00 : f32
    %max3A_17 = vector.broadcast %max3A : f32 to vector<2048x256xf32>
    %max3A_18 = arith.maximumf %add3A_16, %max3A_17 : vector<2048x256xf32>
    %get3A_19 = arith.constant 0 : index
    %get3A_20 = arith.constant 0 : index
    %get3A_21 = vector.load %arg5[%get3A_19, %get3A_20] : memref<1x256xf32, #tpu.memory_space<vmem>>, vector<1x256xf32>
    %mul3A = vector.broadcast %get3A_21 : vector<1x256xf32> to vector<2048x256xf32>
    %mul3A_22 = arith.mulf %max3A_18, %mul3A : vector<2048x256xf32>
    %reduce_sum3A = arith.constant dense<0.000000e+00> : vector<2048xf32>
    %reduce_sum3A_23 = vector.multi_reduction <add>, %mul3A_22, %reduce_sum3A [1] : vector<2048x256xf32> to vector<2048xf32>
    %broadcast_in_dim3A_24 = vector.shape_cast %reduce_sum3A_23 : vector<2048xf32> to vector<2048x1xf32>
    %get3A_25 = arith.constant 0 : index
    %get3A_26 = arith.constant 0 : index
    %get3A_27 = vector.load %arg6[%get3A_25, %get3A_26] : memref<1x1xf32, #tpu.memory_space<vmem>>, vector<1x1xf32>
    %get3A_28 = vector.extract %get3A_27[0, 0] : f32 from vector<1x1xf32>
    %add3A_29 = vector.broadcast %get3A_28 : f32 to vector<2048x1xf32>
    %add3A_30 = arith.addf %broadcast_in_dim3A_24, %add3A_29 : vector<2048x1xf32>
    %swap3A = arith.constant 0 : index
    %swap3A_31 = arith.constant 0 : index
    %swap3A_32 = vector.load %arg7[%swap3A, %swap3A_31] : memref<2048x1xf32, #tpu.memory_space<vmem>>, vector<2048x1xf32>
    tpu.vector_store %arg7[%swap3A, %swap3A_31], %add3A_30 {strides = array<i32>} : memref<2048x1xf32, #tpu.memory_space<vmem>>, vector<2048x1xf32>,
    return
  }
  func.func @transform_0(%arg0: i32) -> (i32, i32) {
    %c0_i32 = arith.constant 0 : i32
    %c0_i32_0 = arith.constant 0 : i32
    return %arg0, %c0_i32 : i32, i32
  }
  func.func @transform_1(%arg0: i32) -> (i32, i32) {
    %c0_i32 = arith.constant 0 : i32
    %c0_i32_0 = arith.constant 0 : i32
    %c0_i32_1 = arith.constant 0 : i32
    return %c0_i32, %c0_i32_0 : i32, i32
  }
  func.func @transform_2(%arg0: i32) -> (i32, i32) {
    %c0_i32 = arith.constant 0 : i32
    %c0_i32_0 = arith.constant 0 : i32
    %c0_i32_1 = arith.constant 0 : i32
    return %c0_i32, %c0_i32_0 : i32, i32
  }
  func.func @transform_3(%arg0: i32) -> (i32, i32) {
    %c0_i32 = arith.constant 0 : i32
    %c0_i32_0 = arith.constant 0 : i32
    %c0_i32_1 = arith.constant 0 : i32
    return %c0_i32, %c0_i32_0 : i32, i32
  }
  func.func @transform_4(%arg0: i32) -> (i32, i32) {
    %c0_i32 = arith.constant 0 : i32
    %c0_i32_0 = arith.constant 0 : i32
    %c0_i32_1 = arith.constant 0 : i32
    return %c0_i32, %c0_i32_0 : i32, i32
  }
  func.func @transform_5(%arg0: i32) -> (i32, i32) {
    %c0_i32 = arith.constant 0 : i32
    %c0_i32_0 = arith.constant 0 : i32
    %c0_i32_1 = arith.constant 0 : i32
    return %c0_i32, %c0_i32_0 : i32, i32
  }
  func.func @transform_6(%arg0: i32) -> (i32, i32) {
    %c0_i32 = arith.constant 0 : i32
    %c0_i32_0 = arith.constant 0 : i32
    return %arg0, %c0_i32 : i32, i32
  }
}

</mosaic_0001>

<sc_bundles>
// kernel: kernel.18.cloned.1.call-start
scs
__scs_entry_jumppad:
0x0: {  	(pc) =	sbr.rel $0x88, $3  }
0x1: {  	(tag) =	ssettag $0x0;
	lr =	simm.s32 $0x1  }
0x2: {  	[smem:$0x3F8E] =	sst lr;
	_ =	strace $0xD0000000  }
0x3: {  	_ = 	snop  }
0x4: {  	_ = 	snop  }
0x5: {  	_ = 	snop  }
0x6: {  	_ = 	snop  }
0x7: {  	_ = 	snop  }
__scs_overlays_trampoline_lowered:
0x8: {  	[smem:$0x3F9D] =	sst s0  }
0x9: {  	[smem:$0x3F9E] =	sst s1  }
0xa: {  	[smem:$0x3F9F] =	sst s2  }
0xb: {  	[smem:$0x3FA0] =	sst s3  }
0xc: {  	[smem:$0x3FA1] =	sst s4  }
0xd: {  	[smem:$0x3FA2] =	sst s5  }
0xe: {  	[smem:$0x3FA3] =	sst s6  }
0xf: {  	[smem:$0x3FA4] =	sst s7  }
0x10: {  	[smem:$0x3FA5] =	sst s8  }
0x11: {  	[smem:$0x3FA6] =	sst s9;
	s0 =	simm.s32 @!p0 $0x0  }
0x12: {  	s1 =	sld [smem:$0x3F8C];
	s0 =	simm.s32 @p0 $0x1  }
0x13: {  	[smem:$0x3FA7] =	sst s0;
	s0 =	simm.s32 @!p1 $0x0  }
0x14: {  	s2 =	sld [smem:$0x3F8B];
	s0 =	simm.s32 @p1 $0x1  }
0x15: {  	[smem:$0x3FA8] =	sst s0;
	s0 =	simm.s32 @!p2 $0x0  }
0x16: {  	s3 =	sld [smem:$0x3FDB];
	s0 =	simm.s32 @p2 $0x1  }
0x17: {  	s4 =	simm.s32 $0x1BF5;
	[smem:$0x3FAA] =	sst s0  }
0x18: {  	s0 =	sld [smem:$0x3F8D];
	_ =	swait.ge [sflag:s4], $0x0  }
0x19: {  	s7 =	sld [smem:$0x3F8E]  }
0x1a: {  	s8 =	sadd.s32 $0xFFFFE003, lr  }
0x1b: {  	s9 =	sadd.s32 $0xFFFFFEF7, lr;
	s5 =	simm.s32 $0xFFFFFFFF;
	p2 =	slt.u32 s8, $0xFFFFF086  }
0x1c: {  	p1 =	slt.u32 s9, $0xF7A;
	s5 =	simm.s32 @!p2 $0x0  }
0x1d: {  	s5 =	simm.s32 @p1 $0x1;
	p0 =	seq.s32 s7, s2  }
0x1e: {  	s7 =	smul.u32 @!p0 $0xF7A, s2;
	p2 =	seq.s32 @!p0 s5, $0x0  }
0x1f: {  	s9 =	smul.u32 $0xF7A, s1;
	s8 =	simm.s32 @!p0 $0x1BF5;
	p2 =	por !p2, p0  }
0x20: {  	[sflag:s8] =	ssyncset.s32 @!p0 $0xFFFFF086;
	s6 =	sadd.s32 @!p0 s3, s7;
	s7 =	simm.s32 @!p0 $0x108  }
0x21: {  	s3 =	sadd.s32 s3, s9;
	s6 =	sadd.s32 @!p0 $0x88, s6;
	s7 =	simm.s32 @p2 $0x1082  }
0x22: {  	[simem:s7], [sflag:s8] =	dma.local @!p0 [hbm:s6], $0xF7A  }
0x23: {  	s9 =	sor.u32 $0xD0000000, s2;
	s6 =	simm.s32 $0x108;
	_ =	swait.ge @!p0 [sflag:s8], $0x0  }
0x24: {  	s3 =	sadd.s32 $0x88, s3;
	s6 =	simm.s32 @!p1 $0x1082;
	[sflag:s4] =	ssyncset.s32 $0xFFFFF086  }
0x25: {  	[simem:s6], [sflag:s4] =	dma.local [hbm:s3], $0xF7A  }
0x26: {  	[smem:$0x3F8E] =	sst s1;
	(tag) =	ssettag s2;
	_ =	strace s9  }
0x27: {  	s1 =	sld [smem:$0x3F9E]  }
0x28: {  	s2 =	sld [smem:$0x3F9F]  }
0x29: {  	s4 =	sld [smem:$0x3FA1]  }
0x2a: {  	p0 =	seq.s32 s5, $0x0;
	s5 =	sld [smem:$0x3FA2]  }
0x2b: {  	s6 =	sld [smem:$0x3FA3]  }
0x2c: {  	s7 =	sld [smem:$0x3FA4]  }
0x2d: {  	s3 =	simm.s32 $0x108;
	s8 =	sld [smem:$0x3FA5]  }
0x2e: {  	s3 =	simm.s32 @!p0 $0x1082;
	s9 =	sld [smem:$0x3FA6]  }
0x2f: {  	lr =	sadd.s32 s0, s3;
	s0 =	sld [smem:$0x3F9D]  }
0x30: {  	s3 =	sld [smem:$0x3FA0]  }
0x31: {  	[smem:$0x3FA9] =	sst s10  }
0x32: {  	s10 =	sld [smem:$0x3FA7];
	_ =	sdelay $0x3  }
0x33: {  	p0 =	seq.s32 s10, $0x1;
	s10 =	sld [smem:$0x3FA9];
	_ =	sdelay $0x3  }
0x34: {  	[smem:$0x3FA9] =	sst s10  }
0x35: {  	s10 =	sld [smem:$0x3FA8];
	_ =	sdelay $0x3  }
0x36: {  	p1 =	seq.s32 s10, $0x1;
	s10 =	sld [smem:$0x3FA9];
	_ =	sdelay $0x3  }
0x37: {  	[smem:$0x3FA9] =	sst s10  }
0x38: {  	s10 =	sld [smem:$0x3FAA]  }
0x39: {  	_ = 	snop;
	(pc) =	sbr.ind lr, $3  }
0x3a: {  	_ = 	snop  }
0x3b: {  	_ = 	snop  }
0x3c: {  	p2 =	seq.s32 s10, $0x1;
	s10 =	sld [smem:$0x3FA9]  }
0x3d: {  	_ =	shalt  }
0x3e: {  	_ =	shalt  }
0x3f: {  	_ =	shalt  }
0x40: {  	_ =	shalt  }
0x41: {  	_ =	shalt  }
0x42: {  	_ =	shalt  }
0x43: {  	_ =	shalt  }
0x44: {  	_ =	shalt  }
0x45: {  	_ =	shalt  }
0x46: {  	_ =	shalt  }
0x47: {  	_ =	shalt  }
0x48: {  	_ =	shalt  }
0x49: {  	_ =	shalt  }
0x4a: {  	_ =	shalt  }
0x4b: {  	_ =	shalt  }
0x4c: {  	_ =	shalt  }
0x4d: {  	_ =	shalt  }
0x4e: {  	_ =	shalt  }
0x4f: {  	_ =	shalt  }
0x50: {  	_ =	shalt  }
0x51: {  	_ =	shalt  }
0x52: {  	_ =	shalt  }
0x53: {  	_ =	shalt  }
0x54: {  	_ =	shalt  }
0x55: {  	_ =	shalt  }
0x56: {  	_ =	shalt  }
0x57: {  	_ =	shalt  }
0x58: {  	_ =	shalt  }
0x59: {  	_ =	shalt  }
0x5a: {  	_ =	shalt  }
0x5b: {  	_ =	shalt  }
0x5c: {  	_ =	shalt  }
0x5d: {  	_ =	shalt  }
0x5e: {  	_ =	shalt  }
0x5f: {  	_ =	shalt  }
0x60: {  	_ =	shalt  }
0x61: {  	_ =	shalt  }
0x62: {  	_ =	shalt  }
0x63: {  	_ =	shalt  }
0x64: {  	_ =	shalt  }
0x65: {  	_ =	shalt  }
0x66: {  	_ =	shalt  }
0x67: {  	_ =	shalt  }
0x68: {  	_ =	shalt  }
0x69: {  	_ =	shalt  }
0x6a: {  	_ =	shalt  }
0x6b: {  	_ =	shalt  }
0x6c: {  	_ =	shalt  }
0x6d: {  	_ =	shalt  }
0x6e: {  	_ =	shalt  }
0x6f: {  	_ =	shalt  }
0x70: {  	_ =	shalt  }
0x71: {  	_ =	shalt  }
0x72: {  	_ =	shalt  }
0x73: {  	_ =	shalt  }
0x74: {  	_ =	shalt  }
0x75: {  	_ =	shalt  }
0x76: {  	_ =	shalt  }
0x77: {  	_ =	shalt  }
0x78: {  	_ =	shalt  }
0x79: {  	_ =	shalt  }
0x7a: {  	_ =	shalt  }
0x7b: {  	_ =	shalt  }
0x7c: {  	_ =	shalt  }
0x7d: {  	_ =	shalt  }
0x7e: {  	_ =	shalt  }
0x7f: {  	_ =	shalt  }
0x80: {  	_ =	shalt  }
0x81: {  	_ =	shalt  }
0x82: {  	_ =	shalt  }
0x83: {  	_ =	shalt  }
0x84: {  	_ =	shalt  }
0x85: {  	_ =	shalt  }
0x86: {  	_ =	shalt  }
0x87: {  	_ =	shalt  }
.Lfunc_end0:
.L_simem_size_0:
called_computation_lowered:
.L_overlay_start_0:
0x88: {  	s2 =	sld [smem:$0x3FD9]  }
0x89: {  	s3 =	sld [smem:$0x3FFE];
	_ =	sdelay $0x1  }
0x8a: {  	s1 =	srdreg.scid  }
0x8b: {  	s0 =	sand.u32 $0x1, s1  }
0x8c: {  	s16 =	sshll.u32 s0, $0xA;
	s2 =	sadd.s32 s3, s2  }
0x8d: {  	s2 =	sadd.s32 s2, s16  }
0x8e: {  	[smem:$0x3FB5] =	sst s2  }
0x8f: {  	_ = 	snop  }
0x90: {  	(tm) =	ssettm $0x1  }
0x91: {  	s17 =	sld [smem:$0x3FFB];
	_ =	sdelay $0x3  }
0x92: {  	_ =	strace s17  }
0x93: {  	s2 =	sld [smem:$0x3FFC];
	_ =	sdelay $0x3  }
0x94: {  	_ =	strace s2  }
0x95: {  	s2 =	sld [smem:$0x3FFD];
	_ =	sdelay $0x3  }
0x96: {  	_ =	strace s2  }
0x97: {  	_ =	strace $0x8FFFFFFF  }
0x98: {  	s18 =	sld [smem:$0x3FDB];
	_ =	sdelay $0x1  }
0x99: {  	s19 =	simm.s32 $_scs_section_size  }
0x9a: {  	s4 =	simm.s32 $_size__tile_overlayer_lowered;
	s5 =	simm.s32 $_tile_overlayer_lowered  }
0x9b: {  	s22 =	simm.s32 $0x1BFF;
	s21 =	sshll.u32 s5, $0x1;
	s2 =	sadd.s32 s19, s18  }
0x9c: {  	s6 =	simm.s32 $0x0;
	s20 =	sshll.u32 s4, $0x1;
	s4 =	sadd.s32 s21, s2  }
0x9d: {  	[timem:s6], [sflag:s22] =	dma.local [hbm:s4], s20  }
0x9e: {  	_ =	swait.ge [sflag:s22], s20  }
0x9f: {  	s3 =	ssub.s32 $0x0, s20;
	[sflag:s22] =	ssyncset.done $0x0  }
0xa0: {  	[sflag:s22] =	ssyncadd.s32 s3;
	_ =	sdelay $0x1  }
0xa1: {  	s23 =	simm.s32 $0x1B8B  }
0xa2: {  	_ =	swait.ge [sflag:s23], $0x1  }
0xa3: {  	[sflag:s23] =	ssyncset.done $0x0  }
0xa4: {  	s25 =	simm.s32 $0x1B8E;
	s24 =	sld [smem:$0x3FFE];
	[sflag:s23] =	ssyncadd.s32 $0xFFFFFFFF  }
0xa5: {  	s26 =	simm.s32 $execute0_lowered;
	[smem:$0x3FD2] =	sst s25  }
0xa6: {  	s4 =	sshll.u32 s26, $0x1;
	_ =	strace $0x80000046;
	[dreg:$0x1] =	wrdreg $0xFFFFFFFF  }
0xa7: {  	s28 =	simm.s32 $_size_execute0_lowered;
	s2 =	sadd.s32 s2, s4;
	[dreg:$0x0] =	wrdreg $0x0  }
0xa8: {  	s4 =	sshll.u32 s28, $0x1;
	[dreg:$0x2] =	wrdreg s2  }
0xa9: {  	[dreg:$0x3] =	wrdreg s4  }
0xaa: {  	[dreg:$0x4] =	wrdreg $0xC0  }
0xab: {  	_ =	task [dreg:s6], $0x5FFFF  }
0xac: {  	[dreg:$0x1] =	wrdreg $0xFFFFFFFF  }
0xad: {  	[dreg:$0x0] =	wrdreg $0x60  }
0xae: {  	[dreg:$0x2] =	wrdreg s24  }
0xaf: {  	[dreg:$0x3] =	wrdreg $0x15B800  }
0xb0: {  	[dreg:$0x4] =	wrdreg $0x9  }
0xb1: {  	_ =	task.clear_ibuf [dreg:s6], $0x5FFFF;
	_ =	strace $0x90000046  }
0xb2: {  	s29 =	simm.s32 $0x9;
	_ =	strace $0x80000048  }
0xb3: {  	_ =	swait.ge [sflag:s29], $0x1  }
0xb4: {  	[sflag:s29] =	ssyncadd.s32 $0xFFFFFFFF  }
0xb5: {  	_ =	strace $0x90000048  }
0xb6: {  	_ =	sfence  }
0xb7: {  	s30 =	sld [smem:$0x0];
	_ =	sdelay $0x2  }
0xb8: {  	s31 =	sshll.u32 s1, $0xD;
	s1 =	sshrl.u32 s1, $0x2  }
0xb9: {  	s3 =	sand.u32 $0x4000, s31;
	s1 =	sadd.s32 s1, s30  }
0xba: {  	s0 =	sor.u32 s3, s0;
	s1 =	sshll.u32 s1, $0x11  }
0xbb: {  	s0 =	sor.u32 s1, s0  }
0xbc: {  	s0 =	sadd.s32 $0x8F2B, s0  }
0xbd: {  	[sflag:s0] =	ssyncadd.remote.s32 $0x1  }
0xbe: {  	_ =	sfence.sel $0xFFFF  }
0xbf: {  	[dreg:$0x0] =	wrdreg $0xFFFFFFFF;
	(pc) =	sbr.abs _section_cstart, $3  }
0xc0: {  	[dreg:$0x1] =	wrdreg $0xFFFFFFFF  }
0xc1: {  	_ =	task.clear_ibuf [dreg:s6], $0x2FFFF;
	_ =	strace $0x9FFFFFFF  }
0xc2: {  	(tm) =	ssettm $0x7FFFFFFF  }
0xc3: {  	_ =	shalt  }
tec
execute0_lowered:
.L_overlay_start_1:
0x0: {  	(tag) =	ssettag $0x1  }
0x1: {  	s0 =	rddreg [dreg:$0x0]  }
0x2: {  	s1 =	rddreg [dreg:$0x1];
	s2 =	srdreg.scid;
	s4 =	simm.s32 $0x0  }
0x3: {  	s7 =	stileid.u32;
	s14 =	simm.s32 $0xB;
	s15 =	simm.s32 $0x5000  }
0x4: {  	s16 =	simm.s32 $0x13C40;
	s17 =	simm.s32 $0x7D;
	s18 =	simm.s32 $0xA000  }
0x5: {  	s20 =	simm.s32 $0xBF40;
	s28 =	simm.s32 $0xFDC0;
	s21 =	smul.u32 $0x9C40, s7  }
0x6: {  	s29 =	simm.s32 $0x3;
	s31 =	simm.s32 $0x7;
	s6 =	smul.u32 $0xA00, s7  }
0x7: {  	s30 =	simm.s32 $0x9;
	s2 =	sand.u32 $0x1, s2;
	s7 =	smul.u32 $0x27100, s7  }
0x8: {  	s19 =	simm.s32 $0xA;
	[smem:$0x7FF] =	sst s4;
	s3 =	smul.u32 $0x9C400, s2  }
0x9: {  	_ =	strace $0x80000047;
	s2 =	ssub.s32 $0x2, s2;
	s6 =	sadd.s32 s6, s0  }
0xa: {  	s22 =	sshrl.u32 s2, $0x1;
	s7 =	sshrl.u32 s7, $0x2;
	s5 =	sshrl.u32 s3, $0x3  }
0xb: {  	s3 =	sadd.s32 s21, s3;
	s2 =	ssub.s32 s2, s22;
	s23 =	sadd.s32 $0x13000, s6  }
0xc: {  	s24 =	sadd.s32 s7, s1;
	s6 =	sadd.s32 $0x9000, s6;
	s22 =	simm.s32 $0x6  }
0xd: {  	s5 =	sadd.s32 s5, s0;
	s3 =	sshrl.u32 s3, $0x3;
	[dreg:$0x3] =	wrdreg s23  }
0xe: {  	[dreg:$0x4] =	wrdreg s6;
	s6 =	sadd.s32 s21, s1;
	s25 =	sadd.s32 $0x1F40, s24  }
0xf: {  	s26 =	sadd.s32 $0x3E80, s24;
	s9 =	sadd.s32 $0x5DC0, s24;
	s10 =	sadd.s32 $0x7D00, s24  }
.Ltmp0:
0x10: {  	s13 =	smax.u32 s2, $0x1;
	s21 =	simm.s32 $0x1;
	(pc) =	sbr.rel .LBB2_1-.Ltmp0, $4  }
0x11: {  	s23 =	simm.s32 $0xDE80;
	s24 =	simm.s32 $0x2;
	[dreg:$0x5] =	wrdreg s25  }
0x12: {  	s2 =	simm.s32 $0x4;
	s0 =	sadd.s32 s3, s0;
	[dreg:$0x6] =	wrdreg s26  }
0x13: {  	s11 =	sadd.s32 $0x1D000, s5;
	s26 =	simm.s32 $0x5;
	s25 =	simm.s32 $0x8  }
0x14: {  	v0 =	vimm.f32 $0.0e+00;
	s3 =	simm.s32 $0x0;
	s12 =	sadd.s32 $0x44200, s0;
	s0 =	simm.s32 $0x11D00  }
.LBB2_6:
0x15: {  	_ =	swait.ge [sflag:s26], $0x1F40  }
0x16: {  	[sflag:s26] =	ssyncset.done $0x0  }
0x17: {  	[sflag:s26] =	ssyncadd.s32 $0xFFFFE0C0  }
0x18: {  	[spmem:s1] =	stream.indirect.scatter.add.f32 [tilespmem:s0], [sflag:$0xA], $0x40, s7, s17, $0xb8;
	[tilespmem:$0x1F7C0] =	vst v63  }
0x19: {  	_ =	swait.ge [sflag:s31], $0x1F40  }
0x1a: {  	[sflag:s31] =	ssyncset.done $0x0  }
0x1b: {  	[sflag:s31] =	ssyncadd.s32 $0xFFFFE0C0  }
0x1c: {  	_ =	swait.ge [sflag:s25], $0x1F40  }
0x1d: {  	[sflag:s25] =	ssyncset.done $0x0  }
0x1e: {  	[sflag:s25] =	ssyncadd.s32 $0xFFFFE0C0  }
0x1f: {  	_ =	swait.ge [sflag:s30], $0x1F40  }
0x20: {  	[sflag:s30] =	ssyncset.done $0x0  }
0x21: {  	[sflag:s30] =	ssyncadd.s32 $0xFFFFE0C0  }
0x22: {  	s4 =	stileid.u32;
	_ =	swait.ge [sflag:s19], $0x1F40  }
0x23: {  	s5 =	sshrl.u32 s6, $0x3;
	s3 =	sadd.s32 $0x1, s3;
	[sflag:s19] =	ssyncset.done $0x0  }
0x24: {  	s4 =	sshll.u32 s4, $0x6;
	p0 =	sne.s32 s3, s13;
	[sflag:s19] =	ssyncadd.s32 $0xFFFFE0C0  }
.Ltmp1:
0x25: {  	s4 =	sor.u32 $0x1C0B, s4;
	[bflag:$0x0] =	sbarrier.arrive $0xFFFF;
	(pc) =	sbr.rel @!p0 .LBB2_7-.Ltmp1, $4  }
0x26: {  	[hbm:s12], [sflag:s4] =	dma.local [spmem:s5], $0x1388  }
0x27: {  	_ =	swait.ge [sflag:s14], $0x1388  }
0x28: {  	[sflag:s14] =	ssyncset.done $0x0  }
0x29: {  	[sflag:s14] =	ssyncadd.s32 $0xFFFFEC78  }
.LBB2_1:
0x2a: {  	s4 =	simm.s32 $0x0;
	s5 =	rddreg [dreg:$0x3]  }
0x2b: {  	[tilespmem:s4], [sflag:$0xB] =	stream.linear.gather [hbm4b:s5+s4], $0x5000, $0x38;
	[tilespmem:$0x1F7C0] =	vst v63  }
0x2c: {  	_ =	swait.ge [sflag:s14], $0x5000  }
0x2d: {  	[sflag:s14] =	ssyncset.done $0x0  }
0x2e: {  	s8 =	rddreg [dreg:$0x4];
	[sflag:s14] =	ssyncadd.s32 $0xFFFFB000  }
0x2f: {  	[tilespmem:s15], [sflag:$0xB] =	stream.linear.gather [hbm4b:s8+s4], $0x5000, $0x38;
	[tilespmem:$0x1F7C0] =	vst v63  }
0x30: {  	_ =	swait.ge [sflag:s14], $0x5000  }
0x31: {  	[sflag:s14] =	ssyncset.done $0x0  }
0x32: {  	s5 =	simm.s32 $0x100;
	s4 =	simm.s32 $0x0;
	[sflag:s14] =	ssyncadd.s32 $0xFFFFB000  }
.LBB2_2:
0x33: {  	p0 =	sne.s32 s5, $0x7C00;
	[tilespmem:s4+$0x13C70] =	vst v0;
	s7 =	smov.u32 s5;
	s5 =	sadd.s32 $0x100, s5  }
.Ltmp2:
0x34: {  	[tilespmem:s4+$0x13C60] =	vst v0;
	(pc) =	sbr.rel @p0 .LBB2_2-.Ltmp2, $3  }
0x35: {  	[tilespmem:s4+$0x13C40] =	vst v0  }
0x36: {  	[tilespmem:s4+$0x13C50] =	vst v0;
	_ =	sdelay $0x1  }
0x37: {  	s4 =	sshra.s32 s7, $0x2  }
0x38: {  	[tilespmem:s4+$0x13C70] =	vst v0  }
0x39: {  	[tilespmem:s4+$0x13C60] =	vst v0  }
0x3a: {  	[tilespmem:s4+$0x13C40] =	vst v0  }
0x3b: {  	[tilespmem:s4+$0x13C50] =	vst v0  }
0x3c: {  	[spmem:s6] =	stream.linear.scatter [tilespmem:s16], [sflag:$0xB], $0x1F40, $0x38;
	[tilespmem:$0x1F7C0] =	vst v63  }
0x3d: {  	_ =	swait.ge [sflag:s14], $0x1F40  }
0x3e: {  	[sflag:s14] =	ssyncset.done $0x0  }
0x3f: {  	s5 =	rddreg [dreg:$0x5];
	[sflag:s14] =	ssyncadd.s32 $0xFFFFE0C0  }
0x40: {  	[spmem:s5] =	stream.linear.scatter [tilespmem:s16], [sflag:$0xB], $0x1F40, $0x38;
	[tilespmem:$0x1F7C0] =	vst v63  }
0x41: {  	_ =	swait.ge [sflag:s14], $0x1F40  }
0x42: {  	[sflag:s14] =	ssyncset.done $0x0  }
0x43: {  	s7 =	rddreg [dreg:$0x6];
	[sflag:s14] =	ssyncadd.s32 $0xFFFFE0C0  }
0x44: {  	[spmem:s7] =	stream.linear.scatter [tilespmem:s16], [sflag:$0xB], $0x1F40, $0x38;
	[tilespmem:$0x1F7C0] =	vst v63  }
0x45: {  	_ =	swait.ge [sflag:s14], $0x1F40  }
0x46: {  	[sflag:s14] =	ssyncset.done $0x0  }
0x47: {  	[sflag:s14] =	ssyncadd.s32 $0xFFFFE0C0  }
0x48: {  	[spmem:s9] =	stream.linear.scatter [tilespmem:s16], [sflag:$0xB], $0x1F40, $0x38;
	[tilespmem:$0x1F7C0] =	vst v63  }
0x49: {  	_ =	swait.ge [sflag:s14], $0x1F40  }
0x4a: {  	[sflag:s14] =	ssyncset.done $0x0  }
0x4b: {  	[sflag:s14] =	ssyncadd.s32 $0xFFFFE0C0  }
0x4c: {  	[spmem:s10] =	stream.linear.scatter [tilespmem:s16], [sflag:$0xB], $0x1F40, $0x38;
	[tilespmem:$0x1F7C0] =	vst v63  }
0x4d: {  	_ =	swait.ge [sflag:s14], $0x1F40  }
0x4e: {  	[sflag:s14] =	ssyncset.done $0x0  }
0x4f: {  	[sflag:s14] =	ssyncadd.s32 $0xFFFFE0C0  }
0x50: {  	s4 =	simm.s32 $0x0;
	[bflag:$0x0] =	sbarrier.arrive $0xFFFF  }
0x51: {  	[tilespmem:s18], [sflag:$0x1] =	stream.indirect.gather [hbm4b:s11+s17], $0x40, s4, s17, $0xb8;
	[tilespmem:$0x1F7C0] =	vst v63  }
0x52: {  	s5 =	simm.s32 $0x80  }
0x53: {  	[tilespmem:s20], [sflag:$0x2] =	stream.indirect.gather [hbm4b:s11+s17], $0x40, s5, s17, $0xb8;
	[tilespmem:$0x1F7C0] =	vst v63  }
0x54: {  	_ =	swait.ge [sflag:s21], $0x1F40  }
0x55: {  	[sflag:s21] =	ssyncset.done $0x0  }
0x56: {  	[sflag:s21] =	ssyncadd.s32 $0xFFFFE0C0  }
0x57: {  	[spmem:s1] =	stream.indirect.scatter.add.f32 [tilespmem:s18], [sflag:$0x6], $0x40, s15, s17, $0xb8;
	[tilespmem:$0x1F7C0] =	vst v63  }
0x58: {  	s8 =	simm.s32 $0x100  }
0x59: {  	[tilespmem:s23], [sflag:$0x3] =	stream.indirect.gather [hbm4b:s11+s17], $0x40, s8, s17, $0xb8;
	[tilespmem:$0x1F7C0] =	vst v63  }
0x5a: {  	_ =	swait.ge [sflag:s24], $0x1F40  }
0x5b: {  	[sflag:s24] =	ssyncset.done $0x0  }
0x5c: {  	s7 =	simm.s32 $0x5080;
	[sflag:s24] =	ssyncadd.s32 $0xFFFFE0C0  }
0x5d: {  	[spmem:s1] =	stream.indirect.scatter.add.f32 [tilespmem:s20], [sflag:$0x7], $0x40, s7, s17, $0xb8;
	[tilespmem:$0x1F7C0] =	vst v63  }
0x5e: {  	s8 =	simm.s32 $0x180  }
0x5f: {  	[tilespmem:s28], [sflag:$0x4] =	stream.indirect.gather [hbm4b:s11+s17], $0x40, s8, s17, $0xb8;
	[tilespmem:$0x1F7C0] =	vst v63  }
0x60: {  	_ =	swait.ge [sflag:s29], $0x1F40  }
0x61: {  	[sflag:s29] =	ssyncset.done $0x0  }
0x62: {  	s7 =	simm.s32 $0x5100;
	[sflag:s29] =	ssyncadd.s32 $0xFFFFE0C0  }
0x63: {  	[spmem:s1] =	stream.indirect.scatter.add.f32 [tilespmem:s23], [sflag:$0x8], $0x40, s7, s17, $0xb8;
	[tilespmem:$0x1F7C0] =	vst v63  }
0x64: {  	s8 =	simm.s32 $0x200  }
0x65: {  	[tilespmem:s0], [sflag:$0x5] =	stream.indirect.gather [hbm4b:s11+s17], $0x40, s8, s17, $0xb8;
	[tilespmem:$0x1F7C0] =	vst v63  }
0x66: {  	_ =	swait.ge [sflag:s2], $0x1F40  }
0x67: {  	[sflag:s2] =	ssyncset.done $0x0  }
0x68: {  	s7 =	simm.s32 $0x5180;
	[sflag:s2] =	ssyncadd.s32 $0xFFFFE0C0  }
0x69: {  	[spmem:s1] =	stream.indirect.scatter.add.f32 [tilespmem:s28], [sflag:$0x9], $0x40, s7, s17, $0xb8;
	[tilespmem:$0x1F7C0] =	vst v63  }
0x6a: {  	_ =	swait.ge [sflag:s22], $0x1F40  }
0x6b: {  	[sflag:s22] =	ssyncset.done $0x0  }
0x6c: {  	s8 =	simm.s32 $0x280;
	[sflag:s22] =	ssyncadd.s32 $0xFFFFE0C0  }
0x6d: {  	[tilespmem:s18], [sflag:$0x1] =	stream.indirect.gather [hbm4b:s11+s17], $0x40, s8, s17, $0xb8;
	[tilespmem:$0x1F7C0] =	vst v63  }
0x6e: {  	_ =	swait.ge [sflag:s26], $0x1F40  }
0x6f: {  	[sflag:s26] =	ssyncset.done $0x0  }
0x70: {  	s7 =	simm.s32 $0x5200;
	[sflag:s26] =	ssyncadd.s32 $0xFFFFE0C0  }
0x71: {  	[spmem:s1] =	stream.indirect.scatter.add.f32 [tilespmem:s0], [sflag:$0xA], $0x40, s7, s17, $0xb8;
	[tilespmem:$0x1F7C0] =	vst v63  }
0x72: {  	_ =	swait.ge [sflag:s31], $0x1F40  }
0x73: {  	[sflag:s31] =	ssyncset.done $0x0  }
0x74: {  	s8 =	simm.s32 $0x300;
	[sflag:s31] =	ssyncadd.s32 $0xFFFFE0C0  }
0x75: {  	[tilespmem:s20], [sflag:$0x2] =	stream.indirect.gather [hbm4b:s11+s17], $0x40, s8, s17, $0xb8;
	[tilespmem:$0x1F7C0] =	vst v63  }
.LBB2_4:
0x76: {  	_ =	swait.ge [sflag:s21], $0x1F40  }
0x77: {  	s5 =	sshra.s32 s4, $0x2;
	[sflag:s21] =	ssyncset.done $0x0  }
0x78: {  	s7 =	sadd.s32 $0x5280, s5;
	[sflag:s21] =	ssyncadd.s32 $0xFFFFE0C0  }
0x79: {  	[spmem:s1] =	stream.indirect.scatter.add.f32 [tilespmem:s18], [sflag:$0x6], $0x40, s7, s17, $0xb8;
	[tilespmem:$0x1F7C0] =	vst v63  }
0x7a: {  	_ =	swait.ge [sflag:s25], $0x1F40  }
0x7b: {  	[sflag:s25] =	ssyncset.done $0x0  }
0x7c: {  	s8 =	sadd.s32 $0x380, s5;
	[sflag:s25] =	ssyncadd.s32 $0xFFFFE0C0  }
0x7d: {  	[tilespmem:s23], [sflag:$0x3] =	stream.indirect.gather [hbm4b:s11+s17], $0x40, s8, s17, $0xb8;
	[tilespmem:$0x1F7C0] =	vst v63  }
0x7e: {  	_ =	swait.ge [sflag:s24], $0x1F40  }
0x7f: {  	[sflag:s24] =	ssyncset.done $0x0  }
0x80: {  	s8 =	sadd.s32 $0x5300, s5;
	[sflag:s24] =	ssyncadd.s32 $0xFFFFE0C0  }
0x81: {  	[spmem:s1] =	stream.indirect.scatter.add.f32 [tilespmem:s20], [sflag:$0x7], $0x40, s8, s17, $0xb8;
	[tilespmem:$0x1F7C0] =	vst v63  }
0x82: {  	_ =	swait.ge [sflag:s30], $0x1F40  }
0x83: {  	[sflag:s30] =	ssyncset.done $0x0  }
0x84: {  	s8 =	sadd.s32 $0x400, s5;
	[sflag:s30] =	ssyncadd.s32 $0xFFFFE0C0  }
0x85: {  	[tilespmem:s28], [sflag:$0x4] =	stream.indirect.gather [hbm4b:s11+s17], $0x40, s8, s17, $0xb8;
	[tilespmem:$0x1F7C0] =	vst v63  }
0x86: {  	_ =	swait.ge [sflag:s29], $0x1F40  }
0x87: {  	[sflag:s29] =	ssyncset.done $0x0  }
0x88: {  	s8 =	sadd.s32 $0x5380, s5;
	[sflag:s29] =	ssyncadd.s32 $0xFFFFE0C0  }
0x89: {  	[spmem:s1] =	stream.indirect.scatter.add.f32 [tilespmem:s23], [sflag:$0x8], $0x40, s8, s17, $0xb8;
	[tilespmem:$0x1F7C0] =	vst v63  }
0x8a: {  	_ =	swait.ge [sflag:s19], $0x1F40  }
0x8b: {  	[sflag:s19] =	ssyncset.done $0x0  }
0x8c: {  	s8 =	sadd.s32 $0x480, s5;
	[sflag:s19] =	ssyncadd.s32 $0xFFFFE0C0  }
0x8d: {  	[tilespmem:s0], [sflag:$0x5] =	stream.indirect.gather [hbm4b:s11+s17], $0x40, s8, s17, $0xb8;
	[tilespmem:$0x1F7C0] =	vst v63  }
0x8e: {  	_ =	swait.ge [sflag:s2], $0x1F40  }
0x8f: {  	p0 =	seq.s32 s4, $0x12C00;
	[sflag:s2] =	ssyncset.done $0x0  }
.Ltmp3:
0x90: {  	s8 =	sadd.s32 $0x5400, s5;
	[sflag:s2] =	ssyncadd.s32 $0xFFFFE0C0;
	(pc) =	sbr.rel @p0 .LBB2_6-.Ltmp3, $4  }
0x91: {  	[spmem:s1] =	stream.indirect.scatter.add.f32 [tilespmem:s28], [sflag:$0x9], $0x40, s8, s17, $0xb8;
	[tilespmem:$0x1F7C0] =	vst v63  }
0x92: {  	_ =	swait.ge [sflag:s22], $0x1F40  }
0x93: {  	[sflag:s22] =	ssyncset.done $0x0  }
0x94: {  	s7 =	sadd.s32 $0x5480, s5;
	[sflag:s22] =	ssyncadd.s32 $0xFFFFE0C0  }
0x95: {  	s8 =	sadd.s32 $0x500, s5  }
0x96: {  	[tilespmem:s18], [sflag:$0x1] =	stream.indirect.gather [hbm4b:s11+s17], $0x40, s8, s17, $0xb8;
	[tilespmem:$0x1F7C0] =	vst v63  }
0x97: {  	_ =	swait.ge [sflag:s26], $0x1F40  }
0x98: {  	[sflag:s26] =	ssyncset.done $0x0  }
0x99: {  	[sflag:s26] =	ssyncadd.s32 $0xFFFFE0C0  }
0x9a: {  	[spmem:s1] =	stream.indirect.scatter.add.f32 [tilespmem:s0], [sflag:$0xA], $0x40, s7, s17, $0xb8;
	[tilespmem:$0x1F7C0] =	vst v63  }
.Ltmp4:
0x9b: {  	_ = 	snop;
	(pc) =	sbr.rel .LBB2_4-.Ltmp4, $4  }
0x9c: {  	_ =	swait.ge [sflag:s31], $0x1F40  }
0x9d: {  	[sflag:s31] =	ssyncset.done $0x0  }
0x9e: {  	s4 =	sadd.s32 $0xA00, s4;
	s8 =	sadd.s32 $0x580, s5;
	[sflag:s31] =	ssyncadd.s32 $0xFFFFE0C0  }
0x9f: {  	[tilespmem:s20], [sflag:$0x2] =	stream.indirect.gather [hbm4b:s11+s17], $0x40, s8, s17, $0xb8;
	[tilespmem:$0x1F7C0] =	vst v63  }
.LBB2_7:
0xa0: {  	_ =	sfence.sel $0x180000  }
0xa1: {  	[bflag:$0x0] =	sbarrier.arrive $0xFFFF  }
0xa2: {  	_ =	strace $0x90000047  }
0xa3: {  	s0 =	stileid.u32;
	[bflag:$0x2] =	sbarrier.arrive $0xFFFF  }
0xa4: {  	p0 =	sne.s32 s0, $0x0;
	s0 =	rddreg [dreg:$0x2]  }
0xa5: {  	s0 =	sadd.s32 @!p0 $0x100000, s0  }
0xa6: {  	[sflag:s0] =	ssyncadd.tile.s32 @!p0 $0x1;
	_ =	shalt  }
.Lfunc_end2:
_tile_overlayer_lowered:
.L_overlay_start_2:
0xa7: {  	(tag) =	ssettag $0x2  }
0xa8: {  	s0 =	rddreg [dreg:$0x0];
	s2 =	stileid.u32  }
0xa9: {  	s1 =	rddreg [dreg:$0x1];
	p0 =	sne.s32 s2, $0x0  }
0xaa: {  	s3 =	rddreg [dreg:$0x2];
	[bflag:$0x3] =	sbarrier.arrive $0xFFFF;
	s2 =	simm.s32 @!p0 $0x1C0B  }
0xab: {  	[timem:s3], [sflag:s2] =	dma.local @!p0 [hbm:s0], s1  }
0xac: {  	s0 =	simm.s32 @!p0 $0xB  }
0xad: {  	_ =	swait.ge @!p0 [sflag:s0], s1  }
0xae: {  	s1 =	ssub.s32 @!p0 $0x0, s1;
	[sflag:s0] =	ssyncset.done @!p0 $0x0  }
0xaf: {  	[sflag:s0] =	ssyncadd.s32 @!p0 s1  }
0xb0: {  	[bflag:$0x3] =	sbarrier.arrive $0xFFFF  }
0xb1: {  	_ =	shalt  }

// kernel: kernel.21.cloned.1.call-start
scs
__scs_entry_jumppad:
0x0: {  	(pc) =	sbr.rel $0x88, $3  }
0x1: {  	(tag) =	ssettag $0x0;
	lr =	simm.s32 $0x1  }
0x2: {  	[smem:$0x3F8E] =	sst lr;
	_ =	strace $0xD0000000  }
0x3: {  	_ = 	snop  }
0x4: {  	_ = 	snop  }
0x5: {  	_ = 	snop  }
0x6: {  	_ = 	snop  }
0x7: {  	_ = 	snop  }
__scs_overlays_trampoline_lowered:
0x8: {  	[smem:$0x3F9D] =	sst s0  }
0x9: {  	[smem:$0x3F9E] =	sst s1  }
0xa: {  	[smem:$0x3F9F] =	sst s2  }
0xb: {  	[smem:$0x3FA0] =	sst s3  }
0xc: {  	[smem:$0x3FA1] =	sst s4  }
0xd: {  	[smem:$0x3FA2] =	sst s5  }
0xe: {  	[smem:$0x3FA3] =	sst s6  }
0xf: {  	[smem:$0x3FA4] =	sst s7  }
0x10: {  	[smem:$0x3FA5] =	sst s8  }
0x11: {  	[smem:$0x3FA6] =	sst s9;
	s0 =	simm.s32 @!p0 $0x0  }
0x12: {  	s1 =	sld [smem:$0x3F8C];
	s0 =	simm.s32 @p0 $0x1  }
0x13: {  	[smem:$0x3FA7] =	sst s0;
	s0 =	simm.s32 @!p1 $0x0  }
0x14: {  	s2 =	sld [smem:$0x3F8B];
	s0 =	simm.s32 @p1 $0x1  }
0x15: {  	[smem:$0x3FA8] =	sst s0;
	s0 =	simm.s32 @!p2 $0x0  }
0x16: {  	s3 =	sld [smem:$0x3FDB];
	s0 =	simm.s32 @p2 $0x1  }
0x17: {  	s4 =	simm.s32 $0x1BF5;
	[smem:$0x3FAA] =	sst s0  }
0x18: {  	s0 =	sld [smem:$0x3F8D];
	_ =	swait.ge [sflag:s4], $0x0  }
0x19: {  	s7 =	sld [smem:$0x3F8E]  }
0x1a: {  	s8 =	sadd.s32 $0xFFFFE003, lr  }
0x1b: {  	s9 =	sadd.s32 $0xFFFFFEF7, lr;
	s5 =	simm.s32 $0xFFFFFFFF;
	p2 =	slt.u32 s8, $0xFFFFF086  }
0x1c: {  	p1 =	slt.u32 s9, $0xF7A;
	s5 =	simm.s32 @!p2 $0x0  }
0x1d: {  	s5 =	simm.s32 @p1 $0x1;
	p0 =	seq.s32 s7, s2  }
0x1e: {  	s7 =	smul.u32 @!p0 $0xF7A, s2;
	p2 =	seq.s32 @!p0 s5, $0x0  }
0x1f: {  	s9 =	smul.u32 $0xF7A, s1;
	s8 =	simm.s32 @!p0 $0x1BF5;
	p2 =	por !p2, p0  }
0x20: {  	[sflag:s8] =	ssyncset.s32 @!p0 $0xFFFFF086;
	s6 =	sadd.s32 @!p0 s3, s7;
	s7 =	simm.s32 @!p0 $0x108  }
0x21: {  	s3 =	sadd.s32 s3, s9;
	s6 =	sadd.s32 @!p0 $0x88, s6;
	s7 =	simm.s32 @p2 $0x1082  }
0x22: {  	[simem:s7], [sflag:s8] =	dma.local @!p0 [hbm:s6], $0xF7A  }
0x23: {  	s9 =	sor.u32 $0xD0000000, s2;
	s6 =	simm.s32 $0x108;
	_ =	swait.ge @!p0 [sflag:s8], $0x0  }
0x24: {  	s3 =	sadd.s32 $0x88, s3;
	s6 =	simm.s32 @!p1 $0x1082;
	[sflag:s4] =	ssyncset.s32 $0xFFFFF086  }
0x25: {  	[simem:s6], [sflag:s4] =	dma.local [hbm:s3], $0xF7A  }
0x26: {  	[smem:$0x3F8E] =	sst s1;
	(tag) =	ssettag s2;
	_ =	strace s9  }
0x27: {  	s1 =	sld [smem:$0x3F9E]  }
0x28: {  	s2 =	sld [smem:$0x3F9F]  }
0x29: {  	s4 =	sld [smem:$0x3FA1]  }
0x2a: {  	p0 =	seq.s32 s5, $0x0;
	s5 =	sld [smem:$0x3FA2]  }
0x2b: {  	s6 =	sld [smem:$0x3FA3]  }
0x2c: {  	s7 =	sld [smem:$0x3FA4]  }
0x2d: {  	s3 =	simm.s32 $0x108;
	s8 =	sld [smem:$0x3FA5]  }
0x2e: {  	s3 =	simm.s32 @!p0 $0x1082;
	s9 =	sld [smem:$0x3FA6]  }
0x2f: {  	lr =	sadd.s32 s0, s3;
	s0 =	sld [smem:$0x3F9D]  }
0x30: {  	s3 =	sld [smem:$0x3FA0]  }
0x31: {  	[smem:$0x3FA9] =	sst s10  }
0x32: {  	s10 =	sld [smem:$0x3FA7];
	_ =	sdelay $0x3  }
0x33: {  	p0 =	seq.s32 s10, $0x1;
	s10 =	sld [smem:$0x3FA9];
	_ =	sdelay $0x3  }
0x34: {  	[smem:$0x3FA9] =	sst s10  }
0x35: {  	s10 =	sld [smem:$0x3FA8];
	_ =	sdelay $0x3  }
0x36: {  	p1 =	seq.s32 s10, $0x1;
	s10 =	sld [smem:$0x3FA9];
	_ =	sdelay $0x3  }
0x37: {  	[smem:$0x3FA9] =	sst s10  }
0x38: {  	s10 =	sld [smem:$0x3FAA]  }
0x39: {  	_ = 	snop;
	(pc) =	sbr.ind lr, $3  }
0x3a: {  	_ = 	snop  }
0x3b: {  	_ = 	snop  }
0x3c: {  	p2 =	seq.s32 s10, $0x1;
	s10 =	sld [smem:$0x3FA9]  }
0x3d: {  	_ =	shalt  }
0x3e: {  	_ =	shalt  }
0x3f: {  	_ =	shalt  }
0x40: {  	_ =	shalt  }
0x41: {  	_ =	shalt  }
0x42: {  	_ =	shalt  }
0x43: {  	_ =	shalt  }
0x44: {  	_ =	shalt  }
0x45: {  	_ =	shalt  }
0x46: {  	_ =	shalt  }
0x47: {  	_ =	shalt  }
0x48: {  	_ =	shalt  }
0x49: {  	_ =	shalt  }
0x4a: {  	_ =	shalt  }
0x4b: {  	_ =	shalt  }
0x4c: {  	_ =	shalt  }
0x4d: {  	_ =	shalt  }
0x4e: {  	_ =	shalt  }
0x4f: {  	_ =	shalt  }
0x50: {  	_ =	shalt  }
0x51: {  	_ =	shalt  }
0x52: {  	_ =	shalt  }
0x53: {  	_ =	shalt  }
0x54: {  	_ =	shalt  }
0x55: {  	_ =	shalt  }
0x56: {  	_ =	shalt  }
0x57: {  	_ =	shalt  }
0x58: {  	_ =	shalt  }
0x59: {  	_ =	shalt  }
0x5a: {  	_ =	shalt  }
0x5b: {  	_ =	shalt  }
0x5c: {  	_ =	shalt  }
0x5d: {  	_ =	shalt  }
0x5e: {  	_ =	shalt  }
0x5f: {  	_ =	shalt  }
0x60: {  	_ =	shalt  }
0x61: {  	_ =	shalt  }
0x62: {  	_ =	shalt  }
0x63: {  	_ =	shalt  }
0x64: {  	_ =	shalt  }
0x65: {  	_ =	shalt  }
0x66: {  	_ =	shalt  }
0x67: {  	_ =	shalt  }
0x68: {  	_ =	shalt  }
0x69: {  	_ =	shalt  }
0x6a: {  	_ =	shalt  }
0x6b: {  	_ =	shalt  }
0x6c: {  	_ =	shalt  }
0x6d: {  	_ =	shalt  }
0x6e: {  	_ =	shalt  }
0x6f: {  	_ =	shalt  }
0x70: {  	_ =	shalt  }
0x71: {  	_ =	shalt  }
0x72: {  	_ =	shalt  }
0x73: {  	_ =	shalt  }
0x74: {  	_ =	shalt  }
0x75: {  	_ =	shalt  }
0x76: {  	_ =	shalt  }
0x77: {  	_ =	shalt  }
0x78: {  	_ =	shalt  }
0x79: {  	_ =	shalt  }
0x7a: {  	_ =	shalt  }
0x7b: {  	_ =	shalt  }
0x7c: {  	_ =	shalt  }
0x7d: {  	_ =	shalt  }
0x7e: {  	_ =	shalt  }
0x7f: {  	_ =	shalt  }
0x80: {  	_ =	shalt  }
0x81: {  	_ =	shalt  }
0x82: {  	_ =	shalt  }
0x83: {  	_ =	shalt  }
0x84: {  	_ =	shalt  }
0x85: {  	_ =	shalt  }
0x86: {  	_ =	shalt  }
0x87: {  	_ =	shalt  }
.Lfunc_end0:
.L_simem_size_0:
called_computation.1_lowered:
.L_overlay_start_0:
0x88: {  	s2 =	sld [smem:$0x3FD9]  }
0x89: {  	s3 =	sld [smem:$0x3FFE];
	_ =	sdelay $0x1  }
0x8a: {  	s1 =	srdreg.scid  }
0x8b: {  	s0 =	sand.u32 $0x1, s1  }
0x8c: {  	s16 =	sshll.u32 s0, $0xA;
	s2 =	sadd.s32 s3, s2  }
0x8d: {  	s2 =	sadd.s32 s2, s16  }
0x8e: {  	[smem:$0x3FB5] =	sst s2  }
0x8f: {  	_ = 	snop  }
0x90: {  	(tm) =	ssettm $0x1  }
0x91: {  	s17 =	sld [smem:$0x3FFB];
	_ =	sdelay $0x3  }
0x92: {  	_ =	strace s17  }
0x93: {  	s2 =	sld [smem:$0x3FFC];
	_ =	sdelay $0x3  }
0x94: {  	_ =	strace s2  }
0x95: {  	s2 =	sld [smem:$0x3FFD];
	_ =	sdelay $0x3  }
0x96: {  	_ =	strace s2  }
0x97: {  	_ =	strace $0x8FFFFFFF  }
0x98: {  	s18 =	sld [smem:$0x3FDB];
	_ =	sdelay $0x1  }
0x99: {  	s19 =	simm.s32 $_scs_section_size  }
0x9a: {  	s4 =	simm.s32 $_size__tile_overlayer_lowered;
	s5 =	simm.s32 $_tile_overlayer_lowered  }
0x9b: {  	s22 =	simm.s32 $0x1BFF;
	s21 =	sshll.u32 s5, $0x1;
	s2 =	sadd.s32 s19, s18  }
0x9c: {  	s6 =	simm.s32 $0x0;
	s20 =	sshll.u32 s4, $0x1;
	s4 =	sadd.s32 s21, s2  }
0x9d: {  	[timem:s6], [sflag:s22] =	dma.local [hbm:s4], s20  }
0x9e: {  	_ =	swait.ge [sflag:s22], s20  }
0x9f: {  	s3 =	ssub.s32 $0x0, s20;
	[sflag:s22] =	ssyncset.done $0x0  }
0xa0: {  	[sflag:s22] =	ssyncadd.s32 s3;
	_ =	sdelay $0x1  }
0xa1: {  	s23 =	simm.s32 $0x1B8B  }
0xa2: {  	_ =	swait.ge [sflag:s23], $0x1  }
0xa3: {  	[sflag:s23] =	ssyncset.done $0x0  }
0xa4: {  	s25 =	simm.s32 $0x1B8E;
	s24 =	sld [smem:$0x3FFE];
	[sflag:s23] =	ssyncadd.s32 $0xFFFFFFFF  }
0xa5: {  	s26 =	simm.s32 $execute0_lowered;
	[smem:$0x3FD2] =	sst s25  }
0xa6: {  	s4 =	sshll.u32 s26, $0x1;
	_ =	strace $0x80000049;
	[dreg:$0x1] =	wrdreg $0xFFFFFFFF  }
0xa7: {  	s28 =	simm.s32 $_size_execute0_lowered;
	s2 =	sadd.s32 s2, s4;
	[dreg:$0x0] =	wrdreg $0x0  }
0xa8: {  	s4 =	sshll.u32 s28, $0x1;
	[dreg:$0x2] =	wrdreg s2  }
0xa9: {  	[dreg:$0x3] =	wrdreg s4  }
0xaa: {  	[dreg:$0x4] =	wrdreg $0xC0  }
0xab: {  	_ =	task [dreg:s6], $0x5FFFF  }
0xac: {  	[dreg:$0x1] =	wrdreg $0xFFFFFFFF  }
0xad: {  	[dreg:$0x0] =	wrdreg $0x60  }
0xae: {  	[dreg:$0x2] =	wrdreg s24  }
0xaf: {  	[dreg:$0x3] =	wrdreg $0x15B800  }
0xb0: {  	[dreg:$0x4] =	wrdreg $0x9  }
0xb1: {  	_ =	task.clear_ibuf [dreg:s6], $0x5FFFF;
	_ =	strace $0x90000049  }
0xb2: {  	s29 =	simm.s32 $0x9;
	_ =	strace $0x8000004B  }
0xb3: {  	_ =	swait.ge [sflag:s29], $0x1  }
0xb4: {  	[sflag:s29] =	ssyncadd.s32 $0xFFFFFFFF  }
0xb5: {  	_ =	strace $0x9000004B  }
0xb6: {  	_ =	sfence  }
0xb7: {  	s30 =	sld [smem:$0x0];
	_ =	sdelay $0x2  }
0xb8: {  	s31 =	sshll.u32 s1, $0xD;
	s1 =	sshrl.u32 s1, $0x2  }
0xb9: {  	s3 =	sand.u32 $0x4000, s31;
	s1 =	sadd.s32 s1, s30  }
0xba: {  	s0 =	sor.u32 s3, s0;
	s1 =	sshll.u32 s1, $0x11  }
0xbb: {  	s0 =	sor.u32 s1, s0  }
0xbc: {  	s0 =	sadd.s32 $0x8F2B, s0  }
0xbd: {  	[sflag:s0] =	ssyncadd.remote.s32 $0x1  }
0xbe: {  	_ =	sfence.sel $0xFFFF  }
0xbf: {  	[dreg:$0x0] =	wrdreg $0xFFFFFFFF;
	(pc) =	sbr.abs _section_cstart, $3  }
0xc0: {  	[dreg:$0x1] =	wrdreg $0xFFFFFFFF  }
0xc1: {  	_ =	task.clear_ibuf [dreg:s6], $0x2FFFF;
	_ =	strace $0x9FFFFFFF  }
0xc2: {  	(tm) =	ssettm $0x7FFFFFFF  }
0xc3: {  	_ =	shalt  }
tec
execute0_lowered:
.L_overlay_start_1:
0x0: {  	(tag) =	ssettag $0x1  }
0x1: {  	s0 =	rddreg [dreg:$0x0]  }
0x2: {  	s1 =	rddreg [dreg:$0x1];
	s2 =	srdreg.scid;
	s4 =	simm.s32 $0x0  }
0x3: {  	s7 =	stileid.u32;
	s14 =	simm.s32 $0xB;
	s15 =	simm.s32 $0x5000  }
0x4: {  	s16 =	simm.s32 $0x13C40;
	s17 =	simm.s32 $0x7D;
	s18 =	simm.s32 $0xA000  }
0x5: {  	s20 =	simm.s32 $0xBF40;
	s28 =	simm.s32 $0xFDC0;
	s21 =	smul.u32 $0x9C40, s7  }
0x6: {  	s29 =	simm.s32 $0x3;
	s31 =	simm.s32 $0x7;
	s6 =	smul.u32 $0xA00, s7  }
0x7: {  	s30 =	simm.s32 $0x9;
	s2 =	sand.u32 $0x1, s2;
	s7 =	smul.u32 $0x27100, s7  }
0x8: {  	s19 =	simm.s32 $0xA;
	[smem:$0x7FF] =	sst s4;
	s3 =	smul.u32 $0x9C400, s2  }
0x9: {  	_ =	strace $0x8000004A;
	s2 =	ssub.s32 $0x2, s2;
	s6 =	sadd.s32 s6, s0  }
0xa: {  	s22 =	sshrl.u32 s2, $0x1;
	s7 =	sshrl.u32 s7, $0x2;
	s5 =	sshrl.u32 s3, $0x3  }
0xb: {  	s3 =	sadd.s32 s21, s3;
	s2 =	ssub.s32 s2, s22;
	s23 =	sadd.s32 $0x13000, s6  }
0xc: {  	s24 =	sadd.s32 s7, s1;
	s6 =	sadd.s32 $0x9000, s6;
	s22 =	simm.s32 $0x6  }
0xd: {  	s5 =	sadd.s32 s5, s0;
	s3 =	sshrl.u32 s3, $0x3;
	[dreg:$0x3] =	wrdreg s23  }
0xe: {  	[dreg:$0x4] =	wrdreg s6;
	s6 =	sadd.s32 s21, s1;
	s25 =	sadd.s32 $0x1F40, s24  }
0xf: {  	s26 =	sadd.s32 $0x3E80, s24;
	s9 =	sadd.s32 $0x5DC0, s24;
	s10 =	sadd.s32 $0x7D00, s24  }
.Ltmp0:
0x10: {  	s13 =	smax.u32 s2, $0x1;
	s21 =	simm.s32 $0x1;
	(pc) =	sbr.rel .LBB2_1-.Ltmp0, $4  }
0x11: {  	s23 =	simm.s32 $0xDE80;
	s24 =	simm.s32 $0x2;
	[dreg:$0x5] =	wrdreg s25  }
0x12: {  	s2 =	simm.s32 $0x4;
	s0 =	sadd.s32 s3, s0;
	[dreg:$0x6] =	wrdreg s26  }
0x13: {  	s11 =	sadd.s32 $0x1D000, s5;
	s26 =	simm.s32 $0x5;
	s25 =	simm.s32 $0x8  }
0x14: {  	v0 =	vimm.f32 $0.0e+00;
	s3 =	simm.s32 $0x0;
	s12 =	sadd.s32 $0x44200, s0;
	s0 =	simm.s32 $0x11D00  }
.LBB2_6:
0x15: {  	_ =	swait.ge [sflag:s26], $0x1F40  }
0x16: {  	[sflag:s26] =	ssyncset.done $0x0  }
0x17: {  	[sflag:s26] =	ssyncadd.s32 $0xFFFFE0C0  }
0x18: {  	[spmem:s1] =	stream.indirect.scatter.add.f32 [tilespmem:s0], [sflag:$0xA], $0x40, s7, s17, $0xb8;
	[tilespmem:$0x1F7C0] =	vst v63  }
0x19: {  	_ =	swait.ge [sflag:s31], $0x1F40  }
0x1a: {  	[sflag:s31] =	ssyncset.done $0x0  }
0x1b: {  	[sflag:s31] =	ssyncadd.s32 $0xFFFFE0C0  }
0x1c: {  	_ =	swait.ge [sflag:s25], $0x1F40  }
0x1d: {  	[sflag:s25] =	ssyncset.done $0x0  }
0x1e: {  	[sflag:s25] =	ssyncadd.s32 $0xFFFFE0C0  }
0x1f: {  	_ =	swait.ge [sflag:s30], $0x1F40  }
0x20: {  	[sflag:s30] =	ssyncset.done $0x0  }
0x21: {  	[sflag:s30] =	ssyncadd.s32 $0xFFFFE0C0  }
0x22: {  	s4 =	stileid.u32;
	_ =	swait.ge [sflag:s19], $0x1F40  }
0x23: {  	s5 =	sshrl.u32 s6, $0x3;
	s3 =	sadd.s32 $0x1, s3;
	[sflag:s19] =	ssyncset.done $0x0  }
0x24: {  	s4 =	sshll.u32 s4, $0x6;
	p0 =	sne.s32 s3, s13;
	[sflag:s19] =	ssyncadd.s32 $0xFFFFE0C0  }
.Ltmp1:
0x25: {  	s4 =	sor.u32 $0x1C0B, s4;
	[bflag:$0x0] =	sbarrier.arrive $0xFFFF;
	(pc) =	sbr.rel @!p0 .LBB2_7-.Ltmp1, $4  }
0x26: {  	[hbm:s12], [sflag:s4] =	dma.local [spmem:s5], $0x1388  }
0x27: {  	_ =	swait.ge [sflag:s14], $0x1388  }
0x28: {  	[sflag:s14] =	ssyncset.done $0x0  }
0x29: {  	[sflag:s14] =	ssyncadd.s32 $0xFFFFEC78  }
.LBB2_1:
0x2a: {  	s4 =	simm.s32 $0x0;
	s5 =	rddreg [dreg:$0x3]  }
0x2b: {  	[tilespmem:s4], [sflag:$0xB] =	stream.linear.gather [hbm4b:s5+s4], $0x5000, $0x38;
	[tilespmem:$0x1F7C0] =	vst v63  }
0x2c: {  	_ =	swait.ge [sflag:s14], $0x5000  }
0x2d: {  	[sflag:s14] =	ssyncset.done $0x0  }
0x2e: {  	s8 =	rddreg [dreg:$0x4];
	[sflag:s14] =	ssyncadd.s32 $0xFFFFB000  }
0x2f: {  	[tilespmem:s15], [sflag:$0xB] =	stream.linear.gather [hbm4b:s8+s4], $0x5000, $0x38;
	[tilespmem:$0x1F7C0] =	vst v63  }
0x30: {  	_ =	swait.ge [sflag:s14], $0x5000  }
0x31: {  	[sflag:s14] =	ssyncset.done $0x0  }
0x32: {  	s5 =	simm.s32 $0x100;
	s4 =	simm.s32 $0x0;
	[sflag:s14] =	ssyncadd.s32 $0xFFFFB000  }
.LBB2_2:
0x33: {  	p0 =	sne.s32 s5, $0x7C00;
	[tilespmem:s4+$0x13C70] =	vst v0;
	s7 =	smov.u32 s5;
	s5 =	sadd.s32 $0x100, s5  }
.Ltmp2:
0x34: {  	[tilespmem:s4+$0x13C60] =	vst v0;
	(pc) =	sbr.rel @p0 .LBB2_2-.Ltmp2, $3  }
0x35: {  	[tilespmem:s4+$0x13C40] =	vst v0  }
0x36: {  	[tilespmem:s4+$0x13C50] =	vst v0;
	_ =	sdelay $0x1  }
0x37: {  	s4 =	sshra.s32 s7, $0x2  }
0x38: {  	[tilespmem:s4+$0x13C70] =	vst v0  }
0x39: {  	[tilespmem:s4+$0x13C60] =	vst v0  }
0x3a: {  	[tilespmem:s4+$0x13C40] =	vst v0  }
0x3b: {  	[tilespmem:s4+$0x13C50] =	vst v0  }
0x3c: {  	[spmem:s6] =	stream.linear.scatter [tilespmem:s16], [sflag:$0xB], $0x1F40, $0x38;
	[tilespmem:$0x1F7C0] =	vst v63  }
0x3d: {  	_ =	swait.ge [sflag:s14], $0x1F40  }
0x3e: {  	[sflag:s14] =	ssyncset.done $0x0  }
0x3f: {  	s5 =	rddreg [dreg:$0x5];
	[sflag:s14] =	ssyncadd.s32 $0xFFFFE0C0  }
0x40: {  	[spmem:s5] =	stream.linear.scatter [tilespmem:s16], [sflag:$0xB], $0x1F40, $0x38;
	[tilespmem:$0x1F7C0] =	vst v63  }
0x41: {  	_ =	swait.ge [sflag:s14], $0x1F40  }
0x42: {  	[sflag:s14] =	ssyncset.done $0x0  }
0x43: {  	s7 =	rddreg [dreg:$0x6];
	[sflag:s14] =	ssyncadd.s32 $0xFFFFE0C0  }
0x44: {  	[spmem:s7] =	stream.linear.scatter [tilespmem:s16], [sflag:$0xB], $0x1F40, $0x38;
	[tilespmem:$0x1F7C0] =	vst v63  }
0x45: {  	_ =	swait.ge [sflag:s14], $0x1F40  }
0x46: {  	[sflag:s14] =	ssyncset.done $0x0  }
0x47: {  	[sflag:s14] =	ssyncadd.s32 $0xFFFFE0C0  }
0x48: {  	[spmem:s9] =	stream.linear.scatter [tilespmem:s16], [sflag:$0xB], $0x1F40, $0x38;
	[tilespmem:$0x1F7C0] =	vst v63  }
0x49: {  	_ =	swait.ge [sflag:s14], $0x1F40  }
0x4a: {  	[sflag:s14] =	ssyncset.done $0x0  }
0x4b: {  	[sflag:s14] =	ssyncadd.s32 $0xFFFFE0C0  }
0x4c: {  	[spmem:s10] =	stream.linear.scatter [tilespmem:s16], [sflag:$0xB], $0x1F40, $0x38;
	[tilespmem:$0x1F7C0] =	vst v63  }
0x4d: {  	_ =	swait.ge [sflag:s14], $0x1F40  }
0x4e: {  	[sflag:s14] =	ssyncset.done $0x0  }
0x4f: {  	[sflag:s14] =	ssyncadd.s32 $0xFFFFE0C0  }
0x50: {  	s4 =	simm.s32 $0x0;
	[bflag:$0x0] =	sbarrier.arrive $0xFFFF  }
0x51: {  	[tilespmem:s18], [sflag:$0x1] =	stream.indirect.gather [hbm4b:s11+s17], $0x40, s4, s17, $0xb8;
	[tilespmem:$0x1F7C0] =	vst v63  }
0x52: {  	s5 =	simm.s32 $0x80  }
0x53: {  	[tilespmem:s20], [sflag:$0x2] =	stream.indirect.gather [hbm4b:s11+s17], $0x40, s5, s17, $0xb8;
	[tilespmem:$0x1F7C0] =	vst v63  }
0x54: {  	_ =	swait.ge [sflag:s21], $0x1F40  }
0x55: {  	[sflag:s21] =	ssyncset.done $0x0  }
0x56: {  	[sflag:s21] =	ssyncadd.s32 $0xFFFFE0C0  }
0x57: {  	[spmem:s1] =	stream.indirect.scatter.add.f32 [tilespmem:s18], [sflag:$0x6], $0x40, s15, s17, $0xb8;
	[tilespmem:$0x1F7C0] =	vst v63  }
0x58: {  	s8 =	simm.s32 $0x100  }
0x59: {  	[tilespmem:s23], [sflag:$0x3] =	stream.indirect.gather [hbm4b:s11+s17], $0x40, s8, s17, $0xb8;
	[tilespmem:$0x1F7C0] =	vst v63  }
0x5a: {  	_ =	swait.ge [sflag:s24], $0x1F40  }
0x5b: {  	[sflag:s24] =	ssyncset.done $0x0  }
0x5c: {  	s7 =	simm.s32 $0x5080;
	[sflag:s24] =	ssyncadd.s32 $0xFFFFE0C0  }
0x5d: {  	[spmem:s1] =	stream.indirect.scatter.add.f32 [tilespmem:s20], [sflag:$0x7], $0x40, s7, s17, $0xb8;
	[tilespmem:$0x1F7C0] =	vst v63  }
0x5e: {  	s8 =	simm.s32 $0x180  }
0x5f: {  	[tilespmem:s28], [sflag:$0x4] =	stream.indirect.gather [hbm4b:s11+s17], $0x40, s8, s17, $0xb8;
	[tilespmem:$0x1F7C0] =	vst v63  }
0x60: {  	_ =	swait.ge [sflag:s29], $0x1F40  }
0x61: {  	[sflag:s29] =	ssyncset.done $0x0  }
0x62: {  	s7 =	simm.s32 $0x5100;
	[sflag:s29] =	ssyncadd.s32 $0xFFFFE0C0  }
0x63: {  	[spmem:s1] =	stream.indirect.scatter.add.f32 [tilespmem:s23], [sflag:$0x8], $0x40, s7, s17, $0xb8;
	[tilespmem:$0x1F7C0] =	vst v63  }
0x64: {  	s8 =	simm.s32 $0x200  }
0x65: {  	[tilespmem:s0], [sflag:$0x5] =	stream.indirect.gather [hbm4b:s11+s17], $0x40, s8, s17, $0xb8;
	[tilespmem:$0x1F7C0] =	vst v63  }
0x66: {  	_ =	swait.ge [sflag:s2], $0x1F40  }
0x67: {  	[sflag:s2] =	ssyncset.done $0x0  }
0x68: {  	s7 =	simm.s32 $0x5180;
	[sflag:s2] =	ssyncadd.s32 $0xFFFFE0C0  }
0x69: {  	[spmem:s1] =	stream.indirect.scatter.add.f32 [tilespmem:s28], [sflag:$0x9], $0x40, s7, s17, $0xb8;
	[tilespmem:$0x1F7C0] =	vst v63  }
0x6a: {  	_ =	swait.ge [sflag:s22], $0x1F40  }
0x6b: {  	[sflag:s22] =	ssyncset.done $0x0  }
0x6c: {  	s8 =	simm.s32 $0x280;
	[sflag:s22] =	ssyncadd.s32 $0xFFFFE0C0  }
0x6d: {  	[tilespmem:s18], [sflag:$0x1] =	stream.indirect.gather [hbm4b:s11+s17], $0x40, s8, s17, $0xb8;
	[tilespmem:$0x1F7C0] =	vst v63  }
0x6e: {  	_ =	swait.ge [sflag:s26], $0x1F40  }
0x6f: {  	[sflag:s26] =	ssyncset.done $0x0  }
0x70: {  	s7 =	simm.s32 $0x5200;
	[sflag:s26] =	ssyncadd.s32 $0xFFFFE0C0  }
0x71: {  	[spmem:s1] =	stream.indirect.scatter.add.f32 [tilespmem:s0], [sflag:$0xA], $0x40, s7, s17, $0xb8;
	[tilespmem:$0x1F7C0] =	vst v63  }
0x72: {  	_ =	swait.ge [sflag:s31], $0x1F40  }
0x73: {  	[sflag:s31] =	ssyncset.done $0x0  }
0x74: {  	s8 =	simm.s32 $0x300;
	[sflag:s31] =	ssyncadd.s32 $0xFFFFE0C0  }
0x75: {  	[tilespmem:s20], [sflag:$0x2] =	stream.indirect.gather [hbm4b:s11+s17], $0x40, s8, s17, $0xb8;
	[tilespmem:$0x1F7C0] =	vst v63  }
.LBB2_4:
0x76: {  	_ =	swait.ge [sflag:s21], $0x1F40  }
0x77: {  	s5 =	sshra.s32 s4, $0x2;
	[sflag:s21] =	ssyncset.done $0x0  }
0x78: {  	s7 =	sadd.s32 $0x5280, s5;
	[sflag:s21] =	ssyncadd.s32 $0xFFFFE0C0  }
0x79: {  	[spmem:s1] =	stream.indirect.scatter.add.f32 [tilespmem:s18], [sflag:$0x6], $0x40, s7, s17, $0xb8;
	[tilespmem:$0x1F7C0] =	vst v63  }
0x7a: {  	_ =	swait.ge [sflag:s25], $0x1F40  }
0x7b: {  	[sflag:s25] =	ssyncset.done $0x0  }
0x7c: {  	s8 =	sadd.s32 $0x380, s5;
	[sflag:s25] =	ssyncadd.s32 $0xFFFFE0C0  }
0x7d: {  	[tilespmem:s23], [sflag:$0x3] =	stream.indirect.gather [hbm4b:s11+s17], $0x40, s8, s17, $0xb8;
	[tilespmem:$0x1F7C0] =	vst v63  }
0x7e: {  	_ =	swait.ge [sflag:s24], $0x1F40  }
0x7f: {  	[sflag:s24] =	ssyncset.done $0x0  }
0x80: {  	s8 =	sadd.s32 $0x5300, s5;
	[sflag:s24] =	ssyncadd.s32 $0xFFFFE0C0  }
0x81: {  	[spmem:s1] =	stream.indirect.scatter.add.f32 [tilespmem:s20], [sflag:$0x7], $0x40, s8, s17, $0xb8;
	[tilespmem:$0x1F7C0] =	vst v63  }
0x82: {  	_ =	swait.ge [sflag:s30], $0x1F40  }
0x83: {  	[sflag:s30] =	ssyncset.done $0x0  }
0x84: {  	s8 =	sadd.s32 $0x400, s5;
	[sflag:s30] =	ssyncadd.s32 $0xFFFFE0C0  }
0x85: {  	[tilespmem:s28], [sflag:$0x4] =	stream.indirect.gather [hbm4b:s11+s17], $0x40, s8, s17, $0xb8;
	[tilespmem:$0x1F7C0] =	vst v63  }
0x86: {  	_ =	swait.ge [sflag:s29], $0x1F40  }
0x87: {  	[sflag:s29] =	ssyncset.done $0x0  }
0x88: {  	s8 =	sadd.s32 $0x5380, s5;
	[sflag:s29] =	ssyncadd.s32 $0xFFFFE0C0  }
0x89: {  	[spmem:s1] =	stream.indirect.scatter.add.f32 [tilespmem:s23], [sflag:$0x8], $0x40, s8, s17, $0xb8;
	[tilespmem:$0x1F7C0] =	vst v63  }
0x8a: {  	_ =	swait.ge [sflag:s19], $0x1F40  }
0x8b: {  	[sflag:s19] =	ssyncset.done $0x0  }
0x8c: {  	s8 =	sadd.s32 $0x480, s5;
	[sflag:s19] =	ssyncadd.s32 $0xFFFFE0C0  }
0x8d: {  	[tilespmem:s0], [sflag:$0x5] =	stream.indirect.gather [hbm4b:s11+s17], $0x40, s8, s17, $0xb8;
	[tilespmem:$0x1F7C0] =	vst v63  }
0x8e: {  	_ =	swait.ge [sflag:s2], $0x1F40  }
0x8f: {  	p0 =	seq.s32 s4, $0x12C00;
	[sflag:s2] =	ssyncset.done $0x0  }
.Ltmp3:
0x90: {  	s8 =	sadd.s32 $0x5400, s5;
	[sflag:s2] =	ssyncadd.s32 $0xFFFFE0C0;
	(pc) =	sbr.rel @p0 .LBB2_6-.Ltmp3, $4  }
0x91: {  	[spmem:s1] =	stream.indirect.scatter.add.f32 [tilespmem:s28], [sflag:$0x9], $0x40, s8, s17, $0xb8;
	[tilespmem:$0x1F7C0] =	vst v63  }
0x92: {  	_ =	swait.ge [sflag:s22], $0x1F40  }
0x93: {  	[sflag:s22] =	ssyncset.done $0x0  }
0x94: {  	s7 =	sadd.s32 $0x5480, s5;
	[sflag:s22] =	ssyncadd.s32 $0xFFFFE0C0  }
0x95: {  	s8 =	sadd.s32 $0x500, s5  }
0x96: {  	[tilespmem:s18], [sflag:$0x1] =	stream.indirect.gather [hbm4b:s11+s17], $0x40, s8, s17, $0xb8;
	[tilespmem:$0x1F7C0] =	vst v63  }
0x97: {  	_ =	swait.ge [sflag:s26], $0x1F40  }
0x98: {  	[sflag:s26] =	ssyncset.done $0x0  }
0x99: {  	[sflag:s26] =	ssyncadd.s32 $0xFFFFE0C0  }
0x9a: {  	[spmem:s1] =	stream.indirect.scatter.add.f32 [tilespmem:s0], [sflag:$0xA], $0x40, s7, s17, $0xb8;
	[tilespmem:$0x1F7C0] =	vst v63  }
.Ltmp4:
0x9b: {  	_ = 	snop;
	(pc) =	sbr.rel .LBB2_4-.Ltmp4, $4  }
0x9c: {  	_ =	swait.ge [sflag:s31], $0x1F40  }
0x9d: {  	[sflag:s31] =	ssyncset.done $0x0  }
0x9e: {  	s4 =	sadd.s32 $0xA00, s4;
	s8 =	sadd.s32 $0x580, s5;
	[sflag:s31] =	ssyncadd.s32 $0xFFFFE0C0  }
0x9f: {  	[tilespmem:s20], [sflag:$0x2] =	stream.indirect.gather [hbm4b:s11+s17], $0x40, s8, s17, $0xb8;
	[tilespmem:$0x1F7C0] =	vst v63  }
.LBB2_7:
0xa0: {  	_ =	sfence.sel $0x180000  }
0xa1: {  	[bflag:$0x0] =	sbarrier.arrive $0xFFFF  }
0xa2: {  	_ =	strace $0x9000004A  }
0xa3: {  	s0 =	stileid.u32;
	[bflag:$0x2] =	sbarrier.arrive $0xFFFF  }
0xa4: {  	p0 =	sne.s32 s0, $0x0;
	s0 =	rddreg [dreg:$0x2]  }
0xa5: {  	s0 =	sadd.s32 @!p0 $0x100000, s0  }
0xa6: {  	[sflag:s0] =	ssyncadd.tile.s32 @!p0 $0x1;
	_ =	shalt  }
.Lfunc_end2:
_tile_overlayer_lowered:
.L_overlay_start_2:
0xa7: {  	(tag) =	ssettag $0x2  }
0xa8: {  	s0 =	rddreg [dreg:$0x0];
	s2 =	stileid.u32  }
0xa9: {  	s1 =	rddreg [dreg:$0x1];
	p0 =	sne.s32 s2, $0x0  }
0xaa: {  	s3 =	rddreg [dreg:$0x2];
	[bflag:$0x3] =	sbarrier.arrive $0xFFFF;
	s2 =	simm.s32 @!p0 $0x1C0B  }
0xab: {  	[timem:s3], [sflag:s2] =	dma.local @!p0 [hbm:s0], s1  }
0xac: {  	s0 =	simm.s32 @!p0 $0xB  }
0xad: {  	_ =	swait.ge @!p0 [sflag:s0], s1  }
0xae: {  	s1 =	ssub.s32 @!p0 $0x0, s1;
	[sflag:s0] =	ssyncset.done @!p0 $0x0  }
0xaf: {  	[sflag:s0] =	ssyncadd.s32 @!p0 s1  }
0xb0: {  	[bflag:$0x3] =	sbarrier.arrive $0xFFFF  }
0xb1: {  	_ =	shalt  }

// kernel: kernel.24.cloned.1.call-start
scs
__scs_entry_jumppad:
0x0: {  	(pc) =	sbr.rel $0x88, $3  }
0x1: {  	(tag) =	ssettag $0x0;
	lr =	simm.s32 $0x1  }
0x2: {  	[smem:$0x3F8E] =	sst lr;
	_ =	strace $0xD0000000  }
0x3: {  	_ = 	snop  }
0x4: {  	_ = 	snop  }
0x5: {  	_ = 	snop  }
0x6: {  	_ = 	snop  }
0x7: {  	_ = 	snop  }
__scs_overlays_trampoline_lowered:
0x8: {  	[smem:$0x3F9D] =	sst s0  }
0x9: {  	[smem:$0x3F9E] =	sst s1  }
0xa: {  	[smem:$0x3F9F] =	sst s2  }
0xb: {  	[smem:$0x3FA0] =	sst s3  }
0xc: {  	[smem:$0x3FA1] =	sst s4  }
0xd: {  	[smem:$0x3FA2] =	sst s5  }
0xe: {  	[smem:$0x3FA3] =	sst s6  }
0xf: {  	[smem:$0x3FA4] =	sst s7  }
0x10: {  	[smem:$0x3FA5] =	sst s8  }
0x11: {  	[smem:$0x3FA6] =	sst s9;
	s0 =	simm.s32 @!p0 $0x0  }
0x12: {  	s1 =	sld [smem:$0x3F8C];
	s0 =	simm.s32 @p0 $0x1  }
0x13: {  	[smem:$0x3FA7] =	sst s0;
	s0 =	simm.s32 @!p1 $0x0  }
0x14: {  	s2 =	sld [smem:$0x3F8B];
	s0 =	simm.s32 @p1 $0x1  }
0x15: {  	[smem:$0x3FA8] =	sst s0;
	s0 =	simm.s32 @!p2 $0x0  }
0x16: {  	s3 =	sld [smem:$0x3FDB];
	s0 =	simm.s32 @p2 $0x1  }
0x17: {  	s4 =	simm.s32 $0x1BF5;
	[smem:$0x3FAA] =	sst s0  }
0x18: {  	s0 =	sld [smem:$0x3F8D];
	_ =	swait.ge [sflag:s4], $0x0  }
0x19: {  	s7 =	sld [smem:$0x3F8E]  }
0x1a: {  	s8 =	sadd.s32 $0xFFFFE003, lr  }
0x1b: {  	s9 =	sadd.s32 $0xFFFFFEF7, lr;
	s5 =	simm.s32 $0xFFFFFFFF;
	p2 =	slt.u32 s8, $0xFFFFF086  }
0x1c: {  	p1 =	slt.u32 s9, $0xF7A;
	s5 =	simm.s32 @!p2 $0x0  }
0x1d: {  	s5 =	simm.s32 @p1 $0x1;
	p0 =	seq.s32 s7, s2  }
0x1e: {  	s7 =	smul.u32 @!p0 $0xF7A, s2;
	p2 =	seq.s32 @!p0 s5, $0x0  }
0x1f: {  	s9 =	smul.u32 $0xF7A, s1;
	s8 =	simm.s32 @!p0 $0x1BF5;
	p2 =	por !p2, p0  }
0x20: {  	[sflag:s8] =	ssyncset.s32 @!p0 $0xFFFFF086;
	s6 =	sadd.s32 @!p0 s3, s7;
	s7 =	simm.s32 @!p0 $0x108  }
0x21: {  	s3 =	sadd.s32 s3, s9;
	s6 =	sadd.s32 @!p0 $0x88, s6;
	s7 =	simm.s32 @p2 $0x1082  }
0x22: {  	[simem:s7], [sflag:s8] =	dma.local @!p0 [hbm:s6], $0xF7A  }
0x23: {  	s9 =	sor.u32 $0xD0000000, s2;
	s6 =	simm.s32 $0x108;
	_ =	swait.ge @!p0 [sflag:s8], $0x0  }
0x24: {  	s3 =	sadd.s32 $0x88, s3;
	s6 =	simm.s32 @!p1 $0x1082;
	[sflag:s4] =	ssyncset.s32 $0xFFFFF086  }
0x25: {  	[simem:s6], [sflag:s4] =	dma.local [hbm:s3], $0xF7A  }
0x26: {  	[smem:$0x3F8E] =	sst s1;
	(tag) =	ssettag s2;
	_ =	strace s9  }
0x27: {  	s1 =	sld [smem:$0x3F9E]  }
0x28: {  	s2 =	sld [smem:$0x3F9F]  }
0x29: {  	s4 =	sld [smem:$0x3FA1]  }
0x2a: {  	p0 =	seq.s32 s5, $0x0;
	s5 =	sld [smem:$0x3FA2]  }
0x2b: {  	s6 =	sld [smem:$0x3FA3]  }
0x2c: {  	s7 =	sld [smem:$0x3FA4]  }
0x2d: {  	s3 =	simm.s32 $0x108;
	s8 =	sld [smem:$0x3FA5]  }
0x2e: {  	s3 =	simm.s32 @!p0 $0x1082;
	s9 =	sld [smem:$0x3FA6]  }
0x2f: {  	lr =	sadd.s32 s0, s3;
	s0 =	sld [smem:$0x3F9D]  }
0x30: {  	s3 =	sld [smem:$0x3FA0]  }
0x31: {  	[smem:$0x3FA9] =	sst s10  }
0x32: {  	s10 =	sld [smem:$0x3FA7];
	_ =	sdelay $0x3  }
0x33: {  	p0 =	seq.s32 s10, $0x1;
	s10 =	sld [smem:$0x3FA9];
	_ =	sdelay $0x3  }
0x34: {  	[smem:$0x3FA9] =	sst s10  }
0x35: {  	s10 =	sld [smem:$0x3FA8];
	_ =	sdelay $0x3  }
0x36: {  	p1 =	seq.s32 s10, $0x1;
	s10 =	sld [smem:$0x3FA9];
	_ =	sdelay $0x3  }
0x37: {  	[smem:$0x3FA9] =	sst s10  }
0x38: {  	s10 =	sld [smem:$0x3FAA]  }
0x39: {  	_ = 	snop;
	(pc) =	sbr.ind lr, $3  }
0x3a: {  	_ = 	snop  }
0x3b: {  	_ = 	snop  }
0x3c: {  	p2 =	seq.s32 s10, $0x1;
	s10 =	sld [smem:$0x3FA9]  }
0x3d: {  	_ =	shalt  }
0x3e: {  	_ =	shalt  }
0x3f: {  	_ =	shalt  }
0x40: {  	_ =	shalt  }
0x41: {  	_ =	shalt  }
0x42: {  	_ =	shalt  }
0x43: {  	_ =	shalt  }
0x44: {  	_ =	shalt  }
0x45: {  	_ =	shalt  }
0x46: {  	_ =	shalt  }
0x47: {  	_ =	shalt  }
0x48: {  	_ =	shalt  }
0x49: {  	_ =	shalt  }
0x4a: {  	_ =	shalt  }
0x4b: {  	_ =	shalt  }
0x4c: {  	_ =	shalt  }
0x4d: {  	_ =	shalt  }
0x4e: {  	_ =	shalt  }
0x4f: {  	_ =	shalt  }
0x50: {  	_ =	shalt  }
0x51: {  	_ =	shalt  }
0x52: {  	_ =	shalt  }
0x53: {  	_ =	shalt  }
0x54: {  	_ =	shalt  }
0x55: {  	_ =	shalt  }
0x56: {  	_ =	shalt  }
0x57: {  	_ =	shalt  }
0x58: {  	_ =	shalt  }
0x59: {  	_ =	shalt  }
0x5a: {  	_ =	shalt  }
0x5b: {  	_ =	shalt  }
0x5c: {  	_ =	shalt  }
0x5d: {  	_ =	shalt  }
0x5e: {  	_ =	shalt  }
0x5f: {  	_ =	shalt  }
0x60: {  	_ =	shalt  }
0x61: {  	_ =	shalt  }
0x62: {  	_ =	shalt  }
0x63: {  	_ =	shalt  }
0x64: {  	_ =	shalt  }
0x65: {  	_ =	shalt  }
0x66: {  	_ =	shalt  }
0x67: {  	_ =	shalt  }
0x68: {  	_ =	shalt  }
0x69: {  	_ =	shalt  }
0x6a: {  	_ =	shalt  }
0x6b: {  	_ =	shalt  }
0x6c: {  	_ =	shalt  }
0x6d: {  	_ =	shalt  }
0x6e: {  	_ =	shalt  }
0x6f: {  	_ =	shalt  }
0x70: {  	_ =	shalt  }
0x71: {  	_ =	shalt  }
0x72: {  	_ =	shalt  }
0x73: {  	_ =	shalt  }
0x74: {  	_ =	shalt  }
0x75: {  	_ =	shalt  }
0x76: {  	_ =	shalt  }
0x77: {  	_ =	shalt  }
0x78: {  	_ =	shalt  }
0x79: {  	_ =	shalt  }
0x7a: {  	_ =	shalt  }
0x7b: {  	_ =	shalt  }
0x7c: {  	_ =	shalt  }
0x7d: {  	_ =	shalt  }
0x7e: {  	_ =	shalt  }
0x7f: {  	_ =	shalt  }
0x80: {  	_ =	shalt  }
0x81: {  	_ =	shalt  }
0x82: {  	_ =	shalt  }
0x83: {  	_ =	shalt  }
0x84: {  	_ =	shalt  }
0x85: {  	_ =	shalt  }
0x86: {  	_ =	shalt  }
0x87: {  	_ =	shalt  }
.Lfunc_end0:
.L_simem_size_0:
called_computation.2_lowered:
.L_overlay_start_0:
0x88: {  	s2 =	sld [smem:$0x3FD9]  }
0x89: {  	s3 =	sld [smem:$0x3FFE];
	_ =	sdelay $0x1  }
0x8a: {  	s1 =	srdreg.scid  }
0x8b: {  	s0 =	sand.u32 $0x1, s1  }
0x8c: {  	s16 =	sshll.u32 s0, $0xA;
	s2 =	sadd.s32 s3, s2  }
0x8d: {  	s2 =	sadd.s32 s2, s16  }
0x8e: {  	[smem:$0x3FB5] =	sst s2  }
0x8f: {  	_ = 	snop  }
0x90: {  	(tm) =	ssettm $0x1  }
0x91: {  	s17 =	sld [smem:$0x3FFB];
	_ =	sdelay $0x3  }
0x92: {  	_ =	strace s17  }
0x93: {  	s2 =	sld [smem:$0x3FFC];
	_ =	sdelay $0x3  }
0x94: {  	_ =	strace s2  }
0x95: {  	s2 =	sld [smem:$0x3FFD];
	_ =	sdelay $0x3  }
0x96: {  	_ =	strace s2  }
0x97: {  	_ =	strace $0x8FFFFFFF  }
0x98: {  	s18 =	sld [smem:$0x3FDB];
	_ =	sdelay $0x1  }
0x99: {  	s19 =	simm.s32 $_scs_section_size  }
0x9a: {  	s4 =	simm.s32 $_size__tile_overlayer_lowered;
	s5 =	simm.s32 $_tile_overlayer_lowered  }
0x9b: {  	s22 =	simm.s32 $0x1BFF;
	s21 =	sshll.u32 s5, $0x1;
	s2 =	sadd.s32 s19, s18  }
0x9c: {  	s6 =	simm.s32 $0x0;
	s20 =	sshll.u32 s4, $0x1;
	s4 =	sadd.s32 s21, s2  }
0x9d: {  	[timem:s6], [sflag:s22] =	dma.local [hbm:s4], s20  }
0x9e: {  	_ =	swait.ge [sflag:s22], s20  }
0x9f: {  	s3 =	ssub.s32 $0x0, s20;
	[sflag:s22] =	ssyncset.done $0x0  }
0xa0: {  	[sflag:s22] =	ssyncadd.s32 s3;
	_ =	sdelay $0x1  }
0xa1: {  	s23 =	simm.s32 $0x1B8B  }
0xa2: {  	_ =	swait.ge [sflag:s23], $0x1  }
0xa3: {  	[sflag:s23] =	ssyncset.done $0x0  }
0xa4: {  	s25 =	simm.s32 $0x1B8E;
	s24 =	sld [smem:$0x3FFE];
	[sflag:s23] =	ssyncadd.s32 $0xFFFFFFFF  }
0xa5: {  	s26 =	simm.s32 $execute0_lowered;
	[smem:$0x3FD2] =	sst s25  }
0xa6: {  	s4 =	sshll.u32 s26, $0x1;
	_ =	strace $0x8000004C;
	[dreg:$0x1] =	wrdreg $0xFFFFFFFF  }
0xa7: {  	s28 =	simm.s32 $_size_execute0_lowered;
	s2 =	sadd.s32 s2, s4;
	[dreg:$0x0] =	wrdreg $0x0  }
0xa8: {  	s4 =	sshll.u32 s28, $0x1;
	[dreg:$0x2] =	wrdreg s2  }
0xa9: {  	[dreg:$0x3] =	wrdreg s4  }
0xaa: {  	[dreg:$0x4] =	wrdreg $0xC0  }
0xab: {  	_ =	task [dreg:s6], $0x5FFFF  }
0xac: {  	[dreg:$0x1] =	wrdreg $0xFFFFFFFF  }
0xad: {  	[dreg:$0x0] =	wrdreg $0x60  }
0xae: {  	[dreg:$0x2] =	wrdreg s24  }
0xaf: {  	[dreg:$0x3] =	wrdreg $0x15B800  }
0xb0: {  	[dreg:$0x4] =	wrdreg $0x9  }
0xb1: {  	_ =	task.clear_ibuf [dreg:s6], $0x5FFFF;
	_ =	strace $0x9000004C  }
0xb2: {  	s29 =	simm.s32 $0x9;
	_ =	strace $0x8000004E  }
0xb3: {  	_ =	swait.ge [sflag:s29], $0x1  }
0xb4: {  	[sflag:s29] =	ssyncadd.s32 $0xFFFFFFFF  }
0xb5: {  	_ =	strace $0x9000004E  }
0xb6: {  	_ =	sfence  }
0xb7: {  	s30 =	sld [smem:$0x0];
	_ =	sdelay $0x2  }
0xb8: {  	s31 =	sshll.u32 s1, $0xD;
	s1 =	sshrl.u32 s1, $0x2  }
0xb9: {  	s3 =	sand.u32 $0x4000, s31;
	s1 =	sadd.s32 s1, s30  }
0xba: {  	s0 =	sor.u32 s3, s0;
	s1 =	sshll.u32 s1, $0x11  }
0xbb: {  	s0 =	sor.u32 s1, s0  }
0xbc: {  	s0 =	sadd.s32 $0x8F2B, s0  }
0xbd: {  	[sflag:s0] =	ssyncadd.remote.s32 $0x1  }
0xbe: {  	_ =	sfence.sel $0xFFFF  }
0xbf: {  	[dreg:$0x0] =	wrdreg $0xFFFFFFFF;
	(pc) =	sbr.abs _section_cstart, $3  }
0xc0: {  	[dreg:$0x1] =	wrdreg $0xFFFFFFFF  }
0xc1: {  	_ =	task.clear_ibuf [dreg:s6], $0x2FFFF;
	_ =	strace $0x9FFFFFFF  }
0xc2: {  	(tm) =	ssettm $0x7FFFFFFF  }
0xc3: {  	_ =	shalt  }
tec
execute0_lowered:
.L_overlay_start_1:
0x0: {  	(tag) =	ssettag $0x1  }
0x1: {  	s0 =	rddreg [dreg:$0x0]  }
0x2: {  	s1 =	rddreg [dreg:$0x1];
	s2 =	srdreg.scid;
	s4 =	simm.s32 $0x0  }
0x3: {  	s7 =	stileid.u32;
	s14 =	simm.s32 $0xB;
	s15 =	simm.s32 $0x5000  }
0x4: {  	s16 =	simm.s32 $0x13C40;
	s17 =	simm.s32 $0x7D;
	s18 =	simm.s32 $0xA000  }
0x5: {  	s20 =	simm.s32 $0xBF40;
	s28 =	simm.s32 $0xFDC0;
	s21 =	smul.u32 $0x9C40, s7  }
0x6: {  	s29 =	simm.s32 $0x3;
	s31 =	simm.s32 $0x7;
	s6 =	smul.u32 $0xA00, s7  }
0x7: {  	s30 =	simm.s32 $0x9;
	s2 =	sand.u32 $0x1, s2;
	s7 =	smul.u32 $0x27100, s7  }
0x8: {  	s19 =	simm.s32 $0xA;
	[smem:$0x7FF] =	sst s4;
	s3 =	smul.u32 $0x9C400, s2  }
0x9: {  	_ =	strace $0x8000004D;
	s2 =	ssub.s32 $0x2, s2;
	s6 =	sadd.s32 s6, s0  }
0xa: {  	s22 =	sshrl.u32 s2, $0x1;
	s7 =	sshrl.u32 s7, $0x2;
	s5 =	sshrl.u32 s3, $0x3  }
0xb: {  	s3 =	sadd.s32 s21, s3;
	s2 =	ssub.s32 s2, s22;
	s23 =	sadd.s32 $0x13000, s6  }
0xc: {  	s24 =	sadd.s32 s7, s1;
	s6 =	sadd.s32 $0x9000, s6;
	s22 =	simm.s32 $0x6  }
0xd: {  	s5 =	sadd.s32 s5, s0;
	s3 =	sshrl.u32 s3, $0x3;
	[dreg:$0x3] =	wrdreg s23  }
0xe: {  	[dreg:$0x4] =	wrdreg s6;
	s6 =	sadd.s32 s21, s1;
	s25 =	sadd.s32 $0x1F40, s24  }
0xf: {  	s26 =	sadd.s32 $0x3E80, s24;
	s9 =	sadd.s32 $0x5DC0, s24;
	s10 =	sadd.s32 $0x7D00, s24  }
.Ltmp0:
0x10: {  	s13 =	smax.u32 s2, $0x1;
	s21 =	simm.s32 $0x1;
	(pc) =	sbr.rel .LBB2_1-.Ltmp0, $4  }
0x11: {  	s23 =	simm.s32 $0xDE80;
	s24 =	simm.s32 $0x2;
	[dreg:$0x5] =	wrdreg s25  }
0x12: {  	s2 =	simm.s32 $0x4;
	s0 =	sadd.s32 s3, s0;
	[dreg:$0x6] =	wrdreg s26  }
0x13: {  	s11 =	sadd.s32 $0xBA600, s5;
	s26 =	simm.s32 $0x5;
	s25 =	simm.s32 $0x8  }
0x14: {  	v0 =	vimm.f32 $0.0e+00;
	s3 =	simm.s32 $0x0;
	s12 =	sadd.s32 $0xE1800, s0;
	s0 =	simm.s32 $0x11D00  }
.LBB2_6:
0x15: {  	_ =	swait.ge [sflag:s26], $0x1F40  }
0x16: {  	[sflag:s26] =	ssyncset.done $0x0  }
0x17: {  	[sflag:s26] =	ssyncadd.s32 $0xFFFFE0C0  }
0x18: {  	[spmem:s1] =	stream.indirect.scatter.add.f32 [tilespmem:s0], [sflag:$0xA], $0x40, s7, s17, $0xb8;
	[tilespmem:$0x1F7C0] =	vst v63  }
0x19: {  	_ =	swait.ge [sflag:s31], $0x1F40  }
0x1a: {  	[sflag:s31] =	ssyncset.done $0x0  }
0x1b: {  	[sflag:s31] =	ssyncadd.s32 $0xFFFFE0C0  }
0x1c: {  	_ =	swait.ge [sflag:s25], $0x1F40  }
0x1d: {  	[sflag:s25] =	ssyncset.done $0x0  }
0x1e: {  	[sflag:s25] =	ssyncadd.s32 $0xFFFFE0C0  }
0x1f: {  	_ =	swait.ge [sflag:s30], $0x1F40  }
0x20: {  	[sflag:s30] =	ssyncset.done $0x0  }
0x21: {  	[sflag:s30] =	ssyncadd.s32 $0xFFFFE0C0  }
0x22: {  	s4 =	stileid.u32;
	_ =	swait.ge [sflag:s19], $0x1F40  }
0x23: {  	s5 =	sshrl.u32 s6, $0x3;
	s3 =	sadd.s32 $0x1, s3;
	[sflag:s19] =	ssyncset.done $0x0  }
0x24: {  	s4 =	sshll.u32 s4, $0x6;
	p0 =	sne.s32 s3, s13;
	[sflag:s19] =	ssyncadd.s32 $0xFFFFE0C0  }
.Ltmp1:
0x25: {  	s4 =	sor.u32 $0x1C0B, s4;
	[bflag:$0x0] =	sbarrier.arrive $0xFFFF;
	(pc) =	sbr.rel @!p0 .LBB2_7-.Ltmp1, $4  }
0x26: {  	[hbm:s12], [sflag:s4] =	dma.local [spmem:s5], $0x1388  }
0x27: {  	_ =	swait.ge [sflag:s14], $0x1388  }
0x28: {  	[sflag:s14] =	ssyncset.done $0x0  }
0x29: {  	[sflag:s14] =	ssyncadd.s32 $0xFFFFEC78  }
.LBB2_1:
0x2a: {  	s4 =	simm.s32 $0x0;
	s5 =	rddreg [dreg:$0x3]  }
0x2b: {  	[tilespmem:s4], [sflag:$0xB] =	stream.linear.gather [hbm4b:s5+s4], $0x5000, $0x38;
	[tilespmem:$0x1F7C0] =	vst v63  }
0x2c: {  	_ =	swait.ge [sflag:s14], $0x5000  }
0x2d: {  	[sflag:s14] =	ssyncset.done $0x0  }
0x2e: {  	s8 =	rddreg [dreg:$0x4];
	[sflag:s14] =	ssyncadd.s32 $0xFFFFB000  }
0x2f: {  	[tilespmem:s15], [sflag:$0xB] =	stream.linear.gather [hbm4b:s8+s4], $0x5000, $0x38;
	[tilespmem:$0x1F7C0] =	vst v63  }
0x30: {  	_ =	swait.ge [sflag:s14], $0x5000  }
0x31: {  	[sflag:s14] =	ssyncset.done $0x0  }
0x32: {  	s5 =	simm.s32 $0x100;
	s4 =	simm.s32 $0x0;
	[sflag:s14] =	ssyncadd.s32 $0xFFFFB000  }
.LBB2_2:
0x33: {  	p0 =	sne.s32 s5, $0x7C00;
	[tilespmem:s4+$0x13C70] =	vst v0;
	s7 =	smov.u32 s5;
	s5 =	sadd.s32 $0x100, s5  }
.Ltmp2:
0x34: {  	[tilespmem:s4+$0x13C60] =	vst v0;
	(pc) =	sbr.rel @p0 .LBB2_2-.Ltmp2, $3  }
0x35: {  	[tilespmem:s4+$0x13C40] =	vst v0  }
0x36: {  	[tilespmem:s4+$0x13C50] =	vst v0;
	_ =	sdelay $0x1  }
0x37: {  	s4 =	sshra.s32 s7, $0x2  }
0x38: {  	[tilespmem:s4+$0x13C70] =	vst v0  }
0x39: {  	[tilespmem:s4+$0x13C60] =	vst v0  }
0x3a: {  	[tilespmem:s4+$0x13C40] =	vst v0  }
0x3b: {  	[tilespmem:s4+$0x13C50] =	vst v0  }
0x3c: {  	[spmem:s6] =	stream.linear.scatter [tilespmem:s16], [sflag:$0xB], $0x1F40, $0x38;
	[tilespmem:$0x1F7C0] =	vst v63  }
0x3d: {  	_ =	swait.ge [sflag:s14], $0x1F40  }
0x3e: {  	[sflag:s14] =	ssyncset.done $0x0  }
0x3f: {  	s5 =	rddreg [dreg:$0x5];
	[sflag:s14] =	ssyncadd.s32 $0xFFFFE0C0  }
0x40: {  	[spmem:s5] =	stream.linear.scatter [tilespmem:s16], [sflag:$0xB], $0x1F40, $0x38;
	[tilespmem:$0x1F7C0] =	vst v63  }
0x41: {  	_ =	swait.ge [sflag:s14], $0x1F40  }
0x42: {  	[sflag:s14] =	ssyncset.done $0x0  }
0x43: {  	s7 =	rddreg [dreg:$0x6];
	[sflag:s14] =	ssyncadd.s32 $0xFFFFE0C0  }
0x44: {  	[spmem:s7] =	stream.linear.scatter [tilespmem:s16], [sflag:$0xB], $0x1F40, $0x38;
	[tilespmem:$0x1F7C0] =	vst v63  }
0x45: {  	_ =	swait.ge [sflag:s14], $0x1F40  }
0x46: {  	[sflag:s14] =	ssyncset.done $0x0  }
0x47: {  	[sflag:s14] =	ssyncadd.s32 $0xFFFFE0C0  }
0x48: {  	[spmem:s9] =	stream.linear.scatter [tilespmem:s16], [sflag:$0xB], $0x1F40, $0x38;
	[tilespmem:$0x1F7C0] =	vst v63  }
0x49: {  	_ =	swait.ge [sflag:s14], $0x1F40  }
0x4a: {  	[sflag:s14] =	ssyncset.done $0x0  }
0x4b: {  	[sflag:s14] =	ssyncadd.s32 $0xFFFFE0C0  }
0x4c: {  	[spmem:s10] =	stream.linear.scatter [tilespmem:s16], [sflag:$0xB], $0x1F40, $0x38;
	[tilespmem:$0x1F7C0] =	vst v63  }
0x4d: {  	_ =	swait.ge [sflag:s14], $0x1F40  }
0x4e: {  	[sflag:s14] =	ssyncset.done $0x0  }
0x4f: {  	[sflag:s14] =	ssyncadd.s32 $0xFFFFE0C0  }
0x50: {  	s4 =	simm.s32 $0x0;
	[bflag:$0x0] =	sbarrier.arrive $0xFFFF  }
0x51: {  	[tilespmem:s18], [sflag:$0x1] =	stream.indirect.gather [hbm4b:s11+s17], $0x40, s4, s17, $0xb8;
	[tilespmem:$0x1F7C0] =	vst v63  }
0x52: {  	s5 =	simm.s32 $0x80  }
0x53: {  	[tilespmem:s20], [sflag:$0x2] =	stream.indirect.gather [hbm4b:s11+s17], $0x40, s5, s17, $0xb8;
	[tilespmem:$0x1F7C0] =	vst v63  }
0x54: {  	_ =	swait.ge [sflag:s21], $0x1F40  }
0x55: {  	[sflag:s21] =	ssyncset.done $0x0  }
0x56: {  	[sflag:s21] =	ssyncadd.s32 $0xFFFFE0C0  }
0x57: {  	[spmem:s1] =	stream.indirect.scatter.add.f32 [tilespmem:s18], [sflag:$0x6], $0x40, s15, s17, $0xb8;
	[tilespmem:$0x1F7C0] =	vst v63  }
0x58: {  	s8 =	simm.s32 $0x100  }
0x59: {  	[tilespmem:s23], [sflag:$0x3] =	stream.indirect.gather [hbm4b:s11+s17], $0x40, s8, s17, $0xb8;
	[tilespmem:$0x1F7C0] =	vst v63  }
0x5a: {  	_ =	swait.ge [sflag:s24], $0x1F40  }
0x5b: {  	[sflag:s24] =	ssyncset.done $0x0  }
0x5c: {  	s7 =	simm.s32 $0x5080;
	[sflag:s24] =	ssyncadd.s32 $0xFFFFE0C0  }
0x5d: {  	[spmem:s1] =	stream.indirect.scatter.add.f32 [tilespmem:s20], [sflag:$0x7], $0x40, s7, s17, $0xb8;
	[tilespmem:$0x1F7C0] =	vst v63  }
0x5e: {  	s8 =	simm.s32 $0x180  }
0x5f: {  	[tilespmem:s28], [sflag:$0x4] =	stream.indirect.gather [hbm4b:s11+s17], $0x40, s8, s17, $0xb8;
	[tilespmem:$0x1F7C0] =	vst v63  }
0x60: {  	_ =	swait.ge [sflag:s29], $0x1F40  }
0x61: {  	[sflag:s29] =	ssyncset.done $0x0  }
0x62: {  	s7 =	simm.s32 $0x5100;
	[sflag:s29] =	ssyncadd.s32 $0xFFFFE0C0  }
0x63: {  	[spmem:s1] =	stream.indirect.scatter.add.f32 [tilespmem:s23], [sflag:$0x8], $0x40, s7, s17, $0xb8;
	[tilespmem:$0x1F7C0] =	vst v63  }
0x64: {  	s8 =	simm.s32 $0x200  }
0x65: {  	[tilespmem:s0], [sflag:$0x5] =	stream.indirect.gather [hbm4b:s11+s17], $0x40, s8, s17, $0xb8;
	[tilespmem:$0x1F7C0] =	vst v63  }
0x66: {  	_ =	swait.ge [sflag:s2], $0x1F40  }
0x67: {  	[sflag:s2] =	ssyncset.done $0x0  }
0x68: {  	s7 =	simm.s32 $0x5180;
	[sflag:s2] =	ssyncadd.s32 $0xFFFFE0C0  }
0x69: {  	[spmem:s1] =	stream.indirect.scatter.add.f32 [tilespmem:s28], [sflag:$0x9], $0x40, s7, s17, $0xb8;
	[tilespmem:$0x1F7C0] =	vst v63  }
0x6a: {  	_ =	swait.ge [sflag:s22], $0x1F40  }
0x6b: {  	[sflag:s22] =	ssyncset.done $0x0  }
0x6c: {  	s8 =	simm.s32 $0x280;
	[sflag:s22] =	ssyncadd.s32 $0xFFFFE0C0  }
0x6d: {  	[tilespmem:s18], [sflag:$0x1] =	stream.indirect.gather [hbm4b:s11+s17], $0x40, s8, s17, $0xb8;
	[tilespmem:$0x1F7C0] =	vst v63  }
0x6e: {  	_ =	swait.ge [sflag:s26], $0x1F40  }
0x6f: {  	[sflag:s26] =	ssyncset.done $0x0  }
0x70: {  	s7 =	simm.s32 $0x5200;
	[sflag:s26] =	ssyncadd.s32 $0xFFFFE0C0  }
0x71: {  	[spmem:s1] =	stream.indirect.scatter.add.f32 [tilespmem:s0], [sflag:$0xA], $0x40, s7, s17, $0xb8;
	[tilespmem:$0x1F7C0] =	vst v63  }
0x72: {  	_ =	swait.ge [sflag:s31], $0x1F40  }
0x73: {  	[sflag:s31] =	ssyncset.done $0x0  }
0x74: {  	s8 =	simm.s32 $0x300;
	[sflag:s31] =	ssyncadd.s32 $0xFFFFE0C0  }
0x75: {  	[tilespmem:s20], [sflag:$0x2] =	stream.indirect.gather [hbm4b:s11+s17], $0x40, s8, s17, $0xb8;
	[tilespmem:$0x1F7C0] =	vst v63  }
.LBB2_4:
0x76: {  	_ =	swait.ge [sflag:s21], $0x1F40  }
0x77: {  	s5 =	sshra.s32 s4, $0x2;
	[sflag:s21] =	ssyncset.done $0x0  }
0x78: {  	s7 =	sadd.s32 $0x5280, s5;
	[sflag:s21] =	ssyncadd.s32 $0xFFFFE0C0  }
0x79: {  	[spmem:s1] =	stream.indirect.scatter.add.f32 [tilespmem:s18], [sflag:$0x6], $0x40, s7, s17, $0xb8;
	[tilespmem:$0x1F7C0] =	vst v63  }
0x7a: {  	_ =	swait.ge [sflag:s25], $0x1F40  }
0x7b: {  	[sflag:s25] =	ssyncset.done $0x0  }
0x7c: {  	s8 =	sadd.s32 $0x380, s5;
	[sflag:s25] =	ssyncadd.s32 $0xFFFFE0C0  }
0x7d: {  	[tilespmem:s23], [sflag:$0x3] =	stream.indirect.gather [hbm4b:s11+s17], $0x40, s8, s17, $0xb8;
	[tilespmem:$0x1F7C0] =	vst v63  }
0x7e: {  	_ =	swait.ge [sflag:s24], $0x1F40  }
0x7f: {  	[sflag:s24] =	ssyncset.done $0x0  }
0x80: {  	s8 =	sadd.s32 $0x5300, s5;
	[sflag:s24] =	ssyncadd.s32 $0xFFFFE0C0  }
0x81: {  	[spmem:s1] =	stream.indirect.scatter.add.f32 [tilespmem:s20], [sflag:$0x7], $0x40, s8, s17, $0xb8;
	[tilespmem:$0x1F7C0] =	vst v63  }
0x82: {  	_ =	swait.ge [sflag:s30], $0x1F40  }
0x83: {  	[sflag:s30] =	ssyncset.done $0x0  }
0x84: {  	s8 =	sadd.s32 $0x400, s5;
	[sflag:s30] =	ssyncadd.s32 $0xFFFFE0C0  }
0x85: {  	[tilespmem:s28], [sflag:$0x4] =	stream.indirect.gather [hbm4b:s11+s17], $0x40, s8, s17, $0xb8;
	[tilespmem:$0x1F7C0] =	vst v63  }
0x86: {  	_ =	swait.ge [sflag:s29], $0x1F40  }
0x87: {  	[sflag:s29] =	ssyncset.done $0x0  }
0x88: {  	s8 =	sadd.s32 $0x5380, s5;
	[sflag:s29] =	ssyncadd.s32 $0xFFFFE0C0  }
0x89: {  	[spmem:s1] =	stream.indirect.scatter.add.f32 [tilespmem:s23], [sflag:$0x8], $0x40, s8, s17, $0xb8;
	[tilespmem:$0x1F7C0] =	vst v63  }
0x8a: {  	_ =	swait.ge [sflag:s19], $0x1F40  }
0x8b: {  	[sflag:s19] =	ssyncset.done $0x0  }
0x8c: {  	s8 =	sadd.s32 $0x480, s5;
	[sflag:s19] =	ssyncadd.s32 $0xFFFFE0C0  }
0x8d: {  	[tilespmem:s0], [sflag:$0x5] =	stream.indirect.gather [hbm4b:s11+s17], $0x40, s8, s17, $0xb8;
	[tilespmem:$0x1F7C0] =	vst v63  }
0x8e: {  	_ =	swait.ge [sflag:s2], $0x1F40  }
0x8f: {  	p0 =	seq.s32 s4, $0x12C00;
	[sflag:s2] =	ssyncset.done $0x0  }
.Ltmp3:
0x90: {  	s8 =	sadd.s32 $0x5400, s5;
	[sflag:s2] =	ssyncadd.s32 $0xFFFFE0C0;
	(pc) =	sbr.rel @p0 .LBB2_6-.Ltmp3, $4  }
0x91: {  	[spmem:s1] =	stream.indirect.scatter.add.f32 [tilespmem:s28], [sflag:$0x9], $0x40, s8, s17, $0xb8;
	[tilespmem:$0x1F7C0] =	vst v63  }
0x92: {  	_ =	swait.ge [sflag:s22], $0x1F40  }
0x93: {  	[sflag:s22] =	ssyncset.done $0x0  }
0x94: {  	s7 =	sadd.s32 $0x5480, s5;
	[sflag:s22] =	ssyncadd.s32 $0xFFFFE0C0  }
0x95: {  	s8 =	sadd.s32 $0x500, s5  }
0x96: {  	[tilespmem:s18], [sflag:$0x1] =	stream.indirect.gather [hbm4b:s11+s17], $0x40, s8, s17, $0xb8;
	[tilespmem:$0x1F7C0] =	vst v63  }
0x97: {  	_ =	swait.ge [sflag:s26], $0x1F40  }
0x98: {  	[sflag:s26] =	ssyncset.done $0x0  }
0x99: {  	[sflag:s26] =	ssyncadd.s32 $0xFFFFE0C0  }
0x9a: {  	[spmem:s1] =	stream.indirect.scatter.add.f32 [tilespmem:s0], [sflag:$0xA], $0x40, s7, s17, $0xb8;
	[tilespmem:$0x1F7C0] =	vst v63  }
.Ltmp4:
0x9b: {  	_ = 	snop;
	(pc) =	sbr.rel .LBB2_4-.Ltmp4, $4  }
0x9c: {  	_ =	swait.ge [sflag:s31], $0x1F40  }
0x9d: {  	[sflag:s31] =	ssyncset.done $0x0  }
0x9e: {  	s4 =	sadd.s32 $0xA00, s4;
	s8 =	sadd.s32 $0x580, s5;
	[sflag:s31] =	ssyncadd.s32 $0xFFFFE0C0  }
0x9f: {  	[tilespmem:s20], [sflag:$0x2] =	stream.indirect.gather [hbm4b:s11+s17], $0x40, s8, s17, $0xb8;
	[tilespmem:$0x1F7C0] =	vst v63  }
.LBB2_7:
0xa0: {  	_ =	sfence.sel $0x180000  }
0xa1: {  	[bflag:$0x0] =	sbarrier.arrive $0xFFFF  }
0xa2: {  	_ =	strace $0x9000004D  }
0xa3: {  	s0 =	stileid.u32;
	[bflag:$0x2] =	sbarrier.arrive $0xFFFF  }
0xa4: {  	p0 =	sne.s32 s0, $0x0;
	s0 =	rddreg [dreg:$0x2]  }
0xa5: {  	s0 =	sadd.s32 @!p0 $0x100000, s0  }
0xa6: {  	[sflag:s0] =	ssyncadd.tile.s32 @!p0 $0x1;
	_ =	shalt  }
.Lfunc_end2:
_tile_overlayer_lowered:
.L_overlay_start_2:
0xa7: {  	(tag) =	ssettag $0x2  }
0xa8: {  	s0 =	rddreg [dreg:$0x0];
	s2 =	stileid.u32  }
0xa9: {  	s1 =	rddreg [dreg:$0x1];
	p0 =	sne.s32 s2, $0x0  }
0xaa: {  	s3 =	rddreg [dreg:$0x2];
	[bflag:$0x3] =	sbarrier.arrive $0xFFFF;
	s2 =	simm.s32 @!p0 $0x1C0B  }
0xab: {  	[timem:s3], [sflag:s2] =	dma.local @!p0 [hbm:s0], s1  }
0xac: {  	s0 =	simm.s32 @!p0 $0xB  }
0xad: {  	_ =	swait.ge @!p0 [sflag:s0], s1  }
0xae: {  	s1 =	ssub.s32 @!p0 $0x0, s1;
	[sflag:s0] =	ssyncset.done @!p0 $0x0  }
0xaf: {  	[sflag:s0] =	ssyncadd.s32 @!p0 s1  }
0xb0: {  	[bflag:$0x3] =	sbarrier.arrive $0xFFFF  }
0xb1: {  	_ =	shalt  }

// kernel: kernel.27.cloned.1.call-start
scs
__scs_entry_jumppad:
0x0: {  	(pc) =	sbr.rel $0x88, $3  }
0x1: {  	(tag) =	ssettag $0x0;
	lr =	simm.s32 $0x1  }
0x2: {  	[smem:$0x3F8E] =	sst lr;
	_ =	strace $0xD0000000  }
0x3: {  	_ = 	snop  }
0x4: {  	_ = 	snop  }
0x5: {  	_ = 	snop  }
0x6: {  	_ = 	snop  }
0x7: {  	_ = 	snop  }
__scs_overlays_trampoline_lowered:
0x8: {  	[smem:$0x3F9D] =	sst s0  }
0x9: {  	[smem:$0x3F9E] =	sst s1  }
0xa: {  	[smem:$0x3F9F] =	sst s2  }
0xb: {  	[smem:$0x3FA0] =	sst s3  }
0xc: {  	[smem:$0x3FA1] =	sst s4  }
0xd: {  	[smem:$0x3FA2] =	sst s5  }
0xe: {  	[smem:$0x3FA3] =	sst s6  }
0xf: {  	[smem:$0x3FA4] =	sst s7  }
0x10: {  	[smem:$0x3FA5] =	sst s8  }
0x11: {  	[smem:$0x3FA6] =	sst s9;
	s0 =	simm.s32 @!p0 $0x0  }
0x12: {  	s1 =	sld [smem:$0x3F8C];
	s0 =	simm.s32 @p0 $0x1  }
0x13: {  	[smem:$0x3FA7] =	sst s0;
	s0 =	simm.s32 @!p1 $0x0  }
0x14: {  	s2 =	sld [smem:$0x3F8B];
	s0 =	simm.s32 @p1 $0x1  }
0x15: {  	[smem:$0x3FA8] =	sst s0;
	s0 =	simm.s32 @!p2 $0x0  }
0x16: {  	s3 =	sld [smem:$0x3FDB];
	s0 =	simm.s32 @p2 $0x1  }
0x17: {  	s4 =	simm.s32 $0x1BF5;
	[smem:$0x3FAA] =	sst s0  }
0x18: {  	s0 =	sld [smem:$0x3F8D];
	_ =	swait.ge [sflag:s4], $0x0  }
0x19: {  	s7 =	sld [smem:$0x3F8E]  }
0x1a: {  	s8 =	sadd.s32 $0xFFFFE003, lr  }
0x1b: {  	s9 =	sadd.s32 $0xFFFFFEF7, lr;
	s5 =	simm.s32 $0xFFFFFFFF;
	p2 =	slt.u32 s8, $0xFFFFF086  }
0x1c: {  	p1 =	slt.u32 s9, $0xF7A;
	s5 =	simm.s32 @!p2 $0x0  }
0x1d: {  	s5 =	simm.s32 @p1 $0x1;
	p0 =	seq.s32 s7, s2  }
0x1e: {  	s7 =	smul.u32 @!p0 $0xF7A, s2;
	p2 =	seq.s32 @!p0 s5, $0x0  }
0x1f: {  	s9 =	smul.u32 $0xF7A, s1;
	s8 =	simm.s32 @!p0 $0x1BF5;
	p2 =	por !p2, p0  }
0x20: {  	[sflag:s8] =	ssyncset.s32 @!p0 $0xFFFFF086;
	s6 =	sadd.s32 @!p0 s3, s7;
	s7 =	simm.s32 @!p0 $0x108  }
0x21: {  	s3 =	sadd.s32 s3, s9;
	s6 =	sadd.s32 @!p0 $0x88, s6;
	s7 =	simm.s32 @p2 $0x1082  }
0x22: {  	[simem:s7], [sflag:s8] =	dma.local @!p0 [hbm:s6], $0xF7A  }
0x23: {  	s9 =	sor.u32 $0xD0000000, s2;
	s6 =	simm.s32 $0x108;
	_ =	swait.ge @!p0 [sflag:s8], $0x0  }
0x24: {  	s3 =	sadd.s32 $0x88, s3;
	s6 =	simm.s32 @!p1 $0x1082;
	[sflag:s4] =	ssyncset.s32 $0xFFFFF086  }
0x25: {  	[simem:s6], [sflag:s4] =	dma.local [hbm:s3], $0xF7A  }
0x26: {  	[smem:$0x3F8E] =	sst s1;
	(tag) =	ssettag s2;
	_ =	strace s9  }
0x27: {  	s1 =	sld [smem:$0x3F9E]  }
0x28: {  	s2 =	sld [smem:$0x3F9F]  }
0x29: {  	s4 =	sld [smem:$0x3FA1]  }
0x2a: {  	p0 =	seq.s32 s5, $0x0;
	s5 =	sld [smem:$0x3FA2]  }
0x2b: {  	s6 =	sld [smem:$0x3FA3]  }
0x2c: {  	s7 =	sld [smem:$0x3FA4]  }
0x2d: {  	s3 =	simm.s32 $0x108;
	s8 =	sld [smem:$0x3FA5]  }
0x2e: {  	s3 =	simm.s32 @!p0 $0x1082;
	s9 =	sld [smem:$0x3FA6]  }
0x2f: {  	lr =	sadd.s32 s0, s3;
	s0 =	sld [smem:$0x3F9D]  }
0x30: {  	s3 =	sld [smem:$0x3FA0]  }
0x31: {  	[smem:$0x3FA9] =	sst s10  }
0x32: {  	s10 =	sld [smem:$0x3FA7];
	_ =	sdelay $0x3  }
0x33: {  	p0 =	seq.s32 s10, $0x1;
	s10 =	sld [smem:$0x3FA9];
	_ =	sdelay $0x3  }
0x34: {  	[smem:$0x3FA9] =	sst s10  }
0x35: {  	s10 =	sld [smem:$0x3FA8];
	_ =	sdelay $0x3  }
0x36: {  	p1 =	seq.s32 s10, $0x1;
	s10 =	sld [smem:$0x3FA9];
	_ =	sdelay $0x3  }
0x37: {  	[smem:$0x3FA9] =	sst s10  }
0x38: {  	s10 =	sld [smem:$0x3FAA]  }
0x39: {  	_ = 	snop;
	(pc) =	sbr.ind lr, $3  }
0x3a: {  	_ = 	snop  }
0x3b: {  	_ = 	snop  }
0x3c: {  	p2 =	seq.s32 s10, $0x1;
	s10 =	sld [smem:$0x3FA9]  }
0x3d: {  	_ =	shalt  }
0x3e: {  	_ =	shalt  }
0x3f: {  	_ =	shalt  }
0x40: {  	_ =	shalt  }
0x41: {  	_ =	shalt  }
0x42: {  	_ =	shalt  }
0x43: {  	_ =	shalt  }
0x44: {  	_ =	shalt  }
0x45: {  	_ =	shalt  }
0x46: {  	_ =	shalt  }
0x47: {  	_ =	shalt  }
0x48: {  	_ =	shalt  }
0x49: {  	_ =	shalt  }
0x4a: {  	_ =	shalt  }
0x4b: {  	_ =	shalt  }
0x4c: {  	_ =	shalt  }
0x4d: {  	_ =	shalt  }
0x4e: {  	_ =	shalt  }
0x4f: {  	_ =	shalt  }
0x50: {  	_ =	shalt  }
0x51: {  	_ =	shalt  }
0x52: {  	_ =	shalt  }
0x53: {  	_ =	shalt  }
0x54: {  	_ =	shalt  }
0x55: {  	_ =	shalt  }
0x56: {  	_ =	shalt  }
0x57: {  	_ =	shalt  }
0x58: {  	_ =	shalt  }
0x59: {  	_ =	shalt  }
0x5a: {  	_ =	shalt  }
0x5b: {  	_ =	shalt  }
0x5c: {  	_ =	shalt  }
0x5d: {  	_ =	shalt  }
0x5e: {  	_ =	shalt  }
0x5f: {  	_ =	shalt  }
0x60: {  	_ =	shalt  }
0x61: {  	_ =	shalt  }
0x62: {  	_ =	shalt  }
0x63: {  	_ =	shalt  }
0x64: {  	_ =	shalt  }
0x65: {  	_ =	shalt  }
0x66: {  	_ =	shalt  }
0x67: {  	_ =	shalt  }
0x68: {  	_ =	shalt  }
0x69: {  	_ =	shalt  }
0x6a: {  	_ =	shalt  }
0x6b: {  	_ =	shalt  }
0x6c: {  	_ =	shalt  }
0x6d: {  	_ =	shalt  }
0x6e: {  	_ =	shalt  }
0x6f: {  	_ =	shalt  }
0x70: {  	_ =	shalt  }
0x71: {  	_ =	shalt  }
0x72: {  	_ =	shalt  }
0x73: {  	_ =	shalt  }
0x74: {  	_ =	shalt  }
0x75: {  	_ =	shalt  }
0x76: {  	_ =	shalt  }
0x77: {  	_ =	shalt  }
0x78: {  	_ =	shalt  }
0x79: {  	_ =	shalt  }
0x7a: {  	_ =	shalt  }
0x7b: {  	_ =	shalt  }
0x7c: {  	_ =	shalt  }
0x7d: {  	_ =	shalt  }
0x7e: {  	_ =	shalt  }
0x7f: {  	_ =	shalt  }
0x80: {  	_ =	shalt  }
0x81: {  	_ =	shalt  }
0x82: {  	_ =	shalt  }
0x83: {  	_ =	shalt  }
0x84: {  	_ =	shalt  }
0x85: {  	_ =	shalt  }
0x86: {  	_ =	shalt  }
0x87: {  	_ =	shalt  }
.Lfunc_end0:
.L_simem_size_0:
called_computation.3_lowered:
.L_overlay_start_0:
0x88: {  	s2 =	sld [smem:$0x3FD9]  }
0x89: {  	s3 =	sld [smem:$0x3FFE];
	_ =	sdelay $0x1  }
0x8a: {  	s1 =	srdreg.scid  }
0x8b: {  	s0 =	sand.u32 $0x1, s1  }
0x8c: {  	s16 =	sshll.u32 s0, $0xA;
	s2 =	sadd.s32 s3, s2  }
0x8d: {  	s2 =	sadd.s32 s2, s16  }
0x8e: {  	[smem:$0x3FB5] =	sst s2  }
0x8f: {  	_ = 	snop  }
0x90: {  	(tm) =	ssettm $0x1  }
0x91: {  	s17 =	sld [smem:$0x3FFB];
	_ =	sdelay $0x3  }
0x92: {  	_ =	strace s17  }
0x93: {  	s2 =	sld [smem:$0x3FFC];
	_ =	sdelay $0x3  }
0x94: {  	_ =	strace s2  }
0x95: {  	s2 =	sld [smem:$0x3FFD];
	_ =	sdelay $0x3  }
0x96: {  	_ =	strace s2  }
0x97: {  	_ =	strace $0x8FFFFFFF  }
0x98: {  	s18 =	sld [smem:$0x3FDB];
	_ =	sdelay $0x1  }
0x99: {  	s19 =	simm.s32 $_scs_section_size  }
0x9a: {  	s4 =	simm.s32 $_size__tile_overlayer_lowered;
	s5 =	simm.s32 $_tile_overlayer_lowered  }
0x9b: {  	s22 =	simm.s32 $0x1BFF;
	s21 =	sshll.u32 s5, $0x1;
	s2 =	sadd.s32 s19, s18  }
0x9c: {  	s6 =	simm.s32 $0x0;
	s20 =	sshll.u32 s4, $0x1;
	s4 =	sadd.s32 s21, s2  }
0x9d: {  	[timem:s6], [sflag:s22] =	dma.local [hbm:s4], s20  }
0x9e: {  	_ =	swait.ge [sflag:s22], s20  }
0x9f: {  	s3 =	ssub.s32 $0x0, s20;
	[sflag:s22] =	ssyncset.done $0x0  }
0xa0: {  	[sflag:s22] =	ssyncadd.s32 s3;
	_ =	sdelay $0x1  }
0xa1: {  	s23 =	simm.s32 $0x1B8B  }
0xa2: {  	_ =	swait.ge [sflag:s23], $0x1  }
0xa3: {  	[sflag:s23] =	ssyncset.done $0x0  }
0xa4: {  	s25 =	simm.s32 $0x1B8E;
	s24 =	sld [smem:$0x3FFE];
	[sflag:s23] =	ssyncadd.s32 $0xFFFFFFFF  }
0xa5: {  	s26 =	simm.s32 $execute0_lowered;
	[smem:$0x3FD2] =	sst s25  }
0xa6: {  	s4 =	sshll.u32 s26, $0x1;
	_ =	strace $0x8000004F;
	[dreg:$0x1] =	wrdreg $0xFFFFFFFF  }
0xa7: {  	s28 =	simm.s32 $_size_execute0_lowered;
	s2 =	sadd.s32 s2, s4;
	[dreg:$0x0] =	wrdreg $0x0  }
0xa8: {  	s4 =	sshll.u32 s28, $0x1;
	[dreg:$0x2] =	wrdreg s2  }
0xa9: {  	[dreg:$0x3] =	wrdreg s4  }
0xaa: {  	[dreg:$0x4] =	wrdreg $0xC0  }
0xab: {  	_ =	task [dreg:s6], $0x5FFFF  }
0xac: {  	[dreg:$0x1] =	wrdreg $0xFFFFFFFF  }
0xad: {  	[dreg:$0x0] =	wrdreg $0x60  }
0xae: {  	[dreg:$0x2] =	wrdreg s24  }
0xaf: {  	[dreg:$0x3] =	wrdreg $0x15B800  }
0xb0: {  	[dreg:$0x4] =	wrdreg $0xA  }
0xb1: {  	_ =	task.clear_ibuf [dreg:s6], $0x5FFFF;
	_ =	strace $0x9000004F  }
0xb2: {  	s29 =	simm.s32 $0xA;
	_ =	strace $0x80000051  }
0xb3: {  	_ =	swait.ge [sflag:s29], $0x1  }
0xb4: {  	[sflag:s29] =	ssyncadd.s32 $0xFFFFFFFF  }
0xb5: {  	_ =	strace $0x90000051  }
0xb6: {  	_ =	sfence  }
0xb7: {  	s30 =	sld [smem:$0x0];
	_ =	sdelay $0x2  }
0xb8: {  	s31 =	sshll.u32 s1, $0xD;
	s1 =	sshrl.u32 s1, $0x2  }
0xb9: {  	s3 =	sand.u32 $0x4000, s31;
	s1 =	sadd.s32 s1, s30  }
0xba: {  	s0 =	sor.u32 s3, s0;
	s1 =	sshll.u32 s1, $0x11  }
0xbb: {  	s0 =	sor.u32 s1, s0  }
0xbc: {  	s0 =	sadd.s32 $0x8F2B, s0  }
0xbd: {  	[sflag:s0] =	ssyncadd.remote.s32 $0x1  }
0xbe: {  	_ =	sfence.sel $0xFFFF  }
0xbf: {  	[dreg:$0x0] =	wrdreg $0xFFFFFFFF;
	(pc) =	sbr.abs _section_cstart, $3  }
0xc0: {  	[dreg:$0x1] =	wrdreg $0xFFFFFFFF  }
0xc1: {  	_ =	task.clear_ibuf [dreg:s6], $0x2FFFF;
	_ =	strace $0x9FFFFFFF  }
0xc2: {  	(tm) =	ssettm $0x7FFFFFFF  }
0xc3: {  	_ =	shalt  }
tec
execute0_lowered:
.L_overlay_start_1:
0x0: {  	(tag) =	ssettag $0x1  }
0x1: {  	s0 =	rddreg [dreg:$0x0]  }
0x2: {  	s1 =	rddreg [dreg:$0x1];
	s2 =	srdreg.scid;
	s4 =	simm.s32 $0x0  }
0x3: {  	s7 =	stileid.u32;
	s14 =	simm.s32 $0xB;
	s15 =	simm.s32 $0x5000  }
0x4: {  	s16 =	simm.s32 $0x13C40;
	s17 =	simm.s32 $0x7D;
	s18 =	simm.s32 $0xA000  }
0x5: {  	s20 =	simm.s32 $0xBF40;
	s28 =	simm.s32 $0xFDC0;
	s21 =	smul.u32 $0x9C40, s7  }
0x6: {  	s29 =	simm.s32 $0x3;
	s31 =	simm.s32 $0x7;
	s6 =	smul.u32 $0xA00, s7  }
0x7: {  	s30 =	simm.s32 $0x9;
	s2 =	sand.u32 $0x1, s2;
	s7 =	smul.u32 $0x27100, s7  }
0x8: {  	s19 =	simm.s32 $0xA;
	[smem:$0x7FF] =	sst s4;
	s3 =	smul.u32 $0x9C400, s2  }
0x9: {  	_ =	strace $0x80000050;
	s2 =	ssub.s32 $0x2, s2;
	s6 =	sadd.s32 s6, s0  }
0xa: {  	s22 =	sshrl.u32 s2, $0x1;
	s7 =	sshrl.u32 s7, $0x2;
	s5 =	sshrl.u32 s3, $0x3  }
0xb: {  	s3 =	sadd.s32 s21, s3;
	s2 =	ssub.s32 s2, s22;
	s23 =	sadd.s32 $0x13000, s6  }
0xc: {  	s24 =	sadd.s32 s7, s1;
	s6 =	sadd.s32 $0x9000, s6;
	s22 =	simm.s32 $0x6  }
0xd: {  	s5 =	sadd.s32 s5, s0;
	s3 =	sshrl.u32 s3, $0x3;
	[dreg:$0x3] =	wrdreg s23  }
0xe: {  	[dreg:$0x4] =	wrdreg s6;
	s6 =	sadd.s32 s21, s1;
	s25 =	sadd.s32 $0x1F40, s24  }
0xf: {  	s26 =	sadd.s32 $0x3E80, s24;
	s9 =	sadd.s32 $0x5DC0, s24;
	s10 =	sadd.s32 $0x7D00, s24  }
.Ltmp0:
0x10: {  	s13 =	smax.u32 s2, $0x1;
	s21 =	simm.s32 $0x1;
	(pc) =	sbr.rel .LBB2_1-.Ltmp0, $4  }
0x11: {  	s23 =	simm.s32 $0xDE80;
	s24 =	simm.s32 $0x2;
	[dreg:$0x5] =	wrdreg s25  }
0x12: {  	s2 =	simm.s32 $0x4;
	s0 =	sadd.s32 s3, s0;
	[dreg:$0x6] =	wrdreg s26  }
0x13: {  	s11 =	sadd.s32 $0xBA600, s5;
	s26 =	simm.s32 $0x5;
	s25 =	simm.s32 $0x8  }
0x14: {  	v0 =	vimm.f32 $0.0e+00;
	s3 =	simm.s32 $0x0;
	s12 =	sadd.s32 $0xE1800, s0;
	s0 =	simm.s32 $0x11D00  }
.LBB2_6:
0x15: {  	_ =	swait.ge [sflag:s26], $0x1F40  }
0x16: {  	[sflag:s26] =	ssyncset.done $0x0  }
0x17: {  	[sflag:s26] =	ssyncadd.s32 $0xFFFFE0C0  }
0x18: {  	[spmem:s1] =	stream.indirect.scatter.add.f32 [tilespmem:s0], [sflag:$0xA], $0x40, s7, s17, $0xb8;
	[tilespmem:$0x1F7C0] =	vst v63  }
0x19: {  	_ =	swait.ge [sflag:s31], $0x1F40  }
0x1a: {  	[sflag:s31] =	ssyncset.done $0x0  }
0x1b: {  	[sflag:s31] =	ssyncadd.s32 $0xFFFFE0C0  }
0x1c: {  	_ =	swait.ge [sflag:s25], $0x1F40  }
0x1d: {  	[sflag:s25] =	ssyncset.done $0x0  }
0x1e: {  	[sflag:s25] =	ssyncadd.s32 $0xFFFFE0C0  }
0x1f: {  	_ =	swait.ge [sflag:s30], $0x1F40  }
0x20: {  	[sflag:s30] =	ssyncset.done $0x0  }
0x21: {  	[sflag:s30] =	ssyncadd.s32 $0xFFFFE0C0  }
0x22: {  	s4 =	stileid.u32;
	_ =	swait.ge [sflag:s19], $0x1F40  }
0x23: {  	s5 =	sshrl.u32 s6, $0x3;
	s3 =	sadd.s32 $0x1, s3;
	[sflag:s19] =	ssyncset.done $0x0  }
0x24: {  	s4 =	sshll.u32 s4, $0x6;
	p0 =	sne.s32 s3, s13;
	[sflag:s19] =	ssyncadd.s32 $0xFFFFE0C0  }
.Ltmp1:
0x25: {  	s4 =	sor.u32 $0x1C0B, s4;
	[bflag:$0x0] =	sbarrier.arrive $0xFFFF;
	(pc) =	sbr.rel @!p0 .LBB2_7-.Ltmp1, $4  }
0x26: {  	[hbm:s12], [sflag:s4] =	dma.local [spmem:s5], $0x1388  }
0x27: {  	_ =	swait.ge [sflag:s14], $0x1388  }
0x28: {  	[sflag:s14] =	ssyncset.done $0x0  }
0x29: {  	[sflag:s14] =	ssyncadd.s32 $0xFFFFEC78  }
.LBB2_1:
0x2a: {  	s4 =	simm.s32 $0x0;
	s5 =	rddreg [dreg:$0x3]  }
0x2b: {  	[tilespmem:s4], [sflag:$0xB] =	stream.linear.gather [hbm4b:s5+s4], $0x5000, $0x38;
	[tilespmem:$0x1F7C0] =	vst v63  }
0x2c: {  	_ =	swait.ge [sflag:s14], $0x5000  }
0x2d: {  	[sflag:s14] =	ssyncset.done $0x0  }
0x2e: {  	s8 =	rddreg [dreg:$0x4];
	[sflag:s14] =	ssyncadd.s32 $0xFFFFB000  }
0x2f: {  	[tilespmem:s15], [sflag:$0xB] =	stream.linear.gather [hbm4b:s8+s4], $0x5000, $0x38;
	[tilespmem:$0x1F7C0] =	vst v63  }
0x30: {  	_ =	swait.ge [sflag:s14], $0x5000  }
0x31: {  	[sflag:s14] =	ssyncset.done $0x0  }
0x32: {  	s5 =	simm.s32 $0x100;
	s4 =	simm.s32 $0x0;
	[sflag:s14] =	ssyncadd.s32 $0xFFFFB000  }
.LBB2_2:
0x33: {  	p0 =	sne.s32 s5, $0x7C00;
	[tilespmem:s4+$0x13C70] =	vst v0;
	s7 =	smov.u32 s5;
	s5 =	sadd.s32 $0x100, s5  }
.Ltmp2:
0x34: {  	[tilespmem:s4+$0x13C60] =	vst v0;
	(pc) =	sbr.rel @p0 .LBB2_2-.Ltmp2, $3  }
0x35: {  	[tilespmem:s4+$0x13C40] =	vst v0  }
0x36: {  	[tilespmem:s4+$0x13C50] =	vst v0;
	_ =	sdelay $0x1  }
0x37: {  	s4 =	sshra.s32 s7, $0x2  }
0x38: {  	[tilespmem:s4+$0x13C70] =	vst v0  }
0x39: {  	[tilespmem:s4+$0x13C60] =	vst v0  }
0x3a: {  	[tilespmem:s4+$0x13C40] =	vst v0  }
0x3b: {  	[tilespmem:s4+$0x13C50] =	vst v0  }
0x3c: {  	[spmem:s6] =	stream.linear.scatter [tilespmem:s16], [sflag:$0xB], $0x1F40, $0x38;
	[tilespmem:$0x1F7C0] =	vst v63  }
0x3d: {  	_ =	swait.ge [sflag:s14], $0x1F40  }
0x3e: {  	[sflag:s14] =	ssyncset.done $0x0  }
0x3f: {  	s5 =	rddreg [dreg:$0x5];
	[sflag:s14] =	ssyncadd.s32 $0xFFFFE0C0  }
0x40: {  	[spmem:s5] =	stream.linear.scatter [tilespmem:s16], [sflag:$0xB], $0x1F40, $0x38;
	[tilespmem:$0x1F7C0] =	vst v63  }
0x41: {  	_ =	swait.ge [sflag:s14], $0x1F40  }
0x42: {  	[sflag:s14] =	ssyncset.done $0x0  }
0x43: {  	s7 =	rddreg [dreg:$0x6];
	[sflag:s14] =	ssyncadd.s32 $0xFFFFE0C0  }
0x44: {  	[spmem:s7] =	stream.linear.scatter [tilespmem:s16], [sflag:$0xB], $0x1F40, $0x38;
	[tilespmem:$0x1F7C0] =	vst v63  }
0x45: {  	_ =	swait.ge [sflag:s14], $0x1F40  }
0x46: {  	[sflag:s14] =	ssyncset.done $0x0  }
0x47: {  	[sflag:s14] =	ssyncadd.s32 $0xFFFFE0C0  }
0x48: {  	[spmem:s9] =	stream.linear.scatter [tilespmem:s16], [sflag:$0xB], $0x1F40, $0x38;
	[tilespmem:$0x1F7C0] =	vst v63  }
0x49: {  	_ =	swait.ge [sflag:s14], $0x1F40  }
0x4a: {  	[sflag:s14] =	ssyncset.done $0x0  }
0x4b: {  	[sflag:s14] =	ssyncadd.s32 $0xFFFFE0C0  }
0x4c: {  	[spmem:s10] =	stream.linear.scatter [tilespmem:s16], [sflag:$0xB], $0x1F40, $0x38;
	[tilespmem:$0x1F7C0] =	vst v63  }
0x4d: {  	_ =	swait.ge [sflag:s14], $0x1F40  }
0x4e: {  	[sflag:s14] =	ssyncset.done $0x0  }
0x4f: {  	[sflag:s14] =	ssyncadd.s32 $0xFFFFE0C0  }
0x50: {  	s4 =	simm.s32 $0x0;
	[bflag:$0x0] =	sbarrier.arrive $0xFFFF  }
0x51: {  	[tilespmem:s18], [sflag:$0x1] =	stream.indirect.gather [hbm4b:s11+s17], $0x40, s4, s17, $0xb8;
	[tilespmem:$0x1F7C0] =	vst v63  }
0x52: {  	s5 =	simm.s32 $0x80  }
0x53: {  	[tilespmem:s20], [sflag:$0x2] =	stream.indirect.gather [hbm4b:s11+s17], $0x40, s5, s17, $0xb8;
	[tilespmem:$0x1F7C0] =	vst v63  }
0x54: {  	_ =	swait.ge [sflag:s21], $0x1F40  }
0x55: {  	[sflag:s21] =	ssyncset.done $0x0  }
0x56: {  	[sflag:s21] =	ssyncadd.s32 $0xFFFFE0C0  }
0x57: {  	[spmem:s1] =	stream.indirect.scatter.add.f32 [tilespmem:s18], [sflag:$0x6], $0x40, s15, s17, $0xb8;
	[tilespmem:$0x1F7C0] =	vst v63  }
0x58: {  	s8 =	simm.s32 $0x100  }
0x59: {  	[tilespmem:s23], [sflag:$0x3] =	stream.indirect.gather [hbm4b:s11+s17], $0x40, s8, s17, $0xb8;
	[tilespmem:$0x1F7C0] =	vst v63  }
0x5a: {  	_ =	swait.ge [sflag:s24], $0x1F40  }
0x5b: {  	[sflag:s24] =	ssyncset.done $0x0  }
0x5c: {  	s7 =	simm.s32 $0x5080;
	[sflag:s24] =	ssyncadd.s32 $0xFFFFE0C0  }
0x5d: {  	[spmem:s1] =	stream.indirect.scatter.add.f32 [tilespmem:s20], [sflag:$0x7], $0x40, s7, s17, $0xb8;
	[tilespmem:$0x1F7C0] =	vst v63  }
0x5e: {  	s8 =	simm.s32 $0x180  }
0x5f: {  	[tilespmem:s28], [sflag:$0x4] =	stream.indirect.gather [hbm4b:s11+s17], $0x40, s8, s17, $0xb8;
	[tilespmem:$0x1F7C0] =	vst v63  }
0x60: {  	_ =	swait.ge [sflag:s29], $0x1F40  }
0x61: {  	[sflag:s29] =	ssyncset.done $0x0  }
0x62: {  	s7 =	simm.s32 $0x5100;
	[sflag:s29] =	ssyncadd.s32 $0xFFFFE0C0  }
0x63: {  	[spmem:s1] =	stream.indirect.scatter.add.f32 [tilespmem:s23], [sflag:$0x8], $0x40, s7, s17, $0xb8;
	[tilespmem:$0x1F7C0] =	vst v63  }
0x64: {  	s8 =	simm.s32 $0x200  }
0x65: {  	[tilespmem:s0], [sflag:$0x5] =	stream.indirect.gather [hbm4b:s11+s17], $0x40, s8, s17, $0xb8;
	[tilespmem:$0x1F7C0] =	vst v63  }
0x66: {  	_ =	swait.ge [sflag:s2], $0x1F40  }
0x67: {  	[sflag:s2] =	ssyncset.done $0x0  }
0x68: {  	s7 =	simm.s32 $0x5180;
	[sflag:s2] =	ssyncadd.s32 $0xFFFFE0C0  }
0x69: {  	[spmem:s1] =	stream.indirect.scatter.add.f32 [tilespmem:s28], [sflag:$0x9], $0x40, s7, s17, $0xb8;
	[tilespmem:$0x1F7C0] =	vst v63  }
0x6a: {  	_ =	swait.ge [sflag:s22], $0x1F40  }
0x6b: {  	[sflag:s22] =	ssyncset.done $0x0  }
0x6c: {  	s8 =	simm.s32 $0x280;
	[sflag:s22] =	ssyncadd.s32 $0xFFFFE0C0  }
0x6d: {  	[tilespmem:s18], [sflag:$0x1] =	stream.indirect.gather [hbm4b:s11+s17], $0x40, s8, s17, $0xb8;
	[tilespmem:$0x1F7C0] =	vst v63  }
0x6e: {  	_ =	swait.ge [sflag:s26], $0x1F40  }
0x6f: {  	[sflag:s26] =	ssyncset.done $0x0  }
0x70: {  	s7 =	simm.s32 $0x5200;
	[sflag:s26] =	ssyncadd.s32 $0xFFFFE0C0  }
0x71: {  	[spmem:s1] =	stream.indirect.scatter.add.f32 [tilespmem:s0], [sflag:$0xA], $0x40, s7, s17, $0xb8;
	[tilespmem:$0x1F7C0] =	vst v63  }
0x72: {  	_ =	swait.ge [sflag:s31], $0x1F40  }
0x73: {  	[sflag:s31] =	ssyncset.done $0x0  }
0x74: {  	s8 =	simm.s32 $0x300;
	[sflag:s31] =	ssyncadd.s32 $0xFFFFE0C0  }
0x75: {  	[tilespmem:s20], [sflag:$0x2] =	stream.indirect.gather [hbm4b:s11+s17], $0x40, s8, s17, $0xb8;
	[tilespmem:$0x1F7C0] =	vst v63  }
.LBB2_4:
0x76: {  	_ =	swait.ge [sflag:s21], $0x1F40  }
0x77: {  	s5 =	sshra.s32 s4, $0x2;
	[sflag:s21] =	ssyncset.done $0x0  }
0x78: {  	s7 =	sadd.s32 $0x5280, s5;
	[sflag:s21] =	ssyncadd.s32 $0xFFFFE0C0  }
0x79: {  	[spmem:s1] =	stream.indirect.scatter.add.f32 [tilespmem:s18], [sflag:$0x6], $0x40, s7, s17, $0xb8;
	[tilespmem:$0x1F7C0] =	vst v63  }
0x7a: {  	_ =	swait.ge [sflag:s25], $0x1F40  }
0x7b: {  	[sflag:s25] =	ssyncset.done $0x0  }
0x7c: {  	s8 =	sadd.s32 $0x380, s5;
	[sflag:s25] =	ssyncadd.s32 $0xFFFFE0C0  }
0x7d: {  	[tilespmem:s23], [sflag:$0x3] =	stream.indirect.gather [hbm4b:s11+s17], $0x40, s8, s17, $0xb8;
	[tilespmem:$0x1F7C0] =	vst v63  }
0x7e: {  	_ =	swait.ge [sflag:s24], $0x1F40  }
0x7f: {  	[sflag:s24] =	ssyncset.done $0x0  }
0x80: {  	s8 =	sadd.s32 $0x5300, s5;
	[sflag:s24] =	ssyncadd.s32 $0xFFFFE0C0  }
0x81: {  	[spmem:s1] =	stream.indirect.scatter.add.f32 [tilespmem:s20], [sflag:$0x7], $0x40, s8, s17, $0xb8;
	[tilespmem:$0x1F7C0] =	vst v63  }
0x82: {  	_ =	swait.ge [sflag:s30], $0x1F40  }
0x83: {  	[sflag:s30] =	ssyncset.done $0x0  }
0x84: {  	s8 =	sadd.s32 $0x400, s5;
	[sflag:s30] =	ssyncadd.s32 $0xFFFFE0C0  }
0x85: {  	[tilespmem:s28], [sflag:$0x4] =	stream.indirect.gather [hbm4b:s11+s17], $0x40, s8, s17, $0xb8;
	[tilespmem:$0x1F7C0] =	vst v63  }
0x86: {  	_ =	swait.ge [sflag:s29], $0x1F40  }
0x87: {  	[sflag:s29] =	ssyncset.done $0x0  }
0x88: {  	s8 =	sadd.s32 $0x5380, s5;
	[sflag:s29] =	ssyncadd.s32 $0xFFFFE0C0  }
0x89: {  	[spmem:s1] =	stream.indirect.scatter.add.f32 [tilespmem:s23], [sflag:$0x8], $0x40, s8, s17, $0xb8;
	[tilespmem:$0x1F7C0] =	vst v63  }
0x8a: {  	_ =	swait.ge [sflag:s19], $0x1F40  }
0x8b: {  	[sflag:s19] =	ssyncset.done $0x0  }
0x8c: {  	s8 =	sadd.s32 $0x480, s5;
	[sflag:s19] =	ssyncadd.s32 $0xFFFFE0C0  }
0x8d: {  	[tilespmem:s0], [sflag:$0x5] =	stream.indirect.gather [hbm4b:s11+s17], $0x40, s8, s17, $0xb8;
	[tilespmem:$0x1F7C0] =	vst v63  }
0x8e: {  	_ =	swait.ge [sflag:s2], $0x1F40  }
0x8f: {  	p0 =	seq.s32 s4, $0x12C00;
	[sflag:s2] =	ssyncset.done $0x0  }
.Ltmp3:
0x90: {  	s8 =	sadd.s32 $0x5400, s5;
	[sflag:s2] =	ssyncadd.s32 $0xFFFFE0C0;
	(pc) =	sbr.rel @p0 .LBB2_6-.Ltmp3, $4  }
0x91: {  	[spmem:s1] =	stream.indirect.scatter.add.f32 [tilespmem:s28], [sflag:$0x9], $0x40, s8, s17, $0xb8;
	[tilespmem:$0x1F7C0] =	vst v63  }
0x92: {  	_ =	swait.ge [sflag:s22], $0x1F40  }
0x93: {  	[sflag:s22] =	ssyncset.done $0x0  }
0x94: {  	s7 =	sadd.s32 $0x5480, s5;
	[sflag:s22] =	ssyncadd.s32 $0xFFFFE0C0  }
0x95: {  	s8 =	sadd.s32 $0x500, s5  }
0x96: {  	[tilespmem:s18], [sflag:$0x1] =	stream.indirect.gather [hbm4b:s11+s17], $0x40, s8, s17, $0xb8;
	[tilespmem:$0x1F7C0] =	vst v63  }
0x97: {  	_ =	swait.ge [sflag:s26], $0x1F40  }
0x98: {  	[sflag:s26] =	ssyncset.done $0x0  }
0x99: {  	[sflag:s26] =	ssyncadd.s32 $0xFFFFE0C0  }
0x9a: {  	[spmem:s1] =	stream.indirect.scatter.add.f32 [tilespmem:s0], [sflag:$0xA], $0x40, s7, s17, $0xb8;
	[tilespmem:$0x1F7C0] =	vst v63  }
.Ltmp4:
0x9b: {  	_ = 	snop;
	(pc) =	sbr.rel .LBB2_4-.Ltmp4, $4  }
0x9c: {  	_ =	swait.ge [sflag:s31], $0x1F40  }
0x9d: {  	[sflag:s31] =	ssyncset.done $0x0  }
0x9e: {  	s4 =	sadd.s32 $0xA00, s4;
	s8 =	sadd.s32 $0x580, s5;
	[sflag:s31] =	ssyncadd.s32 $0xFFFFE0C0  }
0x9f: {  	[tilespmem:s20], [sflag:$0x2] =	stream.indirect.gather [hbm4b:s11+s17], $0x40, s8, s17, $0xb8;
	[tilespmem:$0x1F7C0] =	vst v63  }
.LBB2_7:
0xa0: {  	_ =	sfence.sel $0x180000  }
0xa1: {  	[bflag:$0x0] =	sbarrier.arrive $0xFFFF  }
0xa2: {  	_ =	strace $0x90000050  }
0xa3: {  	s0 =	stileid.u32;
	[bflag:$0x2] =	sbarrier.arrive $0xFFFF  }
0xa4: {  	p0 =	sne.s32 s0, $0x0;
	s0 =	rddreg [dreg:$0x2]  }
0xa5: {  	s0 =	sadd.s32 @!p0 $0x100000, s0  }
0xa6: {  	[sflag:s0] =	ssyncadd.tile.s32 @!p0 $0x1;
	_ =	shalt  }
.Lfunc_end2:
_tile_overlayer_lowered:
.L_overlay_start_2:
0xa7: {  	(tag) =	ssettag $0x2  }
0xa8: {  	s0 =	rddreg [dreg:$0x0];
	s2 =	stileid.u32  }
0xa9: {  	s1 =	rddreg [dreg:$0x1];
	p0 =	sne.s32 s2, $0x0  }
0xaa: {  	s3 =	rddreg [dreg:$0x2];
	[bflag:$0x3] =	sbarrier.arrive $0xFFFF;
	s2 =	simm.s32 @!p0 $0x1C0B  }
0xab: {  	[timem:s3], [sflag:s2] =	dma.local @!p0 [hbm:s0], s1  }
0xac: {  	s0 =	simm.s32 @!p0 $0xB  }
0xad: {  	_ =	swait.ge @!p0 [sflag:s0], s1  }
0xae: {  	s1 =	ssub.s32 @!p0 $0x0, s1;
	[sflag:s0] =	ssyncset.done @!p0 $0x0  }
0xaf: {  	[sflag:s0] =	ssyncadd.s32 @!p0 s1  }
0xb0: {  	[bflag:$0x3] =	sbarrier.arrive $0xFFFF  }
0xb1: {  	_ =	shalt  }

// kernel: kernel.30.cloned.1.call-start
scs
__scs_entry_jumppad:
0x0: {  	(pc) =	sbr.rel $0x88, $3  }
0x1: {  	(tag) =	ssettag $0x0;
	lr =	simm.s32 $0x1  }
0x2: {  	[smem:$0x3F8E] =	sst lr;
	_ =	strace $0xD0000000  }
0x3: {  	_ = 	snop  }
0x4: {  	_ = 	snop  }
0x5: {  	_ = 	snop  }
0x6: {  	_ = 	snop  }
0x7: {  	_ = 	snop  }
__scs_overlays_trampoline_lowered:
0x8: {  	[smem:$0x3F9D] =	sst s0  }
0x9: {  	[smem:$0x3F9E] =	sst s1  }
0xa: {  	[smem:$0x3F9F] =	sst s2  }
0xb: {  	[smem:$0x3FA0] =	sst s3  }
0xc: {  	[smem:$0x3FA1] =	sst s4  }
0xd: {  	[smem:$0x3FA2] =	sst s5  }
0xe: {  	[smem:$0x3FA3] =	sst s6  }
0xf: {  	[smem:$0x3FA4] =	sst s7  }
0x10: {  	[smem:$0x3FA5] =	sst s8  }
0x11: {  	[smem:$0x3FA6] =	sst s9;
	s0 =	simm.s32 @!p0 $0x0  }
0x12: {  	s1 =	sld [smem:$0x3F8C];
	s0 =	simm.s32 @p0 $0x1  }
0x13: {  	[smem:$0x3FA7] =	sst s0;
	s0 =	simm.s32 @!p1 $0x0  }
0x14: {  	s2 =	sld [smem:$0x3F8B];
	s0 =	simm.s32 @p1 $0x1  }
0x15: {  	[smem:$0x3FA8] =	sst s0;
	s0 =	simm.s32 @!p2 $0x0  }
0x16: {  	s3 =	sld [smem:$0x3FDB];
	s0 =	simm.s32 @p2 $0x1  }
0x17: {  	s4 =	simm.s32 $0x1BF5;
	[smem:$0x3FAA] =	sst s0  }
0x18: {  	s0 =	sld [smem:$0x3F8D];
	_ =	swait.ge [sflag:s4], $0x0  }
0x19: {  	s7 =	sld [smem:$0x3F8E]  }
0x1a: {  	s8 =	sadd.s32 $0xFFFFE003, lr  }
0x1b: {  	s9 =	sadd.s32 $0xFFFFFEF7, lr;
	s5 =	simm.s32 $0xFFFFFFFF;
	p2 =	slt.u32 s8, $0xFFFFF086  }
0x1c: {  	p1 =	slt.u32 s9, $0xF7A;
	s5 =	simm.s32 @!p2 $0x0  }
0x1d: {  	s5 =	simm.s32 @p1 $0x1;
	p0 =	seq.s32 s7, s2  }
0x1e: {  	s7 =	smul.u32 @!p0 $0xF7A, s2;
	p2 =	seq.s32 @!p0 s5, $0x0  }
0x1f: {  	s9 =	smul.u32 $0xF7A, s1;
	s8 =	simm.s32 @!p0 $0x1BF5;
	p2 =	por !p2, p0  }
0x20: {  	[sflag:s8] =	ssyncset.s32 @!p0 $0xFFFFF086;
	s6 =	sadd.s32 @!p0 s3, s7;
	s7 =	simm.s32 @!p0 $0x108  }
0x21: {  	s3 =	sadd.s32 s3, s9;
	s6 =	sadd.s32 @!p0 $0x88, s6;
	s7 =	simm.s32 @p2 $0x1082  }
0x22: {  	[simem:s7], [sflag:s8] =	dma.local @!p0 [hbm:s6], $0xF7A  }
0x23: {  	s9 =	sor.u32 $0xD0000000, s2;
	s6 =	simm.s32 $0x108;
	_ =	swait.ge @!p0 [sflag:s8], $0x0  }
0x24: {  	s3 =	sadd.s32 $0x88, s3;
	s6 =	simm.s32 @!p1 $0x1082;
	[sflag:s4] =	ssyncset.s32 $0xFFFFF086  }
0x25: {  	[simem:s6], [sflag:s4] =	dma.local [hbm:s3], $0xF7A  }
0x26: {  	[smem:$0x3F8E] =	sst s1;
	(tag) =	ssettag s2;
	_ =	strace s9  }
0x27: {  	s1 =	sld [smem:$0x3F9E]  }
0x28: {  	s2 =	sld [smem:$0x3F9F]  }
0x29: {  	s4 =	sld [smem:$0x3FA1]  }
0x2a: {  	p0 =	seq.s32 s5, $0x0;
	s5 =	sld [smem:$0x3FA2]  }
0x2b: {  	s6 =	sld [smem:$0x3FA3]  }
0x2c: {  	s7 =	sld [smem:$0x3FA4]  }
0x2d: {  	s3 =	simm.s32 $0x108;
	s8 =	sld [smem:$0x3FA5]  }
0x2e: {  	s3 =	simm.s32 @!p0 $0x1082;
	s9 =	sld [smem:$0x3FA6]  }
0x2f: {  	lr =	sadd.s32 s0, s3;
	s0 =	sld [smem:$0x3F9D]  }
0x30: {  	s3 =	sld [smem:$0x3FA0]  }
0x31: {  	[smem:$0x3FA9] =	sst s10  }
0x32: {  	s10 =	sld [smem:$0x3FA7];
	_ =	sdelay $0x3  }
0x33: {  	p0 =	seq.s32 s10, $0x1;
	s10 =	sld [smem:$0x3FA9];
	_ =	sdelay $0x3  }
0x34: {  	[smem:$0x3FA9] =	sst s10  }
0x35: {  	s10 =	sld [smem:$0x3FA8];
	_ =	sdelay $0x3  }
0x36: {  	p1 =	seq.s32 s10, $0x1;
	s10 =	sld [smem:$0x3FA9];
	_ =	sdelay $0x3  }
0x37: {  	[smem:$0x3FA9] =	sst s10  }
0x38: {  	s10 =	sld [smem:$0x3FAA]  }
0x39: {  	_ = 	snop;
	(pc) =	sbr.ind lr, $3  }
0x3a: {  	_ = 	snop  }
0x3b: {  	_ = 	snop  }
0x3c: {  	p2 =	seq.s32 s10, $0x1;
	s10 =	sld [smem:$0x3FA9]  }
0x3d: {  	_ =	shalt  }
0x3e: {  	_ =	shalt  }
0x3f: {  	_ =	shalt  }
0x40: {  	_ =	shalt  }
0x41: {  	_ =	shalt  }
0x42: {  	_ =	shalt  }
0x43: {  	_ =	shalt  }
0x44: {  	_ =	shalt  }
0x45: {  	_ =	shalt  }
0x46: {  	_ =	shalt  }
0x47: {  	_ =	shalt  }
0x48: {  	_ =	shalt  }
0x49: {  	_ =	shalt  }
0x4a: {  	_ =	shalt  }
0x4b: {  	_ =	shalt  }
0x4c: {  	_ =	shalt  }
0x4d: {  	_ =	shalt  }
0x4e: {  	_ =	shalt  }
0x4f: {  	_ =	shalt  }
0x50: {  	_ =	shalt  }
0x51: {  	_ =	shalt  }
0x52: {  	_ =	shalt  }
0x53: {  	_ =	shalt  }
0x54: {  	_ =	shalt  }
0x55: {  	_ =	shalt  }
0x56: {  	_ =	shalt  }
0x57: {  	_ =	shalt  }
0x58: {  	_ =	shalt  }
0x59: {  	_ =	shalt  }
0x5a: {  	_ =	shalt  }
0x5b: {  	_ =	shalt  }
0x5c: {  	_ =	shalt  }
0x5d: {  	_ =	shalt  }
0x5e: {  	_ =	shalt  }
0x5f: {  	_ =	shalt  }
0x60: {  	_ =	shalt  }
0x61: {  	_ =	shalt  }
0x62: {  	_ =	shalt  }
0x63: {  	_ =	shalt  }
0x64: {  	_ =	shalt  }
0x65: {  	_ =	shalt  }
0x66: {  	_ =	shalt  }
0x67: {  	_ =	shalt  }
0x68: {  	_ =	shalt  }
0x69: {  	_ =	shalt  }
0x6a: {  	_ =	shalt  }
0x6b: {  	_ =	shalt  }
0x6c: {  	_ =	shalt  }
0x6d: {  	_ =	shalt  }
0x6e: {  	_ =	shalt  }
0x6f: {  	_ =	shalt  }
0x70: {  	_ =	shalt  }
0x71: {  	_ =	shalt  }
0x72: {  	_ =	shalt  }
0x73: {  	_ =	shalt  }
0x74: {  	_ =	shalt  }
0x75: {  	_ =	shalt  }
0x76: {  	_ =	shalt  }
0x77: {  	_ =	shalt  }
0x78: {  	_ =	shalt  }
0x79: {  	_ =	shalt  }
0x7a: {  	_ =	shalt  }
0x7b: {  	_ =	shalt  }
0x7c: {  	_ =	shalt  }
0x7d: {  	_ =	shalt  }
0x7e: {  	_ =	shalt  }
0x7f: {  	_ =	shalt  }
0x80: {  	_ =	shalt  }
0x81: {  	_ =	shalt  }
0x82: {  	_ =	shalt  }
0x83: {  	_ =	shalt  }
0x84: {  	_ =	shalt  }
0x85: {  	_ =	shalt  }
0x86: {  	_ =	shalt  }
0x87: {  	_ =	shalt  }
.Lfunc_end0:
.L_simem_size_0:
called_computation.4_lowered:
.L_overlay_start_0:
0x88: {  	s2 =	sld [smem:$0x3FD9]  }
0x89: {  	s3 =	sld [smem:$0x3FFE];
	_ =	sdelay $0x1  }
0x8a: {  	s1 =	srdreg.scid  }
0x8b: {  	s0 =	sand.u32 $0x1, s1  }
0x8c: {  	s17 =	sshll.u32 s0, $0xA;
	s2 =	sadd.s32 s3, s2  }
0x8d: {  	s2 =	sadd.s32 s2, s17  }
0x8e: {  	[smem:$0x3FB5] =	sst s2  }
0x8f: {  	_ = 	snop  }
0x90: {  	(tm) =	ssettm $0x1  }
0x91: {  	s18 =	sld [smem:$0x3FFB];
	_ =	sdelay $0x3  }
0x92: {  	_ =	strace s18  }
0x93: {  	s2 =	sld [smem:$0x3FFC];
	_ =	sdelay $0x3  }
0x94: {  	_ =	strace s2  }
0x95: {  	s2 =	sld [smem:$0x3FFD];
	_ =	sdelay $0x3  }
0x96: {  	_ =	strace s2  }
0x97: {  	_ =	strace $0x8FFFFFFF  }
0x98: {  	s19 =	sld [smem:$0x3FDB];
	_ =	sdelay $0x1  }
0x99: {  	s20 =	simm.s32 $_scs_section_size  }
0x9a: {  	s4 =	simm.s32 $_size__tile_overlayer_lowered;
	s5 =	simm.s32 $_tile_overlayer_lowered  }
0x9b: {  	s6 =	simm.s32 $0x1BFF;
	s21 =	sshll.u32 s5, $0x1;
	s3 =	sadd.s32 s20, s19  }
0x9c: {  	s22 =	simm.s32 $0x0;
	s4 =	sshll.u32 s4, $0x1;
	s5 =	sadd.s32 s21, s3  }
0x9d: {  	[timem:s22], [sflag:s6] =	dma.local [hbm:s5], s4  }
0x9e: {  	_ =	swait.ge [sflag:s6], s4  }
0x9f: {  	s4 =	ssub.s32 $0x0, s4;
	[sflag:s6] =	ssyncset.done $0x0  }
0xa0: {  	[sflag:s6] =	ssyncadd.s32 s4;
	_ =	sdelay $0x1  }
0xa1: {  	s23 =	simm.s32 $0x1B8B  }
0xa2: {  	_ =	swait.ge [sflag:s23], $0x1  }
0xa3: {  	[sflag:s23] =	ssyncset.done $0x0  }
0xa4: {  	[sflag:s23] =	ssyncadd.s32 $0xFFFFFFFF  }
0xa5: {  	s4 =	sld [smem:$0x0]  }
0xa6: {  	s5 =	sand.u32 $0xFFFFFFFE, s1  }
0xa7: {  	p0 =	sne.s32 s1, s5  }
0xa8: {  	s5 =	sshll.u32 @p0 s5, $0xE  }
0xa9: {  	s5 =	sadd.s32 @p0 $0x11B8D, s5;
	s6 =	sshll.u32 @p0 s4, $0x11  }
0xaa: {  	s5 =	sor.u32 @p0 s6, s5  }
0xab: {  	[sflag:s5] =	ssyncadd.remote.s32 @p0 $0x1;
	_ =	sdelay $0x1  }
0xac: {  	s5 =	simm.s32 @p0 $0x1B8D  }
0xad: {  	_ =	swait.eq @p0 [sflag:s5], $0x1  }
0xae: {  	[sflag:s5] =	ssyncadd.s32 @p0 $0xFFFFFFFF  }
0xaf: {  	s6 =	sshll.u32 @!p0 s1, $0xE  }
0xb0: {  	s6 =	sor.u32 @!p0 $0x4000, s6;
	s5 =	simm.s32 @!p0 $0x1B8D  }
0xb1: {  	s4 =	sshll.u32 @!p0 s4, $0x11;
	s6 =	sadd.s32 @!p0 $0x11B8D, s6;
	_ =	swait.eq @!p0 [sflag:s5], $0x1  }
0xb2: {  	s4 =	sor.u32 @!p0 s4, s6;
	[sflag:s5] =	ssyncadd.s32 @!p0 $0xFFFFFFFF  }
0xb3: {  	s25 =	simm.s32 $0x1B8E;
	s24 =	sld [smem:$0x3FFE];
	[sflag:s4] =	ssyncadd.remote.s32 @!p0 $0x1  }
0xb4: {  	s26 =	simm.s32 $execute0_lowered;
	[smem:$0x3FD2] =	sst s25  }
0xb5: {  	s5 =	sshll.u32 s26, $0x1;
	_ =	strace $0x80000055;
	[dreg:$0x1] =	wrdreg $0xFFFFFFFF  }
0xb6: {  	s28 =	simm.s32 $_size_execute0_lowered;
	s3 =	sadd.s32 s3, s5;
	[dreg:$0x0] =	wrdreg $0x0  }
0xb7: {  	s5 =	sshll.u32 s28, $0x1;
	[dreg:$0x2] =	wrdreg s3  }
0xb8: {  	[dreg:$0x3] =	wrdreg s5  }
0xb9: {  	[dreg:$0x4] =	wrdreg $0xC0  }
0xba: {  	_ =	task [dreg:s22], $0x5FFFF  }
0xbb: {  	[dreg:$0x1] =	wrdreg $0xFFFFFFFF  }
0xbc: {  	[dreg:$0x0] =	wrdreg $0x60  }
0xbd: {  	[dreg:$0x2] =	wrdreg s24  }
0xbe: {  	[dreg:$0x3] =	wrdreg $0x15B800  }
0xbf: {  	[dreg:$0x4] =	wrdreg $0xA  }
0xc0: {  	_ =	task.clear_ibuf [dreg:s22], $0x5FFFF;
	_ =	strace $0x90000055  }
0xc1: {  	s29 =	simm.s32 $0xA;
	_ =	strace $0x80000057  }
0xc2: {  	_ =	swait.ge [sflag:s29], $0x1  }
0xc3: {  	[sflag:s29] =	ssyncadd.s32 $0xFFFFFFFF  }
0xc4: {  	_ =	strace $0x90000057  }
0xc5: {  	_ =	sfence  }
0xc6: {  	s30 =	sld [smem:$0x0];
	_ =	sdelay $0x2  }
0xc7: {  	s31 =	sshll.u32 s1, $0xD;
	s1 =	sshrl.u32 s1, $0x2  }
0xc8: {  	s4 =	sand.u32 $0x4000, s31;
	s1 =	sadd.s32 s1, s30  }
0xc9: {  	s0 =	sor.u32 s4, s0;
	s1 =	sshll.u32 s1, $0x11  }
0xca: {  	s0 =	sor.u32 s1, s0  }
0xcb: {  	s0 =	sadd.s32 $0x8F2B, s0  }
0xcc: {  	[sflag:s0] =	ssyncadd.remote.s32 $0x1  }
0xcd: {  	_ =	sfence.sel $0xFFFF  }
0xce: {  	[dreg:$0x0] =	wrdreg $0xFFFFFFFF;
	(pc) =	sbr.abs _section_cstart, $3  }
0xcf: {  	[dreg:$0x1] =	wrdreg $0xFFFFFFFF  }
0xd0: {  	_ =	task.clear_ibuf [dreg:s22], $0x2FFFF;
	_ =	strace $0x9FFFFFFF  }
0xd1: {  	(tm) =	ssettm $0x7FFFFFFF  }
tec
execute0_lowered:
.L_overlay_start_1:
0x0: {  	(tag) =	ssettag $0x1  }
0x1: {  	s0 =	rddreg [dreg:$0x0]  }
0x2: {  	s1 =	rddreg [dreg:$0x1];
	s2 =	srdreg.scid;
	s4 =	simm.s32 $0x0  }
0x3: {  	s7 =	stileid.u32;
	s14 =	simm.s32 $0xB;
	s15 =	simm.s32 $0x5000  }
0x4: {  	s16 =	simm.s32 $0x13C40;
	s17 =	simm.s32 $0x7D;
	s18 =	simm.s32 $0xA000  }
0x5: {  	s20 =	simm.s32 $0xBF40;
	s28 =	simm.s32 $0xFDC0;
	s21 =	smul.u32 $0x9C40, s7  }
0x6: {  	s29 =	simm.s32 $0x3;
	s31 =	simm.s32 $0x7;
	s6 =	smul.u32 $0xA00, s7  }
0x7: {  	s30 =	simm.s32 $0x9;
	s2 =	sand.u32 $0x1, s2;
	s7 =	smul.u32 $0x27100, s7  }
0x8: {  	s19 =	simm.s32 $0xA;
	[smem:$0x7FF] =	sst s4;
	s3 =	smul.u32 $0x9C400, s2  }
0x9: {  	_ =	strace $0x80000056;
	s2 =	ssub.s32 $0x2, s2;
	s6 =	sadd.s32 s6, s0  }
0xa: {  	s22 =	sshrl.u32 s2, $0x1;
	s7 =	sshrl.u32 s7, $0x2;
	s5 =	sshrl.u32 s3, $0x3  }
0xb: {  	s3 =	sadd.s32 s21, s3;
	s2 =	ssub.s32 s2, s22;
	s23 =	sadd.s32 $0x13000, s6  }
0xc: {  	s24 =	sadd.s32 s7, s1;
	s6 =	sadd.s32 $0x9000, s6;
	s22 =	simm.s32 $0x6  }
0xd: {  	s5 =	sadd.s32 s5, s0;
	s3 =	sshrl.u32 s3, $0x3;
	[dreg:$0x3] =	wrdreg s23  }
0xe: {  	[dreg:$0x4] =	wrdreg s6;
	s6 =	sadd.s32 s21, s1;
	s25 =	sadd.s32 $0x1F40, s24  }
0xf: {  	s26 =	sadd.s32 $0x3E80, s24;
	s9 =	sadd.s32 $0x5DC0, s24;
	s10 =	sadd.s32 $0x7D00, s24  }
.Ltmp0:
0x10: {  	s13 =	smax.u32 s2, $0x1;
	s21 =	simm.s32 $0x1;
	(pc) =	sbr.rel .LBB2_1-.Ltmp0, $4  }
0x11: {  	s23 =	simm.s32 $0xDE80;
	s24 =	simm.s32 $0x2;
	[dreg:$0x5] =	wrdreg s25  }
0x12: {  	s2 =	simm.s32 $0x4;
	s0 =	sadd.s32 s3, s0;
	[dreg:$0x6] =	wrdreg s26  }
0x13: {  	s11 =	sadd.s32 $0x1D000, s5;
	s26 =	simm.s32 $0x5;
	s25 =	simm.s32 $0x8  }
0x14: {  	v0 =	vimm.f32 $0.0e+00;
	s3 =	simm.s32 $0x0;
	s12 =	sadd.s32 $0x44200, s0;
	s0 =	simm.s32 $0x11D00  }
.LBB2_6:
0x15: {  	_ =	swait.ge [sflag:s26], $0x1F40  }
0x16: {  	[sflag:s26] =	ssyncset.done $0x0  }
0x17: {  	[sflag:s26] =	ssyncadd.s32 $0xFFFFE0C0  }
0x18: {  	[spmem:s1] =	stream.indirect.scatter.add.f32 [tilespmem:s0], [sflag:$0xA], $0x40, s7, s17, $0xb8;
	[tilespmem:$0x1F7C0] =	vst v63  }
0x19: {  	_ =	swait.ge [sflag:s31], $0x1F40  }
0x1a: {  	[sflag:s31] =	ssyncset.done $0x0  }
0x1b: {  	[sflag:s31] =	ssyncadd.s32 $0xFFFFE0C0  }
0x1c: {  	_ =	swait.ge [sflag:s25], $0x1F40  }
0x1d: {  	[sflag:s25] =	ssyncset.done $0x0  }
0x1e: {  	[sflag:s25] =	ssyncadd.s32 $0xFFFFE0C0  }
0x1f: {  	_ =	swait.ge [sflag:s30], $0x1F40  }
0x20: {  	[sflag:s30] =	ssyncset.done $0x0  }
0x21: {  	[sflag:s30] =	ssyncadd.s32 $0xFFFFE0C0  }
0x22: {  	s4 =	stileid.u32;
	_ =	swait.ge [sflag:s19], $0x1F40  }
0x23: {  	s5 =	sshrl.u32 s6, $0x3;
	s3 =	sadd.s32 $0x1, s3;
	[sflag:s19] =	ssyncset.done $0x0  }
0x24: {  	s4 =	sshll.u32 s4, $0x6;
	p0 =	sne.s32 s3, s13;
	[sflag:s19] =	ssyncadd.s32 $0xFFFFE0C0  }
.Ltmp1:
0x25: {  	s4 =	sor.u32 $0x1C0B, s4;
	[bflag:$0x0] =	sbarrier.arrive $0xFFFF;
	(pc) =	sbr.rel @!p0 .LBB2_7-.Ltmp1, $4  }
0x26: {  	[hbm:s12], [sflag:s4] =	dma.local [spmem:s5], $0x1388  }
0x27: {  	_ =	swait.ge [sflag:s14], $0x1388  }
0x28: {  	[sflag:s14] =	ssyncset.done $0x0  }
0x29: {  	[sflag:s14] =	ssyncadd.s32 $0xFFFFEC78  }
.LBB2_1:
0x2a: {  	s4 =	simm.s32 $0x0;
	s5 =	rddreg [dreg:$0x3]  }
0x2b: {  	[tilespmem:s4], [sflag:$0xB] =	stream.linear.gather [hbm4b:s5+s4], $0x5000, $0x38;
	[tilespmem:$0x1F7C0] =	vst v63  }
0x2c: {  	_ =	swait.ge [sflag:s14], $0x5000  }
0x2d: {  	[sflag:s14] =	ssyncset.done $0x0  }
0x2e: {  	s8 =	rddreg [dreg:$0x4];
	[sflag:s14] =	ssyncadd.s32 $0xFFFFB000  }
0x2f: {  	[tilespmem:s15], [sflag:$0xB] =	stream.linear.gather [hbm4b:s8+s4], $0x5000, $0x38;
	[tilespmem:$0x1F7C0] =	vst v63  }
0x30: {  	_ =	swait.ge [sflag:s14], $0x5000  }
0x31: {  	[sflag:s14] =	ssyncset.done $0x0  }
0x32: {  	s5 =	simm.s32 $0x100;
	s4 =	simm.s32 $0x0;
	[sflag:s14] =	ssyncadd.s32 $0xFFFFB000  }
.LBB2_2:
0x33: {  	p0 =	sne.s32 s5, $0x7C00;
	[tilespmem:s4+$0x13C70] =	vst v0;
	s7 =	smov.u32 s5;
	s5 =	sadd.s32 $0x100, s5  }
.Ltmp2:
0x34: {  	[tilespmem:s4+$0x13C60] =	vst v0;
	(pc) =	sbr.rel @p0 .LBB2_2-.Ltmp2, $3  }
0x35: {  	[tilespmem:s4+$0x13C40] =	vst v0  }
0x36: {  	[tilespmem:s4+$0x13C50] =	vst v0;
	_ =	sdelay $0x1  }
0x37: {  	s4 =	sshra.s32 s7, $0x2  }
0x38: {  	[tilespmem:s4+$0x13C70] =	vst v0  }
0x39: {  	[tilespmem:s4+$0x13C60] =	vst v0  }
0x3a: {  	[tilespmem:s4+$0x13C40] =	vst v0  }
0x3b: {  	[tilespmem:s4+$0x13C50] =	vst v0  }
0x3c: {  	[spmem:s6] =	stream.linear.scatter [tilespmem:s16], [sflag:$0xB], $0x1F40, $0x38;
	[tilespmem:$0x1F7C0] =	vst v63  }
0x3d: {  	_ =	swait.ge [sflag:s14], $0x1F40  }
0x3e: {  	[sflag:s14] =	ssyncset.done $0x0  }
0x3f: {  	s5 =	rddreg [dreg:$0x5];
	[sflag:s14] =	ssyncadd.s32 $0xFFFFE0C0  }
0x40: {  	[spmem:s5] =	stream.linear.scatter [tilespmem:s16], [sflag:$0xB], $0x1F40, $0x38;
	[tilespmem:$0x1F7C0] =	vst v63  }
0x41: {  	_ =	swait.ge [sflag:s14], $0x1F40  }
0x42: {  	[sflag:s14] =	ssyncset.done $0x0  }
0x43: {  	s7 =	rddreg [dreg:$0x6];
	[sflag:s14] =	ssyncadd.s32 $0xFFFFE0C0  }
0x44: {  	[spmem:s7] =	stream.linear.scatter [tilespmem:s16], [sflag:$0xB], $0x1F40, $0x38;
	[tilespmem:$0x1F7C0] =	vst v63  }
0x45: {  	_ =	swait.ge [sflag:s14], $0x1F40  }
0x46: {  	[sflag:s14] =	ssyncset.done $0x0  }
0x47: {  	[sflag:s14] =	ssyncadd.s32 $0xFFFFE0C0  }
0x48: {  	[spmem:s9] =	stream.linear.scatter [tilespmem:s16], [sflag:$0xB], $0x1F40, $0x38;
	[tilespmem:$0x1F7C0] =	vst v63  }
0x49: {  	_ =	swait.ge [sflag:s14], $0x1F40  }
0x4a: {  	[sflag:s14] =	ssyncset.done $0x0  }
0x4b: {  	[sflag:s14] =	ssyncadd.s32 $0xFFFFE0C0  }
0x4c: {  	[spmem:s10] =	stream.linear.scatter [tilespmem:s16], [sflag:$0xB], $0x1F40, $0x38;
	[tilespmem:$0x1F7C0] =	vst v63  }
0x4d: {  	_ =	swait.ge [sflag:s14], $0x1F40  }
0x4e: {  	[sflag:s14] =	ssyncset.done $0x0  }
0x4f: {  	[sflag:s14] =	ssyncadd.s32 $0xFFFFE0C0  }
0x50: {  	s4 =	simm.s32 $0x0;
	[bflag:$0x0] =	sbarrier.arrive $0xFFFF  }
0x51: {  	[tilespmem:s18], [sflag:$0x1] =	stream.indirect.gather [hbm4b:s11+s17], $0x40, s4, s17, $0xb8;
	[tilespmem:$0x1F7C0] =	vst v63  }
0x52: {  	s5 =	simm.s32 $0x80  }
0x53: {  	[tilespmem:s20], [sflag:$0x2] =	stream.indirect.gather [hbm4b:s11+s17], $0x40, s5, s17, $0xb8;
	[tilespmem:$0x1F7C0] =	vst v63  }
0x54: {  	_ =	swait.ge [sflag:s21], $0x1F40  }
0x55: {  	[sflag:s21] =	ssyncset.done $0x0  }
0x56: {  	[sflag:s21] =	ssyncadd.s32 $0xFFFFE0C0  }
0x57: {  	[spmem:s1] =	stream.indirect.scatter.add.f32 [tilespmem:s18], [sflag:$0x6], $0x40, s15, s17, $0xb8;
	[tilespmem:$0x1F7C0] =	vst v63  }
0x58: {  	s8 =	simm.s32 $0x100  }
0x59: {  	[tilespmem:s23], [sflag:$0x3] =	stream.indirect.gather [hbm4b:s11+s17], $0x40, s8, s17, $0xb8;
	[tilespmem:$0x1F7C0] =	vst v63  }
0x5a: {  	_ =	swait.ge [sflag:s24], $0x1F40  }
0x5b: {  	[sflag:s24] =	ssyncset.done $0x0  }
0x5c: {  	s7 =	simm.s32 $0x5080;
	[sflag:s24] =	ssyncadd.s32 $0xFFFFE0C0  }
0x5d: {  	[spmem:s1] =	stream.indirect.scatter.add.f32 [tilespmem:s20], [sflag:$0x7], $0x40, s7, s17, $0xb8;
	[tilespmem:$0x1F7C0] =	vst v63  }
0x5e: {  	s8 =	simm.s32 $0x180  }
0x5f: {  	[tilespmem:s28], [sflag:$0x4] =	stream.indirect.gather [hbm4b:s11+s17], $0x40, s8, s17, $0xb8;
	[tilespmem:$0x1F7C0] =	vst v63  }
0x60: {  	_ =	swait.ge [sflag:s29], $0x1F40  }
0x61: {  	[sflag:s29] =	ssyncset.done $0x0  }
0x62: {  	s7 =	simm.s32 $0x5100;
	[sflag:s29] =	ssyncadd.s32 $0xFFFFE0C0  }
0x63: {  	[spmem:s1] =	stream.indirect.scatter.add.f32 [tilespmem:s23], [sflag:$0x8], $0x40, s7, s17, $0xb8;
	[tilespmem:$0x1F7C0] =	vst v63  }
0x64: {  	s8 =	simm.s32 $0x200  }
0x65: {  	[tilespmem:s0], [sflag:$0x5] =	stream.indirect.gather [hbm4b:s11+s17], $0x40, s8, s17, $0xb8;
	[tilespmem:$0x1F7C0] =	vst v63  }
0x66: {  	_ =	swait.ge [sflag:s2], $0x1F40  }
0x67: {  	[sflag:s2] =	ssyncset.done $0x0  }
0x68: {  	s7 =	simm.s32 $0x5180;
	[sflag:s2] =	ssyncadd.s32 $0xFFFFE0C0  }
0x69: {  	[spmem:s1] =	stream.indirect.scatter.add.f32 [tilespmem:s28], [sflag:$0x9], $0x40, s7, s17, $0xb8;
	[tilespmem:$0x1F7C0] =	vst v63  }
0x6a: {  	_ =	swait.ge [sflag:s22], $0x1F40  }
0x6b: {  	[sflag:s22] =	ssyncset.done $0x0  }
0x6c: {  	s8 =	simm.s32 $0x280;
	[sflag:s22] =	ssyncadd.s32 $0xFFFFE0C0  }
0x6d: {  	[tilespmem:s18], [sflag:$0x1] =	stream.indirect.gather [hbm4b:s11+s17], $0x40, s8, s17, $0xb8;
	[tilespmem:$0x1F7C0] =	vst v63  }
0x6e: {  	_ =	swait.ge [sflag:s26], $0x1F40  }
0x6f: {  	[sflag:s26] =	ssyncset.done $0x0  }
0x70: {  	s7 =	simm.s32 $0x5200;
	[sflag:s26] =	ssyncadd.s32 $0xFFFFE0C0  }
0x71: {  	[spmem:s1] =	stream.indirect.scatter.add.f32 [tilespmem:s0], [sflag:$0xA], $0x40, s7, s17, $0xb8;
	[tilespmem:$0x1F7C0] =	vst v63  }
0x72: {  	_ =	swait.ge [sflag:s31], $0x1F40  }
0x73: {  	[sflag:s31] =	ssyncset.done $0x0  }
0x74: {  	s8 =	simm.s32 $0x300;
	[sflag:s31] =	ssyncadd.s32 $0xFFFFE0C0  }
0x75: {  	[tilespmem:s20], [sflag:$0x2] =	stream.indirect.gather [hbm4b:s11+s17], $0x40, s8, s17, $0xb8;
	[tilespmem:$0x1F7C0] =	vst v63  }
.LBB2_4:
0x76: {  	_ =	swait.ge [sflag:s21], $0x1F40  }
0x77: {  	s5 =	sshra.s32 s4, $0x2;
	[sflag:s21] =	ssyncset.done $0x0  }
0x78: {  	s7 =	sadd.s32 $0x5280, s5;
	[sflag:s21] =	ssyncadd.s32 $0xFFFFE0C0  }
0x79: {  	[spmem:s1] =	stream.indirect.scatter.add.f32 [tilespmem:s18], [sflag:$0x6], $0x40, s7, s17, $0xb8;
	[tilespmem:$0x1F7C0] =	vst v63  }
0x7a: {  	_ =	swait.ge [sflag:s25], $0x1F40  }
0x7b: {  	[sflag:s25] =	ssyncset.done $0x0  }
0x7c: {  	s8 =	sadd.s32 $0x380, s5;
	[sflag:s25] =	ssyncadd.s32 $0xFFFFE0C0  }
0x7d: {  	[tilespmem:s23], [sflag:$0x3] =	stream.indirect.gather [hbm4b:s11+s17], $0x40, s8, s17, $0xb8;
	[tilespmem:$0x1F7C0] =	vst v63  }
0x7e: {  	_ =	swait.ge [sflag:s24], $0x1F40  }
0x7f: {  	[sflag:s24] =	ssyncset.done $0x0  }
0x80: {  	s8 =	sadd.s32 $0x5300, s5;
	[sflag:s24] =	ssyncadd.s32 $0xFFFFE0C0  }
0x81: {  	[spmem:s1] =	stream.indirect.scatter.add.f32 [tilespmem:s20], [sflag:$0x7], $0x40, s8, s17, $0xb8;
	[tilespmem:$0x1F7C0] =	vst v63  }
0x82: {  	_ =	swait.ge [sflag:s30], $0x1F40  }
0x83: {  	[sflag:s30] =	ssyncset.done $0x0  }
0x84: {  	s8 =	sadd.s32 $0x400, s5;
	[sflag:s30] =	ssyncadd.s32 $0xFFFFE0C0  }
0x85: {  	[tilespmem:s28], [sflag:$0x4] =	stream.indirect.gather [hbm4b:s11+s17], $0x40, s8, s17, $0xb8;
	[tilespmem:$0x1F7C0] =	vst v63  }
0x86: {  	_ =	swait.ge [sflag:s29], $0x1F40  }
0x87: {  	[sflag:s29] =	ssyncset.done $0x0  }
0x88: {  	s8 =	sadd.s32 $0x5380, s5;
	[sflag:s29] =	ssyncadd.s32 $0xFFFFE0C0  }
0x89: {  	[spmem:s1] =	stream.indirect.scatter.add.f32 [tilespmem:s23], [sflag:$0x8], $0x40, s8, s17, $0xb8;
	[tilespmem:$0x1F7C0] =	vst v63  }
0x8a: {  	_ =	swait.ge [sflag:s19], $0x1F40  }
0x8b: {  	[sflag:s19] =	ssyncset.done $0x0  }
0x8c: {  	s8 =	sadd.s32 $0x480, s5;
	[sflag:s19] =	ssyncadd.s32 $0xFFFFE0C0  }
0x8d: {  	[tilespmem:s0], [sflag:$0x5] =	stream.indirect.gather [hbm4b:s11+s17], $0x40, s8, s17, $0xb8;
	[tilespmem:$0x1F7C0] =	vst v63  }
0x8e: {  	_ =	swait.ge [sflag:s2], $0x1F40  }
0x8f: {  	p0 =	seq.s32 s4, $0x12C00;
	[sflag:s2] =	ssyncset.done $0x0  }
.Ltmp3:
0x90: {  	s8 =	sadd.s32 $0x5400, s5;
	[sflag:s2] =	ssyncadd.s32 $0xFFFFE0C0;
	(pc) =	sbr.rel @p0 .LBB2_6-.Ltmp3, $4  }
0x91: {  	[spmem:s1] =	stream.indirect.scatter.add.f32 [tilespmem:s28], [sflag:$0x9], $0x40, s8, s17, $0xb8;
	[tilespmem:$0x1F7C0] =	vst v63  }
0x92: {  	_ =	swait.ge [sflag:s22], $0x1F40  }
0x93: {  	[sflag:s22] =	ssyncset.done $0x0  }
0x94: {  	s7 =	sadd.s32 $0x5480, s5;
	[sflag:s22] =	ssyncadd.s32 $0xFFFFE0C0  }
0x95: {  	s8 =	sadd.s32 $0x500, s5  }
0x96: {  	[tilespmem:s18], [sflag:$0x1] =	stream.indirect.gather [hbm4b:s11+s17], $0x40, s8, s17, $0xb8;
	[tilespmem:$0x1F7C0] =	vst v63  }
0x97: {  	_ =	swait.ge [sflag:s26], $0x1F40  }
0x98: {  	[sflag:s26] =	ssyncset.done $0x0  }
0x99: {  	[sflag:s26] =	ssyncadd.s32 $0xFFFFE0C0  }
0x9a: {  	[spmem:s1] =	stream.indirect.scatter.add.f32 [tilespmem:s0], [sflag:$0xA], $0x40, s7, s17, $0xb8;
	[tilespmem:$0x1F7C0] =	vst v63  }
.Ltmp4:
0x9b: {  	_ = 	snop;
	(pc) =	sbr.rel .LBB2_4-.Ltmp4, $4  }
0x9c: {  	_ =	swait.ge [sflag:s31], $0x1F40  }
0x9d: {  	[sflag:s31] =	ssyncset.done $0x0  }
0x9e: {  	s4 =	sadd.s32 $0xA00, s4;
	s8 =	sadd.s32 $0x580, s5;
	[sflag:s31] =	ssyncadd.s32 $0xFFFFE0C0  }
0x9f: {  	[tilespmem:s20], [sflag:$0x2] =	stream.indirect.gather [hbm4b:s11+s17], $0x40, s8, s17, $0xb8;
	[tilespmem:$0x1F7C0] =	vst v63  }
.LBB2_7:
0xa0: {  	_ =	sfence.sel $0x180000  }
0xa1: {  	[bflag:$0x0] =	sbarrier.arrive $0xFFFF  }
0xa2: {  	_ =	strace $0x90000056  }
0xa3: {  	s0 =	stileid.u32;
	[bflag:$0x2] =	sbarrier.arrive $0xFFFF  }
0xa4: {  	p0 =	sne.s32 s0, $0x0;
	s0 =	rddreg [dreg:$0x2]  }
0xa5: {  	s0 =	sadd.s32 @!p0 $0x100000, s0  }
0xa6: {  	[sflag:s0] =	ssyncadd.tile.s32 @!p0 $0x1;
	_ =	shalt  }
.Lfunc_end2:
_tile_overlayer_lowered:
.L_overlay_start_2:
0xa7: {  	(tag) =	ssettag $0x2  }
0xa8: {  	s0 =	rddreg [dreg:$0x0];
	s2 =	stileid.u32  }
0xa9: {  	s1 =	rddreg [dreg:$0x1];
	p0 =	sne.s32 s2, $0x0  }
0xaa: {  	s3 =	rddreg [dreg:$0x2];
	[bflag:$0x3] =	sbarrier.arrive $0xFFFF;
	s2 =	simm.s32 @!p0 $0x1C0B  }
0xab: {  	[timem:s3], [sflag:s2] =	dma.local @!p0 [hbm:s0], s1  }
0xac: {  	s0 =	simm.s32 @!p0 $0xB  }
0xad: {  	_ =	swait.ge @!p0 [sflag:s0], s1  }
0xae: {  	s1 =	ssub.s32 @!p0 $0x0, s1;
	[sflag:s0] =	ssyncset.done @!p0 $0x0  }
0xaf: {  	[sflag:s0] =	ssyncadd.s32 @!p0 s1  }
0xb0: {  	[bflag:$0x3] =	sbarrier.arrive $0xFFFF  }
0xb1: {  	_ =	shalt  }

// kernel: kernel.33.cloned.1.call-start
scs
__scs_entry_jumppad:
0x0: {  	(pc) =	sbr.rel $0x88, $3  }
0x1: {  	(tag) =	ssettag $0x0;
	lr =	simm.s32 $0x1  }
0x2: {  	[smem:$0x3F8E] =	sst lr;
	_ =	strace $0xD0000000  }
0x3: {  	_ = 	snop  }
0x4: {  	_ = 	snop  }
0x5: {  	_ = 	snop  }
0x6: {  	_ = 	snop  }
0x7: {  	_ = 	snop  }
__scs_overlays_trampoline_lowered:
0x8: {  	[smem:$0x3F9D] =	sst s0  }
0x9: {  	[smem:$0x3F9E] =	sst s1  }
0xa: {  	[smem:$0x3F9F] =	sst s2  }
0xb: {  	[smem:$0x3FA0] =	sst s3  }
0xc: {  	[smem:$0x3FA1] =	sst s4  }
0xd: {  	[smem:$0x3FA2] =	sst s5  }
0xe: {  	[smem:$0x3FA3] =	sst s6  }
0xf: {  	[smem:$0x3FA4] =	sst s7  }
0x10: {  	[smem:$0x3FA5] =	sst s8  }
0x11: {  	[smem:$0x3FA6] =	sst s9;
	s0 =	simm.s32 @!p0 $0x0  }
0x12: {  	s1 =	sld [smem:$0x3F8C];
	s0 =	simm.s32 @p0 $0x1  }
0x13: {  	[smem:$0x3FA7] =	sst s0;
	s0 =	simm.s32 @!p1 $0x0  }
0x14: {  	s2 =	sld [smem:$0x3F8B];
	s0 =	simm.s32 @p1 $0x1  }
0x15: {  	[smem:$0x3FA8] =	sst s0;
	s0 =	simm.s32 @!p2 $0x0  }
0x16: {  	s3 =	sld [smem:$0x3FDB];
	s0 =	simm.s32 @p2 $0x1  }
0x17: {  	s4 =	simm.s32 $0x1BF5;
	[smem:$0x3FAA] =	sst s0  }
0x18: {  	s0 =	sld [smem:$0x3F8D];
	_ =	swait.ge [sflag:s4], $0x0  }
0x19: {  	s7 =	sld [smem:$0x3F8E]  }
0x1a: {  	s8 =	sadd.s32 $0xFFFFE003, lr  }
0x1b: {  	s9 =	sadd.s32 $0xFFFFFEF7, lr;
	s5 =	simm.s32 $0xFFFFFFFF;
	p2 =	slt.u32 s8, $0xFFFFF086  }
0x1c: {  	p1 =	slt.u32 s9, $0xF7A;
	s5 =	simm.s32 @!p2 $0x0  }
0x1d: {  	s5 =	simm.s32 @p1 $0x1;
	p0 =	seq.s32 s7, s2  }
0x1e: {  	s7 =	smul.u32 @!p0 $0xF7A, s2;
	p2 =	seq.s32 @!p0 s5, $0x0  }
0x1f: {  	s9 =	smul.u32 $0xF7A, s1;
	s8 =	simm.s32 @!p0 $0x1BF5;
	p2 =	por !p2, p0  }
0x20: {  	[sflag:s8] =	ssyncset.s32 @!p0 $0xFFFFF086;
	s6 =	sadd.s32 @!p0 s3, s7;
	s7 =	simm.s32 @!p0 $0x108  }
0x21: {  	s3 =	sadd.s32 s3, s9;
	s6 =	sadd.s32 @!p0 $0x88, s6;
	s7 =	simm.s32 @p2 $0x1082  }
0x22: {  	[simem:s7], [sflag:s8] =	dma.local @!p0 [hbm:s6], $0xF7A  }
0x23: {  	s9 =	sor.u32 $0xD0000000, s2;
	s6 =	simm.s32 $0x108;
	_ =	swait.ge @!p0 [sflag:s8], $0x0  }
0x24: {  	s3 =	sadd.s32 $0x88, s3;
	s6 =	simm.s32 @!p1 $0x1082;
	[sflag:s4] =	ssyncset.s32 $0xFFFFF086  }
0x25: {  	[simem:s6], [sflag:s4] =	dma.local [hbm:s3], $0xF7A  }
0x26: {  	[smem:$0x3F8E] =	sst s1;
	(tag) =	ssettag s2;
	_ =	strace s9  }
0x27: {  	s1 =	sld [smem:$0x3F9E]  }
0x28: {  	s2 =	sld [smem:$0x3F9F]  }
0x29: {  	s4 =	sld [smem:$0x3FA1]  }
0x2a: {  	p0 =	seq.s32 s5, $0x0;
	s5 =	sld [smem:$0x3FA2]  }
0x2b: {  	s6 =	sld [smem:$0x3FA3]  }
0x2c: {  	s7 =	sld [smem:$0x3FA4]  }
0x2d: {  	s3 =	simm.s32 $0x108;
	s8 =	sld [smem:$0x3FA5]  }
0x2e: {  	s3 =	simm.s32 @!p0 $0x1082;
	s9 =	sld [smem:$0x3FA6]  }
0x2f: {  	lr =	sadd.s32 s0, s3;
	s0 =	sld [smem:$0x3F9D]  }
0x30: {  	s3 =	sld [smem:$0x3FA0]  }
0x31: {  	[smem:$0x3FA9] =	sst s10  }
0x32: {  	s10 =	sld [smem:$0x3FA7];
	_ =	sdelay $0x3  }
0x33: {  	p0 =	seq.s32 s10, $0x1;
	s10 =	sld [smem:$0x3FA9];
	_ =	sdelay $0x3  }
0x34: {  	[smem:$0x3FA9] =	sst s10  }
0x35: {  	s10 =	sld [smem:$0x3FA8];
	_ =	sdelay $0x3  }
0x36: {  	p1 =	seq.s32 s10, $0x1;
	s10 =	sld [smem:$0x3FA9];
	_ =	sdelay $0x3  }
0x37: {  	[smem:$0x3FA9] =	sst s10  }
0x38: {  	s10 =	sld [smem:$0x3FAA]  }
0x39: {  	_ = 	snop;
	(pc) =	sbr.ind lr, $3  }
0x3a: {  	_ = 	snop  }
0x3b: {  	_ = 	snop  }
0x3c: {  	p2 =	seq.s32 s10, $0x1;
	s10 =	sld [smem:$0x3FA9]  }
0x3d: {  	_ =	shalt  }
0x3e: {  	_ =	shalt  }
0x3f: {  	_ =	shalt  }
0x40: {  	_ =	shalt  }
0x41: {  	_ =	shalt  }
0x42: {  	_ =	shalt  }
0x43: {  	_ =	shalt  }
0x44: {  	_ =	shalt  }
0x45: {  	_ =	shalt  }
0x46: {  	_ =	shalt  }
0x47: {  	_ =	shalt  }
0x48: {  	_ =	shalt  }
0x49: {  	_ =	shalt  }
0x4a: {  	_ =	shalt  }
0x4b: {  	_ =	shalt  }
0x4c: {  	_ =	shalt  }
0x4d: {  	_ =	shalt  }
0x4e: {  	_ =	shalt  }
0x4f: {  	_ =	shalt  }
0x50: {  	_ =	shalt  }
0x51: {  	_ =	shalt  }
0x52: {  	_ =	shalt  }
0x53: {  	_ =	shalt  }
0x54: {  	_ =	shalt  }
0x55: {  	_ =	shalt  }
0x56: {  	_ =	shalt  }
0x57: {  	_ =	shalt  }
0x58: {  	_ =	shalt  }
0x59: {  	_ =	shalt  }
0x5a: {  	_ =	shalt  }
0x5b: {  	_ =	shalt  }
0x5c: {  	_ =	shalt  }
0x5d: {  	_ =	shalt  }
0x5e: {  	_ =	shalt  }
0x5f: {  	_ =	shalt  }
0x60: {  	_ =	shalt  }
0x61: {  	_ =	shalt  }
0x62: {  	_ =	shalt  }
0x63: {  	_ =	shalt  }
0x64: {  	_ =	shalt  }
0x65: {  	_ =	shalt  }
0x66: {  	_ =	shalt  }
0x67: {  	_ =	shalt  }
0x68: {  	_ =	shalt  }
0x69: {  	_ =	shalt  }
0x6a: {  	_ =	shalt  }
0x6b: {  	_ =	shalt  }
0x6c: {  	_ =	shalt  }
0x6d: {  	_ =	shalt  }
0x6e: {  	_ =	shalt  }
0x6f: {  	_ =	shalt  }
0x70: {  	_ =	shalt  }
0x71: {  	_ =	shalt  }
0x72: {  	_ =	shalt  }
0x73: {  	_ =	shalt  }
0x74: {  	_ =	shalt  }
0x75: {  	_ =	shalt  }
0x76: {  	_ =	shalt  }
0x77: {  	_ =	shalt  }
0x78: {  	_ =	shalt  }
0x79: {  	_ =	shalt  }
0x7a: {  	_ =	shalt  }
0x7b: {  	_ =	shalt  }
0x7c: {  	_ =	shalt  }
0x7d: {  	_ =	shalt  }
0x7e: {  	_ =	shalt  }
0x7f: {  	_ =	shalt  }
0x80: {  	_ =	shalt  }
0x81: {  	_ =	shalt  }
0x82: {  	_ =	shalt  }
0x83: {  	_ =	shalt  }
0x84: {  	_ =	shalt  }
0x85: {  	_ =	shalt  }
0x86: {  	_ =	shalt  }
0x87: {  	_ =	shalt  }
.Lfunc_end0:
.L_simem_size_0:
called_computation.5_lowered:
.L_overlay_start_0:
0x88: {  	s2 =	sld [smem:$0x3FD9]  }
0x89: {  	s3 =	sld [smem:$0x3FFE];
	_ =	sdelay $0x1  }
0x8a: {  	s1 =	srdreg.scid  }
0x8b: {  	s0 =	sand.u32 $0x1, s1  }
0x8c: {  	s17 =	sshll.u32 s0, $0xA;
	s2 =	sadd.s32 s3, s2  }
0x8d: {  	s2 =	sadd.s32 s2, s17  }
0x8e: {  	[smem:$0x3FB5] =	sst s2  }
0x8f: {  	_ = 	snop  }
0x90: {  	(tm) =	ssettm $0x1  }
0x91: {  	s18 =	sld [smem:$0x3FFB];
	_ =	sdelay $0x3  }
0x92: {  	_ =	strace s18  }
0x93: {  	s2 =	sld [smem:$0x3FFC];
	_ =	sdelay $0x3  }
0x94: {  	_ =	strace s2  }
0x95: {  	s2 =	sld [smem:$0x3FFD];
	_ =	sdelay $0x3  }
0x96: {  	_ =	strace s2  }
0x97: {  	_ =	strace $0x8FFFFFFF  }
0x98: {  	s19 =	sld [smem:$0x3FDB];
	_ =	sdelay $0x1  }
0x99: {  	s20 =	simm.s32 $_scs_section_size  }
0x9a: {  	s4 =	simm.s32 $_size__tile_overlayer_lowered;
	s5 =	simm.s32 $_tile_overlayer_lowered  }
0x9b: {  	s6 =	simm.s32 $0x1BFF;
	s21 =	sshll.u32 s5, $0x1;
	s3 =	sadd.s32 s20, s19  }
0x9c: {  	s22 =	simm.s32 $0x0;
	s4 =	sshll.u32 s4, $0x1;
	s5 =	sadd.s32 s21, s3  }
0x9d: {  	[timem:s22], [sflag:s6] =	dma.local [hbm:s5], s4  }
0x9e: {  	_ =	swait.ge [sflag:s6], s4  }
0x9f: {  	s4 =	ssub.s32 $0x0, s4;
	[sflag:s6] =	ssyncset.done $0x0  }
0xa0: {  	[sflag:s6] =	ssyncadd.s32 s4;
	_ =	sdelay $0x1  }
0xa1: {  	s23 =	simm.s32 $0x1B8B  }
0xa2: {  	_ =	swait.ge [sflag:s23], $0x1  }
0xa3: {  	[sflag:s23] =	ssyncset.done $0x0  }
0xa4: {  	[sflag:s23] =	ssyncadd.s32 $0xFFFFFFFF  }
0xa5: {  	s4 =	sld [smem:$0x0]  }
0xa6: {  	s5 =	sand.u32 $0xFFFFFFFE, s1  }
0xa7: {  	p0 =	sne.s32 s1, s5  }
0xa8: {  	s5 =	sshll.u32 @p0 s5, $0xE  }
0xa9: {  	s5 =	sadd.s32 @p0 $0x11B8D, s5;
	s6 =	sshll.u32 @p0 s4, $0x11  }
0xaa: {  	s5 =	sor.u32 @p0 s6, s5  }
0xab: {  	[sflag:s5] =	ssyncadd.remote.s32 @p0 $0x1;
	_ =	sdelay $0x1  }
0xac: {  	s5 =	simm.s32 @p0 $0x1B8D  }
0xad: {  	_ =	swait.eq @p0 [sflag:s5], $0x1  }
0xae: {  	[sflag:s5] =	ssyncadd.s32 @p0 $0xFFFFFFFF  }
0xaf: {  	s6 =	sshll.u32 @!p0 s1, $0xE  }
0xb0: {  	s6 =	sor.u32 @!p0 $0x4000, s6;
	s5 =	simm.s32 @!p0 $0x1B8D  }
0xb1: {  	s4 =	sshll.u32 @!p0 s4, $0x11;
	s6 =	sadd.s32 @!p0 $0x11B8D, s6;
	_ =	swait.eq @!p0 [sflag:s5], $0x1  }
0xb2: {  	s4 =	sor.u32 @!p0 s4, s6;
	[sflag:s5] =	ssyncadd.s32 @!p0 $0xFFFFFFFF  }
0xb3: {  	s25 =	simm.s32 $0x1B8E;
	s24 =	sld [smem:$0x3FFE];
	[sflag:s4] =	ssyncadd.remote.s32 @!p0 $0x1  }
0xb4: {  	s26 =	simm.s32 $execute0_lowered;
	[smem:$0x3FD2] =	sst s25  }
0xb5: {  	s5 =	sshll.u32 s26, $0x1;
	_ =	strace $0x80000052;
	[dreg:$0x1] =	wrdreg $0xFFFFFFFF  }
0xb6: {  	s28 =	simm.s32 $_size_execute0_lowered;
	s3 =	sadd.s32 s3, s5;
	[dreg:$0x0] =	wrdreg $0x0  }
0xb7: {  	s5 =	sshll.u32 s28, $0x1;
	[dreg:$0x2] =	wrdreg s3  }
0xb8: {  	[dreg:$0x3] =	wrdreg s5  }
0xb9: {  	[dreg:$0x4] =	wrdreg $0xC0  }
0xba: {  	_ =	task [dreg:s22], $0x5FFFF  }
0xbb: {  	[dreg:$0x1] =	wrdreg $0xFFFFFFFF  }
0xbc: {  	[dreg:$0x0] =	wrdreg $0x60  }
0xbd: {  	[dreg:$0x2] =	wrdreg s24  }
0xbe: {  	[dreg:$0x3] =	wrdreg $0x15B800  }
0xbf: {  	[dreg:$0x4] =	wrdreg $0x9  }
0xc0: {  	_ =	task.clear_ibuf [dreg:s22], $0x5FFFF;
	_ =	strace $0x90000052  }
0xc1: {  	s29 =	simm.s32 $0x9;
	_ =	strace $0x80000054  }
0xc2: {  	_ =	swait.ge [sflag:s29], $0x1  }
0xc3: {  	[sflag:s29] =	ssyncadd.s32 $0xFFFFFFFF  }
0xc4: {  	_ =	strace $0x90000054  }
0xc5: {  	_ =	sfence  }
0xc6: {  	s30 =	sld [smem:$0x0];
	_ =	sdelay $0x2  }
0xc7: {  	s31 =	sshll.u32 s1, $0xD;
	s1 =	sshrl.u32 s1, $0x2  }
0xc8: {  	s4 =	sand.u32 $0x4000, s31;
	s1 =	sadd.s32 s1, s30  }
0xc9: {  	s0 =	sor.u32 s4, s0;
	s1 =	sshll.u32 s1, $0x11  }
0xca: {  	s0 =	sor.u32 s1, s0  }
0xcb: {  	s0 =	sadd.s32 $0x8F2B, s0  }
0xcc: {  	[sflag:s0] =	ssyncadd.remote.s32 $0x1  }
0xcd: {  	_ =	sfence.sel $0xFFFF  }
0xce: {  	[dreg:$0x0] =	wrdreg $0xFFFFFFFF;
	(pc) =	sbr.abs _section_cstart, $3  }
0xcf: {  	[dreg:$0x1] =	wrdreg $0xFFFFFFFF  }
0xd0: {  	_ =	task.clear_ibuf [dreg:s22], $0x2FFFF;
	_ =	strace $0x9FFFFFFF  }
0xd1: {  	(tm) =	ssettm $0x7FFFFFFF  }
tec
execute0_lowered:
.L_overlay_start_1:
0x0: {  	(tag) =	ssettag $0x1  }
0x1: {  	s0 =	rddreg [dreg:$0x0]  }
0x2: {  	s1 =	rddreg [dreg:$0x1];
	s2 =	srdreg.scid;
	s4 =	simm.s32 $0x0  }
0x3: {  	s7 =	stileid.u32;
	s14 =	simm.s32 $0xB;
	s15 =	simm.s32 $0x5000  }
0x4: {  	s16 =	simm.s32 $0x13C40;
	s17 =	simm.s32 $0x7D;
	s18 =	simm.s32 $0xA000  }
0x5: {  	s20 =	simm.s32 $0xBF40;
	s28 =	simm.s32 $0xFDC0;
	s21 =	smul.u32 $0x9C40, s7  }
0x6: {  	s29 =	simm.s32 $0x3;
	s31 =	simm.s32 $0x7;
	s6 =	smul.u32 $0xA00, s7  }
0x7: {  	s30 =	simm.s32 $0x9;
	s2 =	sand.u32 $0x1, s2;
	s7 =	smul.u32 $0x27100, s7  }
0x8: {  	s19 =	simm.s32 $0xA;
	[smem:$0x7FF] =	sst s4;
	s3 =	smul.u32 $0x9C400, s2  }
0x9: {  	_ =	strace $0x80000053;
	s2 =	ssub.s32 $0x2, s2;
	s6 =	sadd.s32 s6, s0  }
0xa: {  	s22 =	sshrl.u32 s2, $0x1;
	s7 =	sshrl.u32 s7, $0x2;
	s5 =	sshrl.u32 s3, $0x3  }
0xb: {  	s3 =	sadd.s32 s21, s3;
	s2 =	ssub.s32 s2, s22;
	s23 =	sadd.s32 $0x13000, s6  }
0xc: {  	s24 =	sadd.s32 s7, s1;
	s6 =	sadd.s32 $0x9000, s6;
	s22 =	simm.s32 $0x6  }
0xd: {  	s5 =	sadd.s32 s5, s0;
	s3 =	sshrl.u32 s3, $0x3;
	[dreg:$0x3] =	wrdreg s23  }
0xe: {  	[dreg:$0x4] =	wrdreg s6;
	s6 =	sadd.s32 s21, s1;
	s25 =	sadd.s32 $0x1F40, s24  }
0xf: {  	s26 =	sadd.s32 $0x3E80, s24;
	s9 =	sadd.s32 $0x5DC0, s24;
	s10 =	sadd.s32 $0x7D00, s24  }
.Ltmp0:
0x10: {  	s13 =	smax.u32 s2, $0x1;
	s21 =	simm.s32 $0x1;
	(pc) =	sbr.rel .LBB2_1-.Ltmp0, $4  }
0x11: {  	s23 =	simm.s32 $0xDE80;
	s24 =	simm.s32 $0x2;
	[dreg:$0x5] =	wrdreg s25  }
0x12: {  	s2 =	simm.s32 $0x4;
	s0 =	sadd.s32 s3, s0;
	[dreg:$0x6] =	wrdreg s26  }
0x13: {  	s11 =	sadd.s32 $0x108A00, s5;
	s26 =	simm.s32 $0x5;
	s25 =	simm.s32 $0x8  }
0x14: {  	v0 =	vimm.f32 $0.0e+00;
	s3 =	simm.s32 $0x0;
	s12 =	sadd.s32 $0x12FC00, s0;
	s0 =	simm.s32 $0x11D00  }
.LBB2_6:
0x15: {  	_ =	swait.ge [sflag:s26], $0x1F40  }
0x16: {  	[sflag:s26] =	ssyncset.done $0x0  }
0x17: {  	[sflag:s26] =	ssyncadd.s32 $0xFFFFE0C0  }
0x18: {  	[spmem:s1] =	stream.indirect.scatter.add.f32 [tilespmem:s0], [sflag:$0xA], $0x40, s7, s17, $0xb8;
	[tilespmem:$0x1F7C0] =	vst v63  }
0x19: {  	_ =	swait.ge [sflag:s31], $0x1F40  }
0x1a: {  	[sflag:s31] =	ssyncset.done $0x0  }
0x1b: {  	[sflag:s31] =	ssyncadd.s32 $0xFFFFE0C0  }
0x1c: {  	_ =	swait.ge [sflag:s25], $0x1F40  }
0x1d: {  	[sflag:s25] =	ssyncset.done $0x0  }
0x1e: {  	[sflag:s25] =	ssyncadd.s32 $0xFFFFE0C0  }
0x1f: {  	_ =	swait.ge [sflag:s30], $0x1F40  }
0x20: {  	[sflag:s30] =	ssyncset.done $0x0  }
0x21: {  	[sflag:s30] =	ssyncadd.s32 $0xFFFFE0C0  }
0x22: {  	s4 =	stileid.u32;
	_ =	swait.ge [sflag:s19], $0x1F40  }
0x23: {  	s5 =	sshrl.u32 s6, $0x3;
	s3 =	sadd.s32 $0x1, s3;
	[sflag:s19] =	ssyncset.done $0x0  }
0x24: {  	s4 =	sshll.u32 s4, $0x6;
	p0 =	sne.s32 s3, s13;
	[sflag:s19] =	ssyncadd.s32 $0xFFFFE0C0  }
.Ltmp1:
0x25: {  	s4 =	sor.u32 $0x1C0B, s4;
	[bflag:$0x0] =	sbarrier.arrive $0xFFFF;
	(pc) =	sbr.rel @!p0 .LBB2_7-.Ltmp1, $4  }
0x26: {  	[hbm:s12], [sflag:s4] =	dma.local [spmem:s5], $0x1388  }
0x27: {  	_ =	swait.ge [sflag:s14], $0x1388  }
0x28: {  	[sflag:s14] =	ssyncset.done $0x0  }
0x29: {  	[sflag:s14] =	ssyncadd.s32 $0xFFFFEC78  }
.LBB2_1:
0x2a: {  	s4 =	simm.s32 $0x0;
	s5 =	rddreg [dreg:$0x3]  }
0x2b: {  	[tilespmem:s4], [sflag:$0xB] =	stream.linear.gather [hbm4b:s5+s4], $0x5000, $0x38;
	[tilespmem:$0x1F7C0] =	vst v63  }
0x2c: {  	_ =	swait.ge [sflag:s14], $0x5000  }
0x2d: {  	[sflag:s14] =	ssyncset.done $0x0  }
0x2e: {  	s8 =	rddreg [dreg:$0x4];
	[sflag:s14] =	ssyncadd.s32 $0xFFFFB000  }
0x2f: {  	[tilespmem:s15], [sflag:$0xB] =	stream.linear.gather [hbm4b:s8+s4], $0x5000, $0x38;
	[tilespmem:$0x1F7C0] =	vst v63  }
0x30: {  	_ =	swait.ge [sflag:s14], $0x5000  }
0x31: {  	[sflag:s14] =	ssyncset.done $0x0  }
0x32: {  	s5 =	simm.s32 $0x100;
	s4 =	simm.s32 $0x0;
	[sflag:s14] =	ssyncadd.s32 $0xFFFFB000  }
.LBB2_2:
0x33: {  	p0 =	sne.s32 s5, $0x7C00;
	[tilespmem:s4+$0x13C70] =	vst v0;
	s7 =	smov.u32 s5;
	s5 =	sadd.s32 $0x100, s5  }
.Ltmp2:
0x34: {  	[tilespmem:s4+$0x13C60] =	vst v0;
	(pc) =	sbr.rel @p0 .LBB2_2-.Ltmp2, $3  }
0x35: {  	[tilespmem:s4+$0x13C40] =	vst v0  }
0x36: {  	[tilespmem:s4+$0x13C50] =	vst v0;
	_ =	sdelay $0x1  }
0x37: {  	s4 =	sshra.s32 s7, $0x2  }
0x38: {  	[tilespmem:s4+$0x13C70] =	vst v0  }
0x39: {  	[tilespmem:s4+$0x13C60] =	vst v0  }
0x3a: {  	[tilespmem:s4+$0x13C40] =	vst v0  }
0x3b: {  	[tilespmem:s4+$0x13C50] =	vst v0  }
0x3c: {  	[spmem:s6] =	stream.linear.scatter [tilespmem:s16], [sflag:$0xB], $0x1F40, $0x38;
	[tilespmem:$0x1F7C0] =	vst v63  }
0x3d: {  	_ =	swait.ge [sflag:s14], $0x1F40  }
0x3e: {  	[sflag:s14] =	ssyncset.done $0x0  }
0x3f: {  	s5 =	rddreg [dreg:$0x5];
	[sflag:s14] =	ssyncadd.s32 $0xFFFFE0C0  }
0x40: {  	[spmem:s5] =	stream.linear.scatter [tilespmem:s16], [sflag:$0xB], $0x1F40, $0x38;
	[tilespmem:$0x1F7C0] =	vst v63  }
0x41: {  	_ =	swait.ge [sflag:s14], $0x1F40  }
0x42: {  	[sflag:s14] =	ssyncset.done $0x0  }
0x43: {  	s7 =	rddreg [dreg:$0x6];
	[sflag:s14] =	ssyncadd.s32 $0xFFFFE0C0  }
0x44: {  	[spmem:s7] =	stream.linear.scatter [tilespmem:s16], [sflag:$0xB], $0x1F40, $0x38;
	[tilespmem:$0x1F7C0] =	vst v63  }
0x45: {  	_ =	swait.ge [sflag:s14], $0x1F40  }
0x46: {  	[sflag:s14] =	ssyncset.done $0x0  }
0x47: {  	[sflag:s14] =	ssyncadd.s32 $0xFFFFE0C0  }
0x48: {  	[spmem:s9] =	stream.linear.scatter [tilespmem:s16], [sflag:$0xB], $0x1F40, $0x38;
	[tilespmem:$0x1F7C0] =	vst v63  }
0x49: {  	_ =	swait.ge [sflag:s14], $0x1F40  }
0x4a: {  	[sflag:s14] =	ssyncset.done $0x0  }
0x4b: {  	[sflag:s14] =	ssyncadd.s32 $0xFFFFE0C0  }
0x4c: {  	[spmem:s10] =	stream.linear.scatter [tilespmem:s16], [sflag:$0xB], $0x1F40, $0x38;
	[tilespmem:$0x1F7C0] =	vst v63  }
0x4d: {  	_ =	swait.ge [sflag:s14], $0x1F40  }
0x4e: {  	[sflag:s14] =	ssyncset.done $0x0  }
0x4f: {  	[sflag:s14] =	ssyncadd.s32 $0xFFFFE0C0  }
0x50: {  	s4 =	simm.s32 $0x0;
	[bflag:$0x0] =	sbarrier.arrive $0xFFFF  }
0x51: {  	[tilespmem:s18], [sflag:$0x1] =	stream.indirect.gather [hbm4b:s11+s17], $0x40, s4, s17, $0xb8;
	[tilespmem:$0x1F7C0] =	vst v63  }
0x52: {  	s5 =	simm.s32 $0x80  }
0x53: {  	[tilespmem:s20], [sflag:$0x2] =	stream.indirect.gather [hbm4b:s11+s17], $0x40, s5, s17, $0xb8;
	[tilespmem:$0x1F7C0] =	vst v63  }
0x54: {  	_ =	swait.ge [sflag:s21], $0x1F40  }
0x55: {  	[sflag:s21] =	ssyncset.done $0x0  }
0x56: {  	[sflag:s21] =	ssyncadd.s32 $0xFFFFE0C0  }
0x57: {  	[spmem:s1] =	stream.indirect.scatter.add.f32 [tilespmem:s18], [sflag:$0x6], $0x40, s15, s17, $0xb8;
	[tilespmem:$0x1F7C0] =	vst v63  }
0x58: {  	s8 =	simm.s32 $0x100  }
0x59: {  	[tilespmem:s23], [sflag:$0x3] =	stream.indirect.gather [hbm4b:s11+s17], $0x40, s8, s17, $0xb8;
	[tilespmem:$0x1F7C0] =	vst v63  }
0x5a: {  	_ =	swait.ge [sflag:s24], $0x1F40  }
0x5b: {  	[sflag:s24] =	ssyncset.done $0x0  }
0x5c: {  	s7 =	simm.s32 $0x5080;
	[sflag:s24] =	ssyncadd.s32 $0xFFFFE0C0  }
0x5d: {  	[spmem:s1] =	stream.indirect.scatter.add.f32 [tilespmem:s20], [sflag:$0x7], $0x40, s7, s17, $0xb8;
	[tilespmem:$0x1F7C0] =	vst v63  }
0x5e: {  	s8 =	simm.s32 $0x180  }
0x5f: {  	[tilespmem:s28], [sflag:$0x4] =	stream.indirect.gather [hbm4b:s11+s17], $0x40, s8, s17, $0xb8;
	[tilespmem:$0x1F7C0] =	vst v63  }
0x60: {  	_ =	swait.ge [sflag:s29], $0x1F40  }
0x61: {  	[sflag:s29] =	ssyncset.done $0x0  }
0x62: {  	s7 =	simm.s32 $0x5100;
	[sflag:s29] =	ssyncadd.s32 $0xFFFFE0C0  }
0x63: {  	[spmem:s1] =	stream.indirect.scatter.add.f32 [tilespmem:s23], [sflag:$0x8], $0x40, s7, s17, $0xb8;
	[tilespmem:$0x1F7C0] =	vst v63  }
0x64: {  	s8 =	simm.s32 $0x200  }
0x65: {  	[tilespmem:s0], [sflag:$0x5] =	stream.indirect.gather [hbm4b:s11+s17], $0x40, s8, s17, $0xb8;
	[tilespmem:$0x1F7C0] =	vst v63  }
0x66: {  	_ =	swait.ge [sflag:s2], $0x1F40  }
0x67: {  	[sflag:s2] =	ssyncset.done $0x0  }
0x68: {  	s7 =	simm.s32 $0x5180;
	[sflag:s2] =	ssyncadd.s32 $0xFFFFE0C0  }
0x69: {  	[spmem:s1] =	stream.indirect.scatter.add.f32 [tilespmem:s28], [sflag:$0x9], $0x40, s7, s17, $0xb8;
	[tilespmem:$0x1F7C0] =	vst v63  }
0x6a: {  	_ =	swait.ge [sflag:s22], $0x1F40  }
0x6b: {  	[sflag:s22] =	ssyncset.done $0x0  }
0x6c: {  	s8 =	simm.s32 $0x280;
	[sflag:s22] =	ssyncadd.s32 $0xFFFFE0C0  }
0x6d: {  	[tilespmem:s18], [sflag:$0x1] =	stream.indirect.gather [hbm4b:s11+s17], $0x40, s8, s17, $0xb8;
	[tilespmem:$0x1F7C0] =	vst v63  }
0x6e: {  	_ =	swait.ge [sflag:s26], $0x1F40  }
0x6f: {  	[sflag:s26] =	ssyncset.done $0x0  }
0x70: {  	s7 =	simm.s32 $0x5200;
	[sflag:s26] =	ssyncadd.s32 $0xFFFFE0C0  }
0x71: {  	[spmem:s1] =	stream.indirect.scatter.add.f32 [tilespmem:s0], [sflag:$0xA], $0x40, s7, s17, $0xb8;
	[tilespmem:$0x1F7C0] =	vst v63  }
0x72: {  	_ =	swait.ge [sflag:s31], $0x1F40  }
0x73: {  	[sflag:s31] =	ssyncset.done $0x0  }
0x74: {  	s8 =	simm.s32 $0x300;
	[sflag:s31] =	ssyncadd.s32 $0xFFFFE0C0  }
0x75: {  	[tilespmem:s20], [sflag:$0x2] =	stream.indirect.gather [hbm4b:s11+s17], $0x40, s8, s17, $0xb8;
	[tilespmem:$0x1F7C0] =	vst v63  }
.LBB2_4:
0x76: {  	_ =	swait.ge [sflag:s21], $0x1F40  }
0x77: {  	s5 =	sshra.s32 s4, $0x2;
	[sflag:s21] =	ssyncset.done $0x0  }
0x78: {  	s7 =	sadd.s32 $0x5280, s5;
	[sflag:s21] =	ssyncadd.s32 $0xFFFFE0C0  }
0x79: {  	[spmem:s1] =	stream.indirect.scatter.add.f32 [tilespmem:s18], [sflag:$0x6], $0x40, s7, s17, $0xb8;
	[tilespmem:$0x1F7C0] =	vst v63  }
0x7a: {  	_ =	swait.ge [sflag:s25], $0x1F40  }
0x7b: {  	[sflag:s25] =	ssyncset.done $0x0  }
0x7c: {  	s8 =	sadd.s32 $0x380, s5;
	[sflag:s25] =	ssyncadd.s32 $0xFFFFE0C0  }
0x7d: {  	[tilespmem:s23], [sflag:$0x3] =	stream.indirect.gather [hbm4b:s11+s17], $0x40, s8, s17, $0xb8;
	[tilespmem:$0x1F7C0] =	vst v63  }
0x7e: {  	_ =	swait.ge [sflag:s24], $0x1F40  }
0x7f: {  	[sflag:s24] =	ssyncset.done $0x0  }
0x80: {  	s8 =	sadd.s32 $0x5300, s5;
	[sflag:s24] =	ssyncadd.s32 $0xFFFFE0C0  }
0x81: {  	[spmem:s1] =	stream.indirect.scatter.add.f32 [tilespmem:s20], [sflag:$0x7], $0x40, s8, s17, $0xb8;
	[tilespmem:$0x1F7C0] =	vst v63  }
0x82: {  	_ =	swait.ge [sflag:s30], $0x1F40  }
0x83: {  	[sflag:s30] =	ssyncset.done $0x0  }
0x84: {  	s8 =	sadd.s32 $0x400, s5;
	[sflag:s30] =	ssyncadd.s32 $0xFFFFE0C0  }
0x85: {  	[tilespmem:s28], [sflag:$0x4] =	stream.indirect.gather [hbm4b:s11+s17], $0x40, s8, s17, $0xb8;
	[tilespmem:$0x1F7C0] =	vst v63  }
0x86: {  	_ =	swait.ge [sflag:s29], $0x1F40  }
0x87: {  	[sflag:s29] =	ssyncset.done $0x0  }
0x88: {  	s8 =	sadd.s32 $0x5380, s5;
	[sflag:s29] =	ssyncadd.s32 $0xFFFFE0C0  }
0x89: {  	[spmem:s1] =	stream.indirect.scatter.add.f32 [tilespmem:s23], [sflag:$0x8], $0x40, s8, s17, $0xb8;
	[tilespmem:$0x1F7C0] =	vst v63  }
0x8a: {  	_ =	swait.ge [sflag:s19], $0x1F40  }
0x8b: {  	[sflag:s19] =	ssyncset.done $0x0  }
0x8c: {  	s8 =	sadd.s32 $0x480, s5;
	[sflag:s19] =	ssyncadd.s32 $0xFFFFE0C0  }
0x8d: {  	[tilespmem:s0], [sflag:$0x5] =	stream.indirect.gather [hbm4b:s11+s17], $0x40, s8, s17, $0xb8;
	[tilespmem:$0x1F7C0] =	vst v63  }
0x8e: {  	_ =	swait.ge [sflag:s2], $0x1F40  }
0x8f: {  	p0 =	seq.s32 s4, $0x12C00;
	[sflag:s2] =	ssyncset.done $0x0  }
.Ltmp3:
0x90: {  	s8 =	sadd.s32 $0x5400, s5;
	[sflag:s2] =	ssyncadd.s32 $0xFFFFE0C0;
	(pc) =	sbr.rel @p0 .LBB2_6-.Ltmp3, $4  }
0x91: {  	[spmem:s1] =	stream.indirect.scatter.add.f32 [tilespmem:s28], [sflag:$0x9], $0x40, s8, s17, $0xb8;
	[tilespmem:$0x1F7C0] =	vst v63  }
0x92: {  	_ =	swait.ge [sflag:s22], $0x1F40  }
0x93: {  	[sflag:s22] =	ssyncset.done $0x0  }
0x94: {  	s7 =	sadd.s32 $0x5480, s5;
	[sflag:s22] =	ssyncadd.s32 $0xFFFFE0C0  }
0x95: {  	s8 =	sadd.s32 $0x500, s5  }
0x96: {  	[tilespmem:s18], [sflag:$0x1] =	stream.indirect.gather [hbm4b:s11+s17], $0x40, s8, s17, $0xb8;
	[tilespmem:$0x1F7C0] =	vst v63  }
0x97: {  	_ =	swait.ge [sflag:s26], $0x1F40  }
0x98: {  	[sflag:s26] =	ssyncset.done $0x0  }
0x99: {  	[sflag:s26] =	ssyncadd.s32 $0xFFFFE0C0  }
0x9a: {  	[spmem:s1] =	stream.indirect.scatter.add.f32 [tilespmem:s0], [sflag:$0xA], $0x40, s7, s17, $0xb8;
	[tilespmem:$0x1F7C0] =	vst v63  }
.Ltmp4:
0x9b: {  	_ = 	snop;
	(pc) =	sbr.rel .LBB2_4-.Ltmp4, $4  }
0x9c: {  	_ =	swait.ge [sflag:s31], $0x1F40  }
0x9d: {  	[sflag:s31] =	ssyncset.done $0x0  }
0x9e: {  	s4 =	sadd.s32 $0xA00, s4;
	s8 =	sadd.s32 $0x580, s5;
	[sflag:s31] =	ssyncadd.s32 $0xFFFFE0C0  }
0x9f: {  	[tilespmem:s20], [sflag:$0x2] =	stream.indirect.gather [hbm4b:s11+s17], $0x40, s8, s17, $0xb8;
	[tilespmem:$0x1F7C0] =	vst v63  }
.LBB2_7:
0xa0: {  	_ =	sfence.sel $0x180000  }
0xa1: {  	[bflag:$0x0] =	sbarrier.arrive $0xFFFF  }
0xa2: {  	_ =	strace $0x90000053  }
0xa3: {  	s0 =	stileid.u32;
	[bflag:$0x2] =	sbarrier.arrive $0xFFFF  }
0xa4: {  	p0 =	sne.s32 s0, $0x0;
	s0 =	rddreg [dreg:$0x2]  }
0xa5: {  	s0 =	sadd.s32 @!p0 $0x100000, s0  }
0xa6: {  	[sflag:s0] =	ssyncadd.tile.s32 @!p0 $0x1;
	_ =	shalt  }
.Lfunc_end2:
_tile_overlayer_lowered:
.L_overlay_start_2:
0xa7: {  	(tag) =	ssettag $0x2  }
0xa8: {  	s0 =	rddreg [dreg:$0x0];
	s2 =	stileid.u32  }
0xa9: {  	s1 =	rddreg [dreg:$0x1];
	p0 =	sne.s32 s2, $0x0  }
0xaa: {  	s3 =	rddreg [dreg:$0x2];
	[bflag:$0x3] =	sbarrier.arrive $0xFFFF;
	s2 =	simm.s32 @!p0 $0x1C0B  }
0xab: {  	[timem:s3], [sflag:s2] =	dma.local @!p0 [hbm:s0], s1  }
0xac: {  	s0 =	simm.s32 @!p0 $0xB  }
0xad: {  	_ =	swait.ge @!p0 [sflag:s0], s1  }
0xae: {  	s1 =	ssub.s32 @!p0 $0x0, s1;
	[sflag:s0] =	ssyncset.done @!p0 $0x0  }
0xaf: {  	[sflag:s0] =	ssyncadd.s32 @!p0 s1  }
0xb0: {  	[bflag:$0x3] =	sbarrier.arrive $0xFFFF  }
0xb1: {  	_ =	shalt  }

</sc_bundles>
